<compile_context>
chip_gen: v7x
topology: tpu7x:2x2x1
jax: 0.10.2.dev20260603
libtpu: 0.0.44.dev20260713+nightly
codegen_flags: <defaults>
</compile_context>

<pallas_src>
import functools

import jax
import jax.numpy as jnp
from jax import lax
from jax.experimental import pallas as pl
from jax.experimental.pallas import tpu as pltpu
from jax.experimental.pallas import tpu_sc as plsc

N = 10000
D = 128
E = 320000

NC = 2
NS = 16
NW = NC * NS

G = 128
K = 8

Q = 80
NGROUPS = NW * Q
E_PAD = NGROUPS * G

ACC_ROWS = 10240
R_PT = ACC_ROWS // NS


def _sc_body(ei_hbm, nid_hbm, emb_hbm, sums_hbm, cnts_hbm,
             src_v, dst_v, map_v, rows_v, ones_v, z16_v, zc_v, acc_s,
             cnt_s, sem_i, sem_m, sem_r):
    cid = lax.axis_index("c")
    sid = lax.axis_index("s")
    r0 = sid * R_PT

    w = cid * NS + sid
    gbase = w * Q
    nsg = Q // K

    for j in range(G // 16):
        ones_v[pl.ds(j * 16, 16)] = jnp.ones((16,), jnp.float32)
    for i in range(16):
        for j in range(D // 16):
            z16_v[i, pl.ds(j * 16, 16)] = jnp.zeros((16,), jnp.float32)

    with jax.named_scope("ph_zero"):
        def zc_row(k, carry):
            o = pl.multiple_of(k * 16, 16)
            zc_v[pl.ds(o, 16)] = jnp.zeros((16,), jnp.float32)
            return carry

        lax.fori_loop(0, R_PT // 16, zc_row, 0)

        def zrow(k, carry):
            pltpu.sync_copy(z16_v, acc_s.at[pl.ds(r0 + k * 16, 16), :])
            return carry

        lax.fori_loop(0, R_PT // 16, zrow, 0)
        pltpu.sync_copy(zc_v, cnt_s.at[pl.ds(r0, R_PT)])

    with jax.named_scope("ph_bar0"):
        plsc.subcore_barrier()

    def do_sg(i, p):
        gn = jnp.minimum(gbase + (i + 1) * K, gbase + (nsg - 1) * K)
        cs = pltpu.async_copy(ei_hbm.at[0, pl.ds(gn, K)], src_v.at[1 - p], sem_i)
        cd = pltpu.async_copy(ei_hbm.at[1, pl.ds(gn, K)], dst_v.at[1 - p], sem_i)
        cs.wait()
        cd.wait()
        mcs = [
            pltpu.async_copy(
                nid_hbm.at[src_v.at[1 - p, k]], map_v.at[1 - p, k],
                sem_m.at[1 - p])
            for k in range(K)
        ]
        rcs = [None] * K
        for b in range(2):
            rcs[b] = pltpu.async_copy(
                emb_hbm.at[map_v.at[p, b]], rows_v.at[b], sem_r.at[b])
        for k in range(K):
            rcs[k].wait()
            pltpu.sync_copy(rows_v.at[k % 2], acc_s.at[dst_v.at[p, k]], add=True)
            pltpu.sync_copy(ones_v, cnt_s.at[dst_v.at[p, k]], add=True)
            if k + 2 < K:
                rcs[k + 2] = pltpu.async_copy(
                    emb_hbm.at[map_v.at[p, k + 2]], rows_v.at[k % 2],
                    sem_r.at[k % 2])
        for cp in mcs:
            cp.wait()

    def super_pair(j, carry):
        do_sg(2 * j, 0)
        do_sg(2 * j + 1, 1)
        return carry

    with jax.named_scope("ph_main"):
        pltpu.sync_copy(ei_hbm.at[0, pl.ds(gbase, K)], src_v.at[0])
        pltpu.sync_copy(ei_hbm.at[1, pl.ds(gbase, K)], dst_v.at[0])
        mcs0 = [
            pltpu.async_copy(
                nid_hbm.at[src_v.at[0, k]], map_v.at[0, k], sem_m.at[0])
            for k in range(K)
        ]
        for cp in mcs0:
            cp.wait()
        lax.fori_loop(0, nsg // 2, super_pair, 0)

    with jax.named_scope("ph_bar1"):
        plsc.subcore_barrier()

    with jax.named_scope("ph_wb"):
        pltpu.sync_copy(acc_s.at[pl.ds(r0, R_PT), :], sums_hbm.at[cid, pl.ds(r0, R_PT), :])
        pltpu.sync_copy(cnt_s.at[pl.ds(r0, R_PT)], cnts_hbm.at[cid, pl.ds(r0, R_PT)])


_sc_accumulate = functools.partial(
    pl.kernel,
    mesh=plsc.VectorSubcoreMesh(core_axis_name="c", subcore_axis_name="s"),
    out_type=[
        jax.ShapeDtypeStruct((NC, ACC_ROWS, D), jnp.float32),
        jax.ShapeDtypeStruct((NC, ACC_ROWS), jnp.float32),
    ],
    scratch_types=[
        pltpu.VMEM((2, K, G), jnp.int32),
        pltpu.VMEM((2, K, G), jnp.int32),
        pltpu.VMEM((2, K, G), jnp.int32),
        pltpu.VMEM((2, G, D), jnp.float32),
        pltpu.VMEM((G,), jnp.float32),
        pltpu.VMEM((16, D), jnp.float32),
        pltpu.VMEM((R_PT,), jnp.float32),
        pltpu.VMEM_SHARED((ACC_ROWS, D), jnp.float32),
        pltpu.VMEM_SHARED((ACC_ROWS,), jnp.float32),
        pltpu.SemaphoreType.DMA,
        pltpu.SemaphoreType.DMA((2,)),
        pltpu.SemaphoreType.DMA((2,)),
    ],
)(_sc_body)


BLK = 1000


def _fin_body(s_ref, c_ref, o_ref):
    s = s_ref[0] + s_ref[1]
    c = c_ref[0] + c_ref[1]
    o_ref[...] = s / jnp.maximum(c, 1.0)


_finalize = pl.pallas_call(
    _fin_body,
    grid=(N // BLK,),
    in_specs=[
        pl.BlockSpec((NC, BLK, D), lambda i: (0, i, 0)),
        pl.BlockSpec((NC, BLK, 1), lambda i: (0, i, 0)),
    ],
    out_specs=pl.BlockSpec((BLK, D), lambda i: (i, 0)),
    out_shape=jax.ShapeDtypeStruct((N, D), jnp.float32),
)


def kernel(node_ids, edge_index, emb_weight):
    pad = E_PAD - E
    iot = jnp.arange(pad, dtype=jnp.int32)
    pad_block = jnp.stack([iot % N, N + iot % (ACC_ROWS - N)])
    ei_p = jnp.concatenate([edge_index, pad_block], axis=1)
    ei_p = ei_p.reshape(2, NGROUPS, G)
    sums, cnts = _sc_accumulate(ei_p, node_ids, emb_weight)
    return _finalize(sums, cnts.reshape(NC, ACC_ROWS, 1))

# --- scband reference (transcript-rebuilt; emitter-appended) ---
"""Pipeline reference for scband-isnelayer-68822555951155 (READ-ONLY COPY).

The authoritative reference and input builder live on the scoring server;
editing this copy changes nothing except your own understanding.
"""

import jax, jax.numpy as jnp
import numpy as np

N_NODES = 10000
N_EDGES = 320000
HIDDEN = 128


def setup_inputs(seed: int = 0) -> dict:
    key = jax.random.key(seed)
    k_edge, k_emb = jax.random.split(key, 2)
    node_ids = jnp.arange(N_NODES, dtype=jnp.int32)
    edge_index = jax.random.randint(k_edge, (2, N_EDGES), 0, N_NODES, dtype=jnp.int32)
    emb_weight = jax.random.normal(k_emb, (N_NODES, HIDDEN), dtype=jnp.float32)
    return {"node_ids": node_ids, "edge_index": edge_index, "emb_weight": emb_weight}


def reference(node_ids, edge_index, emb_weight):
    # sources = node_ids[edge_index[0]]  (gather)
    sources = jnp.take(node_ids, edge_index[0], axis=0)
    # vs = self.emb(sources)  (embedding lookup = row gather)
    vs = jnp.take(emb_weight, sources, axis=0)
    index = edge_index[1]
    num_segments = emb_weight.shape[0]
    # scatter_mean(vs, index, dim=0): segment sum divided by per-segment counts (clamped to 1)
    sums = jax.ops.segment_sum(vs, index, num_segments=num_segments)
    counts = jax.ops.segment_sum(jnp.ones((index.shape[0],), dtype=vs.dtype), index, num_segments=num_segments)
    out = sums / jnp.clip(counts, 1.0)[:, None]
    return out

if __name__ == "__main__":
    import jax
    _d = setup_inputs()
    print(jax.jit(kernel)(*tuple(_d.values())))

</pallas_src>

<mosaic_0001>
#map = affine_map<(d0, d1) -> (0, 0, 0)>
#map1 = affine_map<(d0, d1) -> (0)>
#map2 = affine_map<(d0, d1) -> (0, 0)>
module attributes {stable_mosaic.version = 14 : i64} {
  func.func @_sc_body(%arg0: i32, %arg1: i32, %arg2: memref<2x2560x128xi32, #tpu.memory_space<hbm>>, %arg3: memref<10000xi32, #tpu.memory_space<hbm>>, %arg4: memref<10000x128xf32, #tpu.memory_space<hbm>>, %arg5: memref<2x10240x128xf32, #tpu.memory_space<hbm>>, %arg6: memref<2x10240xf32, #tpu.memory_space<hbm>>, %arg7: memref<2x8x128xi32, #tpu.memory_space<vmem>>, %arg8: memref<2x8x128xi32, #tpu.memory_space<vmem>>, %arg9: memref<2x8x128xi32, #tpu.memory_space<vmem>>, %arg10: memref<2x128x128xf32, #tpu.memory_space<vmem>>, %arg11: memref<128xf32, #tpu.memory_space<vmem>>, %arg12: memref<16x128xf32, #tpu.memory_space<vmem>>, %arg13: memref<640xf32, #tpu.memory_space<vmem>>, %arg14: memref<10240x128xf32, #tpu.memory_space<vmem_shared>>, %arg15: memref<10240xf32, #tpu.memory_space<vmem_shared>>, %arg16: memref<!tpu.dma_semaphore, #tpu.memory_space<semaphore_mem>>, %arg17: memref<2x!tpu.dma_semaphore, #tpu.memory_space<semaphore_mem>>, %arg18: memref<2x!tpu.dma_semaphore, #tpu.memory_space<semaphore_mem>>) attributes {dimension_semantics = [#tpu.dimension_semantics<core_parallel>, #tpu.dimension_semantics<subcore_parallel>], iteration_bounds = array<i64: 2, 16>, scalar_prefetch = 0 : i64, scratch_operands = 12 : i64, tpu.core_type = #tpu.core_type<sc_vector_subcore>, window_params = [{transform_indices = #map}, {transform_indices = #map1}, {transform_indices = #map2}, {transform_indices = #map}, {transform_indices = #map2}]} {
    %mul3A = arith.constant 640 : i32
    %mul3A_0 = arith.muli %arg1, %mul3A : i32
    %mul3A_1 = arith.constant 16 : i32
    %mul3A_2 = arith.muli %arg0, %mul3A_1 : i32
    %add3A = arith.addi %mul3A_2, %arg1 : i32
    %mul3A_3 = arith.constant 80 : i32
    %mul3A_4 = arith.muli %add3A, %mul3A_3 : i32
    %broadcast_in_dim3A = arith.constant 1.000000e+00 : f32
    %broadcast_in_dim3A_5 = vector.broadcast %broadcast_in_dim3A : f32 to vector<16xf32>
    %swap3A = arith.constant 0 : index
    %swap3A_6 = tpu.vector_load %arg11[%swap3A] {strides = array<i32>} : memref<128xf32, #tpu.memory_space<vmem>>, vector<16xf32>,
    %swap3A_7 = vector.shape_cast %swap3A_6 : vector<16xf32> to vector<16xf32>
    %swap3A_8 = vector.shape_cast %broadcast_in_dim3A_5 : vector<16xf32> to vector<16xf32>
    tpu.vector_store %arg11[%swap3A], %swap3A_8 {strides = array<i32>} : memref<128xf32, #tpu.memory_space<vmem>>, vector<16xf32>,
    %broadcast_in_dim3A_9 = arith.constant 1.000000e+00 : f32
    %broadcast_in_dim3A_10 = vector.broadcast %broadcast_in_dim3A_9 : f32 to vector<16xf32>
    %swap3A_11 = arith.constant 16 : index
    %swap3A_12 = tpu.vector_load %arg11[%swap3A_11] {strides = array<i32>} : memref<128xf32, #tpu.memory_space<vmem>>, vector<16xf32>,
    %swap3A_13 = vector.shape_cast %swap3A_12 : vector<16xf32> to vector<16xf32>
    %swap3A_14 = vector.shape_cast %broadcast_in_dim3A_10 : vector<16xf32> to vector<16xf32>
    tpu.vector_store %arg11[%swap3A_11], %swap3A_14 {strides = array<i32>} : memref<128xf32, #tpu.memory_space<vmem>>, vector<16xf32>,
    %broadcast_in_dim3A_15 = arith.constant 1.000000e+00 : f32
    %broadcast_in_dim3A_16 = vector.broadcast %broadcast_in_dim3A_15 : f32 to vector<16xf32>
    %swap3A_17 = arith.constant 32 : index
    %swap3A_18 = tpu.vector_load %arg11[%swap3A_17] {strides = array<i32>} : memref<128xf32, #tpu.memory_space<vmem>>, vector<16xf32>,
    %swap3A_19 = vector.shape_cast %swap3A_18 : vector<16xf32> to vector<16xf32>
    %swap3A_20 = vector.shape_cast %broadcast_in_dim3A_16 : vector<16xf32> to vector<16xf32>
    tpu.vector_store %arg11[%swap3A_17], %swap3A_20 {strides = array<i32>} : memref<128xf32, #tpu.memory_space<vmem>>, vector<16xf32>,
    %broadcast_in_dim3A_21 = arith.constant 1.000000e+00 : f32
    %broadcast_in_dim3A_22 = vector.broadcast %broadcast_in_dim3A_21 : f32 to vector<16xf32>
    %swap3A_23 = arith.constant 48 : index
    %swap3A_24 = tpu.vector_load %arg11[%swap3A_23] {strides = array<i32>} : memref<128xf32, #tpu.memory_space<vmem>>, vector<16xf32>,
    %swap3A_25 = vector.shape_cast %swap3A_24 : vector<16xf32> to vector<16xf32>
    %swap3A_26 = vector.shape_cast %broadcast_in_dim3A_22 : vector<16xf32> to vector<16xf32>
    tpu.vector_store %arg11[%swap3A_23], %swap3A_26 {strides = array<i32>} : memref<128xf32, #tpu.memory_space<vmem>>, vector<16xf32>,
    %broadcast_in_dim3A_27 = arith.constant 1.000000e+00 : f32
    %broadcast_in_dim3A_28 = vector.broadcast %broadcast_in_dim3A_27 : f32 to vector<16xf32>
    %swap3A_29 = arith.constant 64 : index
    %swap3A_30 = tpu.vector_load %arg11[%swap3A_29] {strides = array<i32>} : memref<128xf32, #tpu.memory_space<vmem>>, vector<16xf32>,
    %swap3A_31 = vector.shape_cast %swap3A_30 : vector<16xf32> to vector<16xf32>
    %swap3A_32 = vector.shape_cast %broadcast_in_dim3A_28 : vector<16xf32> to vector<16xf32>
    tpu.vector_store %arg11[%swap3A_29], %swap3A_32 {strides = array<i32>} : memref<128xf32, #tpu.memory_space<vmem>>, vector<16xf32>,
    %broadcast_in_dim3A_33 = arith.constant 1.000000e+00 : f32
    %broadcast_in_dim3A_34 = vector.broadcast %broadcast_in_dim3A_33 : f32 to vector<16xf32>
    %swap3A_35 = arith.constant 80 : index
    %swap3A_36 = tpu.vector_load %arg11[%swap3A_35] {strides = array<i32>} : memref<128xf32, #tpu.memory_space<vmem>>, vector<16xf32>,
    %swap3A_37 = vector.shape_cast %swap3A_36 : vector<16xf32> to vector<16xf32>
    %swap3A_38 = vector.shape_cast %broadcast_in_dim3A_34 : vector<16xf32> to vector<16xf32>
    tpu.vector_store %arg11[%swap3A_35], %swap3A_38 {strides = array<i32>} : memref<128xf32, #tpu.memory_space<vmem>>, vector<16xf32>,
    %broadcast_in_dim3A_39 = arith.constant 1.000000e+00 : f32
    %broadcast_in_dim3A_40 = vector.broadcast %broadcast_in_dim3A_39 : f32 to vector<16xf32>
    %swap3A_41 = arith.constant 96 : index
    %swap3A_42 = tpu.vector_load %arg11[%swap3A_41] {strides = array<i32>} : memref<128xf32, #tpu.memory_space<vmem>>, vector<16xf32>,
    %swap3A_43 = vector.shape_cast %swap3A_42 : vector<16xf32> to vector<16xf32>
    %swap3A_44 = vector.shape_cast %broadcast_in_dim3A_40 : vector<16xf32> to vector<16xf32>
    tpu.vector_store %arg11[%swap3A_41], %swap3A_44 {strides = array<i32>} : memref<128xf32, #tpu.memory_space<vmem>>, vector<16xf32>,
    %broadcast_in_dim3A_45 = arith.constant 1.000000e+00 : f32
    %broadcast_in_dim3A_46 = vector.broadcast %broadcast_in_dim3A_45 : f32 to vector<16xf32>
    %swap3A_47 = arith.constant 112 : index
    %swap3A_48 = tpu.vector_load %arg11[%swap3A_47] {strides = array<i32>} : memref<128xf32, #tpu.memory_space<vmem>>, vector<16xf32>,
    %swap3A_49 = vector.shape_cast %swap3A_48 : vector<16xf32> to vector<16xf32>
    %swap3A_50 = vector.shape_cast %broadcast_in_dim3A_46 : vector<16xf32> to vector<16xf32>
    tpu.vector_store %arg11[%swap3A_47], %swap3A_50 {strides = array<i32>} : memref<128xf32, #tpu.memory_space<vmem>>, vector<16xf32>,
    %broadcast_in_dim3A_51 = arith.constant 0.000000e+00 : f32
    %broadcast_in_dim3A_52 = vector.broadcast %broadcast_in_dim3A_51 : f32 to vector<16xf32>
    %swap3A_53 = arith.constant 0 : i32
    %swap3A_54 = arith.index_cast %swap3A_53 : i32 to index
    %swap3A_55 = arith.constant 0 : index
    %swap3A_56 = tpu.vector_load %arg12[%swap3A_54, %swap3A_55] {strides = array<i32>} : memref<16x128xf32, #tpu.memory_space<vmem>>, vector<1x16xf32>,
    %swap3A_57 = vector.shape_cast %swap3A_56 : vector<1x16xf32> to vector<16xf32>
    %swap3A_58 = vector.shape_cast %broadcast_in_dim3A_52 : vector<16xf32> to vector<1x16xf32>
    tpu.vector_store %arg12[%swap3A_54, %swap3A_55], %swap3A_58 {strides = array<i32>} : memref<16x128xf32, #tpu.memory_space<vmem>>, vector<1x16xf32>,
    %broadcast_in_dim3A_59 = arith.constant 0.000000e+00 : f32
    %broadcast_in_dim3A_60 = vector.broadcast %broadcast_in_dim3A_59 : f32 to vector<16xf32>
    %swap3A_61 = arith.constant 0 : i32
    %swap3A_62 = arith.index_cast %swap3A_61 : i32 to index
    %swap3A_63 = arith.constant 16 : index
    %swap3A_64 = tpu.vector_load %arg12[%swap3A_62, %swap3A_63] {strides = array<i32>} : memref<16x128xf32, #tpu.memory_space<vmem>>, vector<1x16xf32>,
    %swap3A_65 = vector.shape_cast %swap3A_64 : vector<1x16xf32> to vector<16xf32>
    %swap3A_66 = vector.shape_cast %broadcast_in_dim3A_60 : vector<16xf32> to vector<1x16xf32>
    tpu.vector_store %arg12[%swap3A_62, %swap3A_63], %swap3A_66 {strides = array<i32>} : memref<16x128xf32, #tpu.memory_space<vmem>>, vector<1x16xf32>,
    %broadcast_in_dim3A_67 = arith.constant 0.000000e+00 : f32
    %broadcast_in_dim3A_68 = vector.broadcast %broadcast_in_dim3A_67 : f32 to vector<16xf32>
    %swap3A_69 = arith.constant 0 : i32
    %swap3A_70 = arith.index_cast %swap3A_69 : i32 to index
    %swap3A_71 = arith.constant 32 : index
    %swap3A_72 = tpu.vector_load %arg12[%swap3A_70, %swap3A_71] {strides = array<i32>} : memref<16x128xf32, #tpu.memory_space<vmem>>, vector<1x16xf32>,
    %swap3A_73 = vector.shape_cast %swap3A_72 : vector<1x16xf32> to vector<16xf32>
    %swap3A_74 = vector.shape_cast %broadcast_in_dim3A_68 : vector<16xf32> to vector<1x16xf32>
    tpu.vector_store %arg12[%swap3A_70, %swap3A_71], %swap3A_74 {strides = array<i32>} : memref<16x128xf32, #tpu.memory_space<vmem>>, vector<1x16xf32>,
    %broadcast_in_dim3A_75 = arith.constant 0.000000e+00 : f32
    %broadcast_in_dim3A_76 = vector.broadcast %broadcast_in_dim3A_75 : f32 to vector<16xf32>
    %swap3A_77 = arith.constant 0 : i32
    %swap3A_78 = arith.index_cast %swap3A_77 : i32 to index
    %swap3A_79 = arith.constant 48 : index
    %swap3A_80 = tpu.vector_load %arg12[%swap3A_78, %swap3A_79] {strides = array<i32>} : memref<16x128xf32, #tpu.memory_space<vmem>>, vector<1x16xf32>,
    %swap3A_81 = vector.shape_cast %swap3A_80 : vector<1x16xf32> to vector<16xf32>
    %swap3A_82 = vector.shape_cast %broadcast_in_dim3A_76 : vector<16xf32> to vector<1x16xf32>
    tpu.vector_store %arg12[%swap3A_78, %swap3A_79], %swap3A_82 {strides = array<i32>} : memref<16x128xf32, #tpu.memory_space<vmem>>, vector<1x16xf32>,
    %broadcast_in_dim3A_83 = arith.constant 0.000000e+00 : f32
    %broadcast_in_dim3A_84 = vector.broadcast %broadcast_in_dim3A_83 : f32 to vector<16xf32>
    %swap3A_85 = arith.constant 0 : i32
    %swap3A_86 = arith.index_cast %swap3A_85 : i32 to index
    %swap3A_87 = arith.constant 64 : index
    %swap3A_88 = tpu.vector_load %arg12[%swap3A_86, %swap3A_87] {strides = array<i32>} : memref<16x128xf32, #tpu.memory_space<vmem>>, vector<1x16xf32>,
    %swap3A_89 = vector.shape_cast %swap3A_88 : vector<1x16xf32> to vector<16xf32>
    %swap3A_90 = vector.shape_cast %broadcast_in_dim3A_84 : vector<16xf32> to vector<1x16xf32>
    tpu.vector_store %arg12[%swap3A_86, %swap3A_87], %swap3A_90 {strides = array<i32>} : memref<16x128xf32, #tpu.memory_space<vmem>>, vector<1x16xf32>,
    %broadcast_in_dim3A_91 = arith.constant 0.000000e+00 : f32
    %broadcast_in_dim3A_92 = vector.broadcast %broadcast_in_dim3A_91 : f32 to vector<16xf32>
    %swap3A_93 = arith.constant 0 : i32
    %swap3A_94 = arith.index_cast %swap3A_93 : i32 to index
    %swap3A_95 = arith.constant 80 : index
    %swap3A_96 = tpu.vector_load %arg12[%swap3A_94, %swap3A_95] {strides = array<i32>} : memref<16x128xf32, #tpu.memory_space<vmem>>, vector<1x16xf32>,
    %swap3A_97 = vector.shape_cast %swap3A_96 : vector<1x16xf32> to vector<16xf32>
    %swap3A_98 = vector.shape_cast %broadcast_in_dim3A_92 : vector<16xf32> to vector<1x16xf32>
    tpu.vector_store %arg12[%swap3A_94, %swap3A_95], %swap3A_98 {strides = array<i32>} : memref<16x128xf32, #tpu.memory_space<vmem>>, vector<1x16xf32>,
    %broadcast_in_dim3A_99 = arith.constant 0.000000e+00 : f32
    %broadcast_in_dim3A_100 = vector.broadcast %broadcast_in_dim3A_99 : f32 to vector<16xf32>
    %swap3A_101 = arith.constant 0 : i32
    %swap3A_102 = arith.index_cast %swap3A_101 : i32 to index
    %swap3A_103 = arith.constant 96 : index
    %swap3A_104 = tpu.vector_load %arg12[%swap3A_102, %swap3A_103] {strides = array<i32>} : memref<16x128xf32, #tpu.memory_space<vmem>>, vector<1x16xf32>,
    %swap3A_105 = vector.shape_cast %swap3A_104 : vector<1x16xf32> to vector<16xf32>
    %swap3A_106 = vector.shape_cast %broadcast_in_dim3A_100 : vector<16xf32> to vector<1x16xf32>
    tpu.vector_store %arg12[%swap3A_102, %swap3A_103], %swap3A_106 {strides = array<i32>} : memref<16x128xf32, #tpu.memory_space<vmem>>, vector<1x16xf32>,
    %broadcast_in_dim3A_107 = arith.constant 0.000000e+00 : f32
    %broadcast_in_dim3A_108 = vector.broadcast %broadcast_in_dim3A_107 : f32 to vector<16xf32>
    %swap3A_109 = arith.constant 0 : i32
    %swap3A_110 = arith.index_cast %swap3A_109 : i32 to index
    %swap3A_111 = arith.constant 112 : index
    %swap3A_112 = tpu.vector_load %arg12[%swap3A_110, %swap3A_111] {strides = array<i32>} : memref<16x128xf32, #tpu.memory_space<vmem>>, vector<1x16xf32>,
    %swap3A_113 = vector.shape_cast %swap3A_112 : vector<1x16xf32> to vector<16xf32>
    %swap3A_114 = vector.shape_cast %broadcast_in_dim3A_108 : vector<16xf32> to vector<1x16xf32>
    tpu.vector_store %arg12[%swap3A_110, %swap3A_111], %swap3A_114 {strides = array<i32>} : memref<16x128xf32, #tpu.memory_space<vmem>>, vector<1x16xf32>,
    %broadcast_in_dim3A_115 = arith.constant 0.000000e+00 : f32
    %broadcast_in_dim3A_116 = vector.broadcast %broadcast_in_dim3A_115 : f32 to vector<16xf32>
    %swap3A_117 = arith.constant 1 : i32
    %swap3A_118 = arith.index_cast %swap3A_117 : i32 to index
    %swap3A_119 = arith.constant 0 : index
    %swap3A_120 = tpu.vector_load %arg12[%swap3A_118, %swap3A_119] {strides = array<i32>} : memref<16x128xf32, #tpu.memory_space<vmem>>, vector<1x16xf32>,
    %swap3A_121 = vector.shape_cast %swap3A_120 : vector<1x16xf32> to vector<16xf32>
    %swap3A_122 = vector.shape_cast %broadcast_in_dim3A_116 : vector<16xf32> to vector<1x16xf32>
    tpu.vector_store %arg12[%swap3A_118, %swap3A_119], %swap3A_122 {strides = array<i32>} : memref<16x128xf32, #tpu.memory_space<vmem>>, vector<1x16xf32>,
    %broadcast_in_dim3A_123 = arith.constant 0.000000e+00 : f32
    %broadcast_in_dim3A_124 = vector.broadcast %broadcast_in_dim3A_123 : f32 to vector<16xf32>
    %swap3A_125 = arith.constant 1 : i32
    %swap3A_126 = arith.index_cast %swap3A_125 : i32 to index
    %swap3A_127 = arith.constant 16 : index
    %swap3A_128 = tpu.vector_load %arg12[%swap3A_126, %swap3A_127] {strides = array<i32>} : memref<16x128xf32, #tpu.memory_space<vmem>>, vector<1x16xf32>,
    %swap3A_129 = vector.shape_cast %swap3A_128 : vector<1x16xf32> to vector<16xf32>
    %swap3A_130 = vector.shape_cast %broadcast_in_dim3A_124 : vector<16xf32> to vector<1x16xf32>
    tpu.vector_store %arg12[%swap3A_126, %swap3A_127], %swap3A_130 {strides = array<i32>} : memref<16x128xf32, #tpu.memory_space<vmem>>, vector<1x16xf32>,
    %broadcast_in_dim3A_131 = arith.constant 0.000000e+00 : f32
    %broadcast_in_dim3A_132 = vector.broadcast %broadcast_in_dim3A_131 : f32 to vector<16xf32>
    %swap3A_133 = arith.constant 1 : i32
    %swap3A_134 = arith.index_cast %swap3A_133 : i32 to index
    %swap3A_135 = arith.constant 32 : index
    %swap3A_136 = tpu.vector_load %arg12[%swap3A_134, %swap3A_135] {strides = array<i32>} : memref<16x128xf32, #tpu.memory_space<vmem>>, vector<1x16xf32>,
    %swap3A_137 = vector.shape_cast %swap3A_136 : vector<1x16xf32> to vector<16xf32>
    %swap3A_138 = vector.shape_cast %broadcast_in_dim3A_132 : vector<16xf32> to vector<1x16xf32>
    tpu.vector_store %arg12[%swap3A_134, %swap3A_135], %swap3A_138 {strides = array<i32>} : memref<16x128xf32, #tpu.memory_space<vmem>>, vector<1x16xf32>,
    %broadcast_in_dim3A_139 = arith.constant 0.000000e+00 : f32
    %broadcast_in_dim3A_140 = vector.broadcast %broadcast_in_dim3A_139 : f32 to vector<16xf32>
    %swap3A_141 = arith.constant 1 : i32
    %swap3A_142 = arith.index_cast %swap3A_141 : i32 to index
    %swap3A_143 = arith.constant 48 : index
    %swap3A_144 = tpu.vector_load %arg12[%swap3A_142, %swap3A_143] {strides = array<i32>} : memref<16x128xf32, #tpu.memory_space<vmem>>, vector<1x16xf32>,
    %swap3A_145 = vector.shape_cast %swap3A_144 : vector<1x16xf32> to vector<16xf32>
    %swap3A_146 = vector.shape_cast %broadcast_in_dim3A_140 : vector<16xf32> to vector<1x16xf32>
    tpu.vector_store %arg12[%swap3A_142, %swap3A_143], %swap3A_146 {strides = array<i32>} : memref<16x128xf32, #tpu.memory_space<vmem>>, vector<1x16xf32>,
    %broadcast_in_dim3A_147 = arith.constant 0.000000e+00 : f32
    %broadcast_in_dim3A_148 = vector.broadcast %broadcast_in_dim3A_147 : f32 to vector<16xf32>
    %swap3A_149 = arith.constant 1 : i32
    %swap3A_150 = arith.index_cast %swap3A_149 : i32 to index
    %swap3A_151 = arith.constant 64 : index
    %swap3A_152 = tpu.vector_load %arg12[%swap3A_150, %swap3A_151] {strides = array<i32>} : memref<16x128xf32, #tpu.memory_space<vmem>>, vector<1x16xf32>,
    %swap3A_153 = vector.shape_cast %swap3A_152 : vector<1x16xf32> to vector<16xf32>
    %swap3A_154 = vector.shape_cast %broadcast_in_dim3A_148 : vector<16xf32> to vector<1x16xf32>
    tpu.vector_store %arg12[%swap3A_150, %swap3A_151], %swap3A_154 {strides = array<i32>} : memref<16x128xf32, #tpu.memory_space<vmem>>, vector<1x16xf32>,
    %broadcast_in_dim3A_155 = arith.constant 0.000000e+00 : f32
    %broadcast_in_dim3A_156 = vector.broadcast %broadcast_in_dim3A_155 : f32 to vector<16xf32>
    %swap3A_157 = arith.constant 1 : i32
    %swap3A_158 = arith.index_cast %swap3A_157 : i32 to index
    %swap3A_159 = arith.constant 80 : index
    %swap3A_160 = tpu.vector_load %arg12[%swap3A_158, %swap3A_159] {strides = array<i32>} : memref<16x128xf32, #tpu.memory_space<vmem>>, vector<1x16xf32>,
    %swap3A_161 = vector.shape_cast %swap3A_160 : vector<1x16xf32> to vector<16xf32>
    %swap3A_162 = vector.shape_cast %broadcast_in_dim3A_156 : vector<16xf32> to vector<1x16xf32>
    tpu.vector_store %arg12[%swap3A_158, %swap3A_159], %swap3A_162 {strides = array<i32>} : memref<16x128xf32, #tpu.memory_space<vmem>>, vector<1x16xf32>,
    %broadcast_in_dim3A_163 = arith.constant 0.000000e+00 : f32
    %broadcast_in_dim3A_164 = vector.broadcast %broadcast_in_dim3A_163 : f32 to vector<16xf32>
    %swap3A_165 = arith.constant 1 : i32
    %swap3A_166 = arith.index_cast %swap3A_165 : i32 to index
    %swap3A_167 = arith.constant 96 : index
    %swap3A_168 = tpu.vector_load %arg12[%swap3A_166, %swap3A_167] {strides = array<i32>} : memref<16x128xf32, #tpu.memory_space<vmem>>, vector<1x16xf32>,
    %swap3A_169 = vector.shape_cast %swap3A_168 : vector<1x16xf32> to vector<16xf32>
    %swap3A_170 = vector.shape_cast %broadcast_in_dim3A_164 : vector<16xf32> to vector<1x16xf32>
    tpu.vector_store %arg12[%swap3A_166, %swap3A_167], %swap3A_170 {strides = array<i32>} : memref<16x128xf32, #tpu.memory_space<vmem>>, vector<1x16xf32>,
    %broadcast_in_dim3A_171 = arith.constant 0.000000e+00 : f32
    %broadcast_in_dim3A_172 = vector.broadcast %broadcast_in_dim3A_171 : f32 to vector<16xf32>
    %swap3A_173 = arith.constant 1 : i32
    %swap3A_174 = arith.index_cast %swap3A_173 : i32 to index
    %swap3A_175 = arith.constant 112 : index
    %swap3A_176 = tpu.vector_load %arg12[%swap3A_174, %swap3A_175] {strides = array<i32>} : memref<16x128xf32, #tpu.memory_space<vmem>>, vector<1x16xf32>,
    %swap3A_177 = vector.shape_cast %swap3A_176 : vector<1x16xf32> to vector<16xf32>
    %swap3A_178 = vector.shape_cast %broadcast_in_dim3A_172 : vector<16xf32> to vector<1x16xf32>
    tpu.vector_store %arg12[%swap3A_174, %swap3A_175], %swap3A_178 {strides = array<i32>} : memref<16x128xf32, #tpu.memory_space<vmem>>, vector<1x16xf32>,
    %broadcast_in_dim3A_179 = arith.constant 0.000000e+00 : f32
    %broadcast_in_dim3A_180 = vector.broadcast %broadcast_in_dim3A_179 : f32 to vector<16xf32>
    %swap3A_181 = arith.constant 2 : i32
    %swap3A_182 = arith.index_cast %swap3A_181 : i32 to index
    %swap3A_183 = arith.constant 0 : index
    %swap3A_184 = tpu.vector_load %arg12[%swap3A_182, %swap3A_183] {strides = array<i32>} : memref<16x128xf32, #tpu.memory_space<vmem>>, vector<1x16xf32>,
    %swap3A_185 = vector.shape_cast %swap3A_184 : vector<1x16xf32> to vector<16xf32>
    %swap3A_186 = vector.shape_cast %broadcast_in_dim3A_180 : vector<16xf32> to vector<1x16xf32>
    tpu.vector_store %arg12[%swap3A_182, %swap3A_183], %swap3A_186 {strides = array<i32>} : memref<16x128xf32, #tpu.memory_space<vmem>>, vector<1x16xf32>,
    %broadcast_in_dim3A_187 = arith.constant 0.000000e+00 : f32
    %broadcast_in_dim3A_188 = vector.broadcast %broadcast_in_dim3A_187 : f32 to vector<16xf32>
    %swap3A_189 = arith.constant 2 : i32
    %swap3A_190 = arith.index_cast %swap3A_189 : i32 to index
    %swap3A_191 = arith.constant 16 : index
    %swap3A_192 = tpu.vector_load %arg12[%swap3A_190, %swap3A_191] {strides = array<i32>} : memref<16x128xf32, #tpu.memory_space<vmem>>, vector<1x16xf32>,
    %swap3A_193 = vector.shape_cast %swap3A_192 : vector<1x16xf32> to vector<16xf32>
    %swap3A_194 = vector.shape_cast %broadcast_in_dim3A_188 : vector<16xf32> to vector<1x16xf32>
    tpu.vector_store %arg12[%swap3A_190, %swap3A_191], %swap3A_194 {strides = array<i32>} : memref<16x128xf32, #tpu.memory_space<vmem>>, vector<1x16xf32>,
    %broadcast_in_dim3A_195 = arith.constant 0.000000e+00 : f32
    %broadcast_in_dim3A_196 = vector.broadcast %broadcast_in_dim3A_195 : f32 to vector<16xf32>
    %swap3A_197 = arith.constant 2 : i32
    %swap3A_198 = arith.index_cast %swap3A_197 : i32 to index
    %swap3A_199 = arith.constant 32 : index
    %swap3A_200 = tpu.vector_load %arg12[%swap3A_198, %swap3A_199] {strides = array<i32>} : memref<16x128xf32, #tpu.memory_space<vmem>>, vector<1x16xf32>,
    %swap3A_201 = vector.shape_cast %swap3A_200 : vector<1x16xf32> to vector<16xf32>
    %swap3A_202 = vector.shape_cast %broadcast_in_dim3A_196 : vector<16xf32> to vector<1x16xf32>
    tpu.vector_store %arg12[%swap3A_198, %swap3A_199], %swap3A_202 {strides = array<i32>} : memref<16x128xf32, #tpu.memory_space<vmem>>, vector<1x16xf32>,
    %broadcast_in_dim3A_203 = arith.constant 0.000000e+00 : f32
    %broadcast_in_dim3A_204 = vector.broadcast %broadcast_in_dim3A_203 : f32 to vector<16xf32>
    %swap3A_205 = arith.constant 2 : i32
    %swap3A_206 = arith.index_cast %swap3A_205 : i32 to index
    %swap3A_207 = arith.constant 48 : index
    %swap3A_208 = tpu.vector_load %arg12[%swap3A_206, %swap3A_207] {strides = array<i32>} : memref<16x128xf32, #tpu.memory_space<vmem>>, vector<1x16xf32>,
    %swap3A_209 = vector.shape_cast %swap3A_208 : vector<1x16xf32> to vector<16xf32>
    %swap3A_210 = vector.shape_cast %broadcast_in_dim3A_204 : vector<16xf32> to vector<1x16xf32>
    tpu.vector_store %arg12[%swap3A_206, %swap3A_207], %swap3A_210 {strides = array<i32>} : memref<16x128xf32, #tpu.memory_space<vmem>>, vector<1x16xf32>,
    %broadcast_in_dim3A_211 = arith.constant 0.000000e+00 : f32
    %broadcast_in_dim3A_212 = vector.broadcast %broadcast_in_dim3A_211 : f32 to vector<16xf32>
    %swap3A_213 = arith.constant 2 : i32
    %swap3A_214 = arith.index_cast %swap3A_213 : i32 to index
    %swap3A_215 = arith.constant 64 : index
    %swap3A_216 = tpu.vector_load %arg12[%swap3A_214, %swap3A_215] {strides = array<i32>} : memref<16x128xf32, #tpu.memory_space<vmem>>, vector<1x16xf32>,
    %swap3A_217 = vector.shape_cast %swap3A_216 : vector<1x16xf32> to vector<16xf32>
    %swap3A_218 = vector.shape_cast %broadcast_in_dim3A_212 : vector<16xf32> to vector<1x16xf32>
    tpu.vector_store %arg12[%swap3A_214, %swap3A_215], %swap3A_218 {strides = array<i32>} : memref<16x128xf32, #tpu.memory_space<vmem>>, vector<1x16xf32>,
    %broadcast_in_dim3A_219 = arith.constant 0.000000e+00 : f32
    %broadcast_in_dim3A_220 = vector.broadcast %broadcast_in_dim3A_219 : f32 to vector<16xf32>
    %swap3A_221 = arith.constant 2 : i32
    %swap3A_222 = arith.index_cast %swap3A_221 : i32 to index
    %swap3A_223 = arith.constant 80 : index
    %swap3A_224 = tpu.vector_load %arg12[%swap3A_222, %swap3A_223] {strides = array<i32>} : memref<16x128xf32, #tpu.memory_space<vmem>>, vector<1x16xf32>,
    %swap3A_225 = vector.shape_cast %swap3A_224 : vector<1x16xf32> to vector<16xf32>
    %swap3A_226 = vector.shape_cast %broadcast_in_dim3A_220 : vector<16xf32> to vector<1x16xf32>
    tpu.vector_store %arg12[%swap3A_222, %swap3A_223], %swap3A_226 {strides = array<i32>} : memref<16x128xf32, #tpu.memory_space<vmem>>, vector<1x16xf32>,
    %broadcast_in_dim3A_227 = arith.constant 0.000000e+00 : f32
    %broadcast_in_dim3A_228 = vector.broadcast %broadcast_in_dim3A_227 : f32 to vector<16xf32>
    %swap3A_229 = arith.constant 2 : i32
    %swap3A_230 = arith.index_cast %swap3A_229 : i32 to index
    %swap3A_231 = arith.constant 96 : index
    %swap3A_232 = tpu.vector_load %arg12[%swap3A_230, %swap3A_231] {strides = array<i32>} : memref<16x128xf32, #tpu.memory_space<vmem>>, vector<1x16xf32>,
    %swap3A_233 = vector.shape_cast %swap3A_232 : vector<1x16xf32> to vector<16xf32>
    %swap3A_234 = vector.shape_cast %broadcast_in_dim3A_228 : vector<16xf32> to vector<1x16xf32>
    tpu.vector_store %arg12[%swap3A_230, %swap3A_231], %swap3A_234 {strides = array<i32>} : memref<16x128xf32, #tpu.memory_space<vmem>>, vector<1x16xf32>,
    %broadcast_in_dim3A_235 = arith.constant 0.000000e+00 : f32
    %broadcast_in_dim3A_236 = vector.broadcast %broadcast_in_dim3A_235 : f32 to vector<16xf32>
    %swap3A_237 = arith.constant 2 : i32
    %swap3A_238 = arith.index_cast %swap3A_237 : i32 to index
    %swap3A_239 = arith.constant 112 : index
    %swap3A_240 = tpu.vector_load %arg12[%swap3A_238, %swap3A_239] {strides = array<i32>} : memref<16x128xf32, #tpu.memory_space<vmem>>, vector<1x16xf32>,
    %swap3A_241 = vector.shape_cast %swap3A_240 : vector<1x16xf32> to vector<16xf32>
    %swap3A_242 = vector.shape_cast %broadcast_in_dim3A_236 : vector<16xf32> to vector<1x16xf32>
    tpu.vector_store %arg12[%swap3A_238, %swap3A_239], %swap3A_242 {strides = array<i32>} : memref<16x128xf32, #tpu.memory_space<vmem>>, vector<1x16xf32>,
    %broadcast_in_dim3A_243 = arith.constant 0.000000e+00 : f32
    %broadcast_in_dim3A_244 = vector.broadcast %broadcast_in_dim3A_243 : f32 to vector<16xf32>
    %swap3A_245 = arith.constant 3 : i32
    %swap3A_246 = arith.index_cast %swap3A_245 : i32 to index
    %swap3A_247 = arith.constant 0 : index
    %swap3A_248 = tpu.vector_load %arg12[%swap3A_246, %swap3A_247] {strides = array<i32>} : memref<16x128xf32, #tpu.memory_space<vmem>>, vector<1x16xf32>,
    %swap3A_249 = vector.shape_cast %swap3A_248 : vector<1x16xf32> to vector<16xf32>
    %swap3A_250 = vector.shape_cast %broadcast_in_dim3A_244 : vector<16xf32> to vector<1x16xf32>
    tpu.vector_store %arg12[%swap3A_246, %swap3A_247], %swap3A_250 {strides = array<i32>} : memref<16x128xf32, #tpu.memory_space<vmem>>, vector<1x16xf32>,
    %broadcast_in_dim3A_251 = arith.constant 0.000000e+00 : f32
    %broadcast_in_dim3A_252 = vector.broadcast %broadcast_in_dim3A_251 : f32 to vector<16xf32>
    %swap3A_253 = arith.constant 3 : i32
    %swap3A_254 = arith.index_cast %swap3A_253 : i32 to index
    %swap3A_255 = arith.constant 16 : index
    %swap3A_256 = tpu.vector_load %arg12[%swap3A_254, %swap3A_255] {strides = array<i32>} : memref<16x128xf32, #tpu.memory_space<vmem>>, vector<1x16xf32>,
    %swap3A_257 = vector.shape_cast %swap3A_256 : vector<1x16xf32> to vector<16xf32>
    %swap3A_258 = vector.shape_cast %broadcast_in_dim3A_252 : vector<16xf32> to vector<1x16xf32>
    tpu.vector_store %arg12[%swap3A_254, %swap3A_255], %swap3A_258 {strides = array<i32>} : memref<16x128xf32, #tpu.memory_space<vmem>>, vector<1x16xf32>,
    %broadcast_in_dim3A_259 = arith.constant 0.000000e+00 : f32
    %broadcast_in_dim3A_260 = vector.broadcast %broadcast_in_dim3A_259 : f32 to vector<16xf32>
    %swap3A_261 = arith.constant 3 : i32
    %swap3A_262 = arith.index_cast %swap3A_261 : i32 to index
    %swap3A_263 = arith.constant 32 : index
    %swap3A_264 = tpu.vector_load %arg12[%swap3A_262, %swap3A_263] {strides = array<i32>} : memref<16x128xf32, #tpu.memory_space<vmem>>, vector<1x16xf32>,
    %swap3A_265 = vector.shape_cast %swap3A_264 : vector<1x16xf32> to vector<16xf32>
    %swap3A_266 = vector.shape_cast %broadcast_in_dim3A_260 : vector<16xf32> to vector<1x16xf32>
    tpu.vector_store %arg12[%swap3A_262, %swap3A_263], %swap3A_266 {strides = array<i32>} : memref<16x128xf32, #tpu.memory_space<vmem>>, vector<1x16xf32>,
    %broadcast_in_dim3A_267 = arith.constant 0.000000e+00 : f32
    %broadcast_in_dim3A_268 = vector.broadcast %broadcast_in_dim3A_267 : f32 to vector<16xf32>
    %swap3A_269 = arith.constant 3 : i32
    %swap3A_270 = arith.index_cast %swap3A_269 : i32 to index
    %swap3A_271 = arith.constant 48 : index
    %swap3A_272 = tpu.vector_load %arg12[%swap3A_270, %swap3A_271] {strides = array<i32>} : memref<16x128xf32, #tpu.memory_space<vmem>>, vector<1x16xf32>,
    %swap3A_273 = vector.shape_cast %swap3A_272 : vector<1x16xf32> to vector<16xf32>
    %swap3A_274 = vector.shape_cast %broadcast_in_dim3A_268 : vector<16xf32> to vector<1x16xf32>
    tpu.vector_store %arg12[%swap3A_270, %swap3A_271], %swap3A_274 {strides = array<i32>} : memref<16x128xf32, #tpu.memory_space<vmem>>, vector<1x16xf32>,
    %broadcast_in_dim3A_275 = arith.constant 0.000000e+00 : f32
    %broadcast_in_dim3A_276 = vector.broadcast %broadcast_in_dim3A_275 : f32 to vector<16xf32>
    %swap3A_277 = arith.constant 3 : i32
    %swap3A_278 = arith.index_cast %swap3A_277 : i32 to index
    %swap3A_279 = arith.constant 64 : index
    %swap3A_280 = tpu.vector_load %arg12[%swap3A_278, %swap3A_279] {strides = array<i32>} : memref<16x128xf32, #tpu.memory_space<vmem>>, vector<1x16xf32>,
    %swap3A_281 = vector.shape_cast %swap3A_280 : vector<1x16xf32> to vector<16xf32>
    %swap3A_282 = vector.shape_cast %broadcast_in_dim3A_276 : vector<16xf32> to vector<1x16xf32>
    tpu.vector_store %arg12[%swap3A_278, %swap3A_279], %swap3A_282 {strides = array<i32>} : memref<16x128xf32, #tpu.memory_space<vmem>>, vector<1x16xf32>,
    %broadcast_in_dim3A_283 = arith.constant 0.000000e+00 : f32
    %broadcast_in_dim3A_284 = vector.broadcast %broadcast_in_dim3A_283 : f32 to vector<16xf32>
    %swap3A_285 = arith.constant 3 : i32
    %swap3A_286 = arith.index_cast %swap3A_285 : i32 to index
    %swap3A_287 = arith.constant 80 : index
    %swap3A_288 = tpu.vector_load %arg12[%swap3A_286, %swap3A_287] {strides = array<i32>} : memref<16x128xf32, #tpu.memory_space<vmem>>, vector<1x16xf32>,
    %swap3A_289 = vector.shape_cast %swap3A_288 : vector<1x16xf32> to vector<16xf32>
    %swap3A_290 = vector.shape_cast %broadcast_in_dim3A_284 : vector<16xf32> to vector<1x16xf32>
    tpu.vector_store %arg12[%swap3A_286, %swap3A_287], %swap3A_290 {strides = array<i32>} : memref<16x128xf32, #tpu.memory_space<vmem>>, vector<1x16xf32>,
    %broadcast_in_dim3A_291 = arith.constant 0.000000e+00 : f32
    %broadcast_in_dim3A_292 = vector.broadcast %broadcast_in_dim3A_291 : f32 to vector<16xf32>
    %swap3A_293 = arith.constant 3 : i32
    %swap3A_294 = arith.index_cast %swap3A_293 : i32 to index
    %swap3A_295 = arith.constant 96 : index
    %swap3A_296 = tpu.vector_load %arg12[%swap3A_294, %swap3A_295] {strides = array<i32>} : memref<16x128xf32, #tpu.memory_space<vmem>>, vector<1x16xf32>,
    %swap3A_297 = vector.shape_cast %swap3A_296 : vector<1x16xf32> to vector<16xf32>
    %swap3A_298 = vector.shape_cast %broadcast_in_dim3A_292 : vector<16xf32> to vector<1x16xf32>
    tpu.vector_store %arg12[%swap3A_294, %swap3A_295], %swap3A_298 {strides = array<i32>} : memref<16x128xf32, #tpu.memory_space<vmem>>, vector<1x16xf32>,
    %broadcast_in_dim3A_299 = arith.constant 0.000000e+00 : f32
    %broadcast_in_dim3A_300 = vector.broadcast %broadcast_in_dim3A_299 : f32 to vector<16xf32>
    %swap3A_301 = arith.constant 3 : i32
    %swap3A_302 = arith.index_cast %swap3A_301 : i32 to index
    %swap3A_303 = arith.constant 112 : index
    %swap3A_304 = tpu.vector_load %arg12[%swap3A_302, %swap3A_303] {strides = array<i32>} : memref<16x128xf32, #tpu.memory_space<vmem>>, vector<1x16xf32>,
    %swap3A_305 = vector.shape_cast %swap3A_304 : vector<1x16xf32> to vector<16xf32>
    %swap3A_306 = vector.shape_cast %broadcast_in_dim3A_300 : vector<16xf32> to vector<1x16xf32>
    tpu.vector_store %arg12[%swap3A_302, %swap3A_303], %swap3A_306 {strides = array<i32>} : memref<16x128xf32, #tpu.memory_space<vmem>>, vector<1x16xf32>,
    %broadcast_in_dim3A_307 = arith.constant 0.000000e+00 : f32
    %broadcast_in_dim3A_308 = vector.broadcast %broadcast_in_dim3A_307 : f32 to vector<16xf32>
    %swap3A_309 = arith.constant 4 : i32
    %swap3A_310 = arith.index_cast %swap3A_309 : i32 to index
    %swap3A_311 = arith.constant 0 : index
    %swap3A_312 = tpu.vector_load %arg12[%swap3A_310, %swap3A_311] {strides = array<i32>} : memref<16x128xf32, #tpu.memory_space<vmem>>, vector<1x16xf32>,
    %swap3A_313 = vector.shape_cast %swap3A_312 : vector<1x16xf32> to vector<16xf32>
    %swap3A_314 = vector.shape_cast %broadcast_in_dim3A_308 : vector<16xf32> to vector<1x16xf32>
    tpu.vector_store %arg12[%swap3A_310, %swap3A_311], %swap3A_314 {strides = array<i32>} : memref<16x128xf32, #tpu.memory_space<vmem>>, vector<1x16xf32>,
    %broadcast_in_dim3A_315 = arith.constant 0.000000e+00 : f32
    %broadcast_in_dim3A_316 = vector.broadcast %broadcast_in_dim3A_315 : f32 to vector<16xf32>
    %swap3A_317 = arith.constant 4 : i32
    %swap3A_318 = arith.index_cast %swap3A_317 : i32 to index
    %swap3A_319 = arith.constant 16 : index
    %swap3A_320 = tpu.vector_load %arg12[%swap3A_318, %swap3A_319] {strides = array<i32>} : memref<16x128xf32, #tpu.memory_space<vmem>>, vector<1x16xf32>,
    %swap3A_321 = vector.shape_cast %swap3A_320 : vector<1x16xf32> to vector<16xf32>
    %swap3A_322 = vector.shape_cast %broadcast_in_dim3A_316 : vector<16xf32> to vector<1x16xf32>
    tpu.vector_store %arg12[%swap3A_318, %swap3A_319], %swap3A_322 {strides = array<i32>} : memref<16x128xf32, #tpu.memory_space<vmem>>, vector<1x16xf32>,
    %broadcast_in_dim3A_323 = arith.constant 0.000000e+00 : f32
    %broadcast_in_dim3A_324 = vector.broadcast %broadcast_in_dim3A_323 : f32 to vector<16xf32>
    %swap3A_325 = arith.constant 4 : i32
    %swap3A_326 = arith.index_cast %swap3A_325 : i32 to index
    %swap3A_327 = arith.constant 32 : index
    %swap3A_328 = tpu.vector_load %arg12[%swap3A_326, %swap3A_327] {strides = array<i32>} : memref<16x128xf32, #tpu.memory_space<vmem>>, vector<1x16xf32>,
    %swap3A_329 = vector.shape_cast %swap3A_328 : vector<1x16xf32> to vector<16xf32>
    %swap3A_330 = vector.shape_cast %broadcast_in_dim3A_324 : vector<16xf32> to vector<1x16xf32>
    tpu.vector_store %arg12[%swap3A_326, %swap3A_327], %swap3A_330 {strides = array<i32>} : memref<16x128xf32, #tpu.memory_space<vmem>>, vector<1x16xf32>,
    %broadcast_in_dim3A_331 = arith.constant 0.000000e+00 : f32
    %broadcast_in_dim3A_332 = vector.broadcast %broadcast_in_dim3A_331 : f32 to vector<16xf32>
    %swap3A_333 = arith.constant 4 : i32
    %swap3A_334 = arith.index_cast %swap3A_333 : i32 to index
    %swap3A_335 = arith.constant 48 : index
    %swap3A_336 = tpu.vector_load %arg12[%swap3A_334, %swap3A_335] {strides = array<i32>} : memref<16x128xf32, #tpu.memory_space<vmem>>, vector<1x16xf32>,
    %swap3A_337 = vector.shape_cast %swap3A_336 : vector<1x16xf32> to vector<16xf32>
    %swap3A_338 = vector.shape_cast %broadcast_in_dim3A_332 : vector<16xf32> to vector<1x16xf32>
    tpu.vector_store %arg12[%swap3A_334, %swap3A_335], %swap3A_338 {strides = array<i32>} : memref<16x128xf32, #tpu.memory_space<vmem>>, vector<1x16xf32>,
    %broadcast_in_dim3A_339 = arith.constant 0.000000e+00 : f32
    %broadcast_in_dim3A_340 = vector.broadcast %broadcast_in_dim3A_339 : f32 to vector<16xf32>
    %swap3A_341 = arith.constant 4 : i32
    %swap3A_342 = arith.index_cast %swap3A_341 : i32 to index
    %swap3A_343 = arith.constant 64 : index
    %swap3A_344 = tpu.vector_load %arg12[%swap3A_342, %swap3A_343] {strides = array<i32>} : memref<16x128xf32, #tpu.memory_space<vmem>>, vector<1x16xf32>,
    %swap3A_345 = vector.shape_cast %swap3A_344 : vector<1x16xf32> to vector<16xf32>
    %swap3A_346 = vector.shape_cast %broadcast_in_dim3A_340 : vector<16xf32> to vector<1x16xf32>
    tpu.vector_store %arg12[%swap3A_342, %swap3A_343], %swap3A_346 {strides = array<i32>} : memref<16x128xf32, #tpu.memory_space<vmem>>, vector<1x16xf32>,
    %broadcast_in_dim3A_347 = arith.constant 0.000000e+00 : f32
    %broadcast_in_dim3A_348 = vector.broadcast %broadcast_in_dim3A_347 : f32 to vector<16xf32>
    %swap3A_349 = arith.constant 4 : i32
    %swap3A_350 = arith.index_cast %swap3A_349 : i32 to index
    %swap3A_351 = arith.constant 80 : index
    %swap3A_352 = tpu.vector_load %arg12[%swap3A_350, %swap3A_351] {strides = array<i32>} : memref<16x128xf32, #tpu.memory_space<vmem>>, vector<1x16xf32>,
    %swap3A_353 = vector.shape_cast %swap3A_352 : vector<1x16xf32> to vector<16xf32>
    %swap3A_354 = vector.shape_cast %broadcast_in_dim3A_348 : vector<16xf32> to vector<1x16xf32>
    tpu.vector_store %arg12[%swap3A_350, %swap3A_351], %swap3A_354 {strides = array<i32>} : memref<16x128xf32, #tpu.memory_space<vmem>>, vector<1x16xf32>,
    %broadcast_in_dim3A_355 = arith.constant 0.000000e+00 : f32
    %broadcast_in_dim3A_356 = vector.broadcast %broadcast_in_dim3A_355 : f32 to vector<16xf32>
    %swap3A_357 = arith.constant 4 : i32
    %swap3A_358 = arith.index_cast %swap3A_357 : i32 to index
    %swap3A_359 = arith.constant 96 : index
    %swap3A_360 = tpu.vector_load %arg12[%swap3A_358, %swap3A_359] {strides = array<i32>} : memref<16x128xf32, #tpu.memory_space<vmem>>, vector<1x16xf32>,
    %swap3A_361 = vector.shape_cast %swap3A_360 : vector<1x16xf32> to vector<16xf32>
    %swap3A_362 = vector.shape_cast %broadcast_in_dim3A_356 : vector<16xf32> to vector<1x16xf32>
    tpu.vector_store %arg12[%swap3A_358, %swap3A_359], %swap3A_362 {strides = array<i32>} : memref<16x128xf32, #tpu.memory_space<vmem>>, vector<1x16xf32>,
    %broadcast_in_dim3A_363 = arith.constant 0.000000e+00 : f32
    %broadcast_in_dim3A_364 = vector.broadcast %broadcast_in_dim3A_363 : f32 to vector<16xf32>
    %swap3A_365 = arith.constant 4 : i32
    %swap3A_366 = arith.index_cast %swap3A_365 : i32 to index
    %swap3A_367 = arith.constant 112 : index
    %swap3A_368 = tpu.vector_load %arg12[%swap3A_366, %swap3A_367] {strides = array<i32>} : memref<16x128xf32, #tpu.memory_space<vmem>>, vector<1x16xf32>,
    %swap3A_369 = vector.shape_cast %swap3A_368 : vector<1x16xf32> to vector<16xf32>
    %swap3A_370 = vector.shape_cast %broadcast_in_dim3A_364 : vector<16xf32> to vector<1x16xf32>
    tpu.vector_store %arg12[%swap3A_366, %swap3A_367], %swap3A_370 {strides = array<i32>} : memref<16x128xf32, #tpu.memory_space<vmem>>, vector<1x16xf32>,
    %broadcast_in_dim3A_371 = arith.constant 0.000000e+00 : f32
    %broadcast_in_dim3A_372 = vector.broadcast %broadcast_in_dim3A_371 : f32 to vector<16xf32>
    %swap3A_373 = arith.constant 5 : i32
    %swap3A_374 = arith.index_cast %swap3A_373 : i32 to index
    %swap3A_375 = arith.constant 0 : index
    %swap3A_376 = tpu.vector_load %arg12[%swap3A_374, %swap3A_375] {strides = array<i32>} : memref<16x128xf32, #tpu.memory_space<vmem>>, vector<1x16xf32>,
    %swap3A_377 = vector.shape_cast %swap3A_376 : vector<1x16xf32> to vector<16xf32>
    %swap3A_378 = vector.shape_cast %broadcast_in_dim3A_372 : vector<16xf32> to vector<1x16xf32>
    tpu.vector_store %arg12[%swap3A_374, %swap3A_375], %swap3A_378 {strides = array<i32>} : memref<16x128xf32, #tpu.memory_space<vmem>>, vector<1x16xf32>,
    %broadcast_in_dim3A_379 = arith.constant 0.000000e+00 : f32
    %broadcast_in_dim3A_380 = vector.broadcast %broadcast_in_dim3A_379 : f32 to vector<16xf32>
    %swap3A_381 = arith.constant 5 : i32
    %swap3A_382 = arith.index_cast %swap3A_381 : i32 to index
    %swap3A_383 = arith.constant 16 : index
    %swap3A_384 = tpu.vector_load %arg12[%swap3A_382, %swap3A_383] {strides = array<i32>} : memref<16x128xf32, #tpu.memory_space<vmem>>, vector<1x16xf32>,
    %swap3A_385 = vector.shape_cast %swap3A_384 : vector<1x16xf32> to vector<16xf32>
    %swap3A_386 = vector.shape_cast %broadcast_in_dim3A_380 : vector<16xf32> to vector<1x16xf32>
    tpu.vector_store %arg12[%swap3A_382, %swap3A_383], %swap3A_386 {strides = array<i32>} : memref<16x128xf32, #tpu.memory_space<vmem>>, vector<1x16xf32>,
    %broadcast_in_dim3A_387 = arith.constant 0.000000e+00 : f32
    %broadcast_in_dim3A_388 = vector.broadcast %broadcast_in_dim3A_387 : f32 to vector<16xf32>
    %swap3A_389 = arith.constant 5 : i32
    %swap3A_390 = arith.index_cast %swap3A_389 : i32 to index
    %swap3A_391 = arith.constant 32 : index
    %swap3A_392 = tpu.vector_load %arg12[%swap3A_390, %swap3A_391] {strides = array<i32>} : memref<16x128xf32, #tpu.memory_space<vmem>>, vector<1x16xf32>,
    %swap3A_393 = vector.shape_cast %swap3A_392 : vector<1x16xf32> to vector<16xf32>
    %swap3A_394 = vector.shape_cast %broadcast_in_dim3A_388 : vector<16xf32> to vector<1x16xf32>
    tpu.vector_store %arg12[%swap3A_390, %swap3A_391], %swap3A_394 {strides = array<i32>} : memref<16x128xf32, #tpu.memory_space<vmem>>, vector<1x16xf32>,
    %broadcast_in_dim3A_395 = arith.constant 0.000000e+00 : f32
    %broadcast_in_dim3A_396 = vector.broadcast %broadcast_in_dim3A_395 : f32 to vector<16xf32>
    %swap3A_397 = arith.constant 5 : i32
    %swap3A_398 = arith.index_cast %swap3A_397 : i32 to index
    %swap3A_399 = arith.constant 48 : index
    %swap3A_400 = tpu.vector_load %arg12[%swap3A_398, %swap3A_399] {strides = array<i32>} : memref<16x128xf32, #tpu.memory_space<vmem>>, vector<1x16xf32>,
    %swap3A_401 = vector.shape_cast %swap3A_400 : vector<1x16xf32> to vector<16xf32>
    %swap3A_402 = vector.shape_cast %broadcast_in_dim3A_396 : vector<16xf32> to vector<1x16xf32>
    tpu.vector_store %arg12[%swap3A_398, %swap3A_399], %swap3A_402 {strides = array<i32>} : memref<16x128xf32, #tpu.memory_space<vmem>>, vector<1x16xf32>,
    %broadcast_in_dim3A_403 = arith.constant 0.000000e+00 : f32
    %broadcast_in_dim3A_404 = vector.broadcast %broadcast_in_dim3A_403 : f32 to vector<16xf32>
    %swap3A_405 = arith.constant 5 : i32
    %swap3A_406 = arith.index_cast %swap3A_405 : i32 to index
    %swap3A_407 = arith.constant 64 : index
    %swap3A_408 = tpu.vector_load %arg12[%swap3A_406, %swap3A_407] {strides = array<i32>} : memref<16x128xf32, #tpu.memory_space<vmem>>, vector<1x16xf32>,
    %swap3A_409 = vector.shape_cast %swap3A_408 : vector<1x16xf32> to vector<16xf32>
    %swap3A_410 = vector.shape_cast %broadcast_in_dim3A_404 : vector<16xf32> to vector<1x16xf32>
    tpu.vector_store %arg12[%swap3A_406, %swap3A_407], %swap3A_410 {strides = array<i32>} : memref<16x128xf32, #tpu.memory_space<vmem>>, vector<1x16xf32>,
    %broadcast_in_dim3A_411 = arith.constant 0.000000e+00 : f32
    %broadcast_in_dim3A_412 = vector.broadcast %broadcast_in_dim3A_411 : f32 to vector<16xf32>
    %swap3A_413 = arith.constant 5 : i32
    %swap3A_414 = arith.index_cast %swap3A_413 : i32 to index
    %swap3A_415 = arith.constant 80 : index
    %swap3A_416 = tpu.vector_load %arg12[%swap3A_414, %swap3A_415] {strides = array<i32>} : memref<16x128xf32, #tpu.memory_space<vmem>>, vector<1x16xf32>,
    %swap3A_417 = vector.shape_cast %swap3A_416 : vector<1x16xf32> to vector<16xf32>
    %swap3A_418 = vector.shape_cast %broadcast_in_dim3A_412 : vector<16xf32> to vector<1x16xf32>
    tpu.vector_store %arg12[%swap3A_414, %swap3A_415], %swap3A_418 {strides = array<i32>} : memref<16x128xf32, #tpu.memory_space<vmem>>, vector<1x16xf32>,
    %broadcast_in_dim3A_419 = arith.constant 0.000000e+00 : f32
    %broadcast_in_dim3A_420 = vector.broadcast %broadcast_in_dim3A_419 : f32 to vector<16xf32>
    %swap3A_421 = arith.constant 5 : i32
    %swap3A_422 = arith.index_cast %swap3A_421 : i32 to index
    %swap3A_423 = arith.constant 96 : index
    %swap3A_424 = tpu.vector_load %arg12[%swap3A_422, %swap3A_423] {strides = array<i32>} : memref<16x128xf32, #tpu.memory_space<vmem>>, vector<1x16xf32>,
    %swap3A_425 = vector.shape_cast %swap3A_424 : vector<1x16xf32> to vector<16xf32>
    %swap3A_426 = vector.shape_cast %broadcast_in_dim3A_420 : vector<16xf32> to vector<1x16xf32>
    tpu.vector_store %arg12[%swap3A_422, %swap3A_423], %swap3A_426 {strides = array<i32>} : memref<16x128xf32, #tpu.memory_space<vmem>>, vector<1x16xf32>,
    %broadcast_in_dim3A_427 = arith.constant 0.000000e+00 : f32
    %broadcast_in_dim3A_428 = vector.broadcast %broadcast_in_dim3A_427 : f32 to vector<16xf32>
    %swap3A_429 = arith.constant 5 : i32
    %swap3A_430 = arith.index_cast %swap3A_429 : i32 to index
    %swap3A_431 = arith.constant 112 : index
    %swap3A_432 = tpu.vector_load %arg12[%swap3A_430, %swap3A_431] {strides = array<i32>} : memref<16x128xf32, #tpu.memory_space<vmem>>, vector<1x16xf32>,
    %swap3A_433 = vector.shape_cast %swap3A_432 : vector<1x16xf32> to vector<16xf32>
    %swap3A_434 = vector.shape_cast %broadcast_in_dim3A_428 : vector<16xf32> to vector<1x16xf32>
    tpu.vector_store %arg12[%swap3A_430, %swap3A_431], %swap3A_434 {strides = array<i32>} : memref<16x128xf32, #tpu.memory_space<vmem>>, vector<1x16xf32>,
    %broadcast_in_dim3A_435 = arith.constant 0.000000e+00 : f32
    %broadcast_in_dim3A_436 = vector.broadcast %broadcast_in_dim3A_435 : f32 to vector<16xf32>
    %swap3A_437 = arith.constant 6 : i32
    %swap3A_438 = arith.index_cast %swap3A_437 : i32 to index
    %swap3A_439 = arith.constant 0 : index
    %swap3A_440 = tpu.vector_load %arg12[%swap3A_438, %swap3A_439] {strides = array<i32>} : memref<16x128xf32, #tpu.memory_space<vmem>>, vector<1x16xf32>,
    %swap3A_441 = vector.shape_cast %swap3A_440 : vector<1x16xf32> to vector<16xf32>
    %swap3A_442 = vector.shape_cast %broadcast_in_dim3A_436 : vector<16xf32> to vector<1x16xf32>
    tpu.vector_store %arg12[%swap3A_438, %swap3A_439], %swap3A_442 {strides = array<i32>} : memref<16x128xf32, #tpu.memory_space<vmem>>, vector<1x16xf32>,
    %broadcast_in_dim3A_443 = arith.constant 0.000000e+00 : f32
    %broadcast_in_dim3A_444 = vector.broadcast %broadcast_in_dim3A_443 : f32 to vector<16xf32>
    %swap3A_445 = arith.constant 6 : i32
    %swap3A_446 = arith.index_cast %swap3A_445 : i32 to index
    %swap3A_447 = arith.constant 16 : index
    %swap3A_448 = tpu.vector_load %arg12[%swap3A_446, %swap3A_447] {strides = array<i32>} : memref<16x128xf32, #tpu.memory_space<vmem>>, vector<1x16xf32>,
    %swap3A_449 = vector.shape_cast %swap3A_448 : vector<1x16xf32> to vector<16xf32>
    %swap3A_450 = vector.shape_cast %broadcast_in_dim3A_444 : vector<16xf32> to vector<1x16xf32>
    tpu.vector_store %arg12[%swap3A_446, %swap3A_447], %swap3A_450 {strides = array<i32>} : memref<16x128xf32, #tpu.memory_space<vmem>>, vector<1x16xf32>,
    %broadcast_in_dim3A_451 = arith.constant 0.000000e+00 : f32
    %broadcast_in_dim3A_452 = vector.broadcast %broadcast_in_dim3A_451 : f32 to vector<16xf32>
    %swap3A_453 = arith.constant 6 : i32
    %swap3A_454 = arith.index_cast %swap3A_453 : i32 to index
    %swap3A_455 = arith.constant 32 : index
    %swap3A_456 = tpu.vector_load %arg12[%swap3A_454, %swap3A_455] {strides = array<i32>} : memref<16x128xf32, #tpu.memory_space<vmem>>, vector<1x16xf32>,
    %swap3A_457 = vector.shape_cast %swap3A_456 : vector<1x16xf32> to vector<16xf32>
    %swap3A_458 = vector.shape_cast %broadcast_in_dim3A_452 : vector<16xf32> to vector<1x16xf32>
    tpu.vector_store %arg12[%swap3A_454, %swap3A_455], %swap3A_458 {strides = array<i32>} : memref<16x128xf32, #tpu.memory_space<vmem>>, vector<1x16xf32>,
    %broadcast_in_dim3A_459 = arith.constant 0.000000e+00 : f32
    %broadcast_in_dim3A_460 = vector.broadcast %broadcast_in_dim3A_459 : f32 to vector<16xf32>
    %swap3A_461 = arith.constant 6 : i32
    %swap3A_462 = arith.index_cast %swap3A_461 : i32 to index
    %swap3A_463 = arith.constant 48 : index
    %swap3A_464 = tpu.vector_load %arg12[%swap3A_462, %swap3A_463] {strides = array<i32>} : memref<16x128xf32, #tpu.memory_space<vmem>>, vector<1x16xf32>,
    %swap3A_465 = vector.shape_cast %swap3A_464 : vector<1x16xf32> to vector<16xf32>
    %swap3A_466 = vector.shape_cast %broadcast_in_dim3A_460 : vector<16xf32> to vector<1x16xf32>
    tpu.vector_store %arg12[%swap3A_462, %swap3A_463], %swap3A_466 {strides = array<i32>} : memref<16x128xf32, #tpu.memory_space<vmem>>, vector<1x16xf32>,
    %broadcast_in_dim3A_467 = arith.constant 0.000000e+00 : f32
    %broadcast_in_dim3A_468 = vector.broadcast %broadcast_in_dim3A_467 : f32 to vector<16xf32>
    %swap3A_469 = arith.constant 6 : i32
    %swap3A_470 = arith.index_cast %swap3A_469 : i32 to index
    %swap3A_471 = arith.constant 64 : index
    %swap3A_472 = tpu.vector_load %arg12[%swap3A_470, %swap3A_471] {strides = array<i32>} : memref<16x128xf32, #tpu.memory_space<vmem>>, vector<1x16xf32>,
    %swap3A_473 = vector.shape_cast %swap3A_472 : vector<1x16xf32> to vector<16xf32>
    %swap3A_474 = vector.shape_cast %broadcast_in_dim3A_468 : vector<16xf32> to vector<1x16xf32>
    tpu.vector_store %arg12[%swap3A_470, %swap3A_471], %swap3A_474 {strides = array<i32>} : memref<16x128xf32, #tpu.memory_space<vmem>>, vector<1x16xf32>,
    %broadcast_in_dim3A_475 = arith.constant 0.000000e+00 : f32
    %broadcast_in_dim3A_476 = vector.broadcast %broadcast_in_dim3A_475 : f32 to vector<16xf32>
    %swap3A_477 = arith.constant 6 : i32
    %swap3A_478 = arith.index_cast %swap3A_477 : i32 to index
    %swap3A_479 = arith.constant 80 : index
    %swap3A_480 = tpu.vector_load %arg12[%swap3A_478, %swap3A_479] {strides = array<i32>} : memref<16x128xf32, #tpu.memory_space<vmem>>, vector<1x16xf32>,
    %swap3A_481 = vector.shape_cast %swap3A_480 : vector<1x16xf32> to vector<16xf32>
    %swap3A_482 = vector.shape_cast %broadcast_in_dim3A_476 : vector<16xf32> to vector<1x16xf32>
    tpu.vector_store %arg12[%swap3A_478, %swap3A_479], %swap3A_482 {strides = array<i32>} : memref<16x128xf32, #tpu.memory_space<vmem>>, vector<1x16xf32>,
    %broadcast_in_dim3A_483 = arith.constant 0.000000e+00 : f32
    %broadcast_in_dim3A_484 = vector.broadcast %broadcast_in_dim3A_483 : f32 to vector<16xf32>
    %swap3A_485 = arith.constant 6 : i32
    %swap3A_486 = arith.index_cast %swap3A_485 : i32 to index
    %swap3A_487 = arith.constant 96 : index
    %swap3A_488 = tpu.vector_load %arg12[%swap3A_486, %swap3A_487] {strides = array<i32>} : memref<16x128xf32, #tpu.memory_space<vmem>>, vector<1x16xf32>,
    %swap3A_489 = vector.shape_cast %swap3A_488 : vector<1x16xf32> to vector<16xf32>
    %swap3A_490 = vector.shape_cast %broadcast_in_dim3A_484 : vector<16xf32> to vector<1x16xf32>
    tpu.vector_store %arg12[%swap3A_486, %swap3A_487], %swap3A_490 {strides = array<i32>} : memref<16x128xf32, #tpu.memory_space<vmem>>, vector<1x16xf32>,
    %broadcast_in_dim3A_491 = arith.constant 0.000000e+00 : f32
    %broadcast_in_dim3A_492 = vector.broadcast %broadcast_in_dim3A_491 : f32 to vector<16xf32>
    %swap3A_493 = arith.constant 6 : i32
    %swap3A_494 = arith.index_cast %swap3A_493 : i32 to index
    %swap3A_495 = arith.constant 112 : index
    %swap3A_496 = tpu.vector_load %arg12[%swap3A_494, %swap3A_495] {strides = array<i32>} : memref<16x128xf32, #tpu.memory_space<vmem>>, vector<1x16xf32>,
    %swap3A_497 = vector.shape_cast %swap3A_496 : vector<1x16xf32> to vector<16xf32>
    %swap3A_498 = vector.shape_cast %broadcast_in_dim3A_492 : vector<16xf32> to vector<1x16xf32>
    tpu.vector_store %arg12[%swap3A_494, %swap3A_495], %swap3A_498 {strides = array<i32>} : memref<16x128xf32, #tpu.memory_space<vmem>>, vector<1x16xf32>,
    %broadcast_in_dim3A_499 = arith.constant 0.000000e+00 : f32
    %broadcast_in_dim3A_500 = vector.broadcast %broadcast_in_dim3A_499 : f32 to vector<16xf32>
    %swap3A_501 = arith.constant 7 : i32
    %swap3A_502 = arith.index_cast %swap3A_501 : i32 to index
    %swap3A_503 = arith.constant 0 : index
    %swap3A_504 = tpu.vector_load %arg12[%swap3A_502, %swap3A_503] {strides = array<i32>} : memref<16x128xf32, #tpu.memory_space<vmem>>, vector<1x16xf32>,
    %swap3A_505 = vector.shape_cast %swap3A_504 : vector<1x16xf32> to vector<16xf32>
    %swap3A_506 = vector.shape_cast %broadcast_in_dim3A_500 : vector<16xf32> to vector<1x16xf32>
    tpu.vector_store %arg12[%swap3A_502, %swap3A_503], %swap3A_506 {strides = array<i32>} : memref<16x128xf32, #tpu.memory_space<vmem>>, vector<1x16xf32>,
    %broadcast_in_dim3A_507 = arith.constant 0.000000e+00 : f32
    %broadcast_in_dim3A_508 = vector.broadcast %broadcast_in_dim3A_507 : f32 to vector<16xf32>
    %swap3A_509 = arith.constant 7 : i32
    %swap3A_510 = arith.index_cast %swap3A_509 : i32 to index
    %swap3A_511 = arith.constant 16 : index
    %swap3A_512 = tpu.vector_load %arg12[%swap3A_510, %swap3A_511] {strides = array<i32>} : memref<16x128xf32, #tpu.memory_space<vmem>>, vector<1x16xf32>,
    %swap3A_513 = vector.shape_cast %swap3A_512 : vector<1x16xf32> to vector<16xf32>
    %swap3A_514 = vector.shape_cast %broadcast_in_dim3A_508 : vector<16xf32> to vector<1x16xf32>
    tpu.vector_store %arg12[%swap3A_510, %swap3A_511], %swap3A_514 {strides = array<i32>} : memref<16x128xf32, #tpu.memory_space<vmem>>, vector<1x16xf32>,
    %broadcast_in_dim3A_515 = arith.constant 0.000000e+00 : f32
    %broadcast_in_dim3A_516 = vector.broadcast %broadcast_in_dim3A_515 : f32 to vector<16xf32>
    %swap3A_517 = arith.constant 7 : i32
    %swap3A_518 = arith.index_cast %swap3A_517 : i32 to index
    %swap3A_519 = arith.constant 32 : index
    %swap3A_520 = tpu.vector_load %arg12[%swap3A_518, %swap3A_519] {strides = array<i32>} : memref<16x128xf32, #tpu.memory_space<vmem>>, vector<1x16xf32>,
    %swap3A_521 = vector.shape_cast %swap3A_520 : vector<1x16xf32> to vector<16xf32>
    %swap3A_522 = vector.shape_cast %broadcast_in_dim3A_516 : vector<16xf32> to vector<1x16xf32>
    tpu.vector_store %arg12[%swap3A_518, %swap3A_519], %swap3A_522 {strides = array<i32>} : memref<16x128xf32, #tpu.memory_space<vmem>>, vector<1x16xf32>,
    %broadcast_in_dim3A_523 = arith.constant 0.000000e+00 : f32
    %broadcast_in_dim3A_524 = vector.broadcast %broadcast_in_dim3A_523 : f32 to vector<16xf32>
    %swap3A_525 = arith.constant 7 : i32
    %swap3A_526 = arith.index_cast %swap3A_525 : i32 to index
    %swap3A_527 = arith.constant 48 : index
    %swap3A_528 = tpu.vector_load %arg12[%swap3A_526, %swap3A_527] {strides = array<i32>} : memref<16x128xf32, #tpu.memory_space<vmem>>, vector<1x16xf32>,
    %swap3A_529 = vector.shape_cast %swap3A_528 : vector<1x16xf32> to vector<16xf32>
    %swap3A_530 = vector.shape_cast %broadcast_in_dim3A_524 : vector<16xf32> to vector<1x16xf32>
    tpu.vector_store %arg12[%swap3A_526, %swap3A_527], %swap3A_530 {strides = array<i32>} : memref<16x128xf32, #tpu.memory_space<vmem>>, vector<1x16xf32>,
    %broadcast_in_dim3A_531 = arith.constant 0.000000e+00 : f32
    %broadcast_in_dim3A_532 = vector.broadcast %broadcast_in_dim3A_531 : f32 to vector<16xf32>
    %swap3A_533 = arith.constant 7 : i32
    %swap3A_534 = arith.index_cast %swap3A_533 : i32 to index
    %swap3A_535 = arith.constant 64 : index
    %swap3A_536 = tpu.vector_load %arg12[%swap3A_534, %swap3A_535] {strides = array<i32>} : memref<16x128xf32, #tpu.memory_space<vmem>>, vector<1x16xf32>,
    %swap3A_537 = vector.shape_cast %swap3A_536 : vector<1x16xf32> to vector<16xf32>
    %swap3A_538 = vector.shape_cast %broadcast_in_dim3A_532 : vector<16xf32> to vector<1x16xf32>
    tpu.vector_store %arg12[%swap3A_534, %swap3A_535], %swap3A_538 {strides = array<i32>} : memref<16x128xf32, #tpu.memory_space<vmem>>, vector<1x16xf32>,
    %broadcast_in_dim3A_539 = arith.constant 0.000000e+00 : f32
    %broadcast_in_dim3A_540 = vector.broadcast %broadcast_in_dim3A_539 : f32 to vector<16xf32>
    %swap3A_541 = arith.constant 7 : i32
    %swap3A_542 = arith.index_cast %swap3A_541 : i32 to index
    %swap3A_543 = arith.constant 80 : index
    %swap3A_544 = tpu.vector_load %arg12[%swap3A_542, %swap3A_543] {strides = array<i32>} : memref<16x128xf32, #tpu.memory_space<vmem>>, vector<1x16xf32>,
    %swap3A_545 = vector.shape_cast %swap3A_544 : vector<1x16xf32> to vector<16xf32>
    %swap3A_546 = vector.shape_cast %broadcast_in_dim3A_540 : vector<16xf32> to vector<1x16xf32>
    tpu.vector_store %arg12[%swap3A_542, %swap3A_543], %swap3A_546 {strides = array<i32>} : memref<16x128xf32, #tpu.memory_space<vmem>>, vector<1x16xf32>,
    %broadcast_in_dim3A_547 = arith.constant 0.000000e+00 : f32
    %broadcast_in_dim3A_548 = vector.broadcast %broadcast_in_dim3A_547 : f32 to vector<16xf32>
    %swap3A_549 = arith.constant 7 : i32
    %swap3A_550 = arith.index_cast %swap3A_549 : i32 to index
    %swap3A_551 = arith.constant 96 : index
    %swap3A_552 = tpu.vector_load %arg12[%swap3A_550, %swap3A_551] {strides = array<i32>} : memref<16x128xf32, #tpu.memory_space<vmem>>, vector<1x16xf32>,
    %swap3A_553 = vector.shape_cast %swap3A_552 : vector<1x16xf32> to vector<16xf32>
    %swap3A_554 = vector.shape_cast %broadcast_in_dim3A_548 : vector<16xf32> to vector<1x16xf32>
    tpu.vector_store %arg12[%swap3A_550, %swap3A_551], %swap3A_554 {strides = array<i32>} : memref<16x128xf32, #tpu.memory_space<vmem>>, vector<1x16xf32>,
    %broadcast_in_dim3A_555 = arith.constant 0.000000e+00 : f32
    %broadcast_in_dim3A_556 = vector.broadcast %broadcast_in_dim3A_555 : f32 to vector<16xf32>
    %swap3A_557 = arith.constant 7 : i32
    %swap3A_558 = arith.index_cast %swap3A_557 : i32 to index
    %swap3A_559 = arith.constant 112 : index
    %swap3A_560 = tpu.vector_load %arg12[%swap3A_558, %swap3A_559] {strides = array<i32>} : memref<16x128xf32, #tpu.memory_space<vmem>>, vector<1x16xf32>,
    %swap3A_561 = vector.shape_cast %swap3A_560 : vector<1x16xf32> to vector<16xf32>
    %swap3A_562 = vector.shape_cast %broadcast_in_dim3A_556 : vector<16xf32> to vector<1x16xf32>
    tpu.vector_store %arg12[%swap3A_558, %swap3A_559], %swap3A_562 {strides = array<i32>} : memref<16x128xf32, #tpu.memory_space<vmem>>, vector<1x16xf32>,
    %broadcast_in_dim3A_563 = arith.constant 0.000000e+00 : f32
    %broadcast_in_dim3A_564 = vector.broadcast %broadcast_in_dim3A_563 : f32 to vector<16xf32>
    %swap3A_565 = arith.constant 8 : i32
    %swap3A_566 = arith.index_cast %swap3A_565 : i32 to index
    %swap3A_567 = arith.constant 0 : index
    %swap3A_568 = tpu.vector_load %arg12[%swap3A_566, %swap3A_567] {strides = array<i32>} : memref<16x128xf32, #tpu.memory_space<vmem>>, vector<1x16xf32>,
    %swap3A_569 = vector.shape_cast %swap3A_568 : vector<1x16xf32> to vector<16xf32>
    %swap3A_570 = vector.shape_cast %broadcast_in_dim3A_564 : vector<16xf32> to vector<1x16xf32>
    tpu.vector_store %arg12[%swap3A_566, %swap3A_567], %swap3A_570 {strides = array<i32>} : memref<16x128xf32, #tpu.memory_space<vmem>>, vector<1x16xf32>,
    %broadcast_in_dim3A_571 = arith.constant 0.000000e+00 : f32
    %broadcast_in_dim3A_572 = vector.broadcast %broadcast_in_dim3A_571 : f32 to vector<16xf32>
    %swap3A_573 = arith.constant 8 : i32
    %swap3A_574 = arith.index_cast %swap3A_573 : i32 to index
    %swap3A_575 = arith.constant 16 : index
    %swap3A_576 = tpu.vector_load %arg12[%swap3A_574, %swap3A_575] {strides = array<i32>} : memref<16x128xf32, #tpu.memory_space<vmem>>, vector<1x16xf32>,
    %swap3A_577 = vector.shape_cast %swap3A_576 : vector<1x16xf32> to vector<16xf32>
    %swap3A_578 = vector.shape_cast %broadcast_in_dim3A_572 : vector<16xf32> to vector<1x16xf32>
    tpu.vector_store %arg12[%swap3A_574, %swap3A_575], %swap3A_578 {strides = array<i32>} : memref<16x128xf32, #tpu.memory_space<vmem>>, vector<1x16xf32>,
    %broadcast_in_dim3A_579 = arith.constant 0.000000e+00 : f32
    %broadcast_in_dim3A_580 = vector.broadcast %broadcast_in_dim3A_579 : f32 to vector<16xf32>
    %swap3A_581 = arith.constant 8 : i32
    %swap3A_582 = arith.index_cast %swap3A_581 : i32 to index
    %swap3A_583 = arith.constant 32 : index
    %swap3A_584 = tpu.vector_load %arg12[%swap3A_582, %swap3A_583] {strides = array<i32>} : memref<16x128xf32, #tpu.memory_space<vmem>>, vector<1x16xf32>,
    %swap3A_585 = vector.shape_cast %swap3A_584 : vector<1x16xf32> to vector<16xf32>
    %swap3A_586 = vector.shape_cast %broadcast_in_dim3A_580 : vector<16xf32> to vector<1x16xf32>
    tpu.vector_store %arg12[%swap3A_582, %swap3A_583], %swap3A_586 {strides = array<i32>} : memref<16x128xf32, #tpu.memory_space<vmem>>, vector<1x16xf32>,
    %broadcast_in_dim3A_587 = arith.constant 0.000000e+00 : f32
    %broadcast_in_dim3A_588 = vector.broadcast %broadcast_in_dim3A_587 : f32 to vector<16xf32>
    %swap3A_589 = arith.constant 8 : i32
    %swap3A_590 = arith.index_cast %swap3A_589 : i32 to index
    %swap3A_591 = arith.constant 48 : index
    %swap3A_592 = tpu.vector_load %arg12[%swap3A_590, %swap3A_591] {strides = array<i32>} : memref<16x128xf32, #tpu.memory_space<vmem>>, vector<1x16xf32>,
    %swap3A_593 = vector.shape_cast %swap3A_592 : vector<1x16xf32> to vector<16xf32>
    %swap3A_594 = vector.shape_cast %broadcast_in_dim3A_588 : vector<16xf32> to vector<1x16xf32>
    tpu.vector_store %arg12[%swap3A_590, %swap3A_591], %swap3A_594 {strides = array<i32>} : memref<16x128xf32, #tpu.memory_space<vmem>>, vector<1x16xf32>,
    %broadcast_in_dim3A_595 = arith.constant 0.000000e+00 : f32
    %broadcast_in_dim3A_596 = vector.broadcast %broadcast_in_dim3A_595 : f32 to vector<16xf32>
    %swap3A_597 = arith.constant 8 : i32
    %swap3A_598 = arith.index_cast %swap3A_597 : i32 to index
    %swap3A_599 = arith.constant 64 : index
    %swap3A_600 = tpu.vector_load %arg12[%swap3A_598, %swap3A_599] {strides = array<i32>} : memref<16x128xf32, #tpu.memory_space<vmem>>, vector<1x16xf32>,
    %swap3A_601 = vector.shape_cast %swap3A_600 : vector<1x16xf32> to vector<16xf32>
    %swap3A_602 = vector.shape_cast %broadcast_in_dim3A_596 : vector<16xf32> to vector<1x16xf32>
    tpu.vector_store %arg12[%swap3A_598, %swap3A_599], %swap3A_602 {strides = array<i32>} : memref<16x128xf32, #tpu.memory_space<vmem>>, vector<1x16xf32>,
    %broadcast_in_dim3A_603 = arith.constant 0.000000e+00 : f32
    %broadcast_in_dim3A_604 = vector.broadcast %broadcast_in_dim3A_603 : f32 to vector<16xf32>
    %swap3A_605 = arith.constant 8 : i32
    %swap3A_606 = arith.index_cast %swap3A_605 : i32 to index
    %swap3A_607 = arith.constant 80 : index
    %swap3A_608 = tpu.vector_load %arg12[%swap3A_606, %swap3A_607] {strides = array<i32>} : memref<16x128xf32, #tpu.memory_space<vmem>>, vector<1x16xf32>,
    %swap3A_609 = vector.shape_cast %swap3A_608 : vector<1x16xf32> to vector<16xf32>
    %swap3A_610 = vector.shape_cast %broadcast_in_dim3A_604 : vector<16xf32> to vector<1x16xf32>
    tpu.vector_store %arg12[%swap3A_606, %swap3A_607], %swap3A_610 {strides = array<i32>} : memref<16x128xf32, #tpu.memory_space<vmem>>, vector<1x16xf32>,
    %broadcast_in_dim3A_611 = arith.constant 0.000000e+00 : f32
    %broadcast_in_dim3A_612 = vector.broadcast %broadcast_in_dim3A_611 : f32 to vector<16xf32>
    %swap3A_613 = arith.constant 8 : i32
    %swap3A_614 = arith.index_cast %swap3A_613 : i32 to index
    %swap3A_615 = arith.constant 96 : index
    %swap3A_616 = tpu.vector_load %arg12[%swap3A_614, %swap3A_615] {strides = array<i32>} : memref<16x128xf32, #tpu.memory_space<vmem>>, vector<1x16xf32>,
    %swap3A_617 = vector.shape_cast %swap3A_616 : vector<1x16xf32> to vector<16xf32>
    %swap3A_618 = vector.shape_cast %broadcast_in_dim3A_612 : vector<16xf32> to vector<1x16xf32>
    tpu.vector_store %arg12[%swap3A_614, %swap3A_615], %swap3A_618 {strides = array<i32>} : memref<16x128xf32, #tpu.memory_space<vmem>>, vector<1x16xf32>,
    %broadcast_in_dim3A_619 = arith.constant 0.000000e+00 : f32
    %broadcast_in_dim3A_620 = vector.broadcast %broadcast_in_dim3A_619 : f32 to vector<16xf32>
    %swap3A_621 = arith.constant 8 : i32
    %swap3A_622 = arith.index_cast %swap3A_621 : i32 to index
    %swap3A_623 = arith.constant 112 : index
    %swap3A_624 = tpu.vector_load %arg12[%swap3A_622, %swap3A_623] {strides = array<i32>} : memref<16x128xf32, #tpu.memory_space<vmem>>, vector<1x16xf32>,
    %swap3A_625 = vector.shape_cast %swap3A_624 : vector<1x16xf32> to vector<16xf32>
    %swap3A_626 = vector.shape_cast %broadcast_in_dim3A_620 : vector<16xf32> to vector<1x16xf32>
    tpu.vector_store %arg12[%swap3A_622, %swap3A_623], %swap3A_626 {strides = array<i32>} : memref<16x128xf32, #tpu.memory_space<vmem>>, vector<1x16xf32>,
    %broadcast_in_dim3A_627 = arith.constant 0.000000e+00 : f32
    %broadcast_in_dim3A_628 = vector.broadcast %broadcast_in_dim3A_627 : f32 to vector<16xf32>
    %swap3A_629 = arith.constant 9 : i32
    %swap3A_630 = arith.index_cast %swap3A_629 : i32 to index
    %swap3A_631 = arith.constant 0 : index
    %swap3A_632 = tpu.vector_load %arg12[%swap3A_630, %swap3A_631] {strides = array<i32>} : memref<16x128xf32, #tpu.memory_space<vmem>>, vector<1x16xf32>,
    %swap3A_633 = vector.shape_cast %swap3A_632 : vector<1x16xf32> to vector<16xf32>
    %swap3A_634 = vector.shape_cast %broadcast_in_dim3A_628 : vector<16xf32> to vector<1x16xf32>
    tpu.vector_store %arg12[%swap3A_630, %swap3A_631], %swap3A_634 {strides = array<i32>} : memref<16x128xf32, #tpu.memory_space<vmem>>, vector<1x16xf32>,
    %broadcast_in_dim3A_635 = arith.constant 0.000000e+00 : f32
    %broadcast_in_dim3A_636 = vector.broadcast %broadcast_in_dim3A_635 : f32 to vector<16xf32>
    %swap3A_637 = arith.constant 9 : i32
    %swap3A_638 = arith.index_cast %swap3A_637 : i32 to index
    %swap3A_639 = arith.constant 16 : index
    %swap3A_640 = tpu.vector_load %arg12[%swap3A_638, %swap3A_639] {strides = array<i32>} : memref<16x128xf32, #tpu.memory_space<vmem>>, vector<1x16xf32>,
    %swap3A_641 = vector.shape_cast %swap3A_640 : vector<1x16xf32> to vector<16xf32>
    %swap3A_642 = vector.shape_cast %broadcast_in_dim3A_636 : vector<16xf32> to vector<1x16xf32>
    tpu.vector_store %arg12[%swap3A_638, %swap3A_639], %swap3A_642 {strides = array<i32>} : memref<16x128xf32, #tpu.memory_space<vmem>>, vector<1x16xf32>,
    %broadcast_in_dim3A_643 = arith.constant 0.000000e+00 : f32
    %broadcast_in_dim3A_644 = vector.broadcast %broadcast_in_dim3A_643 : f32 to vector<16xf32>
    %swap3A_645 = arith.constant 9 : i32
    %swap3A_646 = arith.index_cast %swap3A_645 : i32 to index
    %swap3A_647 = arith.constant 32 : index
    %swap3A_648 = tpu.vector_load %arg12[%swap3A_646, %swap3A_647] {strides = array<i32>} : memref<16x128xf32, #tpu.memory_space<vmem>>, vector<1x16xf32>,
    %swap3A_649 = vector.shape_cast %swap3A_648 : vector<1x16xf32> to vector<16xf32>
    %swap3A_650 = vector.shape_cast %broadcast_in_dim3A_644 : vector<16xf32> to vector<1x16xf32>
    tpu.vector_store %arg12[%swap3A_646, %swap3A_647], %swap3A_650 {strides = array<i32>} : memref<16x128xf32, #tpu.memory_space<vmem>>, vector<1x16xf32>,
    %broadcast_in_dim3A_651 = arith.constant 0.000000e+00 : f32
    %broadcast_in_dim3A_652 = vector.broadcast %broadcast_in_dim3A_651 : f32 to vector<16xf32>
    %swap3A_653 = arith.constant 9 : i32
    %swap3A_654 = arith.index_cast %swap3A_653 : i32 to index
    %swap3A_655 = arith.constant 48 : index
    %swap3A_656 = tpu.vector_load %arg12[%swap3A_654, %swap3A_655] {strides = array<i32>} : memref<16x128xf32, #tpu.memory_space<vmem>>, vector<1x16xf32>,
    %swap3A_657 = vector.shape_cast %swap3A_656 : vector<1x16xf32> to vector<16xf32>
    %swap3A_658 = vector.shape_cast %broadcast_in_dim3A_652 : vector<16xf32> to vector<1x16xf32>
    tpu.vector_store %arg12[%swap3A_654, %swap3A_655], %swap3A_658 {strides = array<i32>} : memref<16x128xf32, #tpu.memory_space<vmem>>, vector<1x16xf32>,
    %broadcast_in_dim3A_659 = arith.constant 0.000000e+00 : f32
    %broadcast_in_dim3A_660 = vector.broadcast %broadcast_in_dim3A_659 : f32 to vector<16xf32>
    %swap3A_661 = arith.constant 9 : i32
    %swap3A_662 = arith.index_cast %swap3A_661 : i32 to index
    %swap3A_663 = arith.constant 64 : index
    %swap3A_664 = tpu.vector_load %arg12[%swap3A_662, %swap3A_663] {strides = array<i32>} : memref<16x128xf32, #tpu.memory_space<vmem>>, vector<1x16xf32>,
    %swap3A_665 = vector.shape_cast %swap3A_664 : vector<1x16xf32> to vector<16xf32>
    %swap3A_666 = vector.shape_cast %broadcast_in_dim3A_660 : vector<16xf32> to vector<1x16xf32>
    tpu.vector_store %arg12[%swap3A_662, %swap3A_663], %swap3A_666 {strides = array<i32>} : memref<16x128xf32, #tpu.memory_space<vmem>>, vector<1x16xf32>,
    %broadcast_in_dim3A_667 = arith.constant 0.000000e+00 : f32
    %broadcast_in_dim3A_668 = vector.broadcast %broadcast_in_dim3A_667 : f32 to vector<16xf32>
    %swap3A_669 = arith.constant 9 : i32
    %swap3A_670 = arith.index_cast %swap3A_669 : i32 to index
    %swap3A_671 = arith.constant 80 : index
    %swap3A_672 = tpu.vector_load %arg12[%swap3A_670, %swap3A_671] {strides = array<i32>} : memref<16x128xf32, #tpu.memory_space<vmem>>, vector<1x16xf32>,
    %swap3A_673 = vector.shape_cast %swap3A_672 : vector<1x16xf32> to vector<16xf32>
    %swap3A_674 = vector.shape_cast %broadcast_in_dim3A_668 : vector<16xf32> to vector<1x16xf32>
    tpu.vector_store %arg12[%swap3A_670, %swap3A_671], %swap3A_674 {strides = array<i32>} : memref<16x128xf32, #tpu.memory_space<vmem>>, vector<1x16xf32>,
    %broadcast_in_dim3A_675 = arith.constant 0.000000e+00 : f32
    %broadcast_in_dim3A_676 = vector.broadcast %broadcast_in_dim3A_675 : f32 to vector<16xf32>
    %swap3A_677 = arith.constant 9 : i32
    %swap3A_678 = arith.index_cast %swap3A_677 : i32 to index
    %swap3A_679 = arith.constant 96 : index
    %swap3A_680 = tpu.vector_load %arg12[%swap3A_678, %swap3A_679] {strides = array<i32>} : memref<16x128xf32, #tpu.memory_space<vmem>>, vector<1x16xf32>,
    %swap3A_681 = vector.shape_cast %swap3A_680 : vector<1x16xf32> to vector<16xf32>
    %swap3A_682 = vector.shape_cast %broadcast_in_dim3A_676 : vector<16xf32> to vector<1x16xf32>
    tpu.vector_store %arg12[%swap3A_678, %swap3A_679], %swap3A_682 {strides = array<i32>} : memref<16x128xf32, #tpu.memory_space<vmem>>, vector<1x16xf32>,
    %broadcast_in_dim3A_683 = arith.constant 0.000000e+00 : f32
    %broadcast_in_dim3A_684 = vector.broadcast %broadcast_in_dim3A_683 : f32 to vector<16xf32>
    %swap3A_685 = arith.constant 9 : i32
    %swap3A_686 = arith.index_cast %swap3A_685 : i32 to index
    %swap3A_687 = arith.constant 112 : index
    %swap3A_688 = tpu.vector_load %arg12[%swap3A_686, %swap3A_687] {strides = array<i32>} : memref<16x128xf32, #tpu.memory_space<vmem>>, vector<1x16xf32>,
    %swap3A_689 = vector.shape_cast %swap3A_688 : vector<1x16xf32> to vector<16xf32>
    %swap3A_690 = vector.shape_cast %broadcast_in_dim3A_684 : vector<16xf32> to vector<1x16xf32>
    tpu.vector_store %arg12[%swap3A_686, %swap3A_687], %swap3A_690 {strides = array<i32>} : memref<16x128xf32, #tpu.memory_space<vmem>>, vector<1x16xf32>,
    %broadcast_in_dim3A_691 = arith.constant 0.000000e+00 : f32
    %broadcast_in_dim3A_692 = vector.broadcast %broadcast_in_dim3A_691 : f32 to vector<16xf32>
    %swap3A_693 = arith.constant 10 : i32
    %swap3A_694 = arith.index_cast %swap3A_693 : i32 to index
    %swap3A_695 = arith.constant 0 : index
    %swap3A_696 = tpu.vector_load %arg12[%swap3A_694, %swap3A_695] {strides = array<i32>} : memref<16x128xf32, #tpu.memory_space<vmem>>, vector<1x16xf32>,
    %swap3A_697 = vector.shape_cast %swap3A_696 : vector<1x16xf32> to vector<16xf32>
    %swap3A_698 = vector.shape_cast %broadcast_in_dim3A_692 : vector<16xf32> to vector<1x16xf32>
    tpu.vector_store %arg12[%swap3A_694, %swap3A_695], %swap3A_698 {strides = array<i32>} : memref<16x128xf32, #tpu.memory_space<vmem>>, vector<1x16xf32>,
    %broadcast_in_dim3A_699 = arith.constant 0.000000e+00 : f32
    %broadcast_in_dim3A_700 = vector.broadcast %broadcast_in_dim3A_699 : f32 to vector<16xf32>
    %swap3A_701 = arith.constant 10 : i32
    %swap3A_702 = arith.index_cast %swap3A_701 : i32 to index
    %swap3A_703 = arith.constant 16 : index
    %swap3A_704 = tpu.vector_load %arg12[%swap3A_702, %swap3A_703] {strides = array<i32>} : memref<16x128xf32, #tpu.memory_space<vmem>>, vector<1x16xf32>,
    %swap3A_705 = vector.shape_cast %swap3A_704 : vector<1x16xf32> to vector<16xf32>
    %swap3A_706 = vector.shape_cast %broadcast_in_dim3A_700 : vector<16xf32> to vector<1x16xf32>
    tpu.vector_store %arg12[%swap3A_702, %swap3A_703], %swap3A_706 {strides = array<i32>} : memref<16x128xf32, #tpu.memory_space<vmem>>, vector<1x16xf32>,
    %broadcast_in_dim3A_707 = arith.constant 0.000000e+00 : f32
    %broadcast_in_dim3A_708 = vector.broadcast %broadcast_in_dim3A_707 : f32 to vector<16xf32>
    %swap3A_709 = arith.constant 10 : i32
    %swap3A_710 = arith.index_cast %swap3A_709 : i32 to index
    %swap3A_711 = arith.constant 32 : index
    %swap3A_712 = tpu.vector_load %arg12[%swap3A_710, %swap3A_711] {strides = array<i32>} : memref<16x128xf32, #tpu.memory_space<vmem>>, vector<1x16xf32>,
    %swap3A_713 = vector.shape_cast %swap3A_712 : vector<1x16xf32> to vector<16xf32>
    %swap3A_714 = vector.shape_cast %broadcast_in_dim3A_708 : vector<16xf32> to vector<1x16xf32>
    tpu.vector_store %arg12[%swap3A_710, %swap3A_711], %swap3A_714 {strides = array<i32>} : memref<16x128xf32, #tpu.memory_space<vmem>>, vector<1x16xf32>,
    %broadcast_in_dim3A_715 = arith.constant 0.000000e+00 : f32
    %broadcast_in_dim3A_716 = vector.broadcast %broadcast_in_dim3A_715 : f32 to vector<16xf32>
    %swap3A_717 = arith.constant 10 : i32
    %swap3A_718 = arith.index_cast %swap3A_717 : i32 to index
    %swap3A_719 = arith.constant 48 : index
    %swap3A_720 = tpu.vector_load %arg12[%swap3A_718, %swap3A_719] {strides = array<i32>} : memref<16x128xf32, #tpu.memory_space<vmem>>, vector<1x16xf32>,
    %swap3A_721 = vector.shape_cast %swap3A_720 : vector<1x16xf32> to vector<16xf32>
    %swap3A_722 = vector.shape_cast %broadcast_in_dim3A_716 : vector<16xf32> to vector<1x16xf32>
    tpu.vector_store %arg12[%swap3A_718, %swap3A_719], %swap3A_722 {strides = array<i32>} : memref<16x128xf32, #tpu.memory_space<vmem>>, vector<1x16xf32>,
    %broadcast_in_dim3A_723 = arith.constant 0.000000e+00 : f32
    %broadcast_in_dim3A_724 = vector.broadcast %broadcast_in_dim3A_723 : f32 to vector<16xf32>
    %swap3A_725 = arith.constant 10 : i32
    %swap3A_726 = arith.index_cast %swap3A_725 : i32 to index
    %swap3A_727 = arith.constant 64 : index
    %swap3A_728 = tpu.vector_load %arg12[%swap3A_726, %swap3A_727] {strides = array<i32>} : memref<16x128xf32, #tpu.memory_space<vmem>>, vector<1x16xf32>,
    %swap3A_729 = vector.shape_cast %swap3A_728 : vector<1x16xf32> to vector<16xf32>
    %swap3A_730 = vector.shape_cast %broadcast_in_dim3A_724 : vector<16xf32> to vector<1x16xf32>
    tpu.vector_store %arg12[%swap3A_726, %swap3A_727], %swap3A_730 {strides = array<i32>} : memref<16x128xf32, #tpu.memory_space<vmem>>, vector<1x16xf32>,
    %broadcast_in_dim3A_731 = arith.constant 0.000000e+00 : f32
    %broadcast_in_dim3A_732 = vector.broadcast %broadcast_in_dim3A_731 : f32 to vector<16xf32>
    %swap3A_733 = arith.constant 10 : i32
    %swap3A_734 = arith.index_cast %swap3A_733 : i32 to index
    %swap3A_735 = arith.constant 80 : index
    %swap3A_736 = tpu.vector_load %arg12[%swap3A_734, %swap3A_735] {strides = array<i32>} : memref<16x128xf32, #tpu.memory_space<vmem>>, vector<1x16xf32>,
    %swap3A_737 = vector.shape_cast %swap3A_736 : vector<1x16xf32> to vector<16xf32>
    %swap3A_738 = vector.shape_cast %broadcast_in_dim3A_732 : vector<16xf32> to vector<1x16xf32>
    tpu.vector_store %arg12[%swap3A_734, %swap3A_735], %swap3A_738 {strides = array<i32>} : memref<16x128xf32, #tpu.memory_space<vmem>>, vector<1x16xf32>,
    %broadcast_in_dim3A_739 = arith.constant 0.000000e+00 : f32
    %broadcast_in_dim3A_740 = vector.broadcast %broadcast_in_dim3A_739 : f32 to vector<16xf32>
    %swap3A_741 = arith.constant 10 : i32
    %swap3A_742 = arith.index_cast %swap3A_741 : i32 to index
    %swap3A_743 = arith.constant 96 : index
    %swap3A_744 = tpu.vector_load %arg12[%swap3A_742, %swap3A_743] {strides = array<i32>} : memref<16x128xf32, #tpu.memory_space<vmem>>, vector<1x16xf32>,
    %swap3A_745 = vector.shape_cast %swap3A_744 : vector<1x16xf32> to vector<16xf32>
    %swap3A_746 = vector.shape_cast %broadcast_in_dim3A_740 : vector<16xf32> to vector<1x16xf32>
    tpu.vector_store %arg12[%swap3A_742, %swap3A_743], %swap3A_746 {strides = array<i32>} : memref<16x128xf32, #tpu.memory_space<vmem>>, vector<1x16xf32>,
    %broadcast_in_dim3A_747 = arith.constant 0.000000e+00 : f32
    %broadcast_in_dim3A_748 = vector.broadcast %broadcast_in_dim3A_747 : f32 to vector<16xf32>
    %swap3A_749 = arith.constant 10 : i32
    %swap3A_750 = arith.index_cast %swap3A_749 : i32 to index
    %swap3A_751 = arith.constant 112 : index
    %swap3A_752 = tpu.vector_load %arg12[%swap3A_750, %swap3A_751] {strides = array<i32>} : memref<16x128xf32, #tpu.memory_space<vmem>>, vector<1x16xf32>,
    %swap3A_753 = vector.shape_cast %swap3A_752 : vector<1x16xf32> to vector<16xf32>
    %swap3A_754 = vector.shape_cast %broadcast_in_dim3A_748 : vector<16xf32> to vector<1x16xf32>
    tpu.vector_store %arg12[%swap3A_750, %swap3A_751], %swap3A_754 {strides = array<i32>} : memref<16x128xf32, #tpu.memory_space<vmem>>, vector<1x16xf32>,
    %broadcast_in_dim3A_755 = arith.constant 0.000000e+00 : f32
    %broadcast_in_dim3A_756 = vector.broadcast %broadcast_in_dim3A_755 : f32 to vector<16xf32>
    %swap3A_757 = arith.constant 11 : i32
    %swap3A_758 = arith.index_cast %swap3A_757 : i32 to index
    %swap3A_759 = arith.constant 0 : index
    %swap3A_760 = tpu.vector_load %arg12[%swap3A_758, %swap3A_759] {strides = array<i32>} : memref<16x128xf32, #tpu.memory_space<vmem>>, vector<1x16xf32>,
    %swap3A_761 = vector.shape_cast %swap3A_760 : vector<1x16xf32> to vector<16xf32>
    %swap3A_762 = vector.shape_cast %broadcast_in_dim3A_756 : vector<16xf32> to vector<1x16xf32>
    tpu.vector_store %arg12[%swap3A_758, %swap3A_759], %swap3A_762 {strides = array<i32>} : memref<16x128xf32, #tpu.memory_space<vmem>>, vector<1x16xf32>,
    %broadcast_in_dim3A_763 = arith.constant 0.000000e+00 : f32
    %broadcast_in_dim3A_764 = vector.broadcast %broadcast_in_dim3A_763 : f32 to vector<16xf32>
    %swap3A_765 = arith.constant 11 : i32
    %swap3A_766 = arith.index_cast %swap3A_765 : i32 to index
    %swap3A_767 = arith.constant 16 : index
    %swap3A_768 = tpu.vector_load %arg12[%swap3A_766, %swap3A_767] {strides = array<i32>} : memref<16x128xf32, #tpu.memory_space<vmem>>, vector<1x16xf32>,
    %swap3A_769 = vector.shape_cast %swap3A_768 : vector<1x16xf32> to vector<16xf32>
    %swap3A_770 = vector.shape_cast %broadcast_in_dim3A_764 : vector<16xf32> to vector<1x16xf32>
    tpu.vector_store %arg12[%swap3A_766, %swap3A_767], %swap3A_770 {strides = array<i32>} : memref<16x128xf32, #tpu.memory_space<vmem>>, vector<1x16xf32>,
    %broadcast_in_dim3A_771 = arith.constant 0.000000e+00 : f32
    %broadcast_in_dim3A_772 = vector.broadcast %broadcast_in_dim3A_771 : f32 to vector<16xf32>
    %swap3A_773 = arith.constant 11 : i32
    %swap3A_774 = arith.index_cast %swap3A_773 : i32 to index
    %swap3A_775 = arith.constant 32 : index
    %swap3A_776 = tpu.vector_load %arg12[%swap3A_774, %swap3A_775] {strides = array<i32>} : memref<16x128xf32, #tpu.memory_space<vmem>>, vector<1x16xf32>,
    %swap3A_777 = vector.shape_cast %swap3A_776 : vector<1x16xf32> to vector<16xf32>
    %swap3A_778 = vector.shape_cast %broadcast_in_dim3A_772 : vector<16xf32> to vector<1x16xf32>
    tpu.vector_store %arg12[%swap3A_774, %swap3A_775], %swap3A_778 {strides = array<i32>} : memref<16x128xf32, #tpu.memory_space<vmem>>, vector<1x16xf32>,
    %broadcast_in_dim3A_779 = arith.constant 0.000000e+00 : f32
    %broadcast_in_dim3A_780 = vector.broadcast %broadcast_in_dim3A_779 : f32 to vector<16xf32>
    %swap3A_781 = arith.constant 11 : i32
    %swap3A_782 = arith.index_cast %swap3A_781 : i32 to index
    %swap3A_783 = arith.constant 48 : index
    %swap3A_784 = tpu.vector_load %arg12[%swap3A_782, %swap3A_783] {strides = array<i32>} : memref<16x128xf32, #tpu.memory_space<vmem>>, vector<1x16xf32>,
    %swap3A_785 = vector.shape_cast %swap3A_784 : vector<1x16xf32> to vector<16xf32>
    %swap3A_786 = vector.shape_cast %broadcast_in_dim3A_780 : vector<16xf32> to vector<1x16xf32>
    tpu.vector_store %arg12[%swap3A_782, %swap3A_783], %swap3A_786 {strides = array<i32>} : memref<16x128xf32, #tpu.memory_space<vmem>>, vector<1x16xf32>,
    %broadcast_in_dim3A_787 = arith.constant 0.000000e+00 : f32
    %broadcast_in_dim3A_788 = vector.broadcast %broadcast_in_dim3A_787 : f32 to vector<16xf32>
    %swap3A_789 = arith.constant 11 : i32
    %swap3A_790 = arith.index_cast %swap3A_789 : i32 to index
    %swap3A_791 = arith.constant 64 : index
    %swap3A_792 = tpu.vector_load %arg12[%swap3A_790, %swap3A_791] {strides = array<i32>} : memref<16x128xf32, #tpu.memory_space<vmem>>, vector<1x16xf32>,
    %swap3A_793 = vector.shape_cast %swap3A_792 : vector<1x16xf32> to vector<16xf32>
    %swap3A_794 = vector.shape_cast %broadcast_in_dim3A_788 : vector<16xf32> to vector<1x16xf32>
    tpu.vector_store %arg12[%swap3A_790, %swap3A_791], %swap3A_794 {strides = array<i32>} : memref<16x128xf32, #tpu.memory_space<vmem>>, vector<1x16xf32>,
    %broadcast_in_dim3A_795 = arith.constant 0.000000e+00 : f32
    %broadcast_in_dim3A_796 = vector.broadcast %broadcast_in_dim3A_795 : f32 to vector<16xf32>
    %swap3A_797 = arith.constant 11 : i32
    %swap3A_798 = arith.index_cast %swap3A_797 : i32 to index
    %swap3A_799 = arith.constant 80 : index
    %swap3A_800 = tpu.vector_load %arg12[%swap3A_798, %swap3A_799] {strides = array<i32>} : memref<16x128xf32, #tpu.memory_space<vmem>>, vector<1x16xf32>,
    %swap3A_801 = vector.shape_cast %swap3A_800 : vector<1x16xf32> to vector<16xf32>
    %swap3A_802 = vector.shape_cast %broadcast_in_dim3A_796 : vector<16xf32> to vector<1x16xf32>
    tpu.vector_store %arg12[%swap3A_798, %swap3A_799], %swap3A_802 {strides = array<i32>} : memref<16x128xf32, #tpu.memory_space<vmem>>, vector<1x16xf32>,
    %broadcast_in_dim3A_803 = arith.constant 0.000000e+00 : f32
    %broadcast_in_dim3A_804 = vector.broadcast %broadcast_in_dim3A_803 : f32 to vector<16xf32>
    %swap3A_805 = arith.constant 11 : i32
    %swap3A_806 = arith.index_cast %swap3A_805 : i32 to index
    %swap3A_807 = arith.constant 96 : index
    %swap3A_808 = tpu.vector_load %arg12[%swap3A_806, %swap3A_807] {strides = array<i32>} : memref<16x128xf32, #tpu.memory_space<vmem>>, vector<1x16xf32>,
    %swap3A_809 = vector.shape_cast %swap3A_808 : vector<1x16xf32> to vector<16xf32>
    %swap3A_810 = vector.shape_cast %broadcast_in_dim3A_804 : vector<16xf32> to vector<1x16xf32>
    tpu.vector_store %arg12[%swap3A_806, %swap3A_807], %swap3A_810 {strides = array<i32>} : memref<16x128xf32, #tpu.memory_space<vmem>>, vector<1x16xf32>,
    %broadcast_in_dim3A_811 = arith.constant 0.000000e+00 : f32
    %broadcast_in_dim3A_812 = vector.broadcast %broadcast_in_dim3A_811 : f32 to vector<16xf32>
    %swap3A_813 = arith.constant 11 : i32
    %swap3A_814 = arith.index_cast %swap3A_813 : i32 to index
    %swap3A_815 = arith.constant 112 : index
    %swap3A_816 = tpu.vector_load %arg12[%swap3A_814, %swap3A_815] {strides = array<i32>} : memref<16x128xf32, #tpu.memory_space<vmem>>, vector<1x16xf32>,
    %swap3A_817 = vector.shape_cast %swap3A_816 : vector<1x16xf32> to vector<16xf32>
    %swap3A_818 = vector.shape_cast %broadcast_in_dim3A_812 : vector<16xf32> to vector<1x16xf32>
    tpu.vector_store %arg12[%swap3A_814, %swap3A_815], %swap3A_818 {strides = array<i32>} : memref<16x128xf32, #tpu.memory_space<vmem>>, vector<1x16xf32>,
    %broadcast_in_dim3A_819 = arith.constant 0.000000e+00 : f32
    %broadcast_in_dim3A_820 = vector.broadcast %broadcast_in_dim3A_819 : f32 to vector<16xf32>
    %swap3A_821 = arith.constant 12 : i32
    %swap3A_822 = arith.index_cast %swap3A_821 : i32 to index
    %swap3A_823 = arith.constant 0 : index
    %swap3A_824 = tpu.vector_load %arg12[%swap3A_822, %swap3A_823] {strides = array<i32>} : memref<16x128xf32, #tpu.memory_space<vmem>>, vector<1x16xf32>,
    %swap3A_825 = vector.shape_cast %swap3A_824 : vector<1x16xf32> to vector<16xf32>
    %swap3A_826 = vector.shape_cast %broadcast_in_dim3A_820 : vector<16xf32> to vector<1x16xf32>
    tpu.vector_store %arg12[%swap3A_822, %swap3A_823], %swap3A_826 {strides = array<i32>} : memref<16x128xf32, #tpu.memory_space<vmem>>, vector<1x16xf32>,
    %broadcast_in_dim3A_827 = arith.constant 0.000000e+00 : f32
    %broadcast_in_dim3A_828 = vector.broadcast %broadcast_in_dim3A_827 : f32 to vector<16xf32>
    %swap3A_829 = arith.constant 12 : i32
    %swap3A_830 = arith.index_cast %swap3A_829 : i32 to index
    %swap3A_831 = arith.constant 16 : index
    %swap3A_832 = tpu.vector_load %arg12[%swap3A_830, %swap3A_831] {strides = array<i32>} : memref<16x128xf32, #tpu.memory_space<vmem>>, vector<1x16xf32>,
    %swap3A_833 = vector.shape_cast %swap3A_832 : vector<1x16xf32> to vector<16xf32>
    %swap3A_834 = vector.shape_cast %broadcast_in_dim3A_828 : vector<16xf32> to vector<1x16xf32>
    tpu.vector_store %arg12[%swap3A_830, %swap3A_831], %swap3A_834 {strides = array<i32>} : memref<16x128xf32, #tpu.memory_space<vmem>>, vector<1x16xf32>,
    %broadcast_in_dim3A_835 = arith.constant 0.000000e+00 : f32
    %broadcast_in_dim3A_836 = vector.broadcast %broadcast_in_dim3A_835 : f32 to vector<16xf32>
    %swap3A_837 = arith.constant 12 : i32
    %swap3A_838 = arith.index_cast %swap3A_837 : i32 to index
    %swap3A_839 = arith.constant 32 : index
    %swap3A_840 = tpu.vector_load %arg12[%swap3A_838, %swap3A_839] {strides = array<i32>} : memref<16x128xf32, #tpu.memory_space<vmem>>, vector<1x16xf32>,
    %swap3A_841 = vector.shape_cast %swap3A_840 : vector<1x16xf32> to vector<16xf32>
    %swap3A_842 = vector.shape_cast %broadcast_in_dim3A_836 : vector<16xf32> to vector<1x16xf32>
    tpu.vector_store %arg12[%swap3A_838, %swap3A_839], %swap3A_842 {strides = array<i32>} : memref<16x128xf32, #tpu.memory_space<vmem>>, vector<1x16xf32>,
    %broadcast_in_dim3A_843 = arith.constant 0.000000e+00 : f32
    %broadcast_in_dim3A_844 = vector.broadcast %broadcast_in_dim3A_843 : f32 to vector<16xf32>
    %swap3A_845 = arith.constant 12 : i32
    %swap3A_846 = arith.index_cast %swap3A_845 : i32 to index
    %swap3A_847 = arith.constant 48 : index
    %swap3A_848 = tpu.vector_load %arg12[%swap3A_846, %swap3A_847] {strides = array<i32>} : memref<16x128xf32, #tpu.memory_space<vmem>>, vector<1x16xf32>,
    %swap3A_849 = vector.shape_cast %swap3A_848 : vector<1x16xf32> to vector<16xf32>
    %swap3A_850 = vector.shape_cast %broadcast_in_dim3A_844 : vector<16xf32> to vector<1x16xf32>
    tpu.vector_store %arg12[%swap3A_846, %swap3A_847], %swap3A_850 {strides = array<i32>} : memref<16x128xf32, #tpu.memory_space<vmem>>, vector<1x16xf32>,
    %broadcast_in_dim3A_851 = arith.constant 0.000000e+00 : f32
    %broadcast_in_dim3A_852 = vector.broadcast %broadcast_in_dim3A_851 : f32 to vector<16xf32>
    %swap3A_853 = arith.constant 12 : i32
    %swap3A_854 = arith.index_cast %swap3A_853 : i32 to index
    %swap3A_855 = arith.constant 64 : index
    %swap3A_856 = tpu.vector_load %arg12[%swap3A_854, %swap3A_855] {strides = array<i32>} : memref<16x128xf32, #tpu.memory_space<vmem>>, vector<1x16xf32>,
    %swap3A_857 = vector.shape_cast %swap3A_856 : vector<1x16xf32> to vector<16xf32>
    %swap3A_858 = vector.shape_cast %broadcast_in_dim3A_852 : vector<16xf32> to vector<1x16xf32>
    tpu.vector_store %arg12[%swap3A_854, %swap3A_855], %swap3A_858 {strides = array<i32>} : memref<16x128xf32, #tpu.memory_space<vmem>>, vector<1x16xf32>,
    %broadcast_in_dim3A_859 = arith.constant 0.000000e+00 : f32
    %broadcast_in_dim3A_860 = vector.broadcast %broadcast_in_dim3A_859 : f32 to vector<16xf32>
    %swap3A_861 = arith.constant 12 : i32
    %swap3A_862 = arith.index_cast %swap3A_861 : i32 to index
    %swap3A_863 = arith.constant 80 : index
    %swap3A_864 = tpu.vector_load %arg12[%swap3A_862, %swap3A_863] {strides = array<i32>} : memref<16x128xf32, #tpu.memory_space<vmem>>, vector<1x16xf32>,
    %swap3A_865 = vector.shape_cast %swap3A_864 : vector<1x16xf32> to vector<16xf32>
    %swap3A_866 = vector.shape_cast %broadcast_in_dim3A_860 : vector<16xf32> to vector<1x16xf32>
    tpu.vector_store %arg12[%swap3A_862, %swap3A_863], %swap3A_866 {strides = array<i32>} : memref<16x128xf32, #tpu.memory_space<vmem>>, vector<1x16xf32>,
    %broadcast_in_dim3A_867 = arith.constant 0.000000e+00 : f32
    %broadcast_in_dim3A_868 = vector.broadcast %broadcast_in_dim3A_867 : f32 to vector<16xf32>
    %swap3A_869 = arith.constant 12 : i32
    %swap3A_870 = arith.index_cast %swap3A_869 : i32 to index
    %swap3A_871 = arith.constant 96 : index
    %swap3A_872 = tpu.vector_load %arg12[%swap3A_870, %swap3A_871] {strides = array<i32>} : memref<16x128xf32, #tpu.memory_space<vmem>>, vector<1x16xf32>,
    %swap3A_873 = vector.shape_cast %swap3A_872 : vector<1x16xf32> to vector<16xf32>
    %swap3A_874 = vector.shape_cast %broadcast_in_dim3A_868 : vector<16xf32> to vector<1x16xf32>
    tpu.vector_store %arg12[%swap3A_870, %swap3A_871], %swap3A_874 {strides = array<i32>} : memref<16x128xf32, #tpu.memory_space<vmem>>, vector<1x16xf32>,
    %broadcast_in_dim3A_875 = arith.constant 0.000000e+00 : f32
    %broadcast_in_dim3A_876 = vector.broadcast %broadcast_in_dim3A_875 : f32 to vector<16xf32>
    %swap3A_877 = arith.constant 12 : i32
    %swap3A_878 = arith.index_cast %swap3A_877 : i32 to index
    %swap3A_879 = arith.constant 112 : index
    %swap3A_880 = tpu.vector_load %arg12[%swap3A_878, %swap3A_879] {strides = array<i32>} : memref<16x128xf32, #tpu.memory_space<vmem>>, vector<1x16xf32>,
    %swap3A_881 = vector.shape_cast %swap3A_880 : vector<1x16xf32> to vector<16xf32>
    %swap3A_882 = vector.shape_cast %broadcast_in_dim3A_876 : vector<16xf32> to vector<1x16xf32>
    tpu.vector_store %arg12[%swap3A_878, %swap3A_879], %swap3A_882 {strides = array<i32>} : memref<16x128xf32, #tpu.memory_space<vmem>>, vector<1x16xf32>,
    %broadcast_in_dim3A_883 = arith.constant 0.000000e+00 : f32
    %broadcast_in_dim3A_884 = vector.broadcast %broadcast_in_dim3A_883 : f32 to vector<16xf32>
    %swap3A_885 = arith.constant 13 : i32
    %swap3A_886 = arith.index_cast %swap3A_885 : i32 to index
    %swap3A_887 = arith.constant 0 : index
    %swap3A_888 = tpu.vector_load %arg12[%swap3A_886, %swap3A_887] {strides = array<i32>} : memref<16x128xf32, #tpu.memory_space<vmem>>, vector<1x16xf32>,
    %swap3A_889 = vector.shape_cast %swap3A_888 : vector<1x16xf32> to vector<16xf32>
    %swap3A_890 = vector.shape_cast %broadcast_in_dim3A_884 : vector<16xf32> to vector<1x16xf32>
    tpu.vector_store %arg12[%swap3A_886, %swap3A_887], %swap3A_890 {strides = array<i32>} : memref<16x128xf32, #tpu.memory_space<vmem>>, vector<1x16xf32>,
    %broadcast_in_dim3A_891 = arith.constant 0.000000e+00 : f32
    %broadcast_in_dim3A_892 = vector.broadcast %broadcast_in_dim3A_891 : f32 to vector<16xf32>
    %swap3A_893 = arith.constant 13 : i32
    %swap3A_894 = arith.index_cast %swap3A_893 : i32 to index
    %swap3A_895 = arith.constant 16 : index
    %swap3A_896 = tpu.vector_load %arg12[%swap3A_894, %swap3A_895] {strides = array<i32>} : memref<16x128xf32, #tpu.memory_space<vmem>>, vector<1x16xf32>,
    %swap3A_897 = vector.shape_cast %swap3A_896 : vector<1x16xf32> to vector<16xf32>
    %swap3A_898 = vector.shape_cast %broadcast_in_dim3A_892 : vector<16xf32> to vector<1x16xf32>
    tpu.vector_store %arg12[%swap3A_894, %swap3A_895], %swap3A_898 {strides = array<i32>} : memref<16x128xf32, #tpu.memory_space<vmem>>, vector<1x16xf32>,
    %broadcast_in_dim3A_899 = arith.constant 0.000000e+00 : f32
    %broadcast_in_dim3A_900 = vector.broadcast %broadcast_in_dim3A_899 : f32 to vector<16xf32>
    %swap3A_901 = arith.constant 13 : i32
    %swap3A_902 = arith.index_cast %swap3A_901 : i32 to index
    %swap3A_903 = arith.constant 32 : index
    %swap3A_904 = tpu.vector_load %arg12[%swap3A_902, %swap3A_903] {strides = array<i32>} : memref<16x128xf32, #tpu.memory_space<vmem>>, vector<1x16xf32>,
    %swap3A_905 = vector.shape_cast %swap3A_904 : vector<1x16xf32> to vector<16xf32>
    %swap3A_906 = vector.shape_cast %broadcast_in_dim3A_900 : vector<16xf32> to vector<1x16xf32>
    tpu.vector_store %arg12[%swap3A_902, %swap3A_903], %swap3A_906 {strides = array<i32>} : memref<16x128xf32, #tpu.memory_space<vmem>>, vector<1x16xf32>,
    %broadcast_in_dim3A_907 = arith.constant 0.000000e+00 : f32
    %broadcast_in_dim3A_908 = vector.broadcast %broadcast_in_dim3A_907 : f32 to vector<16xf32>
    %swap3A_909 = arith.constant 13 : i32
    %swap3A_910 = arith.index_cast %swap3A_909 : i32 to index
    %swap3A_911 = arith.constant 48 : index
    %swap3A_912 = tpu.vector_load %arg12[%swap3A_910, %swap3A_911] {strides = array<i32>} : memref<16x128xf32, #tpu.memory_space<vmem>>, vector<1x16xf32>,
    %swap3A_913 = vector.shape_cast %swap3A_912 : vector<1x16xf32> to vector<16xf32>
    %swap3A_914 = vector.shape_cast %broadcast_in_dim3A_908 : vector<16xf32> to vector<1x16xf32>
    tpu.vector_store %arg12[%swap3A_910, %swap3A_911], %swap3A_914 {strides = array<i32>} : memref<16x128xf32, #tpu.memory_space<vmem>>, vector<1x16xf32>,
    %broadcast_in_dim3A_915 = arith.constant 0.000000e+00 : f32
    %broadcast_in_dim3A_916 = vector.broadcast %broadcast_in_dim3A_915 : f32 to vector<16xf32>
    %swap3A_917 = arith.constant 13 : i32
    %swap3A_918 = arith.index_cast %swap3A_917 : i32 to index
    %swap3A_919 = arith.constant 64 : index
    %swap3A_920 = tpu.vector_load %arg12[%swap3A_918, %swap3A_919] {strides = array<i32>} : memref<16x128xf32, #tpu.memory_space<vmem>>, vector<1x16xf32>,
    %swap3A_921 = vector.shape_cast %swap3A_920 : vector<1x16xf32> to vector<16xf32>
    %swap3A_922 = vector.shape_cast %broadcast_in_dim3A_916 : vector<16xf32> to vector<1x16xf32>
    tpu.vector_store %arg12[%swap3A_918, %swap3A_919], %swap3A_922 {strides = array<i32>} : memref<16x128xf32, #tpu.memory_space<vmem>>, vector<1x16xf32>,
    %broadcast_in_dim3A_923 = arith.constant 0.000000e+00 : f32
    %broadcast_in_dim3A_924 = vector.broadcast %broadcast_in_dim3A_923 : f32 to vector<16xf32>
    %swap3A_925 = arith.constant 13 : i32
    %swap3A_926 = arith.index_cast %swap3A_925 : i32 to index
    %swap3A_927 = arith.constant 80 : index
    %swap3A_928 = tpu.vector_load %arg12[%swap3A_926, %swap3A_927] {strides = array<i32>} : memref<16x128xf32, #tpu.memory_space<vmem>>, vector<1x16xf32>,
    %swap3A_929 = vector.shape_cast %swap3A_928 : vector<1x16xf32> to vector<16xf32>
    %swap3A_930 = vector.shape_cast %broadcast_in_dim3A_924 : vector<16xf32> to vector<1x16xf32>
    tpu.vector_store %arg12[%swap3A_926, %swap3A_927], %swap3A_930 {strides = array<i32>} : memref<16x128xf32, #tpu.memory_space<vmem>>, vector<1x16xf32>,
    %broadcast_in_dim3A_931 = arith.constant 0.000000e+00 : f32
    %broadcast_in_dim3A_932 = vector.broadcast %broadcast_in_dim3A_931 : f32 to vector<16xf32>
    %swap3A_933 = arith.constant 13 : i32
    %swap3A_934 = arith.index_cast %swap3A_933 : i32 to index
    %swap3A_935 = arith.constant 96 : index
    %swap3A_936 = tpu.vector_load %arg12[%swap3A_934, %swap3A_935] {strides = array<i32>} : memref<16x128xf32, #tpu.memory_space<vmem>>, vector<1x16xf32>,
    %swap3A_937 = vector.shape_cast %swap3A_936 : vector<1x16xf32> to vector<16xf32>
    %swap3A_938 = vector.shape_cast %broadcast_in_dim3A_932 : vector<16xf32> to vector<1x16xf32>
    tpu.vector_store %arg12[%swap3A_934, %swap3A_935], %swap3A_938 {strides = array<i32>} : memref<16x128xf32, #tpu.memory_space<vmem>>, vector<1x16xf32>,
    %broadcast_in_dim3A_939 = arith.constant 0.000000e+00 : f32
    %broadcast_in_dim3A_940 = vector.broadcast %broadcast_in_dim3A_939 : f32 to vector<16xf32>
    %swap3A_941 = arith.constant 13 : i32
    %swap3A_942 = arith.index_cast %swap3A_941 : i32 to index
    %swap3A_943 = arith.constant 112 : index
    %swap3A_944 = tpu.vector_load %arg12[%swap3A_942, %swap3A_943] {strides = array<i32>} : memref<16x128xf32, #tpu.memory_space<vmem>>, vector<1x16xf32>,
    %swap3A_945 = vector.shape_cast %swap3A_944 : vector<1x16xf32> to vector<16xf32>
    %swap3A_946 = vector.shape_cast %broadcast_in_dim3A_940 : vector<16xf32> to vector<1x16xf32>
    tpu.vector_store %arg12[%swap3A_942, %swap3A_943], %swap3A_946 {strides = array<i32>} : memref<16x128xf32, #tpu.memory_space<vmem>>, vector<1x16xf32>,
    %broadcast_in_dim3A_947 = arith.constant 0.000000e+00 : f32
    %broadcast_in_dim3A_948 = vector.broadcast %broadcast_in_dim3A_947 : f32 to vector<16xf32>
    %swap3A_949 = arith.constant 14 : i32
    %swap3A_950 = arith.index_cast %swap3A_949 : i32 to index
    %swap3A_951 = arith.constant 0 : index
    %swap3A_952 = tpu.vector_load %arg12[%swap3A_950, %swap3A_951] {strides = array<i32>} : memref<16x128xf32, #tpu.memory_space<vmem>>, vector<1x16xf32>,
    %swap3A_953 = vector.shape_cast %swap3A_952 : vector<1x16xf32> to vector<16xf32>
    %swap3A_954 = vector.shape_cast %broadcast_in_dim3A_948 : vector<16xf32> to vector<1x16xf32>
    tpu.vector_store %arg12[%swap3A_950, %swap3A_951], %swap3A_954 {strides = array<i32>} : memref<16x128xf32, #tpu.memory_space<vmem>>, vector<1x16xf32>,
    %broadcast_in_dim3A_955 = arith.constant 0.000000e+00 : f32
    %broadcast_in_dim3A_956 = vector.broadcast %broadcast_in_dim3A_955 : f32 to vector<16xf32>
    %swap3A_957 = arith.constant 14 : i32
    %swap3A_958 = arith.index_cast %swap3A_957 : i32 to index
    %swap3A_959 = arith.constant 16 : index
    %swap3A_960 = tpu.vector_load %arg12[%swap3A_958, %swap3A_959] {strides = array<i32>} : memref<16x128xf32, #tpu.memory_space<vmem>>, vector<1x16xf32>,
    %swap3A_961 = vector.shape_cast %swap3A_960 : vector<1x16xf32> to vector<16xf32>
    %swap3A_962 = vector.shape_cast %broadcast_in_dim3A_956 : vector<16xf32> to vector<1x16xf32>
    tpu.vector_store %arg12[%swap3A_958, %swap3A_959], %swap3A_962 {strides = array<i32>} : memref<16x128xf32, #tpu.memory_space<vmem>>, vector<1x16xf32>,
    %broadcast_in_dim3A_963 = arith.constant 0.000000e+00 : f32
    %broadcast_in_dim3A_964 = vector.broadcast %broadcast_in_dim3A_963 : f32 to vector<16xf32>
    %swap3A_965 = arith.constant 14 : i32
    %swap3A_966 = arith.index_cast %swap3A_965 : i32 to index
    %swap3A_967 = arith.constant 32 : index
    %swap3A_968 = tpu.vector_load %arg12[%swap3A_966, %swap3A_967] {strides = array<i32>} : memref<16x128xf32, #tpu.memory_space<vmem>>, vector<1x16xf32>,
    %swap3A_969 = vector.shape_cast %swap3A_968 : vector<1x16xf32> to vector<16xf32>
    %swap3A_970 = vector.shape_cast %broadcast_in_dim3A_964 : vector<16xf32> to vector<1x16xf32>
    tpu.vector_store %arg12[%swap3A_966, %swap3A_967], %swap3A_970 {strides = array<i32>} : memref<16x128xf32, #tpu.memory_space<vmem>>, vector<1x16xf32>,
    %broadcast_in_dim3A_971 = arith.constant 0.000000e+00 : f32
    %broadcast_in_dim3A_972 = vector.broadcast %broadcast_in_dim3A_971 : f32 to vector<16xf32>
    %swap3A_973 = arith.constant 14 : i32
    %swap3A_974 = arith.index_cast %swap3A_973 : i32 to index
    %swap3A_975 = arith.constant 48 : index
    %swap3A_976 = tpu.vector_load %arg12[%swap3A_974, %swap3A_975] {strides = array<i32>} : memref<16x128xf32, #tpu.memory_space<vmem>>, vector<1x16xf32>,
    %swap3A_977 = vector.shape_cast %swap3A_976 : vector<1x16xf32> to vector<16xf32>
    %swap3A_978 = vector.shape_cast %broadcast_in_dim3A_972 : vector<16xf32> to vector<1x16xf32>
    tpu.vector_store %arg12[%swap3A_974, %swap3A_975], %swap3A_978 {strides = array<i32>} : memref<16x128xf32, #tpu.memory_space<vmem>>, vector<1x16xf32>,
    %broadcast_in_dim3A_979 = arith.constant 0.000000e+00 : f32
    %broadcast_in_dim3A_980 = vector.broadcast %broadcast_in_dim3A_979 : f32 to vector<16xf32>
    %swap3A_981 = arith.constant 14 : i32
    %swap3A_982 = arith.index_cast %swap3A_981 : i32 to index
    %swap3A_983 = arith.constant 64 : index
    %swap3A_984 = tpu.vector_load %arg12[%swap3A_982, %swap3A_983] {strides = array<i32>} : memref<16x128xf32, #tpu.memory_space<vmem>>, vector<1x16xf32>,
    %swap3A_985 = vector.shape_cast %swap3A_984 : vector<1x16xf32> to vector<16xf32>
    %swap3A_986 = vector.shape_cast %broadcast_in_dim3A_980 : vector<16xf32> to vector<1x16xf32>
    tpu.vector_store %arg12[%swap3A_982, %swap3A_983], %swap3A_986 {strides = array<i32>} : memref<16x128xf32, #tpu.memory_space<vmem>>, vector<1x16xf32>,
    %broadcast_in_dim3A_987 = arith.constant 0.000000e+00 : f32
    %broadcast_in_dim3A_988 = vector.broadcast %broadcast_in_dim3A_987 : f32 to vector<16xf32>
    %swap3A_989 = arith.constant 14 : i32
    %swap3A_990 = arith.index_cast %swap3A_989 : i32 to index
    %swap3A_991 = arith.constant 80 : index
    %swap3A_992 = tpu.vector_load %arg12[%swap3A_990, %swap3A_991] {strides = array<i32>} : memref<16x128xf32, #tpu.memory_space<vmem>>, vector<1x16xf32>,
    %swap3A_993 = vector.shape_cast %swap3A_992 : vector<1x16xf32> to vector<16xf32>
    %swap3A_994 = vector.shape_cast %broadcast_in_dim3A_988 : vector<16xf32> to vector<1x16xf32>
    tpu.vector_store %arg12[%swap3A_990, %swap3A_991], %swap3A_994 {strides = array<i32>} : memref<16x128xf32, #tpu.memory_space<vmem>>, vector<1x16xf32>,
    %broadcast_in_dim3A_995 = arith.constant 0.000000e+00 : f32
    %broadcast_in_dim3A_996 = vector.broadcast %broadcast_in_dim3A_995 : f32 to vector<16xf32>
    %swap3A_997 = arith.constant 14 : i32
    %swap3A_998 = arith.index_cast %swap3A_997 : i32 to index
    %swap3A_999 = arith.constant 96 : index
    %swap3A_1000 = tpu.vector_load %arg12[%swap3A_998, %swap3A_999] {strides = array<i32>} : memref<16x128xf32, #tpu.memory_space<vmem>>, vector<1x16xf32>,
    %swap3A_1001 = vector.shape_cast %swap3A_1000 : vector<1x16xf32> to vector<16xf32>
    %swap3A_1002 = vector.shape_cast %broadcast_in_dim3A_996 : vector<16xf32> to vector<1x16xf32>
    tpu.vector_store %arg12[%swap3A_998, %swap3A_999], %swap3A_1002 {strides = array<i32>} : memref<16x128xf32, #tpu.memory_space<vmem>>, vector<1x16xf32>,
    %broadcast_in_dim3A_1003 = arith.constant 0.000000e+00 : f32
    %broadcast_in_dim3A_1004 = vector.broadcast %broadcast_in_dim3A_1003 : f32 to vector<16xf32>
    %swap3A_1005 = arith.constant 14 : i32
    %swap3A_1006 = arith.index_cast %swap3A_1005 : i32 to index
    %swap3A_1007 = arith.constant 112 : index
    %swap3A_1008 = tpu.vector_load %arg12[%swap3A_1006, %swap3A_1007] {strides = array<i32>} : memref<16x128xf32, #tpu.memory_space<vmem>>, vector<1x16xf32>,
    %swap3A_1009 = vector.shape_cast %swap3A_1008 : vector<1x16xf32> to vector<16xf32>
    %swap3A_1010 = vector.shape_cast %broadcast_in_dim3A_1004 : vector<16xf32> to vector<1x16xf32>
    tpu.vector_store %arg12[%swap3A_1006, %swap3A_1007], %swap3A_1010 {strides = array<i32>} : memref<16x128xf32, #tpu.memory_space<vmem>>, vector<1x16xf32>,
    %broadcast_in_dim3A_1011 = arith.constant 0.000000e+00 : f32
    %broadcast_in_dim3A_1012 = vector.broadcast %broadcast_in_dim3A_1011 : f32 to vector<16xf32>
    %swap3A_1013 = arith.constant 15 : i32
    %swap3A_1014 = arith.index_cast %swap3A_1013 : i32 to index
    %swap3A_1015 = arith.constant 0 : index
    %swap3A_1016 = tpu.vector_load %arg12[%swap3A_1014, %swap3A_1015] {strides = array<i32>} : memref<16x128xf32, #tpu.memory_space<vmem>>, vector<1x16xf32>,
    %swap3A_1017 = vector.shape_cast %swap3A_1016 : vector<1x16xf32> to vector<16xf32>
    %swap3A_1018 = vector.shape_cast %broadcast_in_dim3A_1012 : vector<16xf32> to vector<1x16xf32>
    tpu.vector_store %arg12[%swap3A_1014, %swap3A_1015], %swap3A_1018 {strides = array<i32>} : memref<16x128xf32, #tpu.memory_space<vmem>>, vector<1x16xf32>,
    %broadcast_in_dim3A_1019 = arith.constant 0.000000e+00 : f32
    %broadcast_in_dim3A_1020 = vector.broadcast %broadcast_in_dim3A_1019 : f32 to vector<16xf32>
    %swap3A_1021 = arith.constant 15 : i32
    %swap3A_1022 = arith.index_cast %swap3A_1021 : i32 to index
    %swap3A_1023 = arith.constant 16 : index
    %swap3A_1024 = tpu.vector_load %arg12[%swap3A_1022, %swap3A_1023] {strides = array<i32>} : memref<16x128xf32, #tpu.memory_space<vmem>>, vector<1x16xf32>,
    %swap3A_1025 = vector.shape_cast %swap3A_1024 : vector<1x16xf32> to vector<16xf32>
    %swap3A_1026 = vector.shape_cast %broadcast_in_dim3A_1020 : vector<16xf32> to vector<1x16xf32>
    tpu.vector_store %arg12[%swap3A_1022, %swap3A_1023], %swap3A_1026 {strides = array<i32>} : memref<16x128xf32, #tpu.memory_space<vmem>>, vector<1x16xf32>,
    %broadcast_in_dim3A_1027 = arith.constant 0.000000e+00 : f32
    %broadcast_in_dim3A_1028 = vector.broadcast %broadcast_in_dim3A_1027 : f32 to vector<16xf32>
    %swap3A_1029 = arith.constant 15 : i32
    %swap3A_1030 = arith.index_cast %swap3A_1029 : i32 to index
    %swap3A_1031 = arith.constant 32 : index
    %swap3A_1032 = tpu.vector_load %arg12[%swap3A_1030, %swap3A_1031] {strides = array<i32>} : memref<16x128xf32, #tpu.memory_space<vmem>>, vector<1x16xf32>,
    %swap3A_1033 = vector.shape_cast %swap3A_1032 : vector<1x16xf32> to vector<16xf32>
    %swap3A_1034 = vector.shape_cast %broadcast_in_dim3A_1028 : vector<16xf32> to vector<1x16xf32>
    tpu.vector_store %arg12[%swap3A_1030, %swap3A_1031], %swap3A_1034 {strides = array<i32>} : memref<16x128xf32, #tpu.memory_space<vmem>>, vector<1x16xf32>,
    %broadcast_in_dim3A_1035 = arith.constant 0.000000e+00 : f32
    %broadcast_in_dim3A_1036 = vector.broadcast %broadcast_in_dim3A_1035 : f32 to vector<16xf32>
    %swap3A_1037 = arith.constant 15 : i32
    %swap3A_1038 = arith.index_cast %swap3A_1037 : i32 to index
    %swap3A_1039 = arith.constant 48 : index
    %swap3A_1040 = tpu.vector_load %arg12[%swap3A_1038, %swap3A_1039] {strides = array<i32>} : memref<16x128xf32, #tpu.memory_space<vmem>>, vector<1x16xf32>,
    %swap3A_1041 = vector.shape_cast %swap3A_1040 : vector<1x16xf32> to vector<16xf32>
    %swap3A_1042 = vector.shape_cast %broadcast_in_dim3A_1036 : vector<16xf32> to vector<1x16xf32>
    tpu.vector_store %arg12[%swap3A_1038, %swap3A_1039], %swap3A_1042 {strides = array<i32>} : memref<16x128xf32, #tpu.memory_space<vmem>>, vector<1x16xf32>,
    %broadcast_in_dim3A_1043 = arith.constant 0.000000e+00 : f32
    %broadcast_in_dim3A_1044 = vector.broadcast %broadcast_in_dim3A_1043 : f32 to vector<16xf32>
    %swap3A_1045 = arith.constant 15 : i32
    %swap3A_1046 = arith.index_cast %swap3A_1045 : i32 to index
    %swap3A_1047 = arith.constant 64 : index
    %swap3A_1048 = tpu.vector_load %arg12[%swap3A_1046, %swap3A_1047] {strides = array<i32>} : memref<16x128xf32, #tpu.memory_space<vmem>>, vector<1x16xf32>,
    %swap3A_1049 = vector.shape_cast %swap3A_1048 : vector<1x16xf32> to vector<16xf32>
    %swap3A_1050 = vector.shape_cast %broadcast_in_dim3A_1044 : vector<16xf32> to vector<1x16xf32>
    tpu.vector_store %arg12[%swap3A_1046, %swap3A_1047], %swap3A_1050 {strides = array<i32>} : memref<16x128xf32, #tpu.memory_space<vmem>>, vector<1x16xf32>,
    %broadcast_in_dim3A_1051 = arith.constant 0.000000e+00 : f32
    %broadcast_in_dim3A_1052 = vector.broadcast %broadcast_in_dim3A_1051 : f32 to vector<16xf32>
    %swap3A_1053 = arith.constant 15 : i32
    %swap3A_1054 = arith.index_cast %swap3A_1053 : i32 to index
    %swap3A_1055 = arith.constant 80 : index
    %swap3A_1056 = tpu.vector_load %arg12[%swap3A_1054, %swap3A_1055] {strides = array<i32>} : memref<16x128xf32, #tpu.memory_space<vmem>>, vector<1x16xf32>,
    %swap3A_1057 = vector.shape_cast %swap3A_1056 : vector<1x16xf32> to vector<16xf32>
    %swap3A_1058 = vector.shape_cast %broadcast_in_dim3A_1052 : vector<16xf32> to vector<1x16xf32>
    tpu.vector_store %arg12[%swap3A_1054, %swap3A_1055], %swap3A_1058 {strides = array<i32>} : memref<16x128xf32, #tpu.memory_space<vmem>>, vector<1x16xf32>,
    %broadcast_in_dim3A_1059 = arith.constant 0.000000e+00 : f32
    %broadcast_in_dim3A_1060 = vector.broadcast %broadcast_in_dim3A_1059 : f32 to vector<16xf32>
    %swap3A_1061 = arith.constant 15 : i32
    %swap3A_1062 = arith.index_cast %swap3A_1061 : i32 to index
    %swap3A_1063 = arith.constant 96 : index
    %swap3A_1064 = tpu.vector_load %arg12[%swap3A_1062, %swap3A_1063] {strides = array<i32>} : memref<16x128xf32, #tpu.memory_space<vmem>>, vector<1x16xf32>,
    %swap3A_1065 = vector.shape_cast %swap3A_1064 : vector<1x16xf32> to vector<16xf32>
    %swap3A_1066 = vector.shape_cast %broadcast_in_dim3A_1060 : vector<16xf32> to vector<1x16xf32>
    tpu.vector_store %arg12[%swap3A_1062, %swap3A_1063], %swap3A_1066 {strides = array<i32>} : memref<16x128xf32, #tpu.memory_space<vmem>>, vector<1x16xf32>,
    %broadcast_in_dim3A_1067 = arith.constant 0.000000e+00 : f32
    %broadcast_in_dim3A_1068 = vector.broadcast %broadcast_in_dim3A_1067 : f32 to vector<16xf32>
    %swap3A_1069 = arith.constant 15 : i32
    %swap3A_1070 = arith.index_cast %swap3A_1069 : i32 to index
    %swap3A_1071 = arith.constant 112 : index
    %swap3A_1072 = tpu.vector_load %arg12[%swap3A_1070, %swap3A_1071] {strides = array<i32>} : memref<16x128xf32, #tpu.memory_space<vmem>>, vector<1x16xf32>,
    %swap3A_1073 = vector.shape_cast %swap3A_1072 : vector<1x16xf32> to vector<16xf32>
    %swap3A_1074 = vector.shape_cast %broadcast_in_dim3A_1068 : vector<16xf32> to vector<1x16xf32>
    tpu.vector_store %arg12[%swap3A_1070, %swap3A_1071], %swap3A_1074 {strides = array<i32>} : memref<16x128xf32, #tpu.memory_space<vmem>>, vector<1x16xf32>,
    "tpu.trace_start"() <{level = 10 : i32, message = "ph_zero"}> : () -> ()
    %scan3A = arith.constant 0 : i32
    %scan3A_1075 = arith.constant 0 : i32
    %scan3A_1076 = arith.constant 40 : i32
    %scan3A_1077 = arith.addi %scan3A_1075, %scan3A_1076 : i32
    %scan3A_1078 = arith.constant 1 : i32
    scf.for %scan3A_1334 = %scan3A_1075 to %scan3A_1077 step %scan3A_1078  : i32 {
      %mul3A_1335 = arith.constant 16 : i32
      %mul3A_1336 = arith.muli %scan3A_1334, %mul3A_1335 : i32
      %multiple_of3A = tpu.assume_multiple %mul3A_1336, 16 : i32
      %broadcast_in_dim3A_1337 = arith.constant 0.000000e+00 : f32
      %broadcast_in_dim3A_1338 = vector.broadcast %broadcast_in_dim3A_1337 : f32 to vector<16xf32>
      %swap3A_1339 = arith.index_cast %multiple_of3A : i32 to index
      %swap3A_1340 = tpu.vector_load %arg13[%swap3A_1339] {strides = array<i32>} : memref<640xf32, #tpu.memory_space<vmem>>, vector<16xf32>,
      %swap3A_1341 = vector.shape_cast %swap3A_1340 : vector<16xf32> to vector<16xf32>
      %swap3A_1342 = vector.shape_cast %broadcast_in_dim3A_1338 : vector<16xf32> to vector<16xf32>
      tpu.vector_store %arg13[%swap3A_1339], %swap3A_1342 {strides = array<i32>} : memref<640xf32, #tpu.memory_space<vmem>>, vector<16xf32>,
    }
    %scan3A_1079 = arith.constant 40 : i32
    %scan3A_1080 = arith.constant 0 : i32
    %scan3A_1081 = arith.constant 0 : i32
    %scan3A_1082 = arith.constant 40 : i32
    %scan3A_1083 = arith.addi %scan3A_1081, %scan3A_1082 : i32
    %scan3A_1084 = arith.constant 1 : i32
    scf.for %scan3A_1334 = %scan3A_1081 to %scan3A_1083 step %scan3A_1084  : i32 {
      %mul3A_1335 = arith.constant 16 : i32
      %mul3A_1336 = arith.muli %scan3A_1334, %mul3A_1335 : i32
      %add3A_1337 = arith.addi %mul3A_0, %mul3A_1336 : i32
      "tpu.region"() ({
        %run_scoped3A_1338 = tpu.sem_alloc : memref<!tpu.dma_semaphore, #tpu.memory_space<semaphore_mem>>
        %dma_start3A_1339 = arith.constant 0 : i32
        %dma_start3A_1340 = tpu.memref_slice %arg14[%add3A_1337, %dma_start3A_1339] : memref<10240x128xf32, #tpu.memory_space<vmem_shared>> -> memref<16x128xf32, #tpu.memory_space<vmem_shared>>
        %dma_start3A_1341 = arith.constant 0 : i32
        %dma_start3A_1342 = tpu.memref_slice %arg14[%add3A_1337, %dma_start3A_1341] : memref<10240x128xf32, #tpu.memory_space<vmem_shared>> -> memref<16x128xf32, #tpu.memory_space<vmem_shared>>
        tpu.enqueue_dma source(%arg12 : memref<16x128xf32, #tpu.memory_space<vmem>>) target(%dma_start3A_1342 : memref<16x128xf32, #tpu.memory_space<vmem_shared>>) target_semaphore(%run_scoped3A_1338 : memref<!tpu.dma_semaphore, #tpu.memory_space<semaphore_mem>>)
        %dma_wait3A_1343 = arith.constant 0 : i32
        %dma_wait3A_1344 = tpu.memref_slice %arg14[%add3A_1337, %dma_wait3A_1343] : memref<10240x128xf32, #tpu.memory_space<vmem_shared>> -> memref<16x128xf32, #tpu.memory_space<vmem_shared>>
        %dma_wait3A_1345 = arith.constant 0 : i32
        %dma_wait3A_1346 = tpu.memref_slice %arg14[%add3A_1337, %dma_wait3A_1345] : memref<10240x128xf32, #tpu.memory_space<vmem_shared>> -> memref<16x128xf32, #tpu.memory_space<vmem_shared>>
        tpu.wait_dma2 semaphore(%run_scoped3A_1338 : memref<!tpu.dma_semaphore, #tpu.memory_space<semaphore_mem>>) src(%arg12 : memref<16x128xf32, #tpu.memory_space<vmem>>) dst(%dma_wait3A_1346 : memref<16x128xf32, #tpu.memory_space<vmem_shared>>)
        tpu.yield
      }) : () -> ()
    }
    %scan3A_1085 = arith.constant 40 : i32
    "tpu.region"() ({
      %run_scoped3A_1334 = tpu.sem_alloc : memref<!tpu.dma_semaphore, #tpu.memory_space<semaphore_mem>>
      %dma_start3A_1335 = tpu.memref_slice %arg15[%mul3A_0] : memref<10240xf32, #tpu.memory_space<vmem_shared>> -> memref<640xf32, #tpu.memory_space<vmem_shared>>
      %dma_start3A_1336 = tpu.memref_slice %arg15[%mul3A_0] : memref<10240xf32, #tpu.memory_space<vmem_shared>> -> memref<640xf32, #tpu.memory_space<vmem_shared>>
      tpu.enqueue_dma source(%arg13 : memref<640xf32, #tpu.memory_space<vmem>>) target(%dma_start3A_1336 : memref<640xf32, #tpu.memory_space<vmem_shared>>) target_semaphore(%run_scoped3A_1334 : memref<!tpu.dma_semaphore, #tpu.memory_space<semaphore_mem>>)
      %dma_wait3A_1337 = tpu.memref_slice %arg15[%mul3A_0] : memref<10240xf32, #tpu.memory_space<vmem_shared>> -> memref<640xf32, #tpu.memory_space<vmem_shared>>
      %dma_wait3A_1338 = tpu.memref_slice %arg15[%mul3A_0] : memref<10240xf32, #tpu.memory_space<vmem_shared>> -> memref<640xf32, #tpu.memory_space<vmem_shared>>
      tpu.wait_dma2 semaphore(%run_scoped3A_1334 : memref<!tpu.dma_semaphore, #tpu.memory_space<semaphore_mem>>) src(%arg13 : memref<640xf32, #tpu.memory_space<vmem>>) dst(%dma_wait3A_1338 : memref<640xf32, #tpu.memory_space<vmem_shared>>)
      tpu.yield
    }) : () -> ()
    "tpu.trace_stop"() : () -> ()
    "tpu.trace_start"() <{level = 10 : i32, message = "ph_bar0"}> : () -> ()
    %barrier3A = arith.constant 0 : index
    tpu.barrier barrier_id(%barrier3A)
    %run_scoped3A = arith.constant 0 : i32
    %run_scoped3A_1086 = arith.constant 0 : i32
    "tpu.trace_stop"() : () -> ()
    "tpu.trace_start"() <{level = 10 : i32, message = "ph_main"}> : () -> ()
    "tpu.region"() ({
      %run_scoped3A_1334 = tpu.sem_alloc : memref<!tpu.dma_semaphore, #tpu.memory_space<semaphore_mem>>
      %dma_start3A_1335 = arith.constant 0 : i32
      %dma_start3A_1336 = arith.constant 0 : i32
      %dma_start3A_1337 = tpu.memref_slice %arg7[%run_scoped3A_1086, %dma_start3A_1335, %dma_start3A_1336] : memref<2x8x128xi32, #tpu.memory_space<vmem>> -> memref<1x8x128xi32, #tpu.memory_space<vmem>>
      %dma_start3A_1338 = tpu.memref_squeeze %dma_start3A_1337 : memref<1x8x128xi32, #tpu.memory_space<vmem>> -> memref<8x128xi32, #tpu.memory_space<vmem>>
      %dma_start3A_1339 = arith.constant 0 : i32
      %dma_start3A_1340 = tpu.memref_slice %arg2[%run_scoped3A, %mul3A_4, %dma_start3A_1339] : memref<2x2560x128xi32, #tpu.memory_space<hbm>> -> memref<1x8x128xi32, #tpu.memory_space<hbm>>
      %dma_start3A_1341 = tpu.memref_squeeze %dma_start3A_1340 : memref<1x8x128xi32, #tpu.memory_space<hbm>> -> memref<8x128xi32, #tpu.memory_space<hbm>>
      %dma_start3A_1342 = arith.constant 0 : i32
      %dma_start3A_1343 = arith.constant 0 : i32
      %dma_start3A_1344 = tpu.memref_slice %arg7[%run_scoped3A_1086, %dma_start3A_1342, %dma_start3A_1343] : memref<2x8x128xi32, #tpu.memory_space<vmem>> -> memref<1x8x128xi32, #tpu.memory_space<vmem>>
      %dma_start3A_1345 = tpu.memref_squeeze %dma_start3A_1344 : memref<1x8x128xi32, #tpu.memory_space<vmem>> -> memref<8x128xi32, #tpu.memory_space<vmem>>
      %dma_start3A_1346 = arith.constant 0 : i32
      %dma_start3A_1347 = tpu.memref_slice %arg2[%run_scoped3A, %mul3A_4, %dma_start3A_1346] : memref<2x2560x128xi32, #tpu.memory_space<hbm>> -> memref<1x8x128xi32, #tpu.memory_space<hbm>>
      %dma_start3A_1348 = tpu.memref_squeeze %dma_start3A_1347 : memref<1x8x128xi32, #tpu.memory_space<hbm>> -> memref<8x128xi32, #tpu.memory_space<hbm>>
      tpu.enqueue_dma source(%dma_start3A_1348 : memref<8x128xi32, #tpu.memory_space<hbm>>) target(%dma_start3A_1345 : memref<8x128xi32, #tpu.memory_space<vmem>>) target_semaphore(%run_scoped3A_1334 : memref<!tpu.dma_semaphore, #tpu.memory_space<semaphore_mem>>)
      %dma_wait3A_1349 = arith.constant 0 : i32
      %dma_wait3A_1350 = arith.constant 0 : i32
      %dma_wait3A_1351 = tpu.memref_slice %arg7[%run_scoped3A_1086, %dma_wait3A_1349, %dma_wait3A_1350] : memref<2x8x128xi32, #tpu.memory_space<vmem>> -> memref<1x8x128xi32, #tpu.memory_space<vmem>>
      %dma_wait3A_1352 = tpu.memref_squeeze %dma_wait3A_1351 : memref<1x8x128xi32, #tpu.memory_space<vmem>> -> memref<8x128xi32, #tpu.memory_space<vmem>>
      %dma_wait3A_1353 = arith.constant 0 : i32
      %dma_wait3A_1354 = tpu.memref_slice %arg2[%run_scoped3A, %mul3A_4, %dma_wait3A_1353] : memref<2x2560x128xi32, #tpu.memory_space<hbm>> -> memref<1x8x128xi32, #tpu.memory_space<hbm>>
      %dma_wait3A_1355 = tpu.memref_squeeze %dma_wait3A_1354 : memref<1x8x128xi32, #tpu.memory_space<hbm>> -> memref<8x128xi32, #tpu.memory_space<hbm>>
      %dma_wait3A_1356 = arith.constant 0 : i32
      %dma_wait3A_1357 = arith.constant 0 : i32
      %dma_wait3A_1358 = tpu.memref_slice %arg7[%run_scoped3A_1086, %dma_wait3A_1356, %dma_wait3A_1357] : memref<2x8x128xi32, #tpu.memory_space<vmem>> -> memref<1x8x128xi32, #tpu.memory_space<vmem>>
      %dma_wait3A_1359 = tpu.memref_squeeze %dma_wait3A_1358 : memref<1x8x128xi32, #tpu.memory_space<vmem>> -> memref<8x128xi32, #tpu.memory_space<vmem>>
      %dma_wait3A_1360 = arith.constant 0 : i32
      %dma_wait3A_1361 = tpu.memref_slice %arg2[%run_scoped3A, %mul3A_4, %dma_wait3A_1360] : memref<2x2560x128xi32, #tpu.memory_space<hbm>> -> memref<1x8x128xi32, #tpu.memory_space<hbm>>
      %dma_wait3A_1362 = tpu.memref_squeeze %dma_wait3A_1361 : memref<1x8x128xi32, #tpu.memory_space<hbm>> -> memref<8x128xi32, #tpu.memory_space<hbm>>
      tpu.wait_dma2 semaphore(%run_scoped3A_1334 : memref<!tpu.dma_semaphore, #tpu.memory_space<semaphore_mem>>) src(%dma_wait3A_1362 : memref<8x128xi32, #tpu.memory_space<hbm>>) dst(%dma_wait3A_1359 : memref<8x128xi32, #tpu.memory_space<vmem>>)
      tpu.yield
    }) : () -> ()
    %run_scoped3A_1087 = arith.constant 1 : i32
    %run_scoped3A_1088 = arith.constant 0 : i32
    "tpu.region"() ({
      %run_scoped3A_1334 = tpu.sem_alloc : memref<!tpu.dma_semaphore, #tpu.memory_space<semaphore_mem>>
      %dma_start3A_1335 = arith.constant 0 : i32
      %dma_start3A_1336 = arith.constant 0 : i32
      %dma_start3A_1337 = tpu.memref_slice %arg8[%run_scoped3A_1088, %dma_start3A_1335, %dma_start3A_1336] : memref<2x8x128xi32, #tpu.memory_space<vmem>> -> memref<1x8x128xi32, #tpu.memory_space<vmem>>
      %dma_start3A_1338 = tpu.memref_squeeze %dma_start3A_1337 : memref<1x8x128xi32, #tpu.memory_space<vmem>> -> memref<8x128xi32, #tpu.memory_space<vmem>>
      %dma_start3A_1339 = arith.constant 0 : i32
      %dma_start3A_1340 = tpu.memref_slice %arg2[%run_scoped3A_1087, %mul3A_4, %dma_start3A_1339] : memref<2x2560x128xi32, #tpu.memory_space<hbm>> -> memref<1x8x128xi32, #tpu.memory_space<hbm>>
      %dma_start3A_1341 = tpu.memref_squeeze %dma_start3A_1340 : memref<1x8x128xi32, #tpu.memory_space<hbm>> -> memref<8x128xi32, #tpu.memory_space<hbm>>
      %dma_start3A_1342 = arith.constant 0 : i32
      %dma_start3A_1343 = arith.constant 0 : i32
      %dma_start3A_1344 = tpu.memref_slice %arg8[%run_scoped3A_1088, %dma_start3A_1342, %dma_start3A_1343] : memref<2x8x128xi32, #tpu.memory_space<vmem>> -> memref<1x8x128xi32, #tpu.memory_space<vmem>>
      %dma_start3A_1345 = tpu.memref_squeeze %dma_start3A_1344 : memref<1x8x128xi32, #tpu.memory_space<vmem>> -> memref<8x128xi32, #tpu.memory_space<vmem>>
      %dma_start3A_1346 = arith.constant 0 : i32
      %dma_start3A_1347 = tpu.memref_slice %arg2[%run_scoped3A_1087, %mul3A_4, %dma_start3A_1346] : memref<2x2560x128xi32, #tpu.memory_space<hbm>> -> memref<1x8x128xi32, #tpu.memory_space<hbm>>
      %dma_start3A_1348 = tpu.memref_squeeze %dma_start3A_1347 : memref<1x8x128xi32, #tpu.memory_space<hbm>> -> memref<8x128xi32, #tpu.memory_space<hbm>>
      tpu.enqueue_dma source(%dma_start3A_1348 : memref<8x128xi32, #tpu.memory_space<hbm>>) target(%dma_start3A_1345 : memref<8x128xi32, #tpu.memory_space<vmem>>) target_semaphore(%run_scoped3A_1334 : memref<!tpu.dma_semaphore, #tpu.memory_space<semaphore_mem>>)
      %dma_wait3A_1349 = arith.constant 0 : i32
      %dma_wait3A_1350 = arith.constant 0 : i32
      %dma_wait3A_1351 = tpu.memref_slice %arg8[%run_scoped3A_1088, %dma_wait3A_1349, %dma_wait3A_1350] : memref<2x8x128xi32, #tpu.memory_space<vmem>> -> memref<1x8x128xi32, #tpu.memory_space<vmem>>
      %dma_wait3A_1352 = tpu.memref_squeeze %dma_wait3A_1351 : memref<1x8x128xi32, #tpu.memory_space<vmem>> -> memref<8x128xi32, #tpu.memory_space<vmem>>
      %dma_wait3A_1353 = arith.constant 0 : i32
      %dma_wait3A_1354 = tpu.memref_slice %arg2[%run_scoped3A_1087, %mul3A_4, %dma_wait3A_1353] : memref<2x2560x128xi32, #tpu.memory_space<hbm>> -> memref<1x8x128xi32, #tpu.memory_space<hbm>>
      %dma_wait3A_1355 = tpu.memref_squeeze %dma_wait3A_1354 : memref<1x8x128xi32, #tpu.memory_space<hbm>> -> memref<8x128xi32, #tpu.memory_space<hbm>>
      %dma_wait3A_1356 = arith.constant 0 : i32
      %dma_wait3A_1357 = arith.constant 0 : i32
      %dma_wait3A_1358 = tpu.memref_slice %arg8[%run_scoped3A_1088, %dma_wait3A_1356, %dma_wait3A_1357] : memref<2x8x128xi32, #tpu.memory_space<vmem>> -> memref<1x8x128xi32, #tpu.memory_space<vmem>>
      %dma_wait3A_1359 = tpu.memref_squeeze %dma_wait3A_1358 : memref<1x8x128xi32, #tpu.memory_space<vmem>> -> memref<8x128xi32, #tpu.memory_space<vmem>>
      %dma_wait3A_1360 = arith.constant 0 : i32
      %dma_wait3A_1361 = tpu.memref_slice %arg2[%run_scoped3A_1087, %mul3A_4, %dma_wait3A_1360] : memref<2x2560x128xi32, #tpu.memory_space<hbm>> -> memref<1x8x128xi32, #tpu.memory_space<hbm>>
      %dma_wait3A_1362 = tpu.memref_squeeze %dma_wait3A_1361 : memref<1x8x128xi32, #tpu.memory_space<hbm>> -> memref<8x128xi32, #tpu.memory_space<hbm>>
      tpu.wait_dma2 semaphore(%run_scoped3A_1334 : memref<!tpu.dma_semaphore, #tpu.memory_space<semaphore_mem>>) src(%dma_wait3A_1362 : memref<8x128xi32, #tpu.memory_space<hbm>>) dst(%dma_wait3A_1359 : memref<8x128xi32, #tpu.memory_space<vmem>>)
      tpu.yield
    }) : () -> ()
    %dma_start3A = arith.constant 0 : i32
    %dma_start3A_1089 = arith.constant 0 : i32
    %dma_start3A_1090 = arith.constant 0 : i32
    %dma_start3A_1091 = arith.constant 0 : i32
    %dma_start3A_1092 = arith.constant 0 : i32
    %dma_start3A_1093 = arith.constant 0 : i32
    %dma_start3A_1094 = tpu.memref_slice %arg9[%dma_start3A_1090, %dma_start3A_1091, %dma_start3A_1093] : memref<2x8x128xi32, #tpu.memory_space<vmem>> -> memref<1x1x128xi32, #tpu.memory_space<vmem>>
    %dma_start3A_1095 = tpu.memref_squeeze %dma_start3A_1094 : memref<1x1x128xi32, #tpu.memory_space<vmem>> -> memref<128xi32, #tpu.memory_space<vmem>>
    %dma_start3A_1096 = arith.constant 0 : i32
    %dma_start3A_1097 = tpu.memref_slice %arg7[%dma_start3A, %dma_start3A_1089, %dma_start3A_1096] : memref<2x8x128xi32, #tpu.memory_space<vmem>> -> memref<1x1x128xi32, #tpu.memory_space<vmem>>
    %dma_start3A_1098 = tpu.memref_squeeze %dma_start3A_1097 : memref<1x1x128xi32, #tpu.memory_space<vmem>> -> memref<128xi32, #tpu.memory_space<vmem>>
    %dma_start3A_1099 = arith.constant 0 : i32
    %dma_start3A_1100 = tpu.memref_slice %arg3[%dma_start3A_1099] : memref<10000xi32, #tpu.memory_space<hbm>> -> memref<10000xi32, #tpu.memory_space<hbm>>
    %dma_start3A_1101 = tpu.memref_slice %arg17[%dma_start3A_1092] : memref<2x!tpu.dma_semaphore, #tpu.memory_space<semaphore_mem>> -> memref<1x!tpu.dma_semaphore, #tpu.memory_space<semaphore_mem>>
    %dma_start3A_1102 = tpu.memref_squeeze %dma_start3A_1101 : memref<1x!tpu.dma_semaphore, #tpu.memory_space<semaphore_mem>> -> memref<!tpu.dma_semaphore, #tpu.memory_space<semaphore_mem>>
    tpu.enqueue_indirect_dma source(%dma_start3A_1100 : memref<10000xi32, #tpu.memory_space<hbm>>) target(%dma_start3A_1095 : memref<128xi32, #tpu.memory_space<vmem>>) offsets(%dma_start3A_1098 : memref<128xi32, #tpu.memory_space<vmem>>) semaphore(%dma_start3A_1102 : memref<!tpu.dma_semaphore, #tpu.memory_space<semaphore_mem>>)
    %dma_start3A_1103 = arith.constant 0 : i32
    %dma_start3A_1104 = arith.constant 1 : i32
    %dma_start3A_1105 = arith.constant 0 : i32
    %dma_start3A_1106 = arith.constant 1 : i32
    %dma_start3A_1107 = arith.constant 0 : i32
    %dma_start3A_1108 = arith.constant 0 : i32
    %dma_start3A_1109 = tpu.memref_slice %arg9[%dma_start3A_1105, %dma_start3A_1106, %dma_start3A_1108] : memref<2x8x128xi32, #tpu.memory_space<vmem>> -> memref<1x1x128xi32, #tpu.memory_space<vmem>>
    %dma_start3A_1110 = tpu.memref_squeeze %dma_start3A_1109 : memref<1x1x128xi32, #tpu.memory_space<vmem>> -> memref<128xi32, #tpu.memory_space<vmem>>
    %dma_start3A_1111 = arith.constant 0 : i32
    %dma_start3A_1112 = tpu.memref_slice %arg7[%dma_start3A_1103, %dma_start3A_1104, %dma_start3A_1111] : memref<2x8x128xi32, #tpu.memory_space<vmem>> -> memref<1x1x128xi32, #tpu.memory_space<vmem>>
    %dma_start3A_1113 = tpu.memref_squeeze %dma_start3A_1112 : memref<1x1x128xi32, #tpu.memory_space<vmem>> -> memref<128xi32, #tpu.memory_space<vmem>>
    %dma_start3A_1114 = arith.constant 0 : i32
    %dma_start3A_1115 = tpu.memref_slice %arg3[%dma_start3A_1114] : memref<10000xi32, #tpu.memory_space<hbm>> -> memref<10000xi32, #tpu.memory_space<hbm>>
    %dma_start3A_1116 = tpu.memref_slice %arg17[%dma_start3A_1107] : memref<2x!tpu.dma_semaphore, #tpu.memory_space<semaphore_mem>> -> memref<1x!tpu.dma_semaphore, #tpu.memory_space<semaphore_mem>>
    %dma_start3A_1117 = tpu.memref_squeeze %dma_start3A_1116 : memref<1x!tpu.dma_semaphore, #tpu.memory_space<semaphore_mem>> -> memref<!tpu.dma_semaphore, #tpu.memory_space<semaphore_mem>>
    tpu.enqueue_indirect_dma source(%dma_start3A_1115 : memref<10000xi32, #tpu.memory_space<hbm>>) target(%dma_start3A_1110 : memref<128xi32, #tpu.memory_space<vmem>>) offsets(%dma_start3A_1113 : memref<128xi32, #tpu.memory_space<vmem>>) semaphore(%dma_start3A_1117 : memref<!tpu.dma_semaphore, #tpu.memory_space<semaphore_mem>>)
    %dma_start3A_1118 = arith.constant 0 : i32
    %dma_start3A_1119 = arith.constant 2 : i32
    %dma_start3A_1120 = arith.constant 0 : i32
    %dma_start3A_1121 = arith.constant 2 : i32
    %dma_start3A_1122 = arith.constant 0 : i32
    %dma_start3A_1123 = arith.constant 0 : i32
    %dma_start3A_1124 = tpu.memref_slice %arg9[%dma_start3A_1120, %dma_start3A_1121, %dma_start3A_1123] : memref<2x8x128xi32, #tpu.memory_space<vmem>> -> memref<1x1x128xi32, #tpu.memory_space<vmem>>
    %dma_start3A_1125 = tpu.memref_squeeze %dma_start3A_1124 : memref<1x1x128xi32, #tpu.memory_space<vmem>> -> memref<128xi32, #tpu.memory_space<vmem>>
    %dma_start3A_1126 = arith.constant 0 : i32
    %dma_start3A_1127 = tpu.memref_slice %arg7[%dma_start3A_1118, %dma_start3A_1119, %dma_start3A_1126] : memref<2x8x128xi32, #tpu.memory_space<vmem>> -> memref<1x1x128xi32, #tpu.memory_space<vmem>>
    %dma_start3A_1128 = tpu.memref_squeeze %dma_start3A_1127 : memref<1x1x128xi32, #tpu.memory_space<vmem>> -> memref<128xi32, #tpu.memory_space<vmem>>
    %dma_start3A_1129 = arith.constant 0 : i32
    %dma_start3A_1130 = tpu.memref_slice %arg3[%dma_start3A_1129] : memref<10000xi32, #tpu.memory_space<hbm>> -> memref<10000xi32, #tpu.memory_space<hbm>>
    %dma_start3A_1131 = tpu.memref_slice %arg17[%dma_start3A_1122] : memref<2x!tpu.dma_semaphore, #tpu.memory_space<semaphore_mem>> -> memref<1x!tpu.dma_semaphore, #tpu.memory_space<semaphore_mem>>
    %dma_start3A_1132 = tpu.memref_squeeze %dma_start3A_1131 : memref<1x!tpu.dma_semaphore, #tpu.memory_space<semaphore_mem>> -> memref<!tpu.dma_semaphore, #tpu.memory_space<semaphore_mem>>
    tpu.enqueue_indirect_dma source(%dma_start3A_1130 : memref<10000xi32, #tpu.memory_space<hbm>>) target(%dma_start3A_1125 : memref<128xi32, #tpu.memory_space<vmem>>) offsets(%dma_start3A_1128 : memref<128xi32, #tpu.memory_space<vmem>>) semaphore(%dma_start3A_1132 : memref<!tpu.dma_semaphore, #tpu.memory_space<semaphore_mem>>)
    %dma_start3A_1133 = arith.constant 0 : i32
    %dma_start3A_1134 = arith.constant 3 : i32
    %dma_start3A_1135 = arith.constant 0 : i32
    %dma_start3A_1136 = arith.constant 3 : i32
    %dma_start3A_1137 = arith.constant 0 : i32
    %dma_start3A_1138 = arith.constant 0 : i32
    %dma_start3A_1139 = tpu.memref_slice %arg9[%dma_start3A_1135, %dma_start3A_1136, %dma_start3A_1138] : memref<2x8x128xi32, #tpu.memory_space<vmem>> -> memref<1x1x128xi32, #tpu.memory_space<vmem>>
    %dma_start3A_1140 = tpu.memref_squeeze %dma_start3A_1139 : memref<1x1x128xi32, #tpu.memory_space<vmem>> -> memref<128xi32, #tpu.memory_space<vmem>>
    %dma_start3A_1141 = arith.constant 0 : i32
    %dma_start3A_1142 = tpu.memref_slice %arg7[%dma_start3A_1133, %dma_start3A_1134, %dma_start3A_1141] : memref<2x8x128xi32, #tpu.memory_space<vmem>> -> memref<1x1x128xi32, #tpu.memory_space<vmem>>
    %dma_start3A_1143 = tpu.memref_squeeze %dma_start3A_1142 : memref<1x1x128xi32, #tpu.memory_space<vmem>> -> memref<128xi32, #tpu.memory_space<vmem>>
    %dma_start3A_1144 = arith.constant 0 : i32
    %dma_start3A_1145 = tpu.memref_slice %arg3[%dma_start3A_1144] : memref<10000xi32, #tpu.memory_space<hbm>> -> memref<10000xi32, #tpu.memory_space<hbm>>
    %dma_start3A_1146 = tpu.memref_slice %arg17[%dma_start3A_1137] : memref<2x!tpu.dma_semaphore, #tpu.memory_space<semaphore_mem>> -> memref<1x!tpu.dma_semaphore, #tpu.memory_space<semaphore_mem>>
    %dma_start3A_1147 = tpu.memref_squeeze %dma_start3A_1146 : memref<1x!tpu.dma_semaphore, #tpu.memory_space<semaphore_mem>> -> memref<!tpu.dma_semaphore, #tpu.memory_space<semaphore_mem>>
    tpu.enqueue_indirect_dma source(%dma_start3A_1145 : memref<10000xi32, #tpu.memory_space<hbm>>) target(%dma_start3A_1140 : memref<128xi32, #tpu.memory_space<vmem>>) offsets(%dma_start3A_1143 : memref<128xi32, #tpu.memory_space<vmem>>) semaphore(%dma_start3A_1147 : memref<!tpu.dma_semaphore, #tpu.memory_space<semaphore_mem>>)
    %dma_start3A_1148 = arith.constant 0 : i32
    %dma_start3A_1149 = arith.constant 4 : i32
    %dma_start3A_1150 = arith.constant 0 : i32
    %dma_start3A_1151 = arith.constant 4 : i32
    %dma_start3A_1152 = arith.constant 0 : i32
    %dma_start3A_1153 = arith.constant 0 : i32
    %dma_start3A_1154 = tpu.memref_slice %arg9[%dma_start3A_1150, %dma_start3A_1151, %dma_start3A_1153] : memref<2x8x128xi32, #tpu.memory_space<vmem>> -> memref<1x1x128xi32, #tpu.memory_space<vmem>>
    %dma_start3A_1155 = tpu.memref_squeeze %dma_start3A_1154 : memref<1x1x128xi32, #tpu.memory_space<vmem>> -> memref<128xi32, #tpu.memory_space<vmem>>
    %dma_start3A_1156 = arith.constant 0 : i32
    %dma_start3A_1157 = tpu.memref_slice %arg7[%dma_start3A_1148, %dma_start3A_1149, %dma_start3A_1156] : memref<2x8x128xi32, #tpu.memory_space<vmem>> -> memref<1x1x128xi32, #tpu.memory_space<vmem>>
    %dma_start3A_1158 = tpu.memref_squeeze %dma_start3A_1157 : memref<1x1x128xi32, #tpu.memory_space<vmem>> -> memref<128xi32, #tpu.memory_space<vmem>>
    %dma_start3A_1159 = arith.constant 0 : i32
    %dma_start3A_1160 = tpu.memref_slice %arg3[%dma_start3A_1159] : memref<10000xi32, #tpu.memory_space<hbm>> -> memref<10000xi32, #tpu.memory_space<hbm>>
    %dma_start3A_1161 = tpu.memref_slice %arg17[%dma_start3A_1152] : memref<2x!tpu.dma_semaphore, #tpu.memory_space<semaphore_mem>> -> memref<1x!tpu.dma_semaphore, #tpu.memory_space<semaphore_mem>>
    %dma_start3A_1162 = tpu.memref_squeeze %dma_start3A_1161 : memref<1x!tpu.dma_semaphore, #tpu.memory_space<semaphore_mem>> -> memref<!tpu.dma_semaphore, #tpu.memory_space<semaphore_mem>>
    tpu.enqueue_indirect_dma source(%dma_start3A_1160 : memref<10000xi32, #tpu.memory_space<hbm>>) target(%dma_start3A_1155 : memref<128xi32, #tpu.memory_space<vmem>>) offsets(%dma_start3A_1158 : memref<128xi32, #tpu.memory_space<vmem>>) semaphore(%dma_start3A_1162 : memref<!tpu.dma_semaphore, #tpu.memory_space<semaphore_mem>>)
    %dma_start3A_1163 = arith.constant 0 : i32
    %dma_start3A_1164 = arith.constant 5 : i32
    %dma_start3A_1165 = arith.constant 0 : i32
    %dma_start3A_1166 = arith.constant 5 : i32
    %dma_start3A_1167 = arith.constant 0 : i32
    %dma_start3A_1168 = arith.constant 0 : i32
    %dma_start3A_1169 = tpu.memref_slice %arg9[%dma_start3A_1165, %dma_start3A_1166, %dma_start3A_1168] : memref<2x8x128xi32, #tpu.memory_space<vmem>> -> memref<1x1x128xi32, #tpu.memory_space<vmem>>
    %dma_start3A_1170 = tpu.memref_squeeze %dma_start3A_1169 : memref<1x1x128xi32, #tpu.memory_space<vmem>> -> memref<128xi32, #tpu.memory_space<vmem>>
    %dma_start3A_1171 = arith.constant 0 : i32
    %dma_start3A_1172 = tpu.memref_slice %arg7[%dma_start3A_1163, %dma_start3A_1164, %dma_start3A_1171] : memref<2x8x128xi32, #tpu.memory_space<vmem>> -> memref<1x1x128xi32, #tpu.memory_space<vmem>>
    %dma_start3A_1173 = tpu.memref_squeeze %dma_start3A_1172 : memref<1x1x128xi32, #tpu.memory_space<vmem>> -> memref<128xi32, #tpu.memory_space<vmem>>
    %dma_start3A_1174 = arith.constant 0 : i32
    %dma_start3A_1175 = tpu.memref_slice %arg3[%dma_start3A_1174] : memref<10000xi32, #tpu.memory_space<hbm>> -> memref<10000xi32, #tpu.memory_space<hbm>>
    %dma_start3A_1176 = tpu.memref_slice %arg17[%dma_start3A_1167] : memref<2x!tpu.dma_semaphore, #tpu.memory_space<semaphore_mem>> -> memref<1x!tpu.dma_semaphore, #tpu.memory_space<semaphore_mem>>
    %dma_start3A_1177 = tpu.memref_squeeze %dma_start3A_1176 : memref<1x!tpu.dma_semaphore, #tpu.memory_space<semaphore_mem>> -> memref<!tpu.dma_semaphore, #tpu.memory_space<semaphore_mem>>
    tpu.enqueue_indirect_dma source(%dma_start3A_1175 : memref<10000xi32, #tpu.memory_space<hbm>>) target(%dma_start3A_1170 : memref<128xi32, #tpu.memory_space<vmem>>) offsets(%dma_start3A_1173 : memref<128xi32, #tpu.memory_space<vmem>>) semaphore(%dma_start3A_1177 : memref<!tpu.dma_semaphore, #tpu.memory_space<semaphore_mem>>)
    %dma_start3A_1178 = arith.constant 0 : i32
    %dma_start3A_1179 = arith.constant 6 : i32
    %dma_start3A_1180 = arith.constant 0 : i32
    %dma_start3A_1181 = arith.constant 6 : i32
    %dma_start3A_1182 = arith.constant 0 : i32
    %dma_start3A_1183 = arith.constant 0 : i32
    %dma_start3A_1184 = tpu.memref_slice %arg9[%dma_start3A_1180, %dma_start3A_1181, %dma_start3A_1183] : memref<2x8x128xi32, #tpu.memory_space<vmem>> -> memref<1x1x128xi32, #tpu.memory_space<vmem>>
    %dma_start3A_1185 = tpu.memref_squeeze %dma_start3A_1184 : memref<1x1x128xi32, #tpu.memory_space<vmem>> -> memref<128xi32, #tpu.memory_space<vmem>>
    %dma_start3A_1186 = arith.constant 0 : i32
    %dma_start3A_1187 = tpu.memref_slice %arg7[%dma_start3A_1178, %dma_start3A_1179, %dma_start3A_1186] : memref<2x8x128xi32, #tpu.memory_space<vmem>> -> memref<1x1x128xi32, #tpu.memory_space<vmem>>
    %dma_start3A_1188 = tpu.memref_squeeze %dma_start3A_1187 : memref<1x1x128xi32, #tpu.memory_space<vmem>> -> memref<128xi32, #tpu.memory_space<vmem>>
    %dma_start3A_1189 = arith.constant 0 : i32
    %dma_start3A_1190 = tpu.memref_slice %arg3[%dma_start3A_1189] : memref<10000xi32, #tpu.memory_space<hbm>> -> memref<10000xi32, #tpu.memory_space<hbm>>
    %dma_start3A_1191 = tpu.memref_slice %arg17[%dma_start3A_1182] : memref<2x!tpu.dma_semaphore, #tpu.memory_space<semaphore_mem>> -> memref<1x!tpu.dma_semaphore, #tpu.memory_space<semaphore_mem>>
    %dma_start3A_1192 = tpu.memref_squeeze %dma_start3A_1191 : memref<1x!tpu.dma_semaphore, #tpu.memory_space<semaphore_mem>> -> memref<!tpu.dma_semaphore, #tpu.memory_space<semaphore_mem>>
    tpu.enqueue_indirect_dma source(%dma_start3A_1190 : memref<10000xi32, #tpu.memory_space<hbm>>) target(%dma_start3A_1185 : memref<128xi32, #tpu.memory_space<vmem>>) offsets(%dma_start3A_1188 : memref<128xi32, #tpu.memory_space<vmem>>) semaphore(%dma_start3A_1192 : memref<!tpu.dma_semaphore, #tpu.memory_space<semaphore_mem>>)
    %dma_start3A_1193 = arith.constant 0 : i32
    %dma_start3A_1194 = arith.constant 7 : i32
    %dma_start3A_1195 = arith.constant 0 : i32
    %dma_start3A_1196 = arith.constant 7 : i32
    %dma_start3A_1197 = arith.constant 0 : i32
    %dma_start3A_1198 = arith.constant 0 : i32
    %dma_start3A_1199 = tpu.memref_slice %arg9[%dma_start3A_1195, %dma_start3A_1196, %dma_start3A_1198] : memref<2x8x128xi32, #tpu.memory_space<vmem>> -> memref<1x1x128xi32, #tpu.memory_space<vmem>>
    %dma_start3A_1200 = tpu.memref_squeeze %dma_start3A_1199 : memref<1x1x128xi32, #tpu.memory_space<vmem>> -> memref<128xi32, #tpu.memory_space<vmem>>
    %dma_start3A_1201 = arith.constant 0 : i32
    %dma_start3A_1202 = tpu.memref_slice %arg7[%dma_start3A_1193, %dma_start3A_1194, %dma_start3A_1201] : memref<2x8x128xi32, #tpu.memory_space<vmem>> -> memref<1x1x128xi32, #tpu.memory_space<vmem>>
    %dma_start3A_1203 = tpu.memref_squeeze %dma_start3A_1202 : memref<1x1x128xi32, #tpu.memory_space<vmem>> -> memref<128xi32, #tpu.memory_space<vmem>>
    %dma_start3A_1204 = arith.constant 0 : i32
    %dma_start3A_1205 = tpu.memref_slice %arg3[%dma_start3A_1204] : memref<10000xi32, #tpu.memory_space<hbm>> -> memref<10000xi32, #tpu.memory_space<hbm>>
    %dma_start3A_1206 = tpu.memref_slice %arg17[%dma_start3A_1197] : memref<2x!tpu.dma_semaphore, #tpu.memory_space<semaphore_mem>> -> memref<1x!tpu.dma_semaphore, #tpu.memory_space<semaphore_mem>>
    %dma_start3A_1207 = tpu.memref_squeeze %dma_start3A_1206 : memref<1x!tpu.dma_semaphore, #tpu.memory_space<semaphore_mem>> -> memref<!tpu.dma_semaphore, #tpu.memory_space<semaphore_mem>>
    tpu.enqueue_indirect_dma source(%dma_start3A_1205 : memref<10000xi32, #tpu.memory_space<hbm>>) target(%dma_start3A_1200 : memref<128xi32, #tpu.memory_space<vmem>>) offsets(%dma_start3A_1203 : memref<128xi32, #tpu.memory_space<vmem>>) semaphore(%dma_start3A_1207 : memref<!tpu.dma_semaphore, #tpu.memory_space<semaphore_mem>>)
    %dma_wait3A = arith.constant 0 : i32
    %dma_wait3A_1208 = arith.constant 0 : i32
    %dma_wait3A_1209 = arith.constant 0 : i32
    %dma_wait3A_1210 = arith.constant 0 : i32
    %dma_wait3A_1211 = arith.constant 0 : i32
    %dma_wait3A_1212 = arith.constant 0 : i32
    %dma_wait3A_1213 = tpu.memref_slice %arg9[%dma_wait3A_1209, %dma_wait3A_1210, %dma_wait3A_1212] : memref<2x8x128xi32, #tpu.memory_space<vmem>> -> memref<1x1x128xi32, #tpu.memory_space<vmem>>
    %dma_wait3A_1214 = tpu.memref_squeeze %dma_wait3A_1213 : memref<1x1x128xi32, #tpu.memory_space<vmem>> -> memref<128xi32, #tpu.memory_space<vmem>>
    %dma_wait3A_1215 = arith.constant 0 : i32
    %dma_wait3A_1216 = tpu.memref_slice %arg7[%dma_wait3A, %dma_wait3A_1208, %dma_wait3A_1215] : memref<2x8x128xi32, #tpu.memory_space<vmem>> -> memref<1x1x128xi32, #tpu.memory_space<vmem>>
    %dma_wait3A_1217 = tpu.memref_squeeze %dma_wait3A_1216 : memref<1x1x128xi32, #tpu.memory_space<vmem>> -> memref<128xi32, #tpu.memory_space<vmem>>
    %dma_wait3A_1218 = arith.constant 0 : i32
    %dma_wait3A_1219 = tpu.memref_slice %arg3[%dma_wait3A_1218] : memref<10000xi32, #tpu.memory_space<hbm>> -> memref<10000xi32, #tpu.memory_space<hbm>>
    %dma_wait3A_1220 = tpu.memref_slice %arg17[%dma_wait3A_1211] : memref<2x!tpu.dma_semaphore, #tpu.memory_space<semaphore_mem>> -> memref<1x!tpu.dma_semaphore, #tpu.memory_space<semaphore_mem>>
    %dma_wait3A_1221 = tpu.memref_squeeze %dma_wait3A_1220 : memref<1x!tpu.dma_semaphore, #tpu.memory_space<semaphore_mem>> -> memref<!tpu.dma_semaphore, #tpu.memory_space<semaphore_mem>>
    tpu.wait_indirect_dma semaphore(%dma_wait3A_1221 : memref<!tpu.dma_semaphore, #tpu.memory_space<semaphore_mem>>) src(%dma_wait3A_1219 : memref<10000xi32, #tpu.memory_space<hbm>>) dst(%dma_wait3A_1214 : memref<128xi32, #tpu.memory_space<vmem>>)
    %dma_wait3A_1222 = arith.constant 0 : i32
    %dma_wait3A_1223 = arith.constant 1 : i32
    %dma_wait3A_1224 = arith.constant 0 : i32
    %dma_wait3A_1225 = arith.constant 1 : i32
    %dma_wait3A_1226 = arith.constant 0 : i32
    %dma_wait3A_1227 = arith.constant 0 : i32
    %dma_wait3A_1228 = tpu.memref_slice %arg9[%dma_wait3A_1224, %dma_wait3A_1225, %dma_wait3A_1227] : memref<2x8x128xi32, #tpu.memory_space<vmem>> -> memref<1x1x128xi32, #tpu.memory_space<vmem>>
    %dma_wait3A_1229 = tpu.memref_squeeze %dma_wait3A_1228 : memref<1x1x128xi32, #tpu.memory_space<vmem>> -> memref<128xi32, #tpu.memory_space<vmem>>
    %dma_wait3A_1230 = arith.constant 0 : i32
    %dma_wait3A_1231 = tpu.memref_slice %arg7[%dma_wait3A_1222, %dma_wait3A_1223, %dma_wait3A_1230] : memref<2x8x128xi32, #tpu.memory_space<vmem>> -> memref<1x1x128xi32, #tpu.memory_space<vmem>>
    %dma_wait3A_1232 = tpu.memref_squeeze %dma_wait3A_1231 : memref<1x1x128xi32, #tpu.memory_space<vmem>> -> memref<128xi32, #tpu.memory_space<vmem>>
    %dma_wait3A_1233 = arith.constant 0 : i32
    %dma_wait3A_1234 = tpu.memref_slice %arg3[%dma_wait3A_1233] : memref<10000xi32, #tpu.memory_space<hbm>> -> memref<10000xi32, #tpu.memory_space<hbm>>
    %dma_wait3A_1235 = tpu.memref_slice %arg17[%dma_wait3A_1226] : memref<2x!tpu.dma_semaphore, #tpu.memory_space<semaphore_mem>> -> memref<1x!tpu.dma_semaphore, #tpu.memory_space<semaphore_mem>>
    %dma_wait3A_1236 = tpu.memref_squeeze %dma_wait3A_1235 : memref<1x!tpu.dma_semaphore, #tpu.memory_space<semaphore_mem>> -> memref<!tpu.dma_semaphore, #tpu.memory_space<semaphore_mem>>
    tpu.wait_indirect_dma semaphore(%dma_wait3A_1236 : memref<!tpu.dma_semaphore, #tpu.memory_space<semaphore_mem>>) src(%dma_wait3A_1234 : memref<10000xi32, #tpu.memory_space<hbm>>) dst(%dma_wait3A_1229 : memref<128xi32, #tpu.memory_space<vmem>>)
    %dma_wait3A_1237 = arith.constant 0 : i32
    %dma_wait3A_1238 = arith.constant 2 : i32
    %dma_wait3A_1239 = arith.constant 0 : i32
    %dma_wait3A_1240 = arith.constant 2 : i32
    %dma_wait3A_1241 = arith.constant 0 : i32
    %dma_wait3A_1242 = arith.constant 0 : i32
    %dma_wait3A_1243 = tpu.memref_slice %arg9[%dma_wait3A_1239, %dma_wait3A_1240, %dma_wait3A_1242] : memref<2x8x128xi32, #tpu.memory_space<vmem>> -> memref<1x1x128xi32, #tpu.memory_space<vmem>>
    %dma_wait3A_1244 = tpu.memref_squeeze %dma_wait3A_1243 : memref<1x1x128xi32, #tpu.memory_space<vmem>> -> memref<128xi32, #tpu.memory_space<vmem>>
    %dma_wait3A_1245 = arith.constant 0 : i32
    %dma_wait3A_1246 = tpu.memref_slice %arg7[%dma_wait3A_1237, %dma_wait3A_1238, %dma_wait3A_1245] : memref<2x8x128xi32, #tpu.memory_space<vmem>> -> memref<1x1x128xi32, #tpu.memory_space<vmem>>
    %dma_wait3A_1247 = tpu.memref_squeeze %dma_wait3A_1246 : memref<1x1x128xi32, #tpu.memory_space<vmem>> -> memref<128xi32, #tpu.memory_space<vmem>>
    %dma_wait3A_1248 = arith.constant 0 : i32
    %dma_wait3A_1249 = tpu.memref_slice %arg3[%dma_wait3A_1248] : memref<10000xi32, #tpu.memory_space<hbm>> -> memref<10000xi32, #tpu.memory_space<hbm>>
    %dma_wait3A_1250 = tpu.memref_slice %arg17[%dma_wait3A_1241] : memref<2x!tpu.dma_semaphore, #tpu.memory_space<semaphore_mem>> -> memref<1x!tpu.dma_semaphore, #tpu.memory_space<semaphore_mem>>
    %dma_wait3A_1251 = tpu.memref_squeeze %dma_wait3A_1250 : memref<1x!tpu.dma_semaphore, #tpu.memory_space<semaphore_mem>> -> memref<!tpu.dma_semaphore, #tpu.memory_space<semaphore_mem>>
    tpu.wait_indirect_dma semaphore(%dma_wait3A_1251 : memref<!tpu.dma_semaphore, #tpu.memory_space<semaphore_mem>>) src(%dma_wait3A_1249 : memref<10000xi32, #tpu.memory_space<hbm>>) dst(%dma_wait3A_1244 : memref<128xi32, #tpu.memory_space<vmem>>)
    %dma_wait3A_1252 = arith.constant 0 : i32
    %dma_wait3A_1253 = arith.constant 3 : i32
    %dma_wait3A_1254 = arith.constant 0 : i32
    %dma_wait3A_1255 = arith.constant 3 : i32
    %dma_wait3A_1256 = arith.constant 0 : i32
    %dma_wait3A_1257 = arith.constant 0 : i32
    %dma_wait3A_1258 = tpu.memref_slice %arg9[%dma_wait3A_1254, %dma_wait3A_1255, %dma_wait3A_1257] : memref<2x8x128xi32, #tpu.memory_space<vmem>> -> memref<1x1x128xi32, #tpu.memory_space<vmem>>
    %dma_wait3A_1259 = tpu.memref_squeeze %dma_wait3A_1258 : memref<1x1x128xi32, #tpu.memory_space<vmem>> -> memref<128xi32, #tpu.memory_space<vmem>>
    %dma_wait3A_1260 = arith.constant 0 : i32
    %dma_wait3A_1261 = tpu.memref_slice %arg7[%dma_wait3A_1252, %dma_wait3A_1253, %dma_wait3A_1260] : memref<2x8x128xi32, #tpu.memory_space<vmem>> -> memref<1x1x128xi32, #tpu.memory_space<vmem>>
    %dma_wait3A_1262 = tpu.memref_squeeze %dma_wait3A_1261 : memref<1x1x128xi32, #tpu.memory_space<vmem>> -> memref<128xi32, #tpu.memory_space<vmem>>
    %dma_wait3A_1263 = arith.constant 0 : i32
    %dma_wait3A_1264 = tpu.memref_slice %arg3[%dma_wait3A_1263] : memref<10000xi32, #tpu.memory_space<hbm>> -> memref<10000xi32, #tpu.memory_space<hbm>>
    %dma_wait3A_1265 = tpu.memref_slice %arg17[%dma_wait3A_1256] : memref<2x!tpu.dma_semaphore, #tpu.memory_space<semaphore_mem>> -> memref<1x!tpu.dma_semaphore, #tpu.memory_space<semaphore_mem>>
    %dma_wait3A_1266 = tpu.memref_squeeze %dma_wait3A_1265 : memref<1x!tpu.dma_semaphore, #tpu.memory_space<semaphore_mem>> -> memref<!tpu.dma_semaphore, #tpu.memory_space<semaphore_mem>>
    tpu.wait_indirect_dma semaphore(%dma_wait3A_1266 : memref<!tpu.dma_semaphore, #tpu.memory_space<semaphore_mem>>) src(%dma_wait3A_1264 : memref<10000xi32, #tpu.memory_space<hbm>>) dst(%dma_wait3A_1259 : memref<128xi32, #tpu.memory_space<vmem>>)
    %dma_wait3A_1267 = arith.constant 0 : i32
    %dma_wait3A_1268 = arith.constant 4 : i32
    %dma_wait3A_1269 = arith.constant 0 : i32
    %dma_wait3A_1270 = arith.constant 4 : i32
    %dma_wait3A_1271 = arith.constant 0 : i32
    %dma_wait3A_1272 = arith.constant 0 : i32
    %dma_wait3A_1273 = tpu.memref_slice %arg9[%dma_wait3A_1269, %dma_wait3A_1270, %dma_wait3A_1272] : memref<2x8x128xi32, #tpu.memory_space<vmem>> -> memref<1x1x128xi32, #tpu.memory_space<vmem>>
    %dma_wait3A_1274 = tpu.memref_squeeze %dma_wait3A_1273 : memref<1x1x128xi32, #tpu.memory_space<vmem>> -> memref<128xi32, #tpu.memory_space<vmem>>
    %dma_wait3A_1275 = arith.constant 0 : i32
    %dma_wait3A_1276 = tpu.memref_slice %arg7[%dma_wait3A_1267, %dma_wait3A_1268, %dma_wait3A_1275] : memref<2x8x128xi32, #tpu.memory_space<vmem>> -> memref<1x1x128xi32, #tpu.memory_space<vmem>>
    %dma_wait3A_1277 = tpu.memref_squeeze %dma_wait3A_1276 : memref<1x1x128xi32, #tpu.memory_space<vmem>> -> memref<128xi32, #tpu.memory_space<vmem>>
    %dma_wait3A_1278 = arith.constant 0 : i32
    %dma_wait3A_1279 = tpu.memref_slice %arg3[%dma_wait3A_1278] : memref<10000xi32, #tpu.memory_space<hbm>> -> memref<10000xi32, #tpu.memory_space<hbm>>
    %dma_wait3A_1280 = tpu.memref_slice %arg17[%dma_wait3A_1271] : memref<2x!tpu.dma_semaphore, #tpu.memory_space<semaphore_mem>> -> memref<1x!tpu.dma_semaphore, #tpu.memory_space<semaphore_mem>>
    %dma_wait3A_1281 = tpu.memref_squeeze %dma_wait3A_1280 : memref<1x!tpu.dma_semaphore, #tpu.memory_space<semaphore_mem>> -> memref<!tpu.dma_semaphore, #tpu.memory_space<semaphore_mem>>
    tpu.wait_indirect_dma semaphore(%dma_wait3A_1281 : memref<!tpu.dma_semaphore, #tpu.memory_space<semaphore_mem>>) src(%dma_wait3A_1279 : memref<10000xi32, #tpu.memory_space<hbm>>) dst(%dma_wait3A_1274 : memref<128xi32, #tpu.memory_space<vmem>>)
    %dma_wait3A_1282 = arith.constant 0 : i32
    %dma_wait3A_1283 = arith.constant 5 : i32
    %dma_wait3A_1284 = arith.constant 0 : i32
    %dma_wait3A_1285 = arith.constant 5 : i32
    %dma_wait3A_1286 = arith.constant 0 : i32
    %dma_wait3A_1287 = arith.constant 0 : i32
    %dma_wait3A_1288 = tpu.memref_slice %arg9[%dma_wait3A_1284, %dma_wait3A_1285, %dma_wait3A_1287] : memref<2x8x128xi32, #tpu.memory_space<vmem>> -> memref<1x1x128xi32, #tpu.memory_space<vmem>>
    %dma_wait3A_1289 = tpu.memref_squeeze %dma_wait3A_1288 : memref<1x1x128xi32, #tpu.memory_space<vmem>> -> memref<128xi32, #tpu.memory_space<vmem>>
    %dma_wait3A_1290 = arith.constant 0 : i32
    %dma_wait3A_1291 = tpu.memref_slice %arg7[%dma_wait3A_1282, %dma_wait3A_1283, %dma_wait3A_1290] : memref<2x8x128xi32, #tpu.memory_space<vmem>> -> memref<1x1x128xi32, #tpu.memory_space<vmem>>
    %dma_wait3A_1292 = tpu.memref_squeeze %dma_wait3A_1291 : memref<1x1x128xi32, #tpu.memory_space<vmem>> -> memref<128xi32, #tpu.memory_space<vmem>>
    %dma_wait3A_1293 = arith.constant 0 : i32
    %dma_wait3A_1294 = tpu.memref_slice %arg3[%dma_wait3A_1293] : memref<10000xi32, #tpu.memory_space<hbm>> -> memref<10000xi32, #tpu.memory_space<hbm>>
    %dma_wait3A_1295 = tpu.memref_slice %arg17[%dma_wait3A_1286] : memref<2x!tpu.dma_semaphore, #tpu.memory_space<semaphore_mem>> -> memref<1x!tpu.dma_semaphore, #tpu.memory_space<semaphore_mem>>
    %dma_wait3A_1296 = tpu.memref_squeeze %dma_wait3A_1295 : memref<1x!tpu.dma_semaphore, #tpu.memory_space<semaphore_mem>> -> memref<!tpu.dma_semaphore, #tpu.memory_space<semaphore_mem>>
    tpu.wait_indirect_dma semaphore(%dma_wait3A_1296 : memref<!tpu.dma_semaphore, #tpu.memory_space<semaphore_mem>>) src(%dma_wait3A_1294 : memref<10000xi32, #tpu.memory_space<hbm>>) dst(%dma_wait3A_1289 : memref<128xi32, #tpu.memory_space<vmem>>)
    %dma_wait3A_1297 = arith.constant 0 : i32
    %dma_wait3A_1298 = arith.constant 6 : i32
    %dma_wait3A_1299 = arith.constant 0 : i32
    %dma_wait3A_1300 = arith.constant 6 : i32
    %dma_wait3A_1301 = arith.constant 0 : i32
    %dma_wait3A_1302 = arith.constant 0 : i32
    %dma_wait3A_1303 = tpu.memref_slice %arg9[%dma_wait3A_1299, %dma_wait3A_1300, %dma_wait3A_1302] : memref<2x8x128xi32, #tpu.memory_space<vmem>> -> memref<1x1x128xi32, #tpu.memory_space<vmem>>
    %dma_wait3A_1304 = tpu.memref_squeeze %dma_wait3A_1303 : memref<1x1x128xi32, #tpu.memory_space<vmem>> -> memref<128xi32, #tpu.memory_space<vmem>>
    %dma_wait3A_1305 = arith.constant 0 : i32
    %dma_wait3A_1306 = tpu.memref_slice %arg7[%dma_wait3A_1297, %dma_wait3A_1298, %dma_wait3A_1305] : memref<2x8x128xi32, #tpu.memory_space<vmem>> -> memref<1x1x128xi32, #tpu.memory_space<vmem>>
    %dma_wait3A_1307 = tpu.memref_squeeze %dma_wait3A_1306 : memref<1x1x128xi32, #tpu.memory_space<vmem>> -> memref<128xi32, #tpu.memory_space<vmem>>
    %dma_wait3A_1308 = arith.constant 0 : i32
    %dma_wait3A_1309 = tpu.memref_slice %arg3[%dma_wait3A_1308] : memref<10000xi32, #tpu.memory_space<hbm>> -> memref<10000xi32, #tpu.memory_space<hbm>>
    %dma_wait3A_1310 = tpu.memref_slice %arg17[%dma_wait3A_1301] : memref<2x!tpu.dma_semaphore, #tpu.memory_space<semaphore_mem>> -> memref<1x!tpu.dma_semaphore, #tpu.memory_space<semaphore_mem>>
    %dma_wait3A_1311 = tpu.memref_squeeze %dma_wait3A_1310 : memref<1x!tpu.dma_semaphore, #tpu.memory_space<semaphore_mem>> -> memref<!tpu.dma_semaphore, #tpu.memory_space<semaphore_mem>>
    tpu.wait_indirect_dma semaphore(%dma_wait3A_1311 : memref<!tpu.dma_semaphore, #tpu.memory_space<semaphore_mem>>) src(%dma_wait3A_1309 : memref<10000xi32, #tpu.memory_space<hbm>>) dst(%dma_wait3A_1304 : memref<128xi32, #tpu.memory_space<vmem>>)
    %dma_wait3A_1312 = arith.constant 0 : i32
    %dma_wait3A_1313 = arith.constant 7 : i32
    %dma_wait3A_1314 = arith.constant 0 : i32
    %dma_wait3A_1315 = arith.constant 7 : i32
    %dma_wait3A_1316 = arith.constant 0 : i32
    %dma_wait3A_1317 = arith.constant 0 : i32
    %dma_wait3A_1318 = tpu.memref_slice %arg9[%dma_wait3A_1314, %dma_wait3A_1315, %dma_wait3A_1317] : memref<2x8x128xi32, #tpu.memory_space<vmem>> -> memref<1x1x128xi32, #tpu.memory_space<vmem>>
    %dma_wait3A_1319 = tpu.memref_squeeze %dma_wait3A_1318 : memref<1x1x128xi32, #tpu.memory_space<vmem>> -> memref<128xi32, #tpu.memory_space<vmem>>
    %dma_wait3A_1320 = arith.constant 0 : i32
    %dma_wait3A_1321 = tpu.memref_slice %arg7[%dma_wait3A_1312, %dma_wait3A_1313, %dma_wait3A_1320] : memref<2x8x128xi32, #tpu.memory_space<vmem>> -> memref<1x1x128xi32, #tpu.memory_space<vmem>>
    %dma_wait3A_1322 = tpu.memref_squeeze %dma_wait3A_1321 : memref<1x1x128xi32, #tpu.memory_space<vmem>> -> memref<128xi32, #tpu.memory_space<vmem>>
    %dma_wait3A_1323 = arith.constant 0 : i32
    %dma_wait3A_1324 = tpu.memref_slice %arg3[%dma_wait3A_1323] : memref<10000xi32, #tpu.memory_space<hbm>> -> memref<10000xi32, #tpu.memory_space<hbm>>
    %dma_wait3A_1325 = tpu.memref_slice %arg17[%dma_wait3A_1316] : memref<2x!tpu.dma_semaphore, #tpu.memory_space<semaphore_mem>> -> memref<1x!tpu.dma_semaphore, #tpu.memory_space<semaphore_mem>>
    %dma_wait3A_1326 = tpu.memref_squeeze %dma_wait3A_1325 : memref<1x!tpu.dma_semaphore, #tpu.memory_space<semaphore_mem>> -> memref<!tpu.dma_semaphore, #tpu.memory_space<semaphore_mem>>
    tpu.wait_indirect_dma semaphore(%dma_wait3A_1326 : memref<!tpu.dma_semaphore, #tpu.memory_space<semaphore_mem>>) src(%dma_wait3A_1324 : memref<10000xi32, #tpu.memory_space<hbm>>) dst(%dma_wait3A_1319 : memref<128xi32, #tpu.memory_space<vmem>>)
    %scan3A_1327 = arith.constant 0 : i32
    %scan3A_1328 = arith.constant 0 : i32
    %scan3A_1329 = arith.constant 5 : i32
    %scan3A_1330 = arith.addi %scan3A_1328, %scan3A_1329 : i32
    %scan3A_1331 = arith.constant 1 : i32
    scf.for %scan3A_1334 = %scan3A_1328 to %scan3A_1330 step %scan3A_1331  : i32 {
      %mul3A_1335 = arith.constant 2 : i32
      %mul3A_1336 = arith.muli %mul3A_1335, %scan3A_1334 : i32
      %add3A_1337 = arith.constant 1 : i32
      %add3A_1338 = arith.addi %mul3A_1336, %add3A_1337 : i32
      %mul3A_1339 = arith.constant 8 : i32
      %mul3A_1340 = arith.muli %add3A_1338, %mul3A_1339 : i32
      %add3A_1341 = arith.addi %mul3A_4, %mul3A_1340 : i32
      %add3A_1342 = arith.constant 72 : i32
      %add3A_1343 = arith.addi %mul3A_4, %add3A_1342 : i32
      %min3A = arith.minsi %add3A_1341, %add3A_1343 : i32
      %dma_start3A_1344 = arith.constant 0 : i32
      %dma_start3A_1345 = arith.constant 1 : i32
      %dma_start3A_1346 = arith.constant 0 : i32
      %dma_start3A_1347 = arith.constant 0 : i32
      %dma_start3A_1348 = tpu.memref_slice %arg7[%dma_start3A_1345, %dma_start3A_1346, %dma_start3A_1347] : memref<2x8x128xi32, #tpu.memory_space<vmem>> -> memref<1x8x128xi32, #tpu.memory_space<vmem>>
      %dma_start3A_1349 = tpu.memref_squeeze %dma_start3A_1348 : memref<1x8x128xi32, #tpu.memory_space<vmem>> -> memref<8x128xi32, #tpu.memory_space<vmem>>
      %dma_start3A_1350 = arith.constant 0 : i32
      %dma_start3A_1351 = tpu.memref_slice %arg2[%dma_start3A_1344, %min3A, %dma_start3A_1350] : memref<2x2560x128xi32, #tpu.memory_space<hbm>> -> memref<1x8x128xi32, #tpu.memory_space<hbm>>
      %dma_start3A_1352 = tpu.memref_squeeze %dma_start3A_1351 : memref<1x8x128xi32, #tpu.memory_space<hbm>> -> memref<8x128xi32, #tpu.memory_space<hbm>>
      %dma_start3A_1353 = arith.constant 0 : i32
      %dma_start3A_1354 = arith.constant 0 : i32
      %dma_start3A_1355 = tpu.memref_slice %arg7[%dma_start3A_1345, %dma_start3A_1353, %dma_start3A_1354] : memref<2x8x128xi32, #tpu.memory_space<vmem>> -> memref<1x8x128xi32, #tpu.memory_space<vmem>>
      %dma_start3A_1356 = tpu.memref_squeeze %dma_start3A_1355 : memref<1x8x128xi32, #tpu.memory_space<vmem>> -> memref<8x128xi32, #tpu.memory_space<vmem>>
      %dma_start3A_1357 = arith.constant 0 : i32
      %dma_start3A_1358 = tpu.memref_slice %arg2[%dma_start3A_1344, %min3A, %dma_start3A_1357] : memref<2x2560x128xi32, #tpu.memory_space<hbm>> -> memref<1x8x128xi32, #tpu.memory_space<hbm>>
      %dma_start3A_1359 = tpu.memref_squeeze %dma_start3A_1358 : memref<1x8x128xi32, #tpu.memory_space<hbm>> -> memref<8x128xi32, #tpu.memory_space<hbm>>
      tpu.enqueue_dma source(%dma_start3A_1359 : memref<8x128xi32, #tpu.memory_space<hbm>>) target(%dma_start3A_1356 : memref<8x128xi32, #tpu.memory_space<vmem>>) target_semaphore(%arg16 : memref<!tpu.dma_semaphore, #tpu.memory_space<semaphore_mem>>)
      %dma_start3A_1360 = arith.constant 1 : i32
      %dma_start3A_1361 = arith.constant 1 : i32
      %dma_start3A_1362 = arith.constant 0 : i32
      %dma_start3A_1363 = arith.constant 0 : i32
      %dma_start3A_1364 = tpu.memref_slice %arg8[%dma_start3A_1361, %dma_start3A_1362, %dma_start3A_1363] : memref<2x8x128xi32, #tpu.memory_space<vmem>> -> memref<1x8x128xi32, #tpu.memory_space<vmem>>
      %dma_start3A_1365 = tpu.memref_squeeze %dma_start3A_1364 : memref<1x8x128xi32, #tpu.memory_space<vmem>> -> memref<8x128xi32, #tpu.memory_space<vmem>>
      %dma_start3A_1366 = arith.constant 0 : i32
      %dma_start3A_1367 = tpu.memref_slice %arg2[%dma_start3A_1360, %min3A, %dma_start3A_1366] : memref<2x2560x128xi32, #tpu.memory_space<hbm>> -> memref<1x8x128xi32, #tpu.memory_space<hbm>>
      %dma_start3A_1368 = tpu.memref_squeeze %dma_start3A_1367 : memref<1x8x128xi32, #tpu.memory_space<hbm>> -> memref<8x128xi32, #tpu.memory_space<hbm>>
      %dma_start3A_1369 = arith.constant 0 : i32
      %dma_start3A_1370 = arith.constant 0 : i32
      %dma_start3A_1371 = tpu.memref_slice %arg8[%dma_start3A_1361, %dma_start3A_1369, %dma_start3A_1370] : memref<2x8x128xi32, #tpu.memory_space<vmem>> -> memref<1x8x128xi32, #tpu.memory_space<vmem>>
      %dma_start3A_1372 = tpu.memref_squeeze %dma_start3A_1371 : memref<1x8x128xi32, #tpu.memory_space<vmem>> -> memref<8x128xi32, #tpu.memory_space<vmem>>
      %dma_start3A_1373 = arith.constant 0 : i32
      %dma_start3A_1374 = tpu.memref_slice %arg2[%dma_start3A_1360, %min3A, %dma_start3A_1373] : memref<2x2560x128xi32, #tpu.memory_space<hbm>> -> memref<1x8x128xi32, #tpu.memory_space<hbm>>
      %dma_start3A_1375 = tpu.memref_squeeze %dma_start3A_1374 : memref<1x8x128xi32, #tpu.memory_space<hbm>> -> memref<8x128xi32, #tpu.memory_space<hbm>>
      tpu.enqueue_dma source(%dma_start3A_1375 : memref<8x128xi32, #tpu.memory_space<hbm>>) target(%dma_start3A_1372 : memref<8x128xi32, #tpu.memory_space<vmem>>) target_semaphore(%arg16 : memref<!tpu.dma_semaphore, #tpu.memory_space<semaphore_mem>>)
      %dma_wait3A_1376 = arith.constant 0 : i32
      %dma_wait3A_1377 = arith.constant 1 : i32
      %dma_wait3A_1378 = arith.constant 0 : i32
      %dma_wait3A_1379 = arith.constant 0 : i32
      %dma_wait3A_1380 = tpu.memref_slice %arg7[%dma_wait3A_1377, %dma_wait3A_1378, %dma_wait3A_1379] : memref<2x8x128xi32, #tpu.memory_space<vmem>> -> memref<1x8x128xi32, #tpu.memory_space<vmem>>
      %dma_wait3A_1381 = tpu.memref_squeeze %dma_wait3A_1380 : memref<1x8x128xi32, #tpu.memory_space<vmem>> -> memref<8x128xi32, #tpu.memory_space<vmem>>
      %dma_wait3A_1382 = arith.constant 0 : i32
      %dma_wait3A_1383 = tpu.memref_slice %arg2[%dma_wait3A_1376, %min3A, %dma_wait3A_1382] : memref<2x2560x128xi32, #tpu.memory_space<hbm>> -> memref<1x8x128xi32, #tpu.memory_space<hbm>>
      %dma_wait3A_1384 = tpu.memref_squeeze %dma_wait3A_1383 : memref<1x8x128xi32, #tpu.memory_space<hbm>> -> memref<8x128xi32, #tpu.memory_space<hbm>>
      %dma_wait3A_1385 = arith.constant 0 : i32
      %dma_wait3A_1386 = arith.constant 0 : i32
      %dma_wait3A_1387 = tpu.memref_slice %arg7[%dma_wait3A_1377, %dma_wait3A_1385, %dma_wait3A_1386] : memref<2x8x128xi32, #tpu.memory_space<vmem>> -> memref<1x8x128xi32, #tpu.memory_space<vmem>>
      %dma_wait3A_1388 = tpu.memref_squeeze %dma_wait3A_1387 : memref<1x8x128xi32, #tpu.memory_space<vmem>> -> memref<8x128xi32, #tpu.memory_space<vmem>>
      %dma_wait3A_1389 = arith.constant 0 : i32
      %dma_wait3A_1390 = tpu.memref_slice %arg2[%dma_wait3A_1376, %min3A, %dma_wait3A_1389] : memref<2x2560x128xi32, #tpu.memory_space<hbm>> -> memref<1x8x128xi32, #tpu.memory_space<hbm>>
      %dma_wait3A_1391 = tpu.memref_squeeze %dma_wait3A_1390 : memref<1x8x128xi32, #tpu.memory_space<hbm>> -> memref<8x128xi32, #tpu.memory_space<hbm>>
      tpu.wait_dma2 semaphore(%arg16 : memref<!tpu.dma_semaphore, #tpu.memory_space<semaphore_mem>>) src(%dma_wait3A_1391 : memref<8x128xi32, #tpu.memory_space<hbm>>) dst(%dma_wait3A_1388 : memref<8x128xi32, #tpu.memory_space<vmem>>)
      %dma_wait3A_1392 = arith.constant 1 : i32
      %dma_wait3A_1393 = arith.constant 1 : i32
      %dma_wait3A_1394 = arith.constant 0 : i32
      %dma_wait3A_1395 = arith.constant 0 : i32
      %dma_wait3A_1396 = tpu.memref_slice %arg8[%dma_wait3A_1393, %dma_wait3A_1394, %dma_wait3A_1395] : memref<2x8x128xi32, #tpu.memory_space<vmem>> -> memref<1x8x128xi32, #tpu.memory_space<vmem>>
      %dma_wait3A_1397 = tpu.memref_squeeze %dma_wait3A_1396 : memref<1x8x128xi32, #tpu.memory_space<vmem>> -> memref<8x128xi32, #tpu.memory_space<vmem>>
      %dma_wait3A_1398 = arith.constant 0 : i32
      %dma_wait3A_1399 = tpu.memref_slice %arg2[%dma_wait3A_1392, %min3A, %dma_wait3A_1398] : memref<2x2560x128xi32, #tpu.memory_space<hbm>> -> memref<1x8x128xi32, #tpu.memory_space<hbm>>
      %dma_wait3A_1400 = tpu.memref_squeeze %dma_wait3A_1399 : memref<1x8x128xi32, #tpu.memory_space<hbm>> -> memref<8x128xi32, #tpu.memory_space<hbm>>
      %dma_wait3A_1401 = arith.constant 0 : i32
      %dma_wait3A_1402 = arith.constant 0 : i32
      %dma_wait3A_1403 = tpu.memref_slice %arg8[%dma_wait3A_1393, %dma_wait3A_1401, %dma_wait3A_1402] : memref<2x8x128xi32, #tpu.memory_space<vmem>> -> memref<1x8x128xi32, #tpu.memory_space<vmem>>
      %dma_wait3A_1404 = tpu.memref_squeeze %dma_wait3A_1403 : memref<1x8x128xi32, #tpu.memory_space<vmem>> -> memref<8x128xi32, #tpu.memory_space<vmem>>
      %dma_wait3A_1405 = arith.constant 0 : i32
      %dma_wait3A_1406 = tpu.memref_slice %arg2[%dma_wait3A_1392, %min3A, %dma_wait3A_1405] : memref<2x2560x128xi32, #tpu.memory_space<hbm>> -> memref<1x8x128xi32, #tpu.memory_space<hbm>>
      %dma_wait3A_1407 = tpu.memref_squeeze %dma_wait3A_1406 : memref<1x8x128xi32, #tpu.memory_space<hbm>> -> memref<8x128xi32, #tpu.memory_space<hbm>>
      tpu.wait_dma2 semaphore(%arg16 : memref<!tpu.dma_semaphore, #tpu.memory_space<semaphore_mem>>) src(%dma_wait3A_1407 : memref<8x128xi32, #tpu.memory_space<hbm>>) dst(%dma_wait3A_1404 : memref<8x128xi32, #tpu.memory_space<vmem>>)
      %dma_start3A_1408 = arith.constant 1 : i32
      %dma_start3A_1409 = arith.constant 0 : i32
      %dma_start3A_1410 = arith.constant 1 : i32
      %dma_start3A_1411 = arith.constant 0 : i32
      %dma_start3A_1412 = arith.constant 1 : i32
      %dma_start3A_1413 = arith.constant 0 : i32
      %dma_start3A_1414 = tpu.memref_slice %arg9[%dma_start3A_1410, %dma_start3A_1411, %dma_start3A_1413] : memref<2x8x128xi32, #tpu.memory_space<vmem>> -> memref<1x1x128xi32, #tpu.memory_space<vmem>>
      %dma_start3A_1415 = tpu.memref_squeeze %dma_start3A_1414 : memref<1x1x128xi32, #tpu.memory_space<vmem>> -> memref<128xi32, #tpu.memory_space<vmem>>
      %dma_start3A_1416 = arith.constant 0 : i32
      %dma_start3A_1417 = tpu.memref_slice %arg7[%dma_start3A_1408, %dma_start3A_1409, %dma_start3A_1416] : memref<2x8x128xi32, #tpu.memory_space<vmem>> -> memref<1x1x128xi32, #tpu.memory_space<vmem>>
      %dma_start3A_1418 = tpu.memref_squeeze %dma_start3A_1417 : memref<1x1x128xi32, #tpu.memory_space<vmem>> -> memref<128xi32, #tpu.memory_space<vmem>>
      %dma_start3A_1419 = arith.constant 0 : i32
      %dma_start3A_1420 = tpu.memref_slice %arg3[%dma_start3A_1419] : memref<10000xi32, #tpu.memory_space<hbm>> -> memref<10000xi32, #tpu.memory_space<hbm>>
      %dma_start3A_1421 = tpu.memref_slice %arg17[%dma_start3A_1412] : memref<2x!tpu.dma_semaphore, #tpu.memory_space<semaphore_mem>> -> memref<1x!tpu.dma_semaphore, #tpu.memory_space<semaphore_mem>>
      %dma_start3A_1422 = tpu.memref_squeeze %dma_start3A_1421 : memref<1x!tpu.dma_semaphore, #tpu.memory_space<semaphore_mem>> -> memref<!tpu.dma_semaphore, #tpu.memory_space<semaphore_mem>>
      tpu.enqueue_indirect_dma source(%dma_start3A_1420 : memref<10000xi32, #tpu.memory_space<hbm>>) target(%dma_start3A_1415 : memref<128xi32, #tpu.memory_space<vmem>>) offsets(%dma_start3A_1418 : memref<128xi32, #tpu.memory_space<vmem>>) semaphore(%dma_start3A_1422 : memref<!tpu.dma_semaphore, #tpu.memory_space<semaphore_mem>>)
      %dma_start3A_1423 = arith.constant 1 : i32
      %dma_start3A_1424 = arith.constant 1 : i32
      %dma_start3A_1425 = arith.constant 1 : i32
      %dma_start3A_1426 = arith.constant 1 : i32
      %dma_start3A_1427 = arith.constant 1 : i32
      %dma_start3A_1428 = arith.constant 0 : i32
      %dma_start3A_1429 = tpu.memref_slice %arg9[%dma_start3A_1425, %dma_start3A_1426, %dma_start3A_1428] : memref<2x8x128xi32, #tpu.memory_space<vmem>> -> memref<1x1x128xi32, #tpu.memory_space<vmem>>
      %dma_start3A_1430 = tpu.memref_squeeze %dma_start3A_1429 : memref<1x1x128xi32, #tpu.memory_space<vmem>> -> memref<128xi32, #tpu.memory_space<vmem>>
      %dma_start3A_1431 = arith.constant 0 : i32
      %dma_start3A_1432 = tpu.memref_slice %arg7[%dma_start3A_1423, %dma_start3A_1424, %dma_start3A_1431] : memref<2x8x128xi32, #tpu.memory_space<vmem>> -> memref<1x1x128xi32, #tpu.memory_space<vmem>>
      %dma_start3A_1433 = tpu.memref_squeeze %dma_start3A_1432 : memref<1x1x128xi32, #tpu.memory_space<vmem>> -> memref<128xi32, #tpu.memory_space<vmem>>
      %dma_start3A_1434 = arith.constant 0 : i32
      %dma_start3A_1435 = tpu.memref_slice %arg3[%dma_start3A_1434] : memref<10000xi32, #tpu.memory_space<hbm>> -> memref<10000xi32, #tpu.memory_space<hbm>>
      %dma_start3A_1436 = tpu.memref_slice %arg17[%dma_start3A_1427] : memref<2x!tpu.dma_semaphore, #tpu.memory_space<semaphore_mem>> -> memref<1x!tpu.dma_semaphore, #tpu.memory_space<semaphore_mem>>
      %dma_start3A_1437 = tpu.memref_squeeze %dma_start3A_1436 : memref<1x!tpu.dma_semaphore, #tpu.memory_space<semaphore_mem>> -> memref<!tpu.dma_semaphore, #tpu.memory_space<semaphore_mem>>
      tpu.enqueue_indirect_dma source(%dma_start3A_1435 : memref<10000xi32, #tpu.memory_space<hbm>>) target(%dma_start3A_1430 : memref<128xi32, #tpu.memory_space<vmem>>) offsets(%dma_start3A_1433 : memref<128xi32, #tpu.memory_space<vmem>>) semaphore(%dma_start3A_1437 : memref<!tpu.dma_semaphore, #tpu.memory_space<semaphore_mem>>)
      %dma_start3A_1438 = arith.constant 1 : i32
      %dma_start3A_1439 = arith.constant 2 : i32
      %dma_start3A_1440 = arith.constant 1 : i32
      %dma_start3A_1441 = arith.constant 2 : i32
      %dma_start3A_1442 = arith.constant 1 : i32
      %dma_start3A_1443 = arith.constant 0 : i32
      %dma_start3A_1444 = tpu.memref_slice %arg9[%dma_start3A_1440, %dma_start3A_1441, %dma_start3A_1443] : memref<2x8x128xi32, #tpu.memory_space<vmem>> -> memref<1x1x128xi32, #tpu.memory_space<vmem>>
      %dma_start3A_1445 = tpu.memref_squeeze %dma_start3A_1444 : memref<1x1x128xi32, #tpu.memory_space<vmem>> -> memref<128xi32, #tpu.memory_space<vmem>>
      %dma_start3A_1446 = arith.constant 0 : i32
      %dma_start3A_1447 = tpu.memref_slice %arg7[%dma_start3A_1438, %dma_start3A_1439, %dma_start3A_1446] : memref<2x8x128xi32, #tpu.memory_space<vmem>> -> memref<1x1x128xi32, #tpu.memory_space<vmem>>
      %dma_start3A_1448 = tpu.memref_squeeze %dma_start3A_1447 : memref<1x1x128xi32, #tpu.memory_space<vmem>> -> memref<128xi32, #tpu.memory_space<vmem>>
      %dma_start3A_1449 = arith.constant 0 : i32
      %dma_start3A_1450 = tpu.memref_slice %arg3[%dma_start3A_1449] : memref<10000xi32, #tpu.memory_space<hbm>> -> memref<10000xi32, #tpu.memory_space<hbm>>
      %dma_start3A_1451 = tpu.memref_slice %arg17[%dma_start3A_1442] : memref<2x!tpu.dma_semaphore, #tpu.memory_space<semaphore_mem>> -> memref<1x!tpu.dma_semaphore, #tpu.memory_space<semaphore_mem>>
      %dma_start3A_1452 = tpu.memref_squeeze %dma_start3A_1451 : memref<1x!tpu.dma_semaphore, #tpu.memory_space<semaphore_mem>> -> memref<!tpu.dma_semaphore, #tpu.memory_space<semaphore_mem>>
      tpu.enqueue_indirect_dma source(%dma_start3A_1450 : memref<10000xi32, #tpu.memory_space<hbm>>) target(%dma_start3A_1445 : memref<128xi32, #tpu.memory_space<vmem>>) offsets(%dma_start3A_1448 : memref<128xi32, #tpu.memory_space<vmem>>) semaphore(%dma_start3A_1452 : memref<!tpu.dma_semaphore, #tpu.memory_space<semaphore_mem>>)
      %dma_start3A_1453 = arith.constant 1 : i32
      %dma_start3A_1454 = arith.constant 3 : i32
      %dma_start3A_1455 = arith.constant 1 : i32
      %dma_start3A_1456 = arith.constant 3 : i32
      %dma_start3A_1457 = arith.constant 1 : i32
      %dma_start3A_1458 = arith.constant 0 : i32
      %dma_start3A_1459 = tpu.memref_slice %arg9[%dma_start3A_1455, %dma_start3A_1456, %dma_start3A_1458] : memref<2x8x128xi32, #tpu.memory_space<vmem>> -> memref<1x1x128xi32, #tpu.memory_space<vmem>>
      %dma_start3A_1460 = tpu.memref_squeeze %dma_start3A_1459 : memref<1x1x128xi32, #tpu.memory_space<vmem>> -> memref<128xi32, #tpu.memory_space<vmem>>
      %dma_start3A_1461 = arith.constant 0 : i32
      %dma_start3A_1462 = tpu.memref_slice %arg7[%dma_start3A_1453, %dma_start3A_1454, %dma_start3A_1461] : memref<2x8x128xi32, #tpu.memory_space<vmem>> -> memref<1x1x128xi32, #tpu.memory_space<vmem>>
      %dma_start3A_1463 = tpu.memref_squeeze %dma_start3A_1462 : memref<1x1x128xi32, #tpu.memory_space<vmem>> -> memref<128xi32, #tpu.memory_space<vmem>>
      %dma_start3A_1464 = arith.constant 0 : i32
      %dma_start3A_1465 = tpu.memref_slice %arg3[%dma_start3A_1464] : memref<10000xi32, #tpu.memory_space<hbm>> -> memref<10000xi32, #tpu.memory_space<hbm>>
      %dma_start3A_1466 = tpu.memref_slice %arg17[%dma_start3A_1457] : memref<2x!tpu.dma_semaphore, #tpu.memory_space<semaphore_mem>> -> memref<1x!tpu.dma_semaphore, #tpu.memory_space<semaphore_mem>>
      %dma_start3A_1467 = tpu.memref_squeeze %dma_start3A_1466 : memref<1x!tpu.dma_semaphore, #tpu.memory_space<semaphore_mem>> -> memref<!tpu.dma_semaphore, #tpu.memory_space<semaphore_mem>>
      tpu.enqueue_indirect_dma source(%dma_start3A_1465 : memref<10000xi32, #tpu.memory_space<hbm>>) target(%dma_start3A_1460 : memref<128xi32, #tpu.memory_space<vmem>>) offsets(%dma_start3A_1463 : memref<128xi32, #tpu.memory_space<vmem>>) semaphore(%dma_start3A_1467 : memref<!tpu.dma_semaphore, #tpu.memory_space<semaphore_mem>>)
      %dma_start3A_1468 = arith.constant 1 : i32
      %dma_start3A_1469 = arith.constant 4 : i32
      %dma_start3A_1470 = arith.constant 1 : i32
      %dma_start3A_1471 = arith.constant 4 : i32
      %dma_start3A_1472 = arith.constant 1 : i32
      %dma_start3A_1473 = arith.constant 0 : i32
      %dma_start3A_1474 = tpu.memref_slice %arg9[%dma_start3A_1470, %dma_start3A_1471, %dma_start3A_1473] : memref<2x8x128xi32, #tpu.memory_space<vmem>> -> memref<1x1x128xi32, #tpu.memory_space<vmem>>
      %dma_start3A_1475 = tpu.memref_squeeze %dma_start3A_1474 : memref<1x1x128xi32, #tpu.memory_space<vmem>> -> memref<128xi32, #tpu.memory_space<vmem>>
      %dma_start3A_1476 = arith.constant 0 : i32
      %dma_start3A_1477 = tpu.memref_slice %arg7[%dma_start3A_1468, %dma_start3A_1469, %dma_start3A_1476] : memref<2x8x128xi32, #tpu.memory_space<vmem>> -> memref<1x1x128xi32, #tpu.memory_space<vmem>>
      %dma_start3A_1478 = tpu.memref_squeeze %dma_start3A_1477 : memref<1x1x128xi32, #tpu.memory_space<vmem>> -> memref<128xi32, #tpu.memory_space<vmem>>
      %dma_start3A_1479 = arith.constant 0 : i32
      %dma_start3A_1480 = tpu.memref_slice %arg3[%dma_start3A_1479] : memref<10000xi32, #tpu.memory_space<hbm>> -> memref<10000xi32, #tpu.memory_space<hbm>>
      %dma_start3A_1481 = tpu.memref_slice %arg17[%dma_start3A_1472] : memref<2x!tpu.dma_semaphore, #tpu.memory_space<semaphore_mem>> -> memref<1x!tpu.dma_semaphore, #tpu.memory_space<semaphore_mem>>
      %dma_start3A_1482 = tpu.memref_squeeze %dma_start3A_1481 : memref<1x!tpu.dma_semaphore, #tpu.memory_space<semaphore_mem>> -> memref<!tpu.dma_semaphore, #tpu.memory_space<semaphore_mem>>
      tpu.enqueue_indirect_dma source(%dma_start3A_1480 : memref<10000xi32, #tpu.memory_space<hbm>>) target(%dma_start3A_1475 : memref<128xi32, #tpu.memory_space<vmem>>) offsets(%dma_start3A_1478 : memref<128xi32, #tpu.memory_space<vmem>>) semaphore(%dma_start3A_1482 : memref<!tpu.dma_semaphore, #tpu.memory_space<semaphore_mem>>)
      %dma_start3A_1483 = arith.constant 1 : i32
      %dma_start3A_1484 = arith.constant 5 : i32
      %dma_start3A_1485 = arith.constant 1 : i32
      %dma_start3A_1486 = arith.constant 5 : i32
      %dma_start3A_1487 = arith.constant 1 : i32
      %dma_start3A_1488 = arith.constant 0 : i32
      %dma_start3A_1489 = tpu.memref_slice %arg9[%dma_start3A_1485, %dma_start3A_1486, %dma_start3A_1488] : memref<2x8x128xi32, #tpu.memory_space<vmem>> -> memref<1x1x128xi32, #tpu.memory_space<vmem>>
      %dma_start3A_1490 = tpu.memref_squeeze %dma_start3A_1489 : memref<1x1x128xi32, #tpu.memory_space<vmem>> -> memref<128xi32, #tpu.memory_space<vmem>>
      %dma_start3A_1491 = arith.constant 0 : i32
      %dma_start3A_1492 = tpu.memref_slice %arg7[%dma_start3A_1483, %dma_start3A_1484, %dma_start3A_1491] : memref<2x8x128xi32, #tpu.memory_space<vmem>> -> memref<1x1x128xi32, #tpu.memory_space<vmem>>
      %dma_start3A_1493 = tpu.memref_squeeze %dma_start3A_1492 : memref<1x1x128xi32, #tpu.memory_space<vmem>> -> memref<128xi32, #tpu.memory_space<vmem>>
      %dma_start3A_1494 = arith.constant 0 : i32
      %dma_start3A_1495 = tpu.memref_slice %arg3[%dma_start3A_1494] : memref<10000xi32, #tpu.memory_space<hbm>> -> memref<10000xi32, #tpu.memory_space<hbm>>
      %dma_start3A_1496 = tpu.memref_slice %arg17[%dma_start3A_1487] : memref<2x!tpu.dma_semaphore, #tpu.memory_space<semaphore_mem>> -> memref<1x!tpu.dma_semaphore, #tpu.memory_space<semaphore_mem>>
      %dma_start3A_1497 = tpu.memref_squeeze %dma_start3A_1496 : memref<1x!tpu.dma_semaphore, #tpu.memory_space<semaphore_mem>> -> memref<!tpu.dma_semaphore, #tpu.memory_space<semaphore_mem>>
      tpu.enqueue_indirect_dma source(%dma_start3A_1495 : memref<10000xi32, #tpu.memory_space<hbm>>) target(%dma_start3A_1490 : memref<128xi32, #tpu.memory_space<vmem>>) offsets(%dma_start3A_1493 : memref<128xi32, #tpu.memory_space<vmem>>) semaphore(%dma_start3A_1497 : memref<!tpu.dma_semaphore, #tpu.memory_space<semaphore_mem>>)
      %dma_start3A_1498 = arith.constant 1 : i32
      %dma_start3A_1499 = arith.constant 6 : i32
      %dma_start3A_1500 = arith.constant 1 : i32
      %dma_start3A_1501 = arith.constant 6 : i32
      %dma_start3A_1502 = arith.constant 1 : i32
      %dma_start3A_1503 = arith.constant 0 : i32
      %dma_start3A_1504 = tpu.memref_slice %arg9[%dma_start3A_1500, %dma_start3A_1501, %dma_start3A_1503] : memref<2x8x128xi32, #tpu.memory_space<vmem>> -> memref<1x1x128xi32, #tpu.memory_space<vmem>>
      %dma_start3A_1505 = tpu.memref_squeeze %dma_start3A_1504 : memref<1x1x128xi32, #tpu.memory_space<vmem>> -> memref<128xi32, #tpu.memory_space<vmem>>
      %dma_start3A_1506 = arith.constant 0 : i32
      %dma_start3A_1507 = tpu.memref_slice %arg7[%dma_start3A_1498, %dma_start3A_1499, %dma_start3A_1506] : memref<2x8x128xi32, #tpu.memory_space<vmem>> -> memref<1x1x128xi32, #tpu.memory_space<vmem>>
      %dma_start3A_1508 = tpu.memref_squeeze %dma_start3A_1507 : memref<1x1x128xi32, #tpu.memory_space<vmem>> -> memref<128xi32, #tpu.memory_space<vmem>>
      %dma_start3A_1509 = arith.constant 0 : i32
      %dma_start3A_1510 = tpu.memref_slice %arg3[%dma_start3A_1509] : memref<10000xi32, #tpu.memory_space<hbm>> -> memref<10000xi32, #tpu.memory_space<hbm>>
      %dma_start3A_1511 = tpu.memref_slice %arg17[%dma_start3A_1502] : memref<2x!tpu.dma_semaphore, #tpu.memory_space<semaphore_mem>> -> memref<1x!tpu.dma_semaphore, #tpu.memory_space<semaphore_mem>>
      %dma_start3A_1512 = tpu.memref_squeeze %dma_start3A_1511 : memref<1x!tpu.dma_semaphore, #tpu.memory_space<semaphore_mem>> -> memref<!tpu.dma_semaphore, #tpu.memory_space<semaphore_mem>>
      tpu.enqueue_indirect_dma source(%dma_start3A_1510 : memref<10000xi32, #tpu.memory_space<hbm>>) target(%dma_start3A_1505 : memref<128xi32, #tpu.memory_space<vmem>>) offsets(%dma_start3A_1508 : memref<128xi32, #tpu.memory_space<vmem>>) semaphore(%dma_start3A_1512 : memref<!tpu.dma_semaphore, #tpu.memory_space<semaphore_mem>>)
      %dma_start3A_1513 = arith.constant 1 : i32
      %dma_start3A_1514 = arith.constant 7 : i32
      %dma_start3A_1515 = arith.constant 1 : i32
      %dma_start3A_1516 = arith.constant 7 : i32
      %dma_start3A_1517 = arith.constant 1 : i32
      %dma_start3A_1518 = arith.constant 0 : i32
      %dma_start3A_1519 = tpu.memref_slice %arg9[%dma_start3A_1515, %dma_start3A_1516, %dma_start3A_1518] : memref<2x8x128xi32, #tpu.memory_space<vmem>> -> memref<1x1x128xi32, #tpu.memory_space<vmem>>
      %dma_start3A_1520 = tpu.memref_squeeze %dma_start3A_1519 : memref<1x1x128xi32, #tpu.memory_space<vmem>> -> memref<128xi32, #tpu.memory_space<vmem>>
      %dma_start3A_1521 = arith.constant 0 : i32
      %dma_start3A_1522 = tpu.memref_slice %arg7[%dma_start3A_1513, %dma_start3A_1514, %dma_start3A_1521] : memref<2x8x128xi32, #tpu.memory_space<vmem>> -> memref<1x1x128xi32, #tpu.memory_space<vmem>>
      %dma_start3A_1523 = tpu.memref_squeeze %dma_start3A_1522 : memref<1x1x128xi32, #tpu.memory_space<vmem>> -> memref<128xi32, #tpu.memory_space<vmem>>
      %dma_start3A_1524 = arith.constant 0 : i32
      %dma_start3A_1525 = tpu.memref_slice %arg3[%dma_start3A_1524] : memref<10000xi32, #tpu.memory_space<hbm>> -> memref<10000xi32, #tpu.memory_space<hbm>>
      %dma_start3A_1526 = tpu.memref_slice %arg17[%dma_start3A_1517] : memref<2x!tpu.dma_semaphore, #tpu.memory_space<semaphore_mem>> -> memref<1x!tpu.dma_semaphore, #tpu.memory_space<semaphore_mem>>
      %dma_start3A_1527 = tpu.memref_squeeze %dma_start3A_1526 : memref<1x!tpu.dma_semaphore, #tpu.memory_space<semaphore_mem>> -> memref<!tpu.dma_semaphore, #tpu.memory_space<semaphore_mem>>
      tpu.enqueue_indirect_dma source(%dma_start3A_1525 : memref<10000xi32, #tpu.memory_space<hbm>>) target(%dma_start3A_1520 : memref<128xi32, #tpu.memory_space<vmem>>) offsets(%dma_start3A_1523 : memref<128xi32, #tpu.memory_space<vmem>>) semaphore(%dma_start3A_1527 : memref<!tpu.dma_semaphore, #tpu.memory_space<semaphore_mem>>)
      %dma_start3A_1528 = arith.constant 0 : i32
      %dma_start3A_1529 = arith.constant 0 : i32
      %dma_start3A_1530 = arith.constant 0 : i32
      %dma_start3A_1531 = arith.constant 0 : i32
      %dma_start3A_1532 = arith.constant 0 : i32
      %dma_start3A_1533 = arith.constant 0 : i32
      %dma_start3A_1534 = tpu.memref_slice %arg10[%dma_start3A_1530, %dma_start3A_1532, %dma_start3A_1533] : memref<2x128x128xf32, #tpu.memory_space<vmem>> -> memref<1x128x128xf32, #tpu.memory_space<vmem>>
      %dma_start3A_1535 = tpu.memref_squeeze %dma_start3A_1534 : memref<1x128x128xf32, #tpu.memory_space<vmem>> -> memref<128x128xf32, #tpu.memory_space<vmem>>
      %dma_start3A_1536 = arith.constant 0 : i32
      %dma_start3A_1537 = tpu.memref_slice %arg9[%dma_start3A_1528, %dma_start3A_1529, %dma_start3A_1536] : memref<2x8x128xi32, #tpu.memory_space<vmem>> -> memref<1x1x128xi32, #tpu.memory_space<vmem>>
      %dma_start3A_1538 = tpu.memref_squeeze %dma_start3A_1537 : memref<1x1x128xi32, #tpu.memory_space<vmem>> -> memref<128xi32, #tpu.memory_space<vmem>>
      %dma_start3A_1539 = arith.constant 0 : i32
      %dma_start3A_1540 = arith.constant 0 : i32
      %dma_start3A_1541 = tpu.memref_slice %arg4[%dma_start3A_1539, %dma_start3A_1540] : memref<10000x128xf32, #tpu.memory_space<hbm>> -> memref<10000x128xf32, #tpu.memory_space<hbm>>
      %dma_start3A_1542 = tpu.memref_slice %arg18[%dma_start3A_1531] : memref<2x!tpu.dma_semaphore, #tpu.memory_space<semaphore_mem>> -> memref<1x!tpu.dma_semaphore, #tpu.memory_space<semaphore_mem>>
      %dma_start3A_1543 = tpu.memref_squeeze %dma_start3A_1542 : memref<1x!tpu.dma_semaphore, #tpu.memory_space<semaphore_mem>> -> memref<!tpu.dma_semaphore, #tpu.memory_space<semaphore_mem>>
      tpu.enqueue_indirect_dma source(%dma_start3A_1541 : memref<10000x128xf32, #tpu.memory_space<hbm>>) target(%dma_start3A_1535 : memref<128x128xf32, #tpu.memory_space<vmem>>) offsets(%dma_start3A_1538 : memref<128xi32, #tpu.memory_space<vmem>>) semaphore(%dma_start3A_1543 : memref<!tpu.dma_semaphore, #tpu.memory_space<semaphore_mem>>)
      %dma_start3A_1544 = arith.constant 0 : i32
      %dma_start3A_1545 = arith.constant 1 : i32
      %dma_start3A_1546 = arith.constant 1 : i32
      %dma_start3A_1547 = arith.constant 1 : i32
      %dma_start3A_1548 = arith.constant 0 : i32
      %dma_start3A_1549 = arith.constant 0 : i32
      %dma_start3A_1550 = tpu.memref_slice %arg10[%dma_start3A_1546, %dma_start3A_1548, %dma_start3A_1549] : memref<2x128x128xf32, #tpu.memory_space<vmem>> -> memref<1x128x128xf32, #tpu.memory_space<vmem>>
      %dma_start3A_1551 = tpu.memref_squeeze %dma_start3A_1550 : memref<1x128x128xf32, #tpu.memory_space<vmem>> -> memref<128x128xf32, #tpu.memory_space<vmem>>
      %dma_start3A_1552 = arith.constant 0 : i32
      %dma_start3A_1553 = tpu.memref_slice %arg9[%dma_start3A_1544, %dma_start3A_1545, %dma_start3A_1552] : memref<2x8x128xi32, #tpu.memory_space<vmem>> -> memref<1x1x128xi32, #tpu.memory_space<vmem>>
      %dma_start3A_1554 = tpu.memref_squeeze %dma_start3A_1553 : memref<1x1x128xi32, #tpu.memory_space<vmem>> -> memref<128xi32, #tpu.memory_space<vmem>>
      %dma_start3A_1555 = arith.constant 0 : i32
      %dma_start3A_1556 = arith.constant 0 : i32
      %dma_start3A_1557 = tpu.memref_slice %arg4[%dma_start3A_1555, %dma_start3A_1556] : memref<10000x128xf32, #tpu.memory_space<hbm>> -> memref<10000x128xf32, #tpu.memory_space<hbm>>
      %dma_start3A_1558 = tpu.memref_slice %arg18[%dma_start3A_1547] : memref<2x!tpu.dma_semaphore, #tpu.memory_space<semaphore_mem>> -> memref<1x!tpu.dma_semaphore, #tpu.memory_space<semaphore_mem>>
      %dma_start3A_1559 = tpu.memref_squeeze %dma_start3A_1558 : memref<1x!tpu.dma_semaphore, #tpu.memory_space<semaphore_mem>> -> memref<!tpu.dma_semaphore, #tpu.memory_space<semaphore_mem>>
      tpu.enqueue_indirect_dma source(%dma_start3A_1557 : memref<10000x128xf32, #tpu.memory_space<hbm>>) target(%dma_start3A_1551 : memref<128x128xf32, #tpu.memory_space<vmem>>) offsets(%dma_start3A_1554 : memref<128xi32, #tpu.memory_space<vmem>>) semaphore(%dma_start3A_1559 : memref<!tpu.dma_semaphore, #tpu.memory_space<semaphore_mem>>)
      %dma_wait3A_1560 = arith.constant 0 : i32
      %dma_wait3A_1561 = arith.constant 0 : i32
      %dma_wait3A_1562 = arith.constant 0 : i32
      %dma_wait3A_1563 = arith.constant 0 : i32
      %dma_wait3A_1564 = arith.constant 0 : i32
      %dma_wait3A_1565 = arith.constant 0 : i32
      %dma_wait3A_1566 = tpu.memref_slice %arg10[%dma_wait3A_1562, %dma_wait3A_1564, %dma_wait3A_1565] : memref<2x128x128xf32, #tpu.memory_space<vmem>> -> memref<1x128x128xf32, #tpu.memory_space<vmem>>
      %dma_wait3A_1567 = tpu.memref_squeeze %dma_wait3A_1566 : memref<1x128x128xf32, #tpu.memory_space<vmem>> -> memref<128x128xf32, #tpu.memory_space<vmem>>
      %dma_wait3A_1568 = arith.constant 0 : i32
      %dma_wait3A_1569 = tpu.memref_slice %arg9[%dma_wait3A_1560, %dma_wait3A_1561, %dma_wait3A_1568] : memref<2x8x128xi32, #tpu.memory_space<vmem>> -> memref<1x1x128xi32, #tpu.memory_space<vmem>>
      %dma_wait3A_1570 = tpu.memref_squeeze %dma_wait3A_1569 : memref<1x1x128xi32, #tpu.memory_space<vmem>> -> memref<128xi32, #tpu.memory_space<vmem>>
      %dma_wait3A_1571 = arith.constant 0 : i32
      %dma_wait3A_1572 = arith.constant 0 : i32
      %dma_wait3A_1573 = tpu.memref_slice %arg4[%dma_wait3A_1571, %dma_wait3A_1572] : memref<10000x128xf32, #tpu.memory_space<hbm>> -> memref<10000x128xf32, #tpu.memory_space<hbm>>
      %dma_wait3A_1574 = tpu.memref_slice %arg18[%dma_wait3A_1563] : memref<2x!tpu.dma_semaphore, #tpu.memory_space<semaphore_mem>> -> memref<1x!tpu.dma_semaphore, #tpu.memory_space<semaphore_mem>>
      %dma_wait3A_1575 = tpu.memref_squeeze %dma_wait3A_1574 : memref<1x!tpu.dma_semaphore, #tpu.memory_space<semaphore_mem>> -> memref<!tpu.dma_semaphore, #tpu.memory_space<semaphore_mem>>
      tpu.wait_indirect_dma semaphore(%dma_wait3A_1575 : memref<!tpu.dma_semaphore, #tpu.memory_space<semaphore_mem>>) src(%dma_wait3A_1573 : memref<10000x128xf32, #tpu.memory_space<hbm>>) dst(%dma_wait3A_1567 : memref<128x128xf32, #tpu.memory_space<vmem>>)
      %run_scoped3A_1576 = arith.constant 0 : i32
      %run_scoped3A_1577 = arith.constant 0 : i32
      %run_scoped3A_1578 = arith.constant 0 : i32
      "tpu.region"() ({
        %run_scoped3A_2556 = tpu.sem_alloc : memref<!tpu.dma_semaphore, #tpu.memory_space<semaphore_mem>>
        %dma_start3A_2557 = arith.constant 0 : i32
        %dma_start3A_2558 = arith.constant 0 : i32
        %dma_start3A_2559 = tpu.memref_slice %arg10[%run_scoped3A_1576, %dma_start3A_2557, %dma_start3A_2558] : memref<2x128x128xf32, #tpu.memory_space<vmem>> -> memref<1x128x128xf32, #tpu.memory_space<vmem>>
        %dma_start3A_2560 = tpu.memref_squeeze %dma_start3A_2559 : memref<1x128x128xf32, #tpu.memory_space<vmem>> -> memref<128x128xf32, #tpu.memory_space<vmem>>
        %dma_start3A_2561 = arith.constant 0 : i32
        %dma_start3A_2562 = tpu.memref_slice %arg8[%run_scoped3A_1577, %run_scoped3A_1578, %dma_start3A_2561] : memref<2x8x128xi32, #tpu.memory_space<vmem>> -> memref<1x1x128xi32, #tpu.memory_space<vmem>>
        %dma_start3A_2563 = tpu.memref_squeeze %dma_start3A_2562 : memref<1x1x128xi32, #tpu.memory_space<vmem>> -> memref<128xi32, #tpu.memory_space<vmem>>
        %dma_start3A_2564 = arith.constant 0 : i32
        %dma_start3A_2565 = arith.constant 0 : i32
        %dma_start3A_2566 = tpu.memref_slice %arg14[%dma_start3A_2564, %dma_start3A_2565] : memref<10240x128xf32, #tpu.memory_space<vmem_shared>> -> memref<10240x128xf32, #tpu.memory_space<vmem_shared>>
        tpu.enqueue_indirect_dma source(%dma_start3A_2560 : memref<128x128xf32, #tpu.memory_space<vmem>>) target(%dma_start3A_2566 : memref<10240x128xf32, #tpu.memory_space<vmem_shared>>) offsets(%dma_start3A_2563 : memref<128xi32, #tpu.memory_space<vmem>>) semaphore(%run_scoped3A_2556 : memref<!tpu.dma_semaphore, #tpu.memory_space<semaphore_mem>>) {add = true}
        %dma_wait3A_2567 = arith.constant 0 : i32
        %dma_wait3A_2568 = arith.constant 0 : i32
        %dma_wait3A_2569 = tpu.memref_slice %arg10[%run_scoped3A_1576, %dma_wait3A_2567, %dma_wait3A_2568] : memref<2x128x128xf32, #tpu.memory_space<vmem>> -> memref<1x128x128xf32, #tpu.memory_space<vmem>>
        %dma_wait3A_2570 = tpu.memref_squeeze %dma_wait3A_2569 : memref<1x128x128xf32, #tpu.memory_space<vmem>> -> memref<128x128xf32, #tpu.memory_space<vmem>>
        %dma_wait3A_2571 = arith.constant 0 : i32
        %dma_wait3A_2572 = tpu.memref_slice %arg8[%run_scoped3A_1577, %run_scoped3A_1578, %dma_wait3A_2571] : memref<2x8x128xi32, #tpu.memory_space<vmem>> -> memref<1x1x128xi32, #tpu.memory_space<vmem>>
        %dma_wait3A_2573 = tpu.memref_squeeze %dma_wait3A_2572 : memref<1x1x128xi32, #tpu.memory_space<vmem>> -> memref<128xi32, #tpu.memory_space<vmem>>
        %dma_wait3A_2574 = arith.constant 0 : i32
        %dma_wait3A_2575 = arith.constant 0 : i32
        %dma_wait3A_2576 = tpu.memref_slice %arg14[%dma_wait3A_2574, %dma_wait3A_2575] : memref<10240x128xf32, #tpu.memory_space<vmem_shared>> -> memref<10240x128xf32, #tpu.memory_space<vmem_shared>>
        tpu.wait_indirect_dma semaphore(%run_scoped3A_2556 : memref<!tpu.dma_semaphore, #tpu.memory_space<semaphore_mem>>) src(%dma_wait3A_2570 : memref<128x128xf32, #tpu.memory_space<vmem>>) dst(%dma_wait3A_2576 : memref<10240x128xf32, #tpu.memory_space<vmem_shared>>)
        tpu.yield
      }) : () -> ()
      %run_scoped3A_1579 = arith.constant 0 : i32
      %run_scoped3A_1580 = arith.constant 0 : i32
      "tpu.region"() ({
        %run_scoped3A_2556 = tpu.sem_alloc : memref<!tpu.dma_semaphore, #tpu.memory_space<semaphore_mem>>
        %dma_start3A_2557 = arith.constant 0 : i32
        %dma_start3A_2558 = tpu.memref_slice %arg8[%run_scoped3A_1579, %run_scoped3A_1580, %dma_start3A_2557] : memref<2x8x128xi32, #tpu.memory_space<vmem>> -> memref<1x1x128xi32, #tpu.memory_space<vmem>>
        %dma_start3A_2559 = tpu.memref_squeeze %dma_start3A_2558 : memref<1x1x128xi32, #tpu.memory_space<vmem>> -> memref<128xi32, #tpu.memory_space<vmem>>
        %dma_start3A_2560 = arith.constant 0 : i32
        %dma_start3A_2561 = tpu.memref_slice %arg15[%dma_start3A_2560] : memref<10240xf32, #tpu.memory_space<vmem_shared>> -> memref<10240xf32, #tpu.memory_space<vmem_shared>>
        tpu.enqueue_indirect_dma source(%arg11 : memref<128xf32, #tpu.memory_space<vmem>>) target(%dma_start3A_2561 : memref<10240xf32, #tpu.memory_space<vmem_shared>>) offsets(%dma_start3A_2559 : memref<128xi32, #tpu.memory_space<vmem>>) semaphore(%run_scoped3A_2556 : memref<!tpu.dma_semaphore, #tpu.memory_space<semaphore_mem>>) {add = true}
        %dma_wait3A_2562 = arith.constant 0 : i32
        %dma_wait3A_2563 = tpu.memref_slice %arg8[%run_scoped3A_1579, %run_scoped3A_1580, %dma_wait3A_2562] : memref<2x8x128xi32, #tpu.memory_space<vmem>> -> memref<1x1x128xi32, #tpu.memory_space<vmem>>
        %dma_wait3A_2564 = tpu.memref_squeeze %dma_wait3A_2563 : memref<1x1x128xi32, #tpu.memory_space<vmem>> -> memref<128xi32, #tpu.memory_space<vmem>>
        %dma_wait3A_2565 = arith.constant 0 : i32
        %dma_wait3A_2566 = tpu.memref_slice %arg15[%dma_wait3A_2565] : memref<10240xf32, #tpu.memory_space<vmem_shared>> -> memref<10240xf32, #tpu.memory_space<vmem_shared>>
        tpu.wait_indirect_dma semaphore(%run_scoped3A_2556 : memref<!tpu.dma_semaphore, #tpu.memory_space<semaphore_mem>>) src(%arg11 : memref<128xf32, #tpu.memory_space<vmem>>) dst(%dma_wait3A_2566 : memref<10240xf32, #tpu.memory_space<vmem_shared>>)
        tpu.yield
      }) : () -> ()
      %dma_start3A_1581 = arith.constant 0 : i32
      %dma_start3A_1582 = arith.constant 2 : i32
      %dma_start3A_1583 = arith.constant 0 : i32
      %dma_start3A_1584 = arith.constant 0 : i32
      %dma_start3A_1585 = arith.constant 0 : i32
      %dma_start3A_1586 = arith.constant 0 : i32
      %dma_start3A_1587 = tpu.memref_slice %arg10[%dma_start3A_1583, %dma_start3A_1585, %dma_start3A_1586] : memref<2x128x128xf32, #tpu.memory_space<vmem>> -> memref<1x128x128xf32, #tpu.memory_space<vmem>>
      %dma_start3A_1588 = tpu.memref_squeeze %dma_start3A_1587 : memref<1x128x128xf32, #tpu.memory_space<vmem>> -> memref<128x128xf32, #tpu.memory_space<vmem>>
      %dma_start3A_1589 = arith.constant 0 : i32
      %dma_start3A_1590 = tpu.memref_slice %arg9[%dma_start3A_1581, %dma_start3A_1582, %dma_start3A_1589] : memref<2x8x128xi32, #tpu.memory_space<vmem>> -> memref<1x1x128xi32, #tpu.memory_space<vmem>>
      %dma_start3A_1591 = tpu.memref_squeeze %dma_start3A_1590 : memref<1x1x128xi32, #tpu.memory_space<vmem>> -> memref<128xi32, #tpu.memory_space<vmem>>
      %dma_start3A_1592 = arith.constant 0 : i32
      %dma_start3A_1593 = arith.constant 0 : i32
      %dma_start3A_1594 = tpu.memref_slice %arg4[%dma_start3A_1592, %dma_start3A_1593] : memref<10000x128xf32, #tpu.memory_space<hbm>> -> memref<10000x128xf32, #tpu.memory_space<hbm>>
      %dma_start3A_1595 = tpu.memref_slice %arg18[%dma_start3A_1584] : memref<2x!tpu.dma_semaphore, #tpu.memory_space<semaphore_mem>> -> memref<1x!tpu.dma_semaphore, #tpu.memory_space<semaphore_mem>>
      %dma_start3A_1596 = tpu.memref_squeeze %dma_start3A_1595 : memref<1x!tpu.dma_semaphore, #tpu.memory_space<semaphore_mem>> -> memref<!tpu.dma_semaphore, #tpu.memory_space<semaphore_mem>>
      tpu.enqueue_indirect_dma source(%dma_start3A_1594 : memref<10000x128xf32, #tpu.memory_space<hbm>>) target(%dma_start3A_1588 : memref<128x128xf32, #tpu.memory_space<vmem>>) offsets(%dma_start3A_1591 : memref<128xi32, #tpu.memory_space<vmem>>) semaphore(%dma_start3A_1596 : memref<!tpu.dma_semaphore, #tpu.memory_space<semaphore_mem>>)
      %dma_wait3A_1597 = arith.constant 0 : i32
      %dma_wait3A_1598 = arith.constant 1 : i32
      %dma_wait3A_1599 = arith.constant 1 : i32
      %dma_wait3A_1600 = arith.constant 1 : i32
      %dma_wait3A_1601 = arith.constant 0 : i32
      %dma_wait3A_1602 = arith.constant 0 : i32
      %dma_wait3A_1603 = tpu.memref_slice %arg10[%dma_wait3A_1599, %dma_wait3A_1601, %dma_wait3A_1602] : memref<2x128x128xf32, #tpu.memory_space<vmem>> -> memref<1x128x128xf32, #tpu.memory_space<vmem>>
      %dma_wait3A_1604 = tpu.memref_squeeze %dma_wait3A_1603 : memref<1x128x128xf32, #tpu.memory_space<vmem>> -> memref<128x128xf32, #tpu.memory_space<vmem>>
      %dma_wait3A_1605 = arith.constant 0 : i32
      %dma_wait3A_1606 = tpu.memref_slice %arg9[%dma_wait3A_1597, %dma_wait3A_1598, %dma_wait3A_1605] : memref<2x8x128xi32, #tpu.memory_space<vmem>> -> memref<1x1x128xi32, #tpu.memory_space<vmem>>
      %dma_wait3A_1607 = tpu.memref_squeeze %dma_wait3A_1606 : memref<1x1x128xi32, #tpu.memory_space<vmem>> -> memref<128xi32, #tpu.memory_space<vmem>>
      %dma_wait3A_1608 = arith.constant 0 : i32
      %dma_wait3A_1609 = arith.constant 0 : i32
      %dma_wait3A_1610 = tpu.memref_slice %arg4[%dma_wait3A_1608, %dma_wait3A_1609] : memref<10000x128xf32, #tpu.memory_space<hbm>> -> memref<10000x128xf32, #tpu.memory_space<hbm>>
      %dma_wait3A_1611 = tpu.memref_slice %arg18[%dma_wait3A_1600] : memref<2x!tpu.dma_semaphore, #tpu.memory_space<semaphore_mem>> -> memref<1x!tpu.dma_semaphore, #tpu.memory_space<semaphore_mem>>
      %dma_wait3A_1612 = tpu.memref_squeeze %dma_wait3A_1611 : memref<1x!tpu.dma_semaphore, #tpu.memory_space<semaphore_mem>> -> memref<!tpu.dma_semaphore, #tpu.memory_space<semaphore_mem>>
      tpu.wait_indirect_dma semaphore(%dma_wait3A_1612 : memref<!tpu.dma_semaphore, #tpu.memory_space<semaphore_mem>>) src(%dma_wait3A_1610 : memref<10000x128xf32, #tpu.memory_space<hbm>>) dst(%dma_wait3A_1604 : memref<128x128xf32, #tpu.memory_space<vmem>>)
      %run_scoped3A_1613 = arith.constant 1 : i32
      %run_scoped3A_1614 = arith.constant 0 : i32
      %run_scoped3A_1615 = arith.constant 1 : i32
      "tpu.region"() ({
        %run_scoped3A_2556 = tpu.sem_alloc : memref<!tpu.dma_semaphore, #tpu.memory_space<semaphore_mem>>
        %dma_start3A_2557 = arith.constant 0 : i32
        %dma_start3A_2558 = arith.constant 0 : i32
        %dma_start3A_2559 = tpu.memref_slice %arg10[%run_scoped3A_1613, %dma_start3A_2557, %dma_start3A_2558] : memref<2x128x128xf32, #tpu.memory_space<vmem>> -> memref<1x128x128xf32, #tpu.memory_space<vmem>>
        %dma_start3A_2560 = tpu.memref_squeeze %dma_start3A_2559 : memref<1x128x128xf32, #tpu.memory_space<vmem>> -> memref<128x128xf32, #tpu.memory_space<vmem>>
        %dma_start3A_2561 = arith.constant 0 : i32
        %dma_start3A_2562 = tpu.memref_slice %arg8[%run_scoped3A_1614, %run_scoped3A_1615, %dma_start3A_2561] : memref<2x8x128xi32, #tpu.memory_space<vmem>> -> memref<1x1x128xi32, #tpu.memory_space<vmem>>
        %dma_start3A_2563 = tpu.memref_squeeze %dma_start3A_2562 : memref<1x1x128xi32, #tpu.memory_space<vmem>> -> memref<128xi32, #tpu.memory_space<vmem>>
        %dma_start3A_2564 = arith.constant 0 : i32
        %dma_start3A_2565 = arith.constant 0 : i32
        %dma_start3A_2566 = tpu.memref_slice %arg14[%dma_start3A_2564, %dma_start3A_2565] : memref<10240x128xf32, #tpu.memory_space<vmem_shared>> -> memref<10240x128xf32, #tpu.memory_space<vmem_shared>>
        tpu.enqueue_indirect_dma source(%dma_start3A_2560 : memref<128x128xf32, #tpu.memory_space<vmem>>) target(%dma_start3A_2566 : memref<10240x128xf32, #tpu.memory_space<vmem_shared>>) offsets(%dma_start3A_2563 : memref<128xi32, #tpu.memory_space<vmem>>) semaphore(%run_scoped3A_2556 : memref<!tpu.dma_semaphore, #tpu.memory_space<semaphore_mem>>) {add = true}
        %dma_wait3A_2567 = arith.constant 0 : i32
        %dma_wait3A_2568 = arith.constant 0 : i32
        %dma_wait3A_2569 = tpu.memref_slice %arg10[%run_scoped3A_1613, %dma_wait3A_2567, %dma_wait3A_2568] : memref<2x128x128xf32, #tpu.memory_space<vmem>> -> memref<1x128x128xf32, #tpu.memory_space<vmem>>
        %dma_wait3A_2570 = tpu.memref_squeeze %dma_wait3A_2569 : memref<1x128x128xf32, #tpu.memory_space<vmem>> -> memref<128x128xf32, #tpu.memory_space<vmem>>
        %dma_wait3A_2571 = arith.constant 0 : i32
        %dma_wait3A_2572 = tpu.memref_slice %arg8[%run_scoped3A_1614, %run_scoped3A_1615, %dma_wait3A_2571] : memref<2x8x128xi32, #tpu.memory_space<vmem>> -> memref<1x1x128xi32, #tpu.memory_space<vmem>>
        %dma_wait3A_2573 = tpu.memref_squeeze %dma_wait3A_2572 : memref<1x1x128xi32, #tpu.memory_space<vmem>> -> memref<128xi32, #tpu.memory_space<vmem>>
        %dma_wait3A_2574 = arith.constant 0 : i32
        %dma_wait3A_2575 = arith.constant 0 : i32
        %dma_wait3A_2576 = tpu.memref_slice %arg14[%dma_wait3A_2574, %dma_wait3A_2575] : memref<10240x128xf32, #tpu.memory_space<vmem_shared>> -> memref<10240x128xf32, #tpu.memory_space<vmem_shared>>
        tpu.wait_indirect_dma semaphore(%run_scoped3A_2556 : memref<!tpu.dma_semaphore, #tpu.memory_space<semaphore_mem>>) src(%dma_wait3A_2570 : memref<128x128xf32, #tpu.memory_space<vmem>>) dst(%dma_wait3A_2576 : memref<10240x128xf32, #tpu.memory_space<vmem_shared>>)
        tpu.yield
      }) : () -> ()
      %run_scoped3A_1616 = arith.constant 0 : i32
      %run_scoped3A_1617 = arith.constant 1 : i32
      "tpu.region"() ({
        %run_scoped3A_2556 = tpu.sem_alloc : memref<!tpu.dma_semaphore, #tpu.memory_space<semaphore_mem>>
        %dma_start3A_2557 = arith.constant 0 : i32
        %dma_start3A_2558 = tpu.memref_slice %arg8[%run_scoped3A_1616, %run_scoped3A_1617, %dma_start3A_2557] : memref<2x8x128xi32, #tpu.memory_space<vmem>> -> memref<1x1x128xi32, #tpu.memory_space<vmem>>
        %dma_start3A_2559 = tpu.memref_squeeze %dma_start3A_2558 : memref<1x1x128xi32, #tpu.memory_space<vmem>> -> memref<128xi32, #tpu.memory_space<vmem>>
        %dma_start3A_2560 = arith.constant 0 : i32
        %dma_start3A_2561 = tpu.memref_slice %arg15[%dma_start3A_2560] : memref<10240xf32, #tpu.memory_space<vmem_shared>> -> memref<10240xf32, #tpu.memory_space<vmem_shared>>
        tpu.enqueue_indirect_dma source(%arg11 : memref<128xf32, #tpu.memory_space<vmem>>) target(%dma_start3A_2561 : memref<10240xf32, #tpu.memory_space<vmem_shared>>) offsets(%dma_start3A_2559 : memref<128xi32, #tpu.memory_space<vmem>>) semaphore(%run_scoped3A_2556 : memref<!tpu.dma_semaphore, #tpu.memory_space<semaphore_mem>>) {add = true}
        %dma_wait3A_2562 = arith.constant 0 : i32
        %dma_wait3A_2563 = tpu.memref_slice %arg8[%run_scoped3A_1616, %run_scoped3A_1617, %dma_wait3A_2562] : memref<2x8x128xi32, #tpu.memory_space<vmem>> -> memref<1x1x128xi32, #tpu.memory_space<vmem>>
        %dma_wait3A_2564 = tpu.memref_squeeze %dma_wait3A_2563 : memref<1x1x128xi32, #tpu.memory_space<vmem>> -> memref<128xi32, #tpu.memory_space<vmem>>
        %dma_wait3A_2565 = arith.constant 0 : i32
        %dma_wait3A_2566 = tpu.memref_slice %arg15[%dma_wait3A_2565] : memref<10240xf32, #tpu.memory_space<vmem_shared>> -> memref<10240xf32, #tpu.memory_space<vmem_shared>>
        tpu.wait_indirect_dma semaphore(%run_scoped3A_2556 : memref<!tpu.dma_semaphore, #tpu.memory_space<semaphore_mem>>) src(%arg11 : memref<128xf32, #tpu.memory_space<vmem>>) dst(%dma_wait3A_2566 : memref<10240xf32, #tpu.memory_space<vmem_shared>>)
        tpu.yield
      }) : () -> ()
      %dma_start3A_1618 = arith.constant 0 : i32
      %dma_start3A_1619 = arith.constant 3 : i32
      %dma_start3A_1620 = arith.constant 1 : i32
      %dma_start3A_1621 = arith.constant 1 : i32
      %dma_start3A_1622 = arith.constant 0 : i32
      %dma_start3A_1623 = arith.constant 0 : i32
      %dma_start3A_1624 = tpu.memref_slice %arg10[%dma_start3A_1620, %dma_start3A_1622, %dma_start3A_1623] : memref<2x128x128xf32, #tpu.memory_space<vmem>> -> memref<1x128x128xf32, #tpu.memory_space<vmem>>
      %dma_start3A_1625 = tpu.memref_squeeze %dma_start3A_1624 : memref<1x128x128xf32, #tpu.memory_space<vmem>> -> memref<128x128xf32, #tpu.memory_space<vmem>>
      %dma_start3A_1626 = arith.constant 0 : i32
      %dma_start3A_1627 = tpu.memref_slice %arg9[%dma_start3A_1618, %dma_start3A_1619, %dma_start3A_1626] : memref<2x8x128xi32, #tpu.memory_space<vmem>> -> memref<1x1x128xi32, #tpu.memory_space<vmem>>
      %dma_start3A_1628 = tpu.memref_squeeze %dma_start3A_1627 : memref<1x1x128xi32, #tpu.memory_space<vmem>> -> memref<128xi32, #tpu.memory_space<vmem>>
      %dma_start3A_1629 = arith.constant 0 : i32
      %dma_start3A_1630 = arith.constant 0 : i32
      %dma_start3A_1631 = tpu.memref_slice %arg4[%dma_start3A_1629, %dma_start3A_1630] : memref<10000x128xf32, #tpu.memory_space<hbm>> -> memref<10000x128xf32, #tpu.memory_space<hbm>>
      %dma_start3A_1632 = tpu.memref_slice %arg18[%dma_start3A_1621] : memref<2x!tpu.dma_semaphore, #tpu.memory_space<semaphore_mem>> -> memref<1x!tpu.dma_semaphore, #tpu.memory_space<semaphore_mem>>
      %dma_start3A_1633 = tpu.memref_squeeze %dma_start3A_1632 : memref<1x!tpu.dma_semaphore, #tpu.memory_space<semaphore_mem>> -> memref<!tpu.dma_semaphore, #tpu.memory_space<semaphore_mem>>
      tpu.enqueue_indirect_dma source(%dma_start3A_1631 : memref<10000x128xf32, #tpu.memory_space<hbm>>) target(%dma_start3A_1625 : memref<128x128xf32, #tpu.memory_space<vmem>>) offsets(%dma_start3A_1628 : memref<128xi32, #tpu.memory_space<vmem>>) semaphore(%dma_start3A_1633 : memref<!tpu.dma_semaphore, #tpu.memory_space<semaphore_mem>>)
      %dma_wait3A_1634 = arith.constant 0 : i32
      %dma_wait3A_1635 = arith.constant 2 : i32
      %dma_wait3A_1636 = arith.constant 0 : i32
      %dma_wait3A_1637 = arith.constant 0 : i32
      %dma_wait3A_1638 = arith.constant 0 : i32
      %dma_wait3A_1639 = arith.constant 0 : i32
      %dma_wait3A_1640 = tpu.memref_slice %arg10[%dma_wait3A_1636, %dma_wait3A_1638, %dma_wait3A_1639] : memref<2x128x128xf32, #tpu.memory_space<vmem>> -> memref<1x128x128xf32, #tpu.memory_space<vmem>>
      %dma_wait3A_1641 = tpu.memref_squeeze %dma_wait3A_1640 : memref<1x128x128xf32, #tpu.memory_space<vmem>> -> memref<128x128xf32, #tpu.memory_space<vmem>>
      %dma_wait3A_1642 = arith.constant 0 : i32
      %dma_wait3A_1643 = tpu.memref_slice %arg9[%dma_wait3A_1634, %dma_wait3A_1635, %dma_wait3A_1642] : memref<2x8x128xi32, #tpu.memory_space<vmem>> -> memref<1x1x128xi32, #tpu.memory_space<vmem>>
      %dma_wait3A_1644 = tpu.memref_squeeze %dma_wait3A_1643 : memref<1x1x128xi32, #tpu.memory_space<vmem>> -> memref<128xi32, #tpu.memory_space<vmem>>
      %dma_wait3A_1645 = arith.constant 0 : i32
      %dma_wait3A_1646 = arith.constant 0 : i32
      %dma_wait3A_1647 = tpu.memref_slice %arg4[%dma_wait3A_1645, %dma_wait3A_1646] : memref<10000x128xf32, #tpu.memory_space<hbm>> -> memref<10000x128xf32, #tpu.memory_space<hbm>>
      %dma_wait3A_1648 = tpu.memref_slice %arg18[%dma_wait3A_1637] : memref<2x!tpu.dma_semaphore, #tpu.memory_space<semaphore_mem>> -> memref<1x!tpu.dma_semaphore, #tpu.memory_space<semaphore_mem>>
      %dma_wait3A_1649 = tpu.memref_squeeze %dma_wait3A_1648 : memref<1x!tpu.dma_semaphore, #tpu.memory_space<semaphore_mem>> -> memref<!tpu.dma_semaphore, #tpu.memory_space<semaphore_mem>>
      tpu.wait_indirect_dma semaphore(%dma_wait3A_1649 : memref<!tpu.dma_semaphore, #tpu.memory_space<semaphore_mem>>) src(%dma_wait3A_1647 : memref<10000x128xf32, #tpu.memory_space<hbm>>) dst(%dma_wait3A_1641 : memref<128x128xf32, #tpu.memory_space<vmem>>)
      %run_scoped3A_1650 = arith.constant 0 : i32
      %run_scoped3A_1651 = arith.constant 0 : i32
      %run_scoped3A_1652 = arith.constant 2 : i32
      "tpu.region"() ({
        %run_scoped3A_2556 = tpu.sem_alloc : memref<!tpu.dma_semaphore, #tpu.memory_space<semaphore_mem>>
        %dma_start3A_2557 = arith.constant 0 : i32
        %dma_start3A_2558 = arith.constant 0 : i32
        %dma_start3A_2559 = tpu.memref_slice %arg10[%run_scoped3A_1650, %dma_start3A_2557, %dma_start3A_2558] : memref<2x128x128xf32, #tpu.memory_space<vmem>> -> memref<1x128x128xf32, #tpu.memory_space<vmem>>
        %dma_start3A_2560 = tpu.memref_squeeze %dma_start3A_2559 : memref<1x128x128xf32, #tpu.memory_space<vmem>> -> memref<128x128xf32, #tpu.memory_space<vmem>>
        %dma_start3A_2561 = arith.constant 0 : i32
        %dma_start3A_2562 = tpu.memref_slice %arg8[%run_scoped3A_1651, %run_scoped3A_1652, %dma_start3A_2561] : memref<2x8x128xi32, #tpu.memory_space<vmem>> -> memref<1x1x128xi32, #tpu.memory_space<vmem>>
        %dma_start3A_2563 = tpu.memref_squeeze %dma_start3A_2562 : memref<1x1x128xi32, #tpu.memory_space<vmem>> -> memref<128xi32, #tpu.memory_space<vmem>>
        %dma_start3A_2564 = arith.constant 0 : i32
        %dma_start3A_2565 = arith.constant 0 : i32
        %dma_start3A_2566 = tpu.memref_slice %arg14[%dma_start3A_2564, %dma_start3A_2565] : memref<10240x128xf32, #tpu.memory_space<vmem_shared>> -> memref<10240x128xf32, #tpu.memory_space<vmem_shared>>
        tpu.enqueue_indirect_dma source(%dma_start3A_2560 : memref<128x128xf32, #tpu.memory_space<vmem>>) target(%dma_start3A_2566 : memref<10240x128xf32, #tpu.memory_space<vmem_shared>>) offsets(%dma_start3A_2563 : memref<128xi32, #tpu.memory_space<vmem>>) semaphore(%run_scoped3A_2556 : memref<!tpu.dma_semaphore, #tpu.memory_space<semaphore_mem>>) {add = true}
        %dma_wait3A_2567 = arith.constant 0 : i32
        %dma_wait3A_2568 = arith.constant 0 : i32
        %dma_wait3A_2569 = tpu.memref_slice %arg10[%run_scoped3A_1650, %dma_wait3A_2567, %dma_wait3A_2568] : memref<2x128x128xf32, #tpu.memory_space<vmem>> -> memref<1x128x128xf32, #tpu.memory_space<vmem>>
        %dma_wait3A_2570 = tpu.memref_squeeze %dma_wait3A_2569 : memref<1x128x128xf32, #tpu.memory_space<vmem>> -> memref<128x128xf32, #tpu.memory_space<vmem>>
        %dma_wait3A_2571 = arith.constant 0 : i32
        %dma_wait3A_2572 = tpu.memref_slice %arg8[%run_scoped3A_1651, %run_scoped3A_1652, %dma_wait3A_2571] : memref<2x8x128xi32, #tpu.memory_space<vmem>> -> memref<1x1x128xi32, #tpu.memory_space<vmem>>
        %dma_wait3A_2573 = tpu.memref_squeeze %dma_wait3A_2572 : memref<1x1x128xi32, #tpu.memory_space<vmem>> -> memref<128xi32, #tpu.memory_space<vmem>>
        %dma_wait3A_2574 = arith.constant 0 : i32
        %dma_wait3A_2575 = arith.constant 0 : i32
        %dma_wait3A_2576 = tpu.memref_slice %arg14[%dma_wait3A_2574, %dma_wait3A_2575] : memref<10240x128xf32, #tpu.memory_space<vmem_shared>> -> memref<10240x128xf32, #tpu.memory_space<vmem_shared>>
        tpu.wait_indirect_dma semaphore(%run_scoped3A_2556 : memref<!tpu.dma_semaphore, #tpu.memory_space<semaphore_mem>>) src(%dma_wait3A_2570 : memref<128x128xf32, #tpu.memory_space<vmem>>) dst(%dma_wait3A_2576 : memref<10240x128xf32, #tpu.memory_space<vmem_shared>>)
        tpu.yield
      }) : () -> ()
      %run_scoped3A_1653 = arith.constant 0 : i32
      %run_scoped3A_1654 = arith.constant 2 : i32
      "tpu.region"() ({
        %run_scoped3A_2556 = tpu.sem_alloc : memref<!tpu.dma_semaphore, #tpu.memory_space<semaphore_mem>>
        %dma_start3A_2557 = arith.constant 0 : i32
        %dma_start3A_2558 = tpu.memref_slice %arg8[%run_scoped3A_1653, %run_scoped3A_1654, %dma_start3A_2557] : memref<2x8x128xi32, #tpu.memory_space<vmem>> -> memref<1x1x128xi32, #tpu.memory_space<vmem>>
        %dma_start3A_2559 = tpu.memref_squeeze %dma_start3A_2558 : memref<1x1x128xi32, #tpu.memory_space<vmem>> -> memref<128xi32, #tpu.memory_space<vmem>>
        %dma_start3A_2560 = arith.constant 0 : i32
        %dma_start3A_2561 = tpu.memref_slice %arg15[%dma_start3A_2560] : memref<10240xf32, #tpu.memory_space<vmem_shared>> -> memref<10240xf32, #tpu.memory_space<vmem_shared>>
        tpu.enqueue_indirect_dma source(%arg11 : memref<128xf32, #tpu.memory_space<vmem>>) target(%dma_start3A_2561 : memref<10240xf32, #tpu.memory_space<vmem_shared>>) offsets(%dma_start3A_2559 : memref<128xi32, #tpu.memory_space<vmem>>) semaphore(%run_scoped3A_2556 : memref<!tpu.dma_semaphore, #tpu.memory_space<semaphore_mem>>) {add = true}
        %dma_wait3A_2562 = arith.constant 0 : i32
        %dma_wait3A_2563 = tpu.memref_slice %arg8[%run_scoped3A_1653, %run_scoped3A_1654, %dma_wait3A_2562] : memref<2x8x128xi32, #tpu.memory_space<vmem>> -> memref<1x1x128xi32, #tpu.memory_space<vmem>>
        %dma_wait3A_2564 = tpu.memref_squeeze %dma_wait3A_2563 : memref<1x1x128xi32, #tpu.memory_space<vmem>> -> memref<128xi32, #tpu.memory_space<vmem>>
        %dma_wait3A_2565 = arith.constant 0 : i32
        %dma_wait3A_2566 = tpu.memref_slice %arg15[%dma_wait3A_2565] : memref<10240xf32, #tpu.memory_space<vmem_shared>> -> memref<10240xf32, #tpu.memory_space<vmem_shared>>
        tpu.wait_indirect_dma semaphore(%run_scoped3A_2556 : memref<!tpu.dma_semaphore, #tpu.memory_space<semaphore_mem>>) src(%arg11 : memref<128xf32, #tpu.memory_space<vmem>>) dst(%dma_wait3A_2566 : memref<10240xf32, #tpu.memory_space<vmem_shared>>)
        tpu.yield
      }) : () -> ()
      %dma_start3A_1655 = arith.constant 0 : i32
      %dma_start3A_1656 = arith.constant 4 : i32
      %dma_start3A_1657 = arith.constant 0 : i32
      %dma_start3A_1658 = arith.constant 0 : i32
      %dma_start3A_1659 = arith.constant 0 : i32
      %dma_start3A_1660 = arith.constant 0 : i32
      %dma_start3A_1661 = tpu.memref_slice %arg10[%dma_start3A_1657, %dma_start3A_1659, %dma_start3A_1660] : memref<2x128x128xf32, #tpu.memory_space<vmem>> -> memref<1x128x128xf32, #tpu.memory_space<vmem>>
      %dma_start3A_1662 = tpu.memref_squeeze %dma_start3A_1661 : memref<1x128x128xf32, #tpu.memory_space<vmem>> -> memref<128x128xf32, #tpu.memory_space<vmem>>
      %dma_start3A_1663 = arith.constant 0 : i32
      %dma_start3A_1664 = tpu.memref_slice %arg9[%dma_start3A_1655, %dma_start3A_1656, %dma_start3A_1663] : memref<2x8x128xi32, #tpu.memory_space<vmem>> -> memref<1x1x128xi32, #tpu.memory_space<vmem>>
      %dma_start3A_1665 = tpu.memref_squeeze %dma_start3A_1664 : memref<1x1x128xi32, #tpu.memory_space<vmem>> -> memref<128xi32, #tpu.memory_space<vmem>>
      %dma_start3A_1666 = arith.constant 0 : i32
      %dma_start3A_1667 = arith.constant 0 : i32
      %dma_start3A_1668 = tpu.memref_slice %arg4[%dma_start3A_1666, %dma_start3A_1667] : memref<10000x128xf32, #tpu.memory_space<hbm>> -> memref<10000x128xf32, #tpu.memory_space<hbm>>
      %dma_start3A_1669 = tpu.memref_slice %arg18[%dma_start3A_1658] : memref<2x!tpu.dma_semaphore, #tpu.memory_space<semaphore_mem>> -> memref<1x!tpu.dma_semaphore, #tpu.memory_space<semaphore_mem>>
      %dma_start3A_1670 = tpu.memref_squeeze %dma_start3A_1669 : memref<1x!tpu.dma_semaphore, #tpu.memory_space<semaphore_mem>> -> memref<!tpu.dma_semaphore, #tpu.memory_space<semaphore_mem>>
      tpu.enqueue_indirect_dma source(%dma_start3A_1668 : memref<10000x128xf32, #tpu.memory_space<hbm>>) target(%dma_start3A_1662 : memref<128x128xf32, #tpu.memory_space<vmem>>) offsets(%dma_start3A_1665 : memref<128xi32, #tpu.memory_space<vmem>>) semaphore(%dma_start3A_1670 : memref<!tpu.dma_semaphore, #tpu.memory_space<semaphore_mem>>)
      %dma_wait3A_1671 = arith.constant 0 : i32
      %dma_wait3A_1672 = arith.constant 3 : i32
      %dma_wait3A_1673 = arith.constant 1 : i32
      %dma_wait3A_1674 = arith.constant 1 : i32
      %dma_wait3A_1675 = arith.constant 0 : i32
      %dma_wait3A_1676 = arith.constant 0 : i32
      %dma_wait3A_1677 = tpu.memref_slice %arg10[%dma_wait3A_1673, %dma_wait3A_1675, %dma_wait3A_1676] : memref<2x128x128xf32, #tpu.memory_space<vmem>> -> memref<1x128x128xf32, #tpu.memory_space<vmem>>
      %dma_wait3A_1678 = tpu.memref_squeeze %dma_wait3A_1677 : memref<1x128x128xf32, #tpu.memory_space<vmem>> -> memref<128x128xf32, #tpu.memory_space<vmem>>
      %dma_wait3A_1679 = arith.constant 0 : i32
      %dma_wait3A_1680 = tpu.memref_slice %arg9[%dma_wait3A_1671, %dma_wait3A_1672, %dma_wait3A_1679] : memref<2x8x128xi32, #tpu.memory_space<vmem>> -> memref<1x1x128xi32, #tpu.memory_space<vmem>>
      %dma_wait3A_1681 = tpu.memref_squeeze %dma_wait3A_1680 : memref<1x1x128xi32, #tpu.memory_space<vmem>> -> memref<128xi32, #tpu.memory_space<vmem>>
      %dma_wait3A_1682 = arith.constant 0 : i32
      %dma_wait3A_1683 = arith.constant 0 : i32
      %dma_wait3A_1684 = tpu.memref_slice %arg4[%dma_wait3A_1682, %dma_wait3A_1683] : memref<10000x128xf32, #tpu.memory_space<hbm>> -> memref<10000x128xf32, #tpu.memory_space<hbm>>
      %dma_wait3A_1685 = tpu.memref_slice %arg18[%dma_wait3A_1674] : memref<2x!tpu.dma_semaphore, #tpu.memory_space<semaphore_mem>> -> memref<1x!tpu.dma_semaphore, #tpu.memory_space<semaphore_mem>>
      %dma_wait3A_1686 = tpu.memref_squeeze %dma_wait3A_1685 : memref<1x!tpu.dma_semaphore, #tpu.memory_space<semaphore_mem>> -> memref<!tpu.dma_semaphore, #tpu.memory_space<semaphore_mem>>
      tpu.wait_indirect_dma semaphore(%dma_wait3A_1686 : memref<!tpu.dma_semaphore, #tpu.memory_space<semaphore_mem>>) src(%dma_wait3A_1684 : memref<10000x128xf32, #tpu.memory_space<hbm>>) dst(%dma_wait3A_1678 : memref<128x128xf32, #tpu.memory_space<vmem>>)
      %run_scoped3A_1687 = arith.constant 1 : i32
      %run_scoped3A_1688 = arith.constant 0 : i32
      %run_scoped3A_1689 = arith.constant 3 : i32
      "tpu.region"() ({
        %run_scoped3A_2556 = tpu.sem_alloc : memref<!tpu.dma_semaphore, #tpu.memory_space<semaphore_mem>>
        %dma_start3A_2557 = arith.constant 0 : i32
        %dma_start3A_2558 = arith.constant 0 : i32
        %dma_start3A_2559 = tpu.memref_slice %arg10[%run_scoped3A_1687, %dma_start3A_2557, %dma_start3A_2558] : memref<2x128x128xf32, #tpu.memory_space<vmem>> -> memref<1x128x128xf32, #tpu.memory_space<vmem>>
        %dma_start3A_2560 = tpu.memref_squeeze %dma_start3A_2559 : memref<1x128x128xf32, #tpu.memory_space<vmem>> -> memref<128x128xf32, #tpu.memory_space<vmem>>
        %dma_start3A_2561 = arith.constant 0 : i32
        %dma_start3A_2562 = tpu.memref_slice %arg8[%run_scoped3A_1688, %run_scoped3A_1689, %dma_start3A_2561] : memref<2x8x128xi32, #tpu.memory_space<vmem>> -> memref<1x1x128xi32, #tpu.memory_space<vmem>>
        %dma_start3A_2563 = tpu.memref_squeeze %dma_start3A_2562 : memref<1x1x128xi32, #tpu.memory_space<vmem>> -> memref<128xi32, #tpu.memory_space<vmem>>
        %dma_start3A_2564 = arith.constant 0 : i32
        %dma_start3A_2565 = arith.constant 0 : i32
        %dma_start3A_2566 = tpu.memref_slice %arg14[%dma_start3A_2564, %dma_start3A_2565] : memref<10240x128xf32, #tpu.memory_space<vmem_shared>> -> memref<10240x128xf32, #tpu.memory_space<vmem_shared>>
        tpu.enqueue_indirect_dma source(%dma_start3A_2560 : memref<128x128xf32, #tpu.memory_space<vmem>>) target(%dma_start3A_2566 : memref<10240x128xf32, #tpu.memory_space<vmem_shared>>) offsets(%dma_start3A_2563 : memref<128xi32, #tpu.memory_space<vmem>>) semaphore(%run_scoped3A_2556 : memref<!tpu.dma_semaphore, #tpu.memory_space<semaphore_mem>>) {add = true}
        %dma_wait3A_2567 = arith.constant 0 : i32
        %dma_wait3A_2568 = arith.constant 0 : i32
        %dma_wait3A_2569 = tpu.memref_slice %arg10[%run_scoped3A_1687, %dma_wait3A_2567, %dma_wait3A_2568] : memref<2x128x128xf32, #tpu.memory_space<vmem>> -> memref<1x128x128xf32, #tpu.memory_space<vmem>>
        %dma_wait3A_2570 = tpu.memref_squeeze %dma_wait3A_2569 : memref<1x128x128xf32, #tpu.memory_space<vmem>> -> memref<128x128xf32, #tpu.memory_space<vmem>>
        %dma_wait3A_2571 = arith.constant 0 : i32
        %dma_wait3A_2572 = tpu.memref_slice %arg8[%run_scoped3A_1688, %run_scoped3A_1689, %dma_wait3A_2571] : memref<2x8x128xi32, #tpu.memory_space<vmem>> -> memref<1x1x128xi32, #tpu.memory_space<vmem>>
        %dma_wait3A_2573 = tpu.memref_squeeze %dma_wait3A_2572 : memref<1x1x128xi32, #tpu.memory_space<vmem>> -> memref<128xi32, #tpu.memory_space<vmem>>
        %dma_wait3A_2574 = arith.constant 0 : i32
        %dma_wait3A_2575 = arith.constant 0 : i32
        %dma_wait3A_2576 = tpu.memref_slice %arg14[%dma_wait3A_2574, %dma_wait3A_2575] : memref<10240x128xf32, #tpu.memory_space<vmem_shared>> -> memref<10240x128xf32, #tpu.memory_space<vmem_shared>>
        tpu.wait_indirect_dma semaphore(%run_scoped3A_2556 : memref<!tpu.dma_semaphore, #tpu.memory_space<semaphore_mem>>) src(%dma_wait3A_2570 : memref<128x128xf32, #tpu.memory_space<vmem>>) dst(%dma_wait3A_2576 : memref<10240x128xf32, #tpu.memory_space<vmem_shared>>)
        tpu.yield
      }) : () -> ()
      %run_scoped3A_1690 = arith.constant 0 : i32
      %run_scoped3A_1691 = arith.constant 3 : i32
      "tpu.region"() ({
        %run_scoped3A_2556 = tpu.sem_alloc : memref<!tpu.dma_semaphore, #tpu.memory_space<semaphore_mem>>
        %dma_start3A_2557 = arith.constant 0 : i32
        %dma_start3A_2558 = tpu.memref_slice %arg8[%run_scoped3A_1690, %run_scoped3A_1691, %dma_start3A_2557] : memref<2x8x128xi32, #tpu.memory_space<vmem>> -> memref<1x1x128xi32, #tpu.memory_space<vmem>>
        %dma_start3A_2559 = tpu.memref_squeeze %dma_start3A_2558 : memref<1x1x128xi32, #tpu.memory_space<vmem>> -> memref<128xi32, #tpu.memory_space<vmem>>
        %dma_start3A_2560 = arith.constant 0 : i32
        %dma_start3A_2561 = tpu.memref_slice %arg15[%dma_start3A_2560] : memref<10240xf32, #tpu.memory_space<vmem_shared>> -> memref<10240xf32, #tpu.memory_space<vmem_shared>>
        tpu.enqueue_indirect_dma source(%arg11 : memref<128xf32, #tpu.memory_space<vmem>>) target(%dma_start3A_2561 : memref<10240xf32, #tpu.memory_space<vmem_shared>>) offsets(%dma_start3A_2559 : memref<128xi32, #tpu.memory_space<vmem>>) semaphore(%run_scoped3A_2556 : memref<!tpu.dma_semaphore, #tpu.memory_space<semaphore_mem>>) {add = true}
        %dma_wait3A_2562 = arith.constant 0 : i32
        %dma_wait3A_2563 = tpu.memref_slice %arg8[%run_scoped3A_1690, %run_scoped3A_1691, %dma_wait3A_2562] : memref<2x8x128xi32, #tpu.memory_space<vmem>> -> memref<1x1x128xi32, #tpu.memory_space<vmem>>
        %dma_wait3A_2564 = tpu.memref_squeeze %dma_wait3A_2563 : memref<1x1x128xi32, #tpu.memory_space<vmem>> -> memref<128xi32, #tpu.memory_space<vmem>>
        %dma_wait3A_2565 = arith.constant 0 : i32
        %dma_wait3A_2566 = tpu.memref_slice %arg15[%dma_wait3A_2565] : memref<10240xf32, #tpu.memory_space<vmem_shared>> -> memref<10240xf32, #tpu.memory_space<vmem_shared>>
        tpu.wait_indirect_dma semaphore(%run_scoped3A_2556 : memref<!tpu.dma_semaphore, #tpu.memory_space<semaphore_mem>>) src(%arg11 : memref<128xf32, #tpu.memory_space<vmem>>) dst(%dma_wait3A_2566 : memref<10240xf32, #tpu.memory_space<vmem_shared>>)
        tpu.yield
      }) : () -> ()
      %dma_start3A_1692 = arith.constant 0 : i32
      %dma_start3A_1693 = arith.constant 5 : i32
      %dma_start3A_1694 = arith.constant 1 : i32
      %dma_start3A_1695 = arith.constant 1 : i32
      %dma_start3A_1696 = arith.constant 0 : i32
      %dma_start3A_1697 = arith.constant 0 : i32
      %dma_start3A_1698 = tpu.memref_slice %arg10[%dma_start3A_1694, %dma_start3A_1696, %dma_start3A_1697] : memref<2x128x128xf32, #tpu.memory_space<vmem>> -> memref<1x128x128xf32, #tpu.memory_space<vmem>>
      %dma_start3A_1699 = tpu.memref_squeeze %dma_start3A_1698 : memref<1x128x128xf32, #tpu.memory_space<vmem>> -> memref<128x128xf32, #tpu.memory_space<vmem>>
      %dma_start3A_1700 = arith.constant 0 : i32
      %dma_start3A_1701 = tpu.memref_slice %arg9[%dma_start3A_1692, %dma_start3A_1693, %dma_start3A_1700] : memref<2x8x128xi32, #tpu.memory_space<vmem>> -> memref<1x1x128xi32, #tpu.memory_space<vmem>>
      %dma_start3A_1702 = tpu.memref_squeeze %dma_start3A_1701 : memref<1x1x128xi32, #tpu.memory_space<vmem>> -> memref<128xi32, #tpu.memory_space<vmem>>
      %dma_start3A_1703 = arith.constant 0 : i32
      %dma_start3A_1704 = arith.constant 0 : i32
      %dma_start3A_1705 = tpu.memref_slice %arg4[%dma_start3A_1703, %dma_start3A_1704] : memref<10000x128xf32, #tpu.memory_space<hbm>> -> memref<10000x128xf32, #tpu.memory_space<hbm>>
      %dma_start3A_1706 = tpu.memref_slice %arg18[%dma_start3A_1695] : memref<2x!tpu.dma_semaphore, #tpu.memory_space<semaphore_mem>> -> memref<1x!tpu.dma_semaphore, #tpu.memory_space<semaphore_mem>>
      %dma_start3A_1707 = tpu.memref_squeeze %dma_start3A_1706 : memref<1x!tpu.dma_semaphore, #tpu.memory_space<semaphore_mem>> -> memref<!tpu.dma_semaphore, #tpu.memory_space<semaphore_mem>>
      tpu.enqueue_indirect_dma source(%dma_start3A_1705 : memref<10000x128xf32, #tpu.memory_space<hbm>>) target(%dma_start3A_1699 : memref<128x128xf32, #tpu.memory_space<vmem>>) offsets(%dma_start3A_1702 : memref<128xi32, #tpu.memory_space<vmem>>) semaphore(%dma_start3A_1707 : memref<!tpu.dma_semaphore, #tpu.memory_space<semaphore_mem>>)
      %dma_wait3A_1708 = arith.constant 0 : i32
      %dma_wait3A_1709 = arith.constant 4 : i32
      %dma_wait3A_1710 = arith.constant 0 : i32
      %dma_wait3A_1711 = arith.constant 0 : i32
      %dma_wait3A_1712 = arith.constant 0 : i32
      %dma_wait3A_1713 = arith.constant 0 : i32
      %dma_wait3A_1714 = tpu.memref_slice %arg10[%dma_wait3A_1710, %dma_wait3A_1712, %dma_wait3A_1713] : memref<2x128x128xf32, #tpu.memory_space<vmem>> -> memref<1x128x128xf32, #tpu.memory_space<vmem>>
      %dma_wait3A_1715 = tpu.memref_squeeze %dma_wait3A_1714 : memref<1x128x128xf32, #tpu.memory_space<vmem>> -> memref<128x128xf32, #tpu.memory_space<vmem>>
      %dma_wait3A_1716 = arith.constant 0 : i32
      %dma_wait3A_1717 = tpu.memref_slice %arg9[%dma_wait3A_1708, %dma_wait3A_1709, %dma_wait3A_1716] : memref<2x8x128xi32, #tpu.memory_space<vmem>> -> memref<1x1x128xi32, #tpu.memory_space<vmem>>
      %dma_wait3A_1718 = tpu.memref_squeeze %dma_wait3A_1717 : memref<1x1x128xi32, #tpu.memory_space<vmem>> -> memref<128xi32, #tpu.memory_space<vmem>>
      %dma_wait3A_1719 = arith.constant 0 : i32
      %dma_wait3A_1720 = arith.constant 0 : i32
      %dma_wait3A_1721 = tpu.memref_slice %arg4[%dma_wait3A_1719, %dma_wait3A_1720] : memref<10000x128xf32, #tpu.memory_space<hbm>> -> memref<10000x128xf32, #tpu.memory_space<hbm>>
      %dma_wait3A_1722 = tpu.memref_slice %arg18[%dma_wait3A_1711] : memref<2x!tpu.dma_semaphore, #tpu.memory_space<semaphore_mem>> -> memref<1x!tpu.dma_semaphore, #tpu.memory_space<semaphore_mem>>
      %dma_wait3A_1723 = tpu.memref_squeeze %dma_wait3A_1722 : memref<1x!tpu.dma_semaphore, #tpu.memory_space<semaphore_mem>> -> memref<!tpu.dma_semaphore, #tpu.memory_space<semaphore_mem>>
      tpu.wait_indirect_dma semaphore(%dma_wait3A_1723 : memref<!tpu.dma_semaphore, #tpu.memory_space<semaphore_mem>>) src(%dma_wait3A_1721 : memref<10000x128xf32, #tpu.memory_space<hbm>>) dst(%dma_wait3A_1715 : memref<128x128xf32, #tpu.memory_space<vmem>>)
      %run_scoped3A_1724 = arith.constant 0 : i32
      %run_scoped3A_1725 = arith.constant 0 : i32
      %run_scoped3A_1726 = arith.constant 4 : i32
      "tpu.region"() ({
        %run_scoped3A_2556 = tpu.sem_alloc : memref<!tpu.dma_semaphore, #tpu.memory_space<semaphore_mem>>
        %dma_start3A_2557 = arith.constant 0 : i32
        %dma_start3A_2558 = arith.constant 0 : i32
        %dma_start3A_2559 = tpu.memref_slice %arg10[%run_scoped3A_1724, %dma_start3A_2557, %dma_start3A_2558] : memref<2x128x128xf32, #tpu.memory_space<vmem>> -> memref<1x128x128xf32, #tpu.memory_space<vmem>>
        %dma_start3A_2560 = tpu.memref_squeeze %dma_start3A_2559 : memref<1x128x128xf32, #tpu.memory_space<vmem>> -> memref<128x128xf32, #tpu.memory_space<vmem>>
        %dma_start3A_2561 = arith.constant 0 : i32
        %dma_start3A_2562 = tpu.memref_slice %arg8[%run_scoped3A_1725, %run_scoped3A_1726, %dma_start3A_2561] : memref<2x8x128xi32, #tpu.memory_space<vmem>> -> memref<1x1x128xi32, #tpu.memory_space<vmem>>
        %dma_start3A_2563 = tpu.memref_squeeze %dma_start3A_2562 : memref<1x1x128xi32, #tpu.memory_space<vmem>> -> memref<128xi32, #tpu.memory_space<vmem>>
        %dma_start3A_2564 = arith.constant 0 : i32
        %dma_start3A_2565 = arith.constant 0 : i32
        %dma_start3A_2566 = tpu.memref_slice %arg14[%dma_start3A_2564, %dma_start3A_2565] : memref<10240x128xf32, #tpu.memory_space<vmem_shared>> -> memref<10240x128xf32, #tpu.memory_space<vmem_shared>>
        tpu.enqueue_indirect_dma source(%dma_start3A_2560 : memref<128x128xf32, #tpu.memory_space<vmem>>) target(%dma_start3A_2566 : memref<10240x128xf32, #tpu.memory_space<vmem_shared>>) offsets(%dma_start3A_2563 : memref<128xi32, #tpu.memory_space<vmem>>) semaphore(%run_scoped3A_2556 : memref<!tpu.dma_semaphore, #tpu.memory_space<semaphore_mem>>) {add = true}
        %dma_wait3A_2567 = arith.constant 0 : i32
        %dma_wait3A_2568 = arith.constant 0 : i32
        %dma_wait3A_2569 = tpu.memref_slice %arg10[%run_scoped3A_1724, %dma_wait3A_2567, %dma_wait3A_2568] : memref<2x128x128xf32, #tpu.memory_space<vmem>> -> memref<1x128x128xf32, #tpu.memory_space<vmem>>
        %dma_wait3A_2570 = tpu.memref_squeeze %dma_wait3A_2569 : memref<1x128x128xf32, #tpu.memory_space<vmem>> -> memref<128x128xf32, #tpu.memory_space<vmem>>
        %dma_wait3A_2571 = arith.constant 0 : i32
        %dma_wait3A_2572 = tpu.memref_slice %arg8[%run_scoped3A_1725, %run_scoped3A_1726, %dma_wait3A_2571] : memref<2x8x128xi32, #tpu.memory_space<vmem>> -> memref<1x1x128xi32, #tpu.memory_space<vmem>>
        %dma_wait3A_2573 = tpu.memref_squeeze %dma_wait3A_2572 : memref<1x1x128xi32, #tpu.memory_space<vmem>> -> memref<128xi32, #tpu.memory_space<vmem>>
        %dma_wait3A_2574 = arith.constant 0 : i32
        %dma_wait3A_2575 = arith.constant 0 : i32
        %dma_wait3A_2576 = tpu.memref_slice %arg14[%dma_wait3A_2574, %dma_wait3A_2575] : memref<10240x128xf32, #tpu.memory_space<vmem_shared>> -> memref<10240x128xf32, #tpu.memory_space<vmem_shared>>
        tpu.wait_indirect_dma semaphore(%run_scoped3A_2556 : memref<!tpu.dma_semaphore, #tpu.memory_space<semaphore_mem>>) src(%dma_wait3A_2570 : memref<128x128xf32, #tpu.memory_space<vmem>>) dst(%dma_wait3A_2576 : memref<10240x128xf32, #tpu.memory_space<vmem_shared>>)
        tpu.yield
      }) : () -> ()
      %run_scoped3A_1727 = arith.constant 0 : i32
      %run_scoped3A_1728 = arith.constant 4 : i32
      "tpu.region"() ({
        %run_scoped3A_2556 = tpu.sem_alloc : memref<!tpu.dma_semaphore, #tpu.memory_space<semaphore_mem>>
        %dma_start3A_2557 = arith.constant 0 : i32
        %dma_start3A_2558 = tpu.memref_slice %arg8[%run_scoped3A_1727, %run_scoped3A_1728, %dma_start3A_2557] : memref<2x8x128xi32, #tpu.memory_space<vmem>> -> memref<1x1x128xi32, #tpu.memory_space<vmem>>
        %dma_start3A_2559 = tpu.memref_squeeze %dma_start3A_2558 : memref<1x1x128xi32, #tpu.memory_space<vmem>> -> memref<128xi32, #tpu.memory_space<vmem>>
        %dma_start3A_2560 = arith.constant 0 : i32
        %dma_start3A_2561 = tpu.memref_slice %arg15[%dma_start3A_2560] : memref<10240xf32, #tpu.memory_space<vmem_shared>> -> memref<10240xf32, #tpu.memory_space<vmem_shared>>
        tpu.enqueue_indirect_dma source(%arg11 : memref<128xf32, #tpu.memory_space<vmem>>) target(%dma_start3A_2561 : memref<10240xf32, #tpu.memory_space<vmem_shared>>) offsets(%dma_start3A_2559 : memref<128xi32, #tpu.memory_space<vmem>>) semaphore(%run_scoped3A_2556 : memref<!tpu.dma_semaphore, #tpu.memory_space<semaphore_mem>>) {add = true}
        %dma_wait3A_2562 = arith.constant 0 : i32
        %dma_wait3A_2563 = tpu.memref_slice %arg8[%run_scoped3A_1727, %run_scoped3A_1728, %dma_wait3A_2562] : memref<2x8x128xi32, #tpu.memory_space<vmem>> -> memref<1x1x128xi32, #tpu.memory_space<vmem>>
        %dma_wait3A_2564 = tpu.memref_squeeze %dma_wait3A_2563 : memref<1x1x128xi32, #tpu.memory_space<vmem>> -> memref<128xi32, #tpu.memory_space<vmem>>
        %dma_wait3A_2565 = arith.constant 0 : i32
        %dma_wait3A_2566 = tpu.memref_slice %arg15[%dma_wait3A_2565] : memref<10240xf32, #tpu.memory_space<vmem_shared>> -> memref<10240xf32, #tpu.memory_space<vmem_shared>>
        tpu.wait_indirect_dma semaphore(%run_scoped3A_2556 : memref<!tpu.dma_semaphore, #tpu.memory_space<semaphore_mem>>) src(%arg11 : memref<128xf32, #tpu.memory_space<vmem>>) dst(%dma_wait3A_2566 : memref<10240xf32, #tpu.memory_space<vmem_shared>>)
        tpu.yield
      }) : () -> ()
      %dma_start3A_1729 = arith.constant 0 : i32
      %dma_start3A_1730 = arith.constant 6 : i32
      %dma_start3A_1731 = arith.constant 0 : i32
      %dma_start3A_1732 = arith.constant 0 : i32
      %dma_start3A_1733 = arith.constant 0 : i32
      %dma_start3A_1734 = arith.constant 0 : i32
      %dma_start3A_1735 = tpu.memref_slice %arg10[%dma_start3A_1731, %dma_start3A_1733, %dma_start3A_1734] : memref<2x128x128xf32, #tpu.memory_space<vmem>> -> memref<1x128x128xf32, #tpu.memory_space<vmem>>
      %dma_start3A_1736 = tpu.memref_squeeze %dma_start3A_1735 : memref<1x128x128xf32, #tpu.memory_space<vmem>> -> memref<128x128xf32, #tpu.memory_space<vmem>>
      %dma_start3A_1737 = arith.constant 0 : i32
      %dma_start3A_1738 = tpu.memref_slice %arg9[%dma_start3A_1729, %dma_start3A_1730, %dma_start3A_1737] : memref<2x8x128xi32, #tpu.memory_space<vmem>> -> memref<1x1x128xi32, #tpu.memory_space<vmem>>
      %dma_start3A_1739 = tpu.memref_squeeze %dma_start3A_1738 : memref<1x1x128xi32, #tpu.memory_space<vmem>> -> memref<128xi32, #tpu.memory_space<vmem>>
      %dma_start3A_1740 = arith.constant 0 : i32
      %dma_start3A_1741 = arith.constant 0 : i32
      %dma_start3A_1742 = tpu.memref_slice %arg4[%dma_start3A_1740, %dma_start3A_1741] : memref<10000x128xf32, #tpu.memory_space<hbm>> -> memref<10000x128xf32, #tpu.memory_space<hbm>>
      %dma_start3A_1743 = tpu.memref_slice %arg18[%dma_start3A_1732] : memref<2x!tpu.dma_semaphore, #tpu.memory_space<semaphore_mem>> -> memref<1x!tpu.dma_semaphore, #tpu.memory_space<semaphore_mem>>
      %dma_start3A_1744 = tpu.memref_squeeze %dma_start3A_1743 : memref<1x!tpu.dma_semaphore, #tpu.memory_space<semaphore_mem>> -> memref<!tpu.dma_semaphore, #tpu.memory_space<semaphore_mem>>
      tpu.enqueue_indirect_dma source(%dma_start3A_1742 : memref<10000x128xf32, #tpu.memory_space<hbm>>) target(%dma_start3A_1736 : memref<128x128xf32, #tpu.memory_space<vmem>>) offsets(%dma_start3A_1739 : memref<128xi32, #tpu.memory_space<vmem>>) semaphore(%dma_start3A_1744 : memref<!tpu.dma_semaphore, #tpu.memory_space<semaphore_mem>>)
      %dma_wait3A_1745 = arith.constant 0 : i32
      %dma_wait3A_1746 = arith.constant 5 : i32
      %dma_wait3A_1747 = arith.constant 1 : i32
      %dma_wait3A_1748 = arith.constant 1 : i32
      %dma_wait3A_1749 = arith.constant 0 : i32
      %dma_wait3A_1750 = arith.constant 0 : i32
      %dma_wait3A_1751 = tpu.memref_slice %arg10[%dma_wait3A_1747, %dma_wait3A_1749, %dma_wait3A_1750] : memref<2x128x128xf32, #tpu.memory_space<vmem>> -> memref<1x128x128xf32, #tpu.memory_space<vmem>>
      %dma_wait3A_1752 = tpu.memref_squeeze %dma_wait3A_1751 : memref<1x128x128xf32, #tpu.memory_space<vmem>> -> memref<128x128xf32, #tpu.memory_space<vmem>>
      %dma_wait3A_1753 = arith.constant 0 : i32
      %dma_wait3A_1754 = tpu.memref_slice %arg9[%dma_wait3A_1745, %dma_wait3A_1746, %dma_wait3A_1753] : memref<2x8x128xi32, #tpu.memory_space<vmem>> -> memref<1x1x128xi32, #tpu.memory_space<vmem>>
      %dma_wait3A_1755 = tpu.memref_squeeze %dma_wait3A_1754 : memref<1x1x128xi32, #tpu.memory_space<vmem>> -> memref<128xi32, #tpu.memory_space<vmem>>
      %dma_wait3A_1756 = arith.constant 0 : i32
      %dma_wait3A_1757 = arith.constant 0 : i32
      %dma_wait3A_1758 = tpu.memref_slice %arg4[%dma_wait3A_1756, %dma_wait3A_1757] : memref<10000x128xf32, #tpu.memory_space<hbm>> -> memref<10000x128xf32, #tpu.memory_space<hbm>>
      %dma_wait3A_1759 = tpu.memref_slice %arg18[%dma_wait3A_1748] : memref<2x!tpu.dma_semaphore, #tpu.memory_space<semaphore_mem>> -> memref<1x!tpu.dma_semaphore, #tpu.memory_space<semaphore_mem>>
      %dma_wait3A_1760 = tpu.memref_squeeze %dma_wait3A_1759 : memref<1x!tpu.dma_semaphore, #tpu.memory_space<semaphore_mem>> -> memref<!tpu.dma_semaphore, #tpu.memory_space<semaphore_mem>>
      tpu.wait_indirect_dma semaphore(%dma_wait3A_1760 : memref<!tpu.dma_semaphore, #tpu.memory_space<semaphore_mem>>) src(%dma_wait3A_1758 : memref<10000x128xf32, #tpu.memory_space<hbm>>) dst(%dma_wait3A_1752 : memref<128x128xf32, #tpu.memory_space<vmem>>)
      %run_scoped3A_1761 = arith.constant 1 : i32
      %run_scoped3A_1762 = arith.constant 0 : i32
      %run_scoped3A_1763 = arith.constant 5 : i32
      "tpu.region"() ({
        %run_scoped3A_2556 = tpu.sem_alloc : memref<!tpu.dma_semaphore, #tpu.memory_space<semaphore_mem>>
        %dma_start3A_2557 = arith.constant 0 : i32
        %dma_start3A_2558 = arith.constant 0 : i32
        %dma_start3A_2559 = tpu.memref_slice %arg10[%run_scoped3A_1761, %dma_start3A_2557, %dma_start3A_2558] : memref<2x128x128xf32, #tpu.memory_space<vmem>> -> memref<1x128x128xf32, #tpu.memory_space<vmem>>
        %dma_start3A_2560 = tpu.memref_squeeze %dma_start3A_2559 : memref<1x128x128xf32, #tpu.memory_space<vmem>> -> memref<128x128xf32, #tpu.memory_space<vmem>>
        %dma_start3A_2561 = arith.constant 0 : i32
        %dma_start3A_2562 = tpu.memref_slice %arg8[%run_scoped3A_1762, %run_scoped3A_1763, %dma_start3A_2561] : memref<2x8x128xi32, #tpu.memory_space<vmem>> -> memref<1x1x128xi32, #tpu.memory_space<vmem>>
        %dma_start3A_2563 = tpu.memref_squeeze %dma_start3A_2562 : memref<1x1x128xi32, #tpu.memory_space<vmem>> -> memref<128xi32, #tpu.memory_space<vmem>>
        %dma_start3A_2564 = arith.constant 0 : i32
        %dma_start3A_2565 = arith.constant 0 : i32
        %dma_start3A_2566 = tpu.memref_slice %arg14[%dma_start3A_2564, %dma_start3A_2565] : memref<10240x128xf32, #tpu.memory_space<vmem_shared>> -> memref<10240x128xf32, #tpu.memory_space<vmem_shared>>
        tpu.enqueue_indirect_dma source(%dma_start3A_2560 : memref<128x128xf32, #tpu.memory_space<vmem>>) target(%dma_start3A_2566 : memref<10240x128xf32, #tpu.memory_space<vmem_shared>>) offsets(%dma_start3A_2563 : memref<128xi32, #tpu.memory_space<vmem>>) semaphore(%run_scoped3A_2556 : memref<!tpu.dma_semaphore, #tpu.memory_space<semaphore_mem>>) {add = true}
        %dma_wait3A_2567 = arith.constant 0 : i32
        %dma_wait3A_2568 = arith.constant 0 : i32
        %dma_wait3A_2569 = tpu.memref_slice %arg10[%run_scoped3A_1761, %dma_wait3A_2567, %dma_wait3A_2568] : memref<2x128x128xf32, #tpu.memory_space<vmem>> -> memref<1x128x128xf32, #tpu.memory_space<vmem>>
        %dma_wait3A_2570 = tpu.memref_squeeze %dma_wait3A_2569 : memref<1x128x128xf32, #tpu.memory_space<vmem>> -> memref<128x128xf32, #tpu.memory_space<vmem>>
        %dma_wait3A_2571 = arith.constant 0 : i32
        %dma_wait3A_2572 = tpu.memref_slice %arg8[%run_scoped3A_1762, %run_scoped3A_1763, %dma_wait3A_2571] : memref<2x8x128xi32, #tpu.memory_space<vmem>> -> memref<1x1x128xi32, #tpu.memory_space<vmem>>
        %dma_wait3A_2573 = tpu.memref_squeeze %dma_wait3A_2572 : memref<1x1x128xi32, #tpu.memory_space<vmem>> -> memref<128xi32, #tpu.memory_space<vmem>>
        %dma_wait3A_2574 = arith.constant 0 : i32
        %dma_wait3A_2575 = arith.constant 0 : i32
        %dma_wait3A_2576 = tpu.memref_slice %arg14[%dma_wait3A_2574, %dma_wait3A_2575] : memref<10240x128xf32, #tpu.memory_space<vmem_shared>> -> memref<10240x128xf32, #tpu.memory_space<vmem_shared>>
        tpu.wait_indirect_dma semaphore(%run_scoped3A_2556 : memref<!tpu.dma_semaphore, #tpu.memory_space<semaphore_mem>>) src(%dma_wait3A_2570 : memref<128x128xf32, #tpu.memory_space<vmem>>) dst(%dma_wait3A_2576 : memref<10240x128xf32, #tpu.memory_space<vmem_shared>>)
        tpu.yield
      }) : () -> ()
      %run_scoped3A_1764 = arith.constant 0 : i32
      %run_scoped3A_1765 = arith.constant 5 : i32
      "tpu.region"() ({
        %run_scoped3A_2556 = tpu.sem_alloc : memref<!tpu.dma_semaphore, #tpu.memory_space<semaphore_mem>>
        %dma_start3A_2557 = arith.constant 0 : i32
        %dma_start3A_2558 = tpu.memref_slice %arg8[%run_scoped3A_1764, %run_scoped3A_1765, %dma_start3A_2557] : memref<2x8x128xi32, #tpu.memory_space<vmem>> -> memref<1x1x128xi32, #tpu.memory_space<vmem>>
        %dma_start3A_2559 = tpu.memref_squeeze %dma_start3A_2558 : memref<1x1x128xi32, #tpu.memory_space<vmem>> -> memref<128xi32, #tpu.memory_space<vmem>>
        %dma_start3A_2560 = arith.constant 0 : i32
        %dma_start3A_2561 = tpu.memref_slice %arg15[%dma_start3A_2560] : memref<10240xf32, #tpu.memory_space<vmem_shared>> -> memref<10240xf32, #tpu.memory_space<vmem_shared>>
        tpu.enqueue_indirect_dma source(%arg11 : memref<128xf32, #tpu.memory_space<vmem>>) target(%dma_start3A_2561 : memref<10240xf32, #tpu.memory_space<vmem_shared>>) offsets(%dma_start3A_2559 : memref<128xi32, #tpu.memory_space<vmem>>) semaphore(%run_scoped3A_2556 : memref<!tpu.dma_semaphore, #tpu.memory_space<semaphore_mem>>) {add = true}
        %dma_wait3A_2562 = arith.constant 0 : i32
        %dma_wait3A_2563 = tpu.memref_slice %arg8[%run_scoped3A_1764, %run_scoped3A_1765, %dma_wait3A_2562] : memref<2x8x128xi32, #tpu.memory_space<vmem>> -> memref<1x1x128xi32, #tpu.memory_space<vmem>>
        %dma_wait3A_2564 = tpu.memref_squeeze %dma_wait3A_2563 : memref<1x1x128xi32, #tpu.memory_space<vmem>> -> memref<128xi32, #tpu.memory_space<vmem>>
        %dma_wait3A_2565 = arith.constant 0 : i32
        %dma_wait3A_2566 = tpu.memref_slice %arg15[%dma_wait3A_2565] : memref<10240xf32, #tpu.memory_space<vmem_shared>> -> memref<10240xf32, #tpu.memory_space<vmem_shared>>
        tpu.wait_indirect_dma semaphore(%run_scoped3A_2556 : memref<!tpu.dma_semaphore, #tpu.memory_space<semaphore_mem>>) src(%arg11 : memref<128xf32, #tpu.memory_space<vmem>>) dst(%dma_wait3A_2566 : memref<10240xf32, #tpu.memory_space<vmem_shared>>)
        tpu.yield
      }) : () -> ()
      %dma_start3A_1766 = arith.constant 0 : i32
      %dma_start3A_1767 = arith.constant 7 : i32
      %dma_start3A_1768 = arith.constant 1 : i32
      %dma_start3A_1769 = arith.constant 1 : i32
      %dma_start3A_1770 = arith.constant 0 : i32
      %dma_start3A_1771 = arith.constant 0 : i32
      %dma_start3A_1772 = tpu.memref_slice %arg10[%dma_start3A_1768, %dma_start3A_1770, %dma_start3A_1771] : memref<2x128x128xf32, #tpu.memory_space<vmem>> -> memref<1x128x128xf32, #tpu.memory_space<vmem>>
      %dma_start3A_1773 = tpu.memref_squeeze %dma_start3A_1772 : memref<1x128x128xf32, #tpu.memory_space<vmem>> -> memref<128x128xf32, #tpu.memory_space<vmem>>
      %dma_start3A_1774 = arith.constant 0 : i32
      %dma_start3A_1775 = tpu.memref_slice %arg9[%dma_start3A_1766, %dma_start3A_1767, %dma_start3A_1774] : memref<2x8x128xi32, #tpu.memory_space<vmem>> -> memref<1x1x128xi32, #tpu.memory_space<vmem>>
      %dma_start3A_1776 = tpu.memref_squeeze %dma_start3A_1775 : memref<1x1x128xi32, #tpu.memory_space<vmem>> -> memref<128xi32, #tpu.memory_space<vmem>>
      %dma_start3A_1777 = arith.constant 0 : i32
      %dma_start3A_1778 = arith.constant 0 : i32
      %dma_start3A_1779 = tpu.memref_slice %arg4[%dma_start3A_1777, %dma_start3A_1778] : memref<10000x128xf32, #tpu.memory_space<hbm>> -> memref<10000x128xf32, #tpu.memory_space<hbm>>
      %dma_start3A_1780 = tpu.memref_slice %arg18[%dma_start3A_1769] : memref<2x!tpu.dma_semaphore, #tpu.memory_space<semaphore_mem>> -> memref<1x!tpu.dma_semaphore, #tpu.memory_space<semaphore_mem>>
      %dma_start3A_1781 = tpu.memref_squeeze %dma_start3A_1780 : memref<1x!tpu.dma_semaphore, #tpu.memory_space<semaphore_mem>> -> memref<!tpu.dma_semaphore, #tpu.memory_space<semaphore_mem>>
      tpu.enqueue_indirect_dma source(%dma_start3A_1779 : memref<10000x128xf32, #tpu.memory_space<hbm>>) target(%dma_start3A_1773 : memref<128x128xf32, #tpu.memory_space<vmem>>) offsets(%dma_start3A_1776 : memref<128xi32, #tpu.memory_space<vmem>>) semaphore(%dma_start3A_1781 : memref<!tpu.dma_semaphore, #tpu.memory_space<semaphore_mem>>)
      %dma_wait3A_1782 = arith.constant 0 : i32
      %dma_wait3A_1783 = arith.constant 6 : i32
      %dma_wait3A_1784 = arith.constant 0 : i32
      %dma_wait3A_1785 = arith.constant 0 : i32
      %dma_wait3A_1786 = arith.constant 0 : i32
      %dma_wait3A_1787 = arith.constant 0 : i32
      %dma_wait3A_1788 = tpu.memref_slice %arg10[%dma_wait3A_1784, %dma_wait3A_1786, %dma_wait3A_1787] : memref<2x128x128xf32, #tpu.memory_space<vmem>> -> memref<1x128x128xf32, #tpu.memory_space<vmem>>
      %dma_wait3A_1789 = tpu.memref_squeeze %dma_wait3A_1788 : memref<1x128x128xf32, #tpu.memory_space<vmem>> -> memref<128x128xf32, #tpu.memory_space<vmem>>
      %dma_wait3A_1790 = arith.constant 0 : i32
      %dma_wait3A_1791 = tpu.memref_slice %arg9[%dma_wait3A_1782, %dma_wait3A_1783, %dma_wait3A_1790] : memref<2x8x128xi32, #tpu.memory_space<vmem>> -> memref<1x1x128xi32, #tpu.memory_space<vmem>>
      %dma_wait3A_1792 = tpu.memref_squeeze %dma_wait3A_1791 : memref<1x1x128xi32, #tpu.memory_space<vmem>> -> memref<128xi32, #tpu.memory_space<vmem>>
      %dma_wait3A_1793 = arith.constant 0 : i32
      %dma_wait3A_1794 = arith.constant 0 : i32
      %dma_wait3A_1795 = tpu.memref_slice %arg4[%dma_wait3A_1793, %dma_wait3A_1794] : memref<10000x128xf32, #tpu.memory_space<hbm>> -> memref<10000x128xf32, #tpu.memory_space<hbm>>
      %dma_wait3A_1796 = tpu.memref_slice %arg18[%dma_wait3A_1785] : memref<2x!tpu.dma_semaphore, #tpu.memory_space<semaphore_mem>> -> memref<1x!tpu.dma_semaphore, #tpu.memory_space<semaphore_mem>>
      %dma_wait3A_1797 = tpu.memref_squeeze %dma_wait3A_1796 : memref<1x!tpu.dma_semaphore, #tpu.memory_space<semaphore_mem>> -> memref<!tpu.dma_semaphore, #tpu.memory_space<semaphore_mem>>
      tpu.wait_indirect_dma semaphore(%dma_wait3A_1797 : memref<!tpu.dma_semaphore, #tpu.memory_space<semaphore_mem>>) src(%dma_wait3A_1795 : memref<10000x128xf32, #tpu.memory_space<hbm>>) dst(%dma_wait3A_1789 : memref<128x128xf32, #tpu.memory_space<vmem>>)
      %run_scoped3A_1798 = arith.constant 0 : i32
      %run_scoped3A_1799 = arith.constant 0 : i32
      %run_scoped3A_1800 = arith.constant 6 : i32
      "tpu.region"() ({
        %run_scoped3A_2556 = tpu.sem_alloc : memref<!tpu.dma_semaphore, #tpu.memory_space<semaphore_mem>>
        %dma_start3A_2557 = arith.constant 0 : i32
        %dma_start3A_2558 = arith.constant 0 : i32
        %dma_start3A_2559 = tpu.memref_slice %arg10[%run_scoped3A_1798, %dma_start3A_2557, %dma_start3A_2558] : memref<2x128x128xf32, #tpu.memory_space<vmem>> -> memref<1x128x128xf32, #tpu.memory_space<vmem>>
        %dma_start3A_2560 = tpu.memref_squeeze %dma_start3A_2559 : memref<1x128x128xf32, #tpu.memory_space<vmem>> -> memref<128x128xf32, #tpu.memory_space<vmem>>
        %dma_start3A_2561 = arith.constant 0 : i32
        %dma_start3A_2562 = tpu.memref_slice %arg8[%run_scoped3A_1799, %run_scoped3A_1800, %dma_start3A_2561] : memref<2x8x128xi32, #tpu.memory_space<vmem>> -> memref<1x1x128xi32, #tpu.memory_space<vmem>>
        %dma_start3A_2563 = tpu.memref_squeeze %dma_start3A_2562 : memref<1x1x128xi32, #tpu.memory_space<vmem>> -> memref<128xi32, #tpu.memory_space<vmem>>
        %dma_start3A_2564 = arith.constant 0 : i32
        %dma_start3A_2565 = arith.constant 0 : i32
        %dma_start3A_2566 = tpu.memref_slice %arg14[%dma_start3A_2564, %dma_start3A_2565] : memref<10240x128xf32, #tpu.memory_space<vmem_shared>> -> memref<10240x128xf32, #tpu.memory_space<vmem_shared>>
        tpu.enqueue_indirect_dma source(%dma_start3A_2560 : memref<128x128xf32, #tpu.memory_space<vmem>>) target(%dma_start3A_2566 : memref<10240x128xf32, #tpu.memory_space<vmem_shared>>) offsets(%dma_start3A_2563 : memref<128xi32, #tpu.memory_space<vmem>>) semaphore(%run_scoped3A_2556 : memref<!tpu.dma_semaphore, #tpu.memory_space<semaphore_mem>>) {add = true}
        %dma_wait3A_2567 = arith.constant 0 : i32
        %dma_wait3A_2568 = arith.constant 0 : i32
        %dma_wait3A_2569 = tpu.memref_slice %arg10[%run_scoped3A_1798, %dma_wait3A_2567, %dma_wait3A_2568] : memref<2x128x128xf32, #tpu.memory_space<vmem>> -> memref<1x128x128xf32, #tpu.memory_space<vmem>>
        %dma_wait3A_2570 = tpu.memref_squeeze %dma_wait3A_2569 : memref<1x128x128xf32, #tpu.memory_space<vmem>> -> memref<128x128xf32, #tpu.memory_space<vmem>>
        %dma_wait3A_2571 = arith.constant 0 : i32
        %dma_wait3A_2572 = tpu.memref_slice %arg8[%run_scoped3A_1799, %run_scoped3A_1800, %dma_wait3A_2571] : memref<2x8x128xi32, #tpu.memory_space<vmem>> -> memref<1x1x128xi32, #tpu.memory_space<vmem>>
        %dma_wait3A_2573 = tpu.memref_squeeze %dma_wait3A_2572 : memref<1x1x128xi32, #tpu.memory_space<vmem>> -> memref<128xi32, #tpu.memory_space<vmem>>
        %dma_wait3A_2574 = arith.constant 0 : i32
        %dma_wait3A_2575 = arith.constant 0 : i32
        %dma_wait3A_2576 = tpu.memref_slice %arg14[%dma_wait3A_2574, %dma_wait3A_2575] : memref<10240x128xf32, #tpu.memory_space<vmem_shared>> -> memref<10240x128xf32, #tpu.memory_space<vmem_shared>>
        tpu.wait_indirect_dma semaphore(%run_scoped3A_2556 : memref<!tpu.dma_semaphore, #tpu.memory_space<semaphore_mem>>) src(%dma_wait3A_2570 : memref<128x128xf32, #tpu.memory_space<vmem>>) dst(%dma_wait3A_2576 : memref<10240x128xf32, #tpu.memory_space<vmem_shared>>)
        tpu.yield
      }) : () -> ()
      %run_scoped3A_1801 = arith.constant 0 : i32
      %run_scoped3A_1802 = arith.constant 6 : i32
      "tpu.region"() ({
        %run_scoped3A_2556 = tpu.sem_alloc : memref<!tpu.dma_semaphore, #tpu.memory_space<semaphore_mem>>
        %dma_start3A_2557 = arith.constant 0 : i32
        %dma_start3A_2558 = tpu.memref_slice %arg8[%run_scoped3A_1801, %run_scoped3A_1802, %dma_start3A_2557] : memref<2x8x128xi32, #tpu.memory_space<vmem>> -> memref<1x1x128xi32, #tpu.memory_space<vmem>>
        %dma_start3A_2559 = tpu.memref_squeeze %dma_start3A_2558 : memref<1x1x128xi32, #tpu.memory_space<vmem>> -> memref<128xi32, #tpu.memory_space<vmem>>
        %dma_start3A_2560 = arith.constant 0 : i32
        %dma_start3A_2561 = tpu.memref_slice %arg15[%dma_start3A_2560] : memref<10240xf32, #tpu.memory_space<vmem_shared>> -> memref<10240xf32, #tpu.memory_space<vmem_shared>>
        tpu.enqueue_indirect_dma source(%arg11 : memref<128xf32, #tpu.memory_space<vmem>>) target(%dma_start3A_2561 : memref<10240xf32, #tpu.memory_space<vmem_shared>>) offsets(%dma_start3A_2559 : memref<128xi32, #tpu.memory_space<vmem>>) semaphore(%run_scoped3A_2556 : memref<!tpu.dma_semaphore, #tpu.memory_space<semaphore_mem>>) {add = true}
        %dma_wait3A_2562 = arith.constant 0 : i32
        %dma_wait3A_2563 = tpu.memref_slice %arg8[%run_scoped3A_1801, %run_scoped3A_1802, %dma_wait3A_2562] : memref<2x8x128xi32, #tpu.memory_space<vmem>> -> memref<1x1x128xi32, #tpu.memory_space<vmem>>
        %dma_wait3A_2564 = tpu.memref_squeeze %dma_wait3A_2563 : memref<1x1x128xi32, #tpu.memory_space<vmem>> -> memref<128xi32, #tpu.memory_space<vmem>>
        %dma_wait3A_2565 = arith.constant 0 : i32
        %dma_wait3A_2566 = tpu.memref_slice %arg15[%dma_wait3A_2565] : memref<10240xf32, #tpu.memory_space<vmem_shared>> -> memref<10240xf32, #tpu.memory_space<vmem_shared>>
        tpu.wait_indirect_dma semaphore(%run_scoped3A_2556 : memref<!tpu.dma_semaphore, #tpu.memory_space<semaphore_mem>>) src(%arg11 : memref<128xf32, #tpu.memory_space<vmem>>) dst(%dma_wait3A_2566 : memref<10240xf32, #tpu.memory_space<vmem_shared>>)
        tpu.yield
      }) : () -> ()
      %dma_wait3A_1803 = arith.constant 0 : i32
      %dma_wait3A_1804 = arith.constant 7 : i32
      %dma_wait3A_1805 = arith.constant 1 : i32
      %dma_wait3A_1806 = arith.constant 1 : i32
      %dma_wait3A_1807 = arith.constant 0 : i32
      %dma_wait3A_1808 = arith.constant 0 : i32
      %dma_wait3A_1809 = tpu.memref_slice %arg10[%dma_wait3A_1805, %dma_wait3A_1807, %dma_wait3A_1808] : memref<2x128x128xf32, #tpu.memory_space<vmem>> -> memref<1x128x128xf32, #tpu.memory_space<vmem>>
      %dma_wait3A_1810 = tpu.memref_squeeze %dma_wait3A_1809 : memref<1x128x128xf32, #tpu.memory_space<vmem>> -> memref<128x128xf32, #tpu.memory_space<vmem>>
      %dma_wait3A_1811 = arith.constant 0 : i32
      %dma_wait3A_1812 = tpu.memref_slice %arg9[%dma_wait3A_1803, %dma_wait3A_1804, %dma_wait3A_1811] : memref<2x8x128xi32, #tpu.memory_space<vmem>> -> memref<1x1x128xi32, #tpu.memory_space<vmem>>
      %dma_wait3A_1813 = tpu.memref_squeeze %dma_wait3A_1812 : memref<1x1x128xi32, #tpu.memory_space<vmem>> -> memref<128xi32, #tpu.memory_space<vmem>>
      %dma_wait3A_1814 = arith.constant 0 : i32
      %dma_wait3A_1815 = arith.constant 0 : i32
      %dma_wait3A_1816 = tpu.memref_slice %arg4[%dma_wait3A_1814, %dma_wait3A_1815] : memref<10000x128xf32, #tpu.memory_space<hbm>> -> memref<10000x128xf32, #tpu.memory_space<hbm>>
      %dma_wait3A_1817 = tpu.memref_slice %arg18[%dma_wait3A_1806] : memref<2x!tpu.dma_semaphore, #tpu.memory_space<semaphore_mem>> -> memref<1x!tpu.dma_semaphore, #tpu.memory_space<semaphore_mem>>
      %dma_wait3A_1818 = tpu.memref_squeeze %dma_wait3A_1817 : memref<1x!tpu.dma_semaphore, #tpu.memory_space<semaphore_mem>> -> memref<!tpu.dma_semaphore, #tpu.memory_space<semaphore_mem>>
      tpu.wait_indirect_dma semaphore(%dma_wait3A_1818 : memref<!tpu.dma_semaphore, #tpu.memory_space<semaphore_mem>>) src(%dma_wait3A_1816 : memref<10000x128xf32, #tpu.memory_space<hbm>>) dst(%dma_wait3A_1810 : memref<128x128xf32, #tpu.memory_space<vmem>>)
      %run_scoped3A_1819 = arith.constant 1 : i32
      %run_scoped3A_1820 = arith.constant 0 : i32
      %run_scoped3A_1821 = arith.constant 7 : i32
      "tpu.region"() ({
        %run_scoped3A_2556 = tpu.sem_alloc : memref<!tpu.dma_semaphore, #tpu.memory_space<semaphore_mem>>
        %dma_start3A_2557 = arith.constant 0 : i32
        %dma_start3A_2558 = arith.constant 0 : i32
        %dma_start3A_2559 = tpu.memref_slice %arg10[%run_scoped3A_1819, %dma_start3A_2557, %dma_start3A_2558] : memref<2x128x128xf32, #tpu.memory_space<vmem>> -> memref<1x128x128xf32, #tpu.memory_space<vmem>>
        %dma_start3A_2560 = tpu.memref_squeeze %dma_start3A_2559 : memref<1x128x128xf32, #tpu.memory_space<vmem>> -> memref<128x128xf32, #tpu.memory_space<vmem>>
        %dma_start3A_2561 = arith.constant 0 : i32
        %dma_start3A_2562 = tpu.memref_slice %arg8[%run_scoped3A_1820, %run_scoped3A_1821, %dma_start3A_2561] : memref<2x8x128xi32, #tpu.memory_space<vmem>> -> memref<1x1x128xi32, #tpu.memory_space<vmem>>
        %dma_start3A_2563 = tpu.memref_squeeze %dma_start3A_2562 : memref<1x1x128xi32, #tpu.memory_space<vmem>> -> memref<128xi32, #tpu.memory_space<vmem>>
        %dma_start3A_2564 = arith.constant 0 : i32
        %dma_start3A_2565 = arith.constant 0 : i32
        %dma_start3A_2566 = tpu.memref_slice %arg14[%dma_start3A_2564, %dma_start3A_2565] : memref<10240x128xf32, #tpu.memory_space<vmem_shared>> -> memref<10240x128xf32, #tpu.memory_space<vmem_shared>>
        tpu.enqueue_indirect_dma source(%dma_start3A_2560 : memref<128x128xf32, #tpu.memory_space<vmem>>) target(%dma_start3A_2566 : memref<10240x128xf32, #tpu.memory_space<vmem_shared>>) offsets(%dma_start3A_2563 : memref<128xi32, #tpu.memory_space<vmem>>) semaphore(%run_scoped3A_2556 : memref<!tpu.dma_semaphore, #tpu.memory_space<semaphore_mem>>) {add = true}
        %dma_wait3A_2567 = arith.constant 0 : i32
        %dma_wait3A_2568 = arith.constant 0 : i32
        %dma_wait3A_2569 = tpu.memref_slice %arg10[%run_scoped3A_1819, %dma_wait3A_2567, %dma_wait3A_2568] : memref<2x128x128xf32, #tpu.memory_space<vmem>> -> memref<1x128x128xf32, #tpu.memory_space<vmem>>
        %dma_wait3A_2570 = tpu.memref_squeeze %dma_wait3A_2569 : memref<1x128x128xf32, #tpu.memory_space<vmem>> -> memref<128x128xf32, #tpu.memory_space<vmem>>
        %dma_wait3A_2571 = arith.constant 0 : i32
        %dma_wait3A_2572 = tpu.memref_slice %arg8[%run_scoped3A_1820, %run_scoped3A_1821, %dma_wait3A_2571] : memref<2x8x128xi32, #tpu.memory_space<vmem>> -> memref<1x1x128xi32, #tpu.memory_space<vmem>>
        %dma_wait3A_2573 = tpu.memref_squeeze %dma_wait3A_2572 : memref<1x1x128xi32, #tpu.memory_space<vmem>> -> memref<128xi32, #tpu.memory_space<vmem>>
        %dma_wait3A_2574 = arith.constant 0 : i32
        %dma_wait3A_2575 = arith.constant 0 : i32
        %dma_wait3A_2576 = tpu.memref_slice %arg14[%dma_wait3A_2574, %dma_wait3A_2575] : memref<10240x128xf32, #tpu.memory_space<vmem_shared>> -> memref<10240x128xf32, #tpu.memory_space<vmem_shared>>
        tpu.wait_indirect_dma semaphore(%run_scoped3A_2556 : memref<!tpu.dma_semaphore, #tpu.memory_space<semaphore_mem>>) src(%dma_wait3A_2570 : memref<128x128xf32, #tpu.memory_space<vmem>>) dst(%dma_wait3A_2576 : memref<10240x128xf32, #tpu.memory_space<vmem_shared>>)
        tpu.yield
      }) : () -> ()
      %run_scoped3A_1822 = arith.constant 0 : i32
      %run_scoped3A_1823 = arith.constant 7 : i32
      "tpu.region"() ({
        %run_scoped3A_2556 = tpu.sem_alloc : memref<!tpu.dma_semaphore, #tpu.memory_space<semaphore_mem>>
        %dma_start3A_2557 = arith.constant 0 : i32
        %dma_start3A_2558 = tpu.memref_slice %arg8[%run_scoped3A_1822, %run_scoped3A_1823, %dma_start3A_2557] : memref<2x8x128xi32, #tpu.memory_space<vmem>> -> memref<1x1x128xi32, #tpu.memory_space<vmem>>
        %dma_start3A_2559 = tpu.memref_squeeze %dma_start3A_2558 : memref<1x1x128xi32, #tpu.memory_space<vmem>> -> memref<128xi32, #tpu.memory_space<vmem>>
        %dma_start3A_2560 = arith.constant 0 : i32
        %dma_start3A_2561 = tpu.memref_slice %arg15[%dma_start3A_2560] : memref<10240xf32, #tpu.memory_space<vmem_shared>> -> memref<10240xf32, #tpu.memory_space<vmem_shared>>
        tpu.enqueue_indirect_dma source(%arg11 : memref<128xf32, #tpu.memory_space<vmem>>) target(%dma_start3A_2561 : memref<10240xf32, #tpu.memory_space<vmem_shared>>) offsets(%dma_start3A_2559 : memref<128xi32, #tpu.memory_space<vmem>>) semaphore(%run_scoped3A_2556 : memref<!tpu.dma_semaphore, #tpu.memory_space<semaphore_mem>>) {add = true}
        %dma_wait3A_2562 = arith.constant 0 : i32
        %dma_wait3A_2563 = tpu.memref_slice %arg8[%run_scoped3A_1822, %run_scoped3A_1823, %dma_wait3A_2562] : memref<2x8x128xi32, #tpu.memory_space<vmem>> -> memref<1x1x128xi32, #tpu.memory_space<vmem>>
        %dma_wait3A_2564 = tpu.memref_squeeze %dma_wait3A_2563 : memref<1x1x128xi32, #tpu.memory_space<vmem>> -> memref<128xi32, #tpu.memory_space<vmem>>
        %dma_wait3A_2565 = arith.constant 0 : i32
        %dma_wait3A_2566 = tpu.memref_slice %arg15[%dma_wait3A_2565] : memref<10240xf32, #tpu.memory_space<vmem_shared>> -> memref<10240xf32, #tpu.memory_space<vmem_shared>>
        tpu.wait_indirect_dma semaphore(%run_scoped3A_2556 : memref<!tpu.dma_semaphore, #tpu.memory_space<semaphore_mem>>) src(%arg11 : memref<128xf32, #tpu.memory_space<vmem>>) dst(%dma_wait3A_2566 : memref<10240xf32, #tpu.memory_space<vmem_shared>>)
        tpu.yield
      }) : () -> ()
      %dma_wait3A_1824 = arith.constant 1 : i32
      %dma_wait3A_1825 = arith.constant 0 : i32
      %dma_wait3A_1826 = arith.constant 1 : i32
      %dma_wait3A_1827 = arith.constant 0 : i32
      %dma_wait3A_1828 = arith.constant 1 : i32
      %dma_wait3A_1829 = arith.constant 0 : i32
      %dma_wait3A_1830 = tpu.memref_slice %arg9[%dma_wait3A_1826, %dma_wait3A_1827, %dma_wait3A_1829] : memref<2x8x128xi32, #tpu.memory_space<vmem>> -> memref<1x1x128xi32, #tpu.memory_space<vmem>>
      %dma_wait3A_1831 = tpu.memref_squeeze %dma_wait3A_1830 : memref<1x1x128xi32, #tpu.memory_space<vmem>> -> memref<128xi32, #tpu.memory_space<vmem>>
      %dma_wait3A_1832 = arith.constant 0 : i32
      %dma_wait3A_1833 = tpu.memref_slice %arg7[%dma_wait3A_1824, %dma_wait3A_1825, %dma_wait3A_1832] : memref<2x8x128xi32, #tpu.memory_space<vmem>> -> memref<1x1x128xi32, #tpu.memory_space<vmem>>
      %dma_wait3A_1834 = tpu.memref_squeeze %dma_wait3A_1833 : memref<1x1x128xi32, #tpu.memory_space<vmem>> -> memref<128xi32, #tpu.memory_space<vmem>>
      %dma_wait3A_1835 = arith.constant 0 : i32
      %dma_wait3A_1836 = tpu.memref_slice %arg3[%dma_wait3A_1835] : memref<10000xi32, #tpu.memory_space<hbm>> -> memref<10000xi32, #tpu.memory_space<hbm>>
      %dma_wait3A_1837 = tpu.memref_slice %arg17[%dma_wait3A_1828] : memref<2x!tpu.dma_semaphore, #tpu.memory_space<semaphore_mem>> -> memref<1x!tpu.dma_semaphore, #tpu.memory_space<semaphore_mem>>
      %dma_wait3A_1838 = tpu.memref_squeeze %dma_wait3A_1837 : memref<1x!tpu.dma_semaphore, #tpu.memory_space<semaphore_mem>> -> memref<!tpu.dma_semaphore, #tpu.memory_space<semaphore_mem>>
      tpu.wait_indirect_dma semaphore(%dma_wait3A_1838 : memref<!tpu.dma_semaphore, #tpu.memory_space<semaphore_mem>>) src(%dma_wait3A_1836 : memref<10000xi32, #tpu.memory_space<hbm>>) dst(%dma_wait3A_1831 : memref<128xi32, #tpu.memory_space<vmem>>)
      %dma_wait3A_1839 = arith.constant 1 : i32
      %dma_wait3A_1840 = arith.constant 1 : i32
      %dma_wait3A_1841 = arith.constant 1 : i32
      %dma_wait3A_1842 = arith.constant 1 : i32
      %dma_wait3A_1843 = arith.constant 1 : i32
      %dma_wait3A_1844 = arith.constant 0 : i32
      %dma_wait3A_1845 = tpu.memref_slice %arg9[%dma_wait3A_1841, %dma_wait3A_1842, %dma_wait3A_1844] : memref<2x8x128xi32, #tpu.memory_space<vmem>> -> memref<1x1x128xi32, #tpu.memory_space<vmem>>
      %dma_wait3A_1846 = tpu.memref_squeeze %dma_wait3A_1845 : memref<1x1x128xi32, #tpu.memory_space<vmem>> -> memref<128xi32, #tpu.memory_space<vmem>>
      %dma_wait3A_1847 = arith.constant 0 : i32
      %dma_wait3A_1848 = tpu.memref_slice %arg7[%dma_wait3A_1839, %dma_wait3A_1840, %dma_wait3A_1847] : memref<2x8x128xi32, #tpu.memory_space<vmem>> -> memref<1x1x128xi32, #tpu.memory_space<vmem>>
      %dma_wait3A_1849 = tpu.memref_squeeze %dma_wait3A_1848 : memref<1x1x128xi32, #tpu.memory_space<vmem>> -> memref<128xi32, #tpu.memory_space<vmem>>
      %dma_wait3A_1850 = arith.constant 0 : i32
      %dma_wait3A_1851 = tpu.memref_slice %arg3[%dma_wait3A_1850] : memref<10000xi32, #tpu.memory_space<hbm>> -> memref<10000xi32, #tpu.memory_space<hbm>>
      %dma_wait3A_1852 = tpu.memref_slice %arg17[%dma_wait3A_1843] : memref<2x!tpu.dma_semaphore, #tpu.memory_space<semaphore_mem>> -> memref<1x!tpu.dma_semaphore, #tpu.memory_space<semaphore_mem>>
      %dma_wait3A_1853 = tpu.memref_squeeze %dma_wait3A_1852 : memref<1x!tpu.dma_semaphore, #tpu.memory_space<semaphore_mem>> -> memref<!tpu.dma_semaphore, #tpu.memory_space<semaphore_mem>>
      tpu.wait_indirect_dma semaphore(%dma_wait3A_1853 : memref<!tpu.dma_semaphore, #tpu.memory_space<semaphore_mem>>) src(%dma_wait3A_1851 : memref<10000xi32, #tpu.memory_space<hbm>>) dst(%dma_wait3A_1846 : memref<128xi32, #tpu.memory_space<vmem>>)
      %dma_wait3A_1854 = arith.constant 1 : i32
      %dma_wait3A_1855 = arith.constant 2 : i32
      %dma_wait3A_1856 = arith.constant 1 : i32
      %dma_wait3A_1857 = arith.constant 2 : i32
      %dma_wait3A_1858 = arith.constant 1 : i32
      %dma_wait3A_1859 = arith.constant 0 : i32
      %dma_wait3A_1860 = tpu.memref_slice %arg9[%dma_wait3A_1856, %dma_wait3A_1857, %dma_wait3A_1859] : memref<2x8x128xi32, #tpu.memory_space<vmem>> -> memref<1x1x128xi32, #tpu.memory_space<vmem>>
      %dma_wait3A_1861 = tpu.memref_squeeze %dma_wait3A_1860 : memref<1x1x128xi32, #tpu.memory_space<vmem>> -> memref<128xi32, #tpu.memory_space<vmem>>
      %dma_wait3A_1862 = arith.constant 0 : i32
      %dma_wait3A_1863 = tpu.memref_slice %arg7[%dma_wait3A_1854, %dma_wait3A_1855, %dma_wait3A_1862] : memref<2x8x128xi32, #tpu.memory_space<vmem>> -> memref<1x1x128xi32, #tpu.memory_space<vmem>>
      %dma_wait3A_1864 = tpu.memref_squeeze %dma_wait3A_1863 : memref<1x1x128xi32, #tpu.memory_space<vmem>> -> memref<128xi32, #tpu.memory_space<vmem>>
      %dma_wait3A_1865 = arith.constant 0 : i32
      %dma_wait3A_1866 = tpu.memref_slice %arg3[%dma_wait3A_1865] : memref<10000xi32, #tpu.memory_space<hbm>> -> memref<10000xi32, #tpu.memory_space<hbm>>
      %dma_wait3A_1867 = tpu.memref_slice %arg17[%dma_wait3A_1858] : memref<2x!tpu.dma_semaphore, #tpu.memory_space<semaphore_mem>> -> memref<1x!tpu.dma_semaphore, #tpu.memory_space<semaphore_mem>>
      %dma_wait3A_1868 = tpu.memref_squeeze %dma_wait3A_1867 : memref<1x!tpu.dma_semaphore, #tpu.memory_space<semaphore_mem>> -> memref<!tpu.dma_semaphore, #tpu.memory_space<semaphore_mem>>
      tpu.wait_indirect_dma semaphore(%dma_wait3A_1868 : memref<!tpu.dma_semaphore, #tpu.memory_space<semaphore_mem>>) src(%dma_wait3A_1866 : memref<10000xi32, #tpu.memory_space<hbm>>) dst(%dma_wait3A_1861 : memref<128xi32, #tpu.memory_space<vmem>>)
      %dma_wait3A_1869 = arith.constant 1 : i32
      %dma_wait3A_1870 = arith.constant 3 : i32
      %dma_wait3A_1871 = arith.constant 1 : i32
      %dma_wait3A_1872 = arith.constant 3 : i32
      %dma_wait3A_1873 = arith.constant 1 : i32
      %dma_wait3A_1874 = arith.constant 0 : i32
      %dma_wait3A_1875 = tpu.memref_slice %arg9[%dma_wait3A_1871, %dma_wait3A_1872, %dma_wait3A_1874] : memref<2x8x128xi32, #tpu.memory_space<vmem>> -> memref<1x1x128xi32, #tpu.memory_space<vmem>>
      %dma_wait3A_1876 = tpu.memref_squeeze %dma_wait3A_1875 : memref<1x1x128xi32, #tpu.memory_space<vmem>> -> memref<128xi32, #tpu.memory_space<vmem>>
      %dma_wait3A_1877 = arith.constant 0 : i32
      %dma_wait3A_1878 = tpu.memref_slice %arg7[%dma_wait3A_1869, %dma_wait3A_1870, %dma_wait3A_1877] : memref<2x8x128xi32, #tpu.memory_space<vmem>> -> memref<1x1x128xi32, #tpu.memory_space<vmem>>
      %dma_wait3A_1879 = tpu.memref_squeeze %dma_wait3A_1878 : memref<1x1x128xi32, #tpu.memory_space<vmem>> -> memref<128xi32, #tpu.memory_space<vmem>>
      %dma_wait3A_1880 = arith.constant 0 : i32
      %dma_wait3A_1881 = tpu.memref_slice %arg3[%dma_wait3A_1880] : memref<10000xi32, #tpu.memory_space<hbm>> -> memref<10000xi32, #tpu.memory_space<hbm>>
      %dma_wait3A_1882 = tpu.memref_slice %arg17[%dma_wait3A_1873] : memref<2x!tpu.dma_semaphore, #tpu.memory_space<semaphore_mem>> -> memref<1x!tpu.dma_semaphore, #tpu.memory_space<semaphore_mem>>
      %dma_wait3A_1883 = tpu.memref_squeeze %dma_wait3A_1882 : memref<1x!tpu.dma_semaphore, #tpu.memory_space<semaphore_mem>> -> memref<!tpu.dma_semaphore, #tpu.memory_space<semaphore_mem>>
      tpu.wait_indirect_dma semaphore(%dma_wait3A_1883 : memref<!tpu.dma_semaphore, #tpu.memory_space<semaphore_mem>>) src(%dma_wait3A_1881 : memref<10000xi32, #tpu.memory_space<hbm>>) dst(%dma_wait3A_1876 : memref<128xi32, #tpu.memory_space<vmem>>)
      %dma_wait3A_1884 = arith.constant 1 : i32
      %dma_wait3A_1885 = arith.constant 4 : i32
      %dma_wait3A_1886 = arith.constant 1 : i32
      %dma_wait3A_1887 = arith.constant 4 : i32
      %dma_wait3A_1888 = arith.constant 1 : i32
      %dma_wait3A_1889 = arith.constant 0 : i32
      %dma_wait3A_1890 = tpu.memref_slice %arg9[%dma_wait3A_1886, %dma_wait3A_1887, %dma_wait3A_1889] : memref<2x8x128xi32, #tpu.memory_space<vmem>> -> memref<1x1x128xi32, #tpu.memory_space<vmem>>
      %dma_wait3A_1891 = tpu.memref_squeeze %dma_wait3A_1890 : memref<1x1x128xi32, #tpu.memory_space<vmem>> -> memref<128xi32, #tpu.memory_space<vmem>>
      %dma_wait3A_1892 = arith.constant 0 : i32
      %dma_wait3A_1893 = tpu.memref_slice %arg7[%dma_wait3A_1884, %dma_wait3A_1885, %dma_wait3A_1892] : memref<2x8x128xi32, #tpu.memory_space<vmem>> -> memref<1x1x128xi32, #tpu.memory_space<vmem>>
      %dma_wait3A_1894 = tpu.memref_squeeze %dma_wait3A_1893 : memref<1x1x128xi32, #tpu.memory_space<vmem>> -> memref<128xi32, #tpu.memory_space<vmem>>
      %dma_wait3A_1895 = arith.constant 0 : i32
      %dma_wait3A_1896 = tpu.memref_slice %arg3[%dma_wait3A_1895] : memref<10000xi32, #tpu.memory_space<hbm>> -> memref<10000xi32, #tpu.memory_space<hbm>>
      %dma_wait3A_1897 = tpu.memref_slice %arg17[%dma_wait3A_1888] : memref<2x!tpu.dma_semaphore, #tpu.memory_space<semaphore_mem>> -> memref<1x!tpu.dma_semaphore, #tpu.memory_space<semaphore_mem>>
      %dma_wait3A_1898 = tpu.memref_squeeze %dma_wait3A_1897 : memref<1x!tpu.dma_semaphore, #tpu.memory_space<semaphore_mem>> -> memref<!tpu.dma_semaphore, #tpu.memory_space<semaphore_mem>>
      tpu.wait_indirect_dma semaphore(%dma_wait3A_1898 : memref<!tpu.dma_semaphore, #tpu.memory_space<semaphore_mem>>) src(%dma_wait3A_1896 : memref<10000xi32, #tpu.memory_space<hbm>>) dst(%dma_wait3A_1891 : memref<128xi32, #tpu.memory_space<vmem>>)
      %dma_wait3A_1899 = arith.constant 1 : i32
      %dma_wait3A_1900 = arith.constant 5 : i32
      %dma_wait3A_1901 = arith.constant 1 : i32
      %dma_wait3A_1902 = arith.constant 5 : i32
      %dma_wait3A_1903 = arith.constant 1 : i32
      %dma_wait3A_1904 = arith.constant 0 : i32
      %dma_wait3A_1905 = tpu.memref_slice %arg9[%dma_wait3A_1901, %dma_wait3A_1902, %dma_wait3A_1904] : memref<2x8x128xi32, #tpu.memory_space<vmem>> -> memref<1x1x128xi32, #tpu.memory_space<vmem>>
      %dma_wait3A_1906 = tpu.memref_squeeze %dma_wait3A_1905 : memref<1x1x128xi32, #tpu.memory_space<vmem>> -> memref<128xi32, #tpu.memory_space<vmem>>
      %dma_wait3A_1907 = arith.constant 0 : i32
      %dma_wait3A_1908 = tpu.memref_slice %arg7[%dma_wait3A_1899, %dma_wait3A_1900, %dma_wait3A_1907] : memref<2x8x128xi32, #tpu.memory_space<vmem>> -> memref<1x1x128xi32, #tpu.memory_space<vmem>>
      %dma_wait3A_1909 = tpu.memref_squeeze %dma_wait3A_1908 : memref<1x1x128xi32, #tpu.memory_space<vmem>> -> memref<128xi32, #tpu.memory_space<vmem>>
      %dma_wait3A_1910 = arith.constant 0 : i32
      %dma_wait3A_1911 = tpu.memref_slice %arg3[%dma_wait3A_1910] : memref<10000xi32, #tpu.memory_space<hbm>> -> memref<10000xi32, #tpu.memory_space<hbm>>
      %dma_wait3A_1912 = tpu.memref_slice %arg17[%dma_wait3A_1903] : memref<2x!tpu.dma_semaphore, #tpu.memory_space<semaphore_mem>> -> memref<1x!tpu.dma_semaphore, #tpu.memory_space<semaphore_mem>>
      %dma_wait3A_1913 = tpu.memref_squeeze %dma_wait3A_1912 : memref<1x!tpu.dma_semaphore, #tpu.memory_space<semaphore_mem>> -> memref<!tpu.dma_semaphore, #tpu.memory_space<semaphore_mem>>
      tpu.wait_indirect_dma semaphore(%dma_wait3A_1913 : memref<!tpu.dma_semaphore, #tpu.memory_space<semaphore_mem>>) src(%dma_wait3A_1911 : memref<10000xi32, #tpu.memory_space<hbm>>) dst(%dma_wait3A_1906 : memref<128xi32, #tpu.memory_space<vmem>>)
      %dma_wait3A_1914 = arith.constant 1 : i32
      %dma_wait3A_1915 = arith.constant 6 : i32
      %dma_wait3A_1916 = arith.constant 1 : i32
      %dma_wait3A_1917 = arith.constant 6 : i32
      %dma_wait3A_1918 = arith.constant 1 : i32
      %dma_wait3A_1919 = arith.constant 0 : i32
      %dma_wait3A_1920 = tpu.memref_slice %arg9[%dma_wait3A_1916, %dma_wait3A_1917, %dma_wait3A_1919] : memref<2x8x128xi32, #tpu.memory_space<vmem>> -> memref<1x1x128xi32, #tpu.memory_space<vmem>>
      %dma_wait3A_1921 = tpu.memref_squeeze %dma_wait3A_1920 : memref<1x1x128xi32, #tpu.memory_space<vmem>> -> memref<128xi32, #tpu.memory_space<vmem>>
      %dma_wait3A_1922 = arith.constant 0 : i32
      %dma_wait3A_1923 = tpu.memref_slice %arg7[%dma_wait3A_1914, %dma_wait3A_1915, %dma_wait3A_1922] : memref<2x8x128xi32, #tpu.memory_space<vmem>> -> memref<1x1x128xi32, #tpu.memory_space<vmem>>
      %dma_wait3A_1924 = tpu.memref_squeeze %dma_wait3A_1923 : memref<1x1x128xi32, #tpu.memory_space<vmem>> -> memref<128xi32, #tpu.memory_space<vmem>>
      %dma_wait3A_1925 = arith.constant 0 : i32
      %dma_wait3A_1926 = tpu.memref_slice %arg3[%dma_wait3A_1925] : memref<10000xi32, #tpu.memory_space<hbm>> -> memref<10000xi32, #tpu.memory_space<hbm>>
      %dma_wait3A_1927 = tpu.memref_slice %arg17[%dma_wait3A_1918] : memref<2x!tpu.dma_semaphore, #tpu.memory_space<semaphore_mem>> -> memref<1x!tpu.dma_semaphore, #tpu.memory_space<semaphore_mem>>
      %dma_wait3A_1928 = tpu.memref_squeeze %dma_wait3A_1927 : memref<1x!tpu.dma_semaphore, #tpu.memory_space<semaphore_mem>> -> memref<!tpu.dma_semaphore, #tpu.memory_space<semaphore_mem>>
      tpu.wait_indirect_dma semaphore(%dma_wait3A_1928 : memref<!tpu.dma_semaphore, #tpu.memory_space<semaphore_mem>>) src(%dma_wait3A_1926 : memref<10000xi32, #tpu.memory_space<hbm>>) dst(%dma_wait3A_1921 : memref<128xi32, #tpu.memory_space<vmem>>)
      %dma_wait3A_1929 = arith.constant 1 : i32
      %dma_wait3A_1930 = arith.constant 7 : i32
      %dma_wait3A_1931 = arith.constant 1 : i32
      %dma_wait3A_1932 = arith.constant 7 : i32
      %dma_wait3A_1933 = arith.constant 1 : i32
      %dma_wait3A_1934 = arith.constant 0 : i32
      %dma_wait3A_1935 = tpu.memref_slice %arg9[%dma_wait3A_1931, %dma_wait3A_1932, %dma_wait3A_1934] : memref<2x8x128xi32, #tpu.memory_space<vmem>> -> memref<1x1x128xi32, #tpu.memory_space<vmem>>
      %dma_wait3A_1936 = tpu.memref_squeeze %dma_wait3A_1935 : memref<1x1x128xi32, #tpu.memory_space<vmem>> -> memref<128xi32, #tpu.memory_space<vmem>>
      %dma_wait3A_1937 = arith.constant 0 : i32
      %dma_wait3A_1938 = tpu.memref_slice %arg7[%dma_wait3A_1929, %dma_wait3A_1930, %dma_wait3A_1937] : memref<2x8x128xi32, #tpu.memory_space<vmem>> -> memref<1x1x128xi32, #tpu.memory_space<vmem>>
      %dma_wait3A_1939 = tpu.memref_squeeze %dma_wait3A_1938 : memref<1x1x128xi32, #tpu.memory_space<vmem>> -> memref<128xi32, #tpu.memory_space<vmem>>
      %dma_wait3A_1940 = arith.constant 0 : i32
      %dma_wait3A_1941 = tpu.memref_slice %arg3[%dma_wait3A_1940] : memref<10000xi32, #tpu.memory_space<hbm>> -> memref<10000xi32, #tpu.memory_space<hbm>>
      %dma_wait3A_1942 = tpu.memref_slice %arg17[%dma_wait3A_1933] : memref<2x!tpu.dma_semaphore, #tpu.memory_space<semaphore_mem>> -> memref<1x!tpu.dma_semaphore, #tpu.memory_space<semaphore_mem>>
      %dma_wait3A_1943 = tpu.memref_squeeze %dma_wait3A_1942 : memref<1x!tpu.dma_semaphore, #tpu.memory_space<semaphore_mem>> -> memref<!tpu.dma_semaphore, #tpu.memory_space<semaphore_mem>>
      tpu.wait_indirect_dma semaphore(%dma_wait3A_1943 : memref<!tpu.dma_semaphore, #tpu.memory_space<semaphore_mem>>) src(%dma_wait3A_1941 : memref<10000xi32, #tpu.memory_space<hbm>>) dst(%dma_wait3A_1936 : memref<128xi32, #tpu.memory_space<vmem>>)
      %mul3A_1944 = arith.constant 2 : i32
      %mul3A_1945 = arith.muli %mul3A_1944, %scan3A_1334 : i32
      %add3A_1946 = arith.constant 1 : i32
      %add3A_1947 = arith.addi %mul3A_1945, %add3A_1946 : i32
      %add3A_1948 = arith.constant 1 : i32
      %add3A_1949 = arith.addi %add3A_1947, %add3A_1948 : i32
      %mul3A_1950 = arith.constant 8 : i32
      %mul3A_1951 = arith.muli %add3A_1949, %mul3A_1950 : i32
      %add3A_1952 = arith.addi %mul3A_4, %mul3A_1951 : i32
      %add3A_1953 = arith.constant 72 : i32
      %add3A_1954 = arith.addi %mul3A_4, %add3A_1953 : i32
      %min3A_1955 = arith.minsi %add3A_1952, %add3A_1954 : i32
      %dma_start3A_1956 = arith.constant 0 : i32
      %dma_start3A_1957 = arith.constant 0 : i32
      %dma_start3A_1958 = arith.constant 0 : i32
      %dma_start3A_1959 = arith.constant 0 : i32
      %dma_start3A_1960 = tpu.memref_slice %arg7[%dma_start3A_1957, %dma_start3A_1958, %dma_start3A_1959] : memref<2x8x128xi32, #tpu.memory_space<vmem>> -> memref<1x8x128xi32, #tpu.memory_space<vmem>>
      %dma_start3A_1961 = tpu.memref_squeeze %dma_start3A_1960 : memref<1x8x128xi32, #tpu.memory_space<vmem>> -> memref<8x128xi32, #tpu.memory_space<vmem>>
      %dma_start3A_1962 = arith.constant 0 : i32
      %dma_start3A_1963 = tpu.memref_slice %arg2[%dma_start3A_1956, %min3A_1955, %dma_start3A_1962] : memref<2x2560x128xi32, #tpu.memory_space<hbm>> -> memref<1x8x128xi32, #tpu.memory_space<hbm>>
      %dma_start3A_1964 = tpu.memref_squeeze %dma_start3A_1963 : memref<1x8x128xi32, #tpu.memory_space<hbm>> -> memref<8x128xi32, #tpu.memory_space<hbm>>
      %dma_start3A_1965 = arith.constant 0 : i32
      %dma_start3A_1966 = arith.constant 0 : i32
      %dma_start3A_1967 = tpu.memref_slice %arg7[%dma_start3A_1957, %dma_start3A_1965, %dma_start3A_1966] : memref<2x8x128xi32, #tpu.memory_space<vmem>> -> memref<1x8x128xi32, #tpu.memory_space<vmem>>
      %dma_start3A_1968 = tpu.memref_squeeze %dma_start3A_1967 : memref<1x8x128xi32, #tpu.memory_space<vmem>> -> memref<8x128xi32, #tpu.memory_space<vmem>>
      %dma_start3A_1969 = arith.constant 0 : i32
      %dma_start3A_1970 = tpu.memref_slice %arg2[%dma_start3A_1956, %min3A_1955, %dma_start3A_1969] : memref<2x2560x128xi32, #tpu.memory_space<hbm>> -> memref<1x8x128xi32, #tpu.memory_space<hbm>>
      %dma_start3A_1971 = tpu.memref_squeeze %dma_start3A_1970 : memref<1x8x128xi32, #tpu.memory_space<hbm>> -> memref<8x128xi32, #tpu.memory_space<hbm>>
      tpu.enqueue_dma source(%dma_start3A_1971 : memref<8x128xi32, #tpu.memory_space<hbm>>) target(%dma_start3A_1968 : memref<8x128xi32, #tpu.memory_space<vmem>>) target_semaphore(%arg16 : memref<!tpu.dma_semaphore, #tpu.memory_space<semaphore_mem>>)
      %dma_start3A_1972 = arith.constant 1 : i32
      %dma_start3A_1973 = arith.constant 0 : i32
      %dma_start3A_1974 = arith.constant 0 : i32
      %dma_start3A_1975 = arith.constant 0 : i32
      %dma_start3A_1976 = tpu.memref_slice %arg8[%dma_start3A_1973, %dma_start3A_1974, %dma_start3A_1975] : memref<2x8x128xi32, #tpu.memory_space<vmem>> -> memref<1x8x128xi32, #tpu.memory_space<vmem>>
      %dma_start3A_1977 = tpu.memref_squeeze %dma_start3A_1976 : memref<1x8x128xi32, #tpu.memory_space<vmem>> -> memref<8x128xi32, #tpu.memory_space<vmem>>
      %dma_start3A_1978 = arith.constant 0 : i32
      %dma_start3A_1979 = tpu.memref_slice %arg2[%dma_start3A_1972, %min3A_1955, %dma_start3A_1978] : memref<2x2560x128xi32, #tpu.memory_space<hbm>> -> memref<1x8x128xi32, #tpu.memory_space<hbm>>
      %dma_start3A_1980 = tpu.memref_squeeze %dma_start3A_1979 : memref<1x8x128xi32, #tpu.memory_space<hbm>> -> memref<8x128xi32, #tpu.memory_space<hbm>>
      %dma_start3A_1981 = arith.constant 0 : i32
      %dma_start3A_1982 = arith.constant 0 : i32
      %dma_start3A_1983 = tpu.memref_slice %arg8[%dma_start3A_1973, %dma_start3A_1981, %dma_start3A_1982] : memref<2x8x128xi32, #tpu.memory_space<vmem>> -> memref<1x8x128xi32, #tpu.memory_space<vmem>>
      %dma_start3A_1984 = tpu.memref_squeeze %dma_start3A_1983 : memref<1x8x128xi32, #tpu.memory_space<vmem>> -> memref<8x128xi32, #tpu.memory_space<vmem>>
      %dma_start3A_1985 = arith.constant 0 : i32
      %dma_start3A_1986 = tpu.memref_slice %arg2[%dma_start3A_1972, %min3A_1955, %dma_start3A_1985] : memref<2x2560x128xi32, #tpu.memory_space<hbm>> -> memref<1x8x128xi32, #tpu.memory_space<hbm>>
      %dma_start3A_1987 = tpu.memref_squeeze %dma_start3A_1986 : memref<1x8x128xi32, #tpu.memory_space<hbm>> -> memref<8x128xi32, #tpu.memory_space<hbm>>
      tpu.enqueue_dma source(%dma_start3A_1987 : memref<8x128xi32, #tpu.memory_space<hbm>>) target(%dma_start3A_1984 : memref<8x128xi32, #tpu.memory_space<vmem>>) target_semaphore(%arg16 : memref<!tpu.dma_semaphore, #tpu.memory_space<semaphore_mem>>)
      %dma_wait3A_1988 = arith.constant 0 : i32
      %dma_wait3A_1989 = arith.constant 0 : i32
      %dma_wait3A_1990 = arith.constant 0 : i32
      %dma_wait3A_1991 = arith.constant 0 : i32
      %dma_wait3A_1992 = tpu.memref_slice %arg7[%dma_wait3A_1989, %dma_wait3A_1990, %dma_wait3A_1991] : memref<2x8x128xi32, #tpu.memory_space<vmem>> -> memref<1x8x128xi32, #tpu.memory_space<vmem>>
      %dma_wait3A_1993 = tpu.memref_squeeze %dma_wait3A_1992 : memref<1x8x128xi32, #tpu.memory_space<vmem>> -> memref<8x128xi32, #tpu.memory_space<vmem>>
      %dma_wait3A_1994 = arith.constant 0 : i32
      %dma_wait3A_1995 = tpu.memref_slice %arg2[%dma_wait3A_1988, %min3A_1955, %dma_wait3A_1994] : memref<2x2560x128xi32, #tpu.memory_space<hbm>> -> memref<1x8x128xi32, #tpu.memory_space<hbm>>
      %dma_wait3A_1996 = tpu.memref_squeeze %dma_wait3A_1995 : memref<1x8x128xi32, #tpu.memory_space<hbm>> -> memref<8x128xi32, #tpu.memory_space<hbm>>
      %dma_wait3A_1997 = arith.constant 0 : i32
      %dma_wait3A_1998 = arith.constant 0 : i32
      %dma_wait3A_1999 = tpu.memref_slice %arg7[%dma_wait3A_1989, %dma_wait3A_1997, %dma_wait3A_1998] : memref<2x8x128xi32, #tpu.memory_space<vmem>> -> memref<1x8x128xi32, #tpu.memory_space<vmem>>
      %dma_wait3A_2000 = tpu.memref_squeeze %dma_wait3A_1999 : memref<1x8x128xi32, #tpu.memory_space<vmem>> -> memref<8x128xi32, #tpu.memory_space<vmem>>
      %dma_wait3A_2001 = arith.constant 0 : i32
      %dma_wait3A_2002 = tpu.memref_slice %arg2[%dma_wait3A_1988, %min3A_1955, %dma_wait3A_2001] : memref<2x2560x128xi32, #tpu.memory_space<hbm>> -> memref<1x8x128xi32, #tpu.memory_space<hbm>>
      %dma_wait3A_2003 = tpu.memref_squeeze %dma_wait3A_2002 : memref<1x8x128xi32, #tpu.memory_space<hbm>> -> memref<8x128xi32, #tpu.memory_space<hbm>>
      tpu.wait_dma2 semaphore(%arg16 : memref<!tpu.dma_semaphore, #tpu.memory_space<semaphore_mem>>) src(%dma_wait3A_2003 : memref<8x128xi32, #tpu.memory_space<hbm>>) dst(%dma_wait3A_2000 : memref<8x128xi32, #tpu.memory_space<vmem>>)
      %dma_wait3A_2004 = arith.constant 1 : i32
      %dma_wait3A_2005 = arith.constant 0 : i32
      %dma_wait3A_2006 = arith.constant 0 : i32
      %dma_wait3A_2007 = arith.constant 0 : i32
      %dma_wait3A_2008 = tpu.memref_slice %arg8[%dma_wait3A_2005, %dma_wait3A_2006, %dma_wait3A_2007] : memref<2x8x128xi32, #tpu.memory_space<vmem>> -> memref<1x8x128xi32, #tpu.memory_space<vmem>>
      %dma_wait3A_2009 = tpu.memref_squeeze %dma_wait3A_2008 : memref<1x8x128xi32, #tpu.memory_space<vmem>> -> memref<8x128xi32, #tpu.memory_space<vmem>>
      %dma_wait3A_2010 = arith.constant 0 : i32
      %dma_wait3A_2011 = tpu.memref_slice %arg2[%dma_wait3A_2004, %min3A_1955, %dma_wait3A_2010] : memref<2x2560x128xi32, #tpu.memory_space<hbm>> -> memref<1x8x128xi32, #tpu.memory_space<hbm>>
      %dma_wait3A_2012 = tpu.memref_squeeze %dma_wait3A_2011 : memref<1x8x128xi32, #tpu.memory_space<hbm>> -> memref<8x128xi32, #tpu.memory_space<hbm>>
      %dma_wait3A_2013 = arith.constant 0 : i32
      %dma_wait3A_2014 = arith.constant 0 : i32
      %dma_wait3A_2015 = tpu.memref_slice %arg8[%dma_wait3A_2005, %dma_wait3A_2013, %dma_wait3A_2014] : memref<2x8x128xi32, #tpu.memory_space<vmem>> -> memref<1x8x128xi32, #tpu.memory_space<vmem>>
      %dma_wait3A_2016 = tpu.memref_squeeze %dma_wait3A_2015 : memref<1x8x128xi32, #tpu.memory_space<vmem>> -> memref<8x128xi32, #tpu.memory_space<vmem>>
      %dma_wait3A_2017 = arith.constant 0 : i32
      %dma_wait3A_2018 = tpu.memref_slice %arg2[%dma_wait3A_2004, %min3A_1955, %dma_wait3A_2017] : memref<2x2560x128xi32, #tpu.memory_space<hbm>> -> memref<1x8x128xi32, #tpu.memory_space<hbm>>
      %dma_wait3A_2019 = tpu.memref_squeeze %dma_wait3A_2018 : memref<1x8x128xi32, #tpu.memory_space<hbm>> -> memref<8x128xi32, #tpu.memory_space<hbm>>
      tpu.wait_dma2 semaphore(%arg16 : memref<!tpu.dma_semaphore, #tpu.memory_space<semaphore_mem>>) src(%dma_wait3A_2019 : memref<8x128xi32, #tpu.memory_space<hbm>>) dst(%dma_wait3A_2016 : memref<8x128xi32, #tpu.memory_space<vmem>>)
      %dma_start3A_2020 = arith.constant 0 : i32
      %dma_start3A_2021 = arith.constant 0 : i32
      %dma_start3A_2022 = arith.constant 0 : i32
      %dma_start3A_2023 = arith.constant 0 : i32
      %dma_start3A_2024 = arith.constant 0 : i32
      %dma_start3A_2025 = arith.constant 0 : i32
      %dma_start3A_2026 = tpu.memref_slice %arg9[%dma_start3A_2022, %dma_start3A_2023, %dma_start3A_2025] : memref<2x8x128xi32, #tpu.memory_space<vmem>> -> memref<1x1x128xi32, #tpu.memory_space<vmem>>
      %dma_start3A_2027 = tpu.memref_squeeze %dma_start3A_2026 : memref<1x1x128xi32, #tpu.memory_space<vmem>> -> memref<128xi32, #tpu.memory_space<vmem>>
      %dma_start3A_2028 = arith.constant 0 : i32
      %dma_start3A_2029 = tpu.memref_slice %arg7[%dma_start3A_2020, %dma_start3A_2021, %dma_start3A_2028] : memref<2x8x128xi32, #tpu.memory_space<vmem>> -> memref<1x1x128xi32, #tpu.memory_space<vmem>>
      %dma_start3A_2030 = tpu.memref_squeeze %dma_start3A_2029 : memref<1x1x128xi32, #tpu.memory_space<vmem>> -> memref<128xi32, #tpu.memory_space<vmem>>
      %dma_start3A_2031 = arith.constant 0 : i32
      %dma_start3A_2032 = tpu.memref_slice %arg3[%dma_start3A_2031] : memref<10000xi32, #tpu.memory_space<hbm>> -> memref<10000xi32, #tpu.memory_space<hbm>>
      %dma_start3A_2033 = tpu.memref_slice %arg17[%dma_start3A_2024] : memref<2x!tpu.dma_semaphore, #tpu.memory_space<semaphore_mem>> -> memref<1x!tpu.dma_semaphore, #tpu.memory_space<semaphore_mem>>
      %dma_start3A_2034 = tpu.memref_squeeze %dma_start3A_2033 : memref<1x!tpu.dma_semaphore, #tpu.memory_space<semaphore_mem>> -> memref<!tpu.dma_semaphore, #tpu.memory_space<semaphore_mem>>
      tpu.enqueue_indirect_dma source(%dma_start3A_2032 : memref<10000xi32, #tpu.memory_space<hbm>>) target(%dma_start3A_2027 : memref<128xi32, #tpu.memory_space<vmem>>) offsets(%dma_start3A_2030 : memref<128xi32, #tpu.memory_space<vmem>>) semaphore(%dma_start3A_2034 : memref<!tpu.dma_semaphore, #tpu.memory_space<semaphore_mem>>)
      %dma_start3A_2035 = arith.constant 0 : i32
      %dma_start3A_2036 = arith.constant 1 : i32
      %dma_start3A_2037 = arith.constant 0 : i32
      %dma_start3A_2038 = arith.constant 1 : i32
      %dma_start3A_2039 = arith.constant 0 : i32
      %dma_start3A_2040 = arith.constant 0 : i32
      %dma_start3A_2041 = tpu.memref_slice %arg9[%dma_start3A_2037, %dma_start3A_2038, %dma_start3A_2040] : memref<2x8x128xi32, #tpu.memory_space<vmem>> -> memref<1x1x128xi32, #tpu.memory_space<vmem>>
      %dma_start3A_2042 = tpu.memref_squeeze %dma_start3A_2041 : memref<1x1x128xi32, #tpu.memory_space<vmem>> -> memref<128xi32, #tpu.memory_space<vmem>>
      %dma_start3A_2043 = arith.constant 0 : i32
      %dma_start3A_2044 = tpu.memref_slice %arg7[%dma_start3A_2035, %dma_start3A_2036, %dma_start3A_2043] : memref<2x8x128xi32, #tpu.memory_space<vmem>> -> memref<1x1x128xi32, #tpu.memory_space<vmem>>
      %dma_start3A_2045 = tpu.memref_squeeze %dma_start3A_2044 : memref<1x1x128xi32, #tpu.memory_space<vmem>> -> memref<128xi32, #tpu.memory_space<vmem>>
      %dma_start3A_2046 = arith.constant 0 : i32
      %dma_start3A_2047 = tpu.memref_slice %arg3[%dma_start3A_2046] : memref<10000xi32, #tpu.memory_space<hbm>> -> memref<10000xi32, #tpu.memory_space<hbm>>
      %dma_start3A_2048 = tpu.memref_slice %arg17[%dma_start3A_2039] : memref<2x!tpu.dma_semaphore, #tpu.memory_space<semaphore_mem>> -> memref<1x!tpu.dma_semaphore, #tpu.memory_space<semaphore_mem>>
      %dma_start3A_2049 = tpu.memref_squeeze %dma_start3A_2048 : memref<1x!tpu.dma_semaphore, #tpu.memory_space<semaphore_mem>> -> memref<!tpu.dma_semaphore, #tpu.memory_space<semaphore_mem>>
      tpu.enqueue_indirect_dma source(%dma_start3A_2047 : memref<10000xi32, #tpu.memory_space<hbm>>) target(%dma_start3A_2042 : memref<128xi32, #tpu.memory_space<vmem>>) offsets(%dma_start3A_2045 : memref<128xi32, #tpu.memory_space<vmem>>) semaphore(%dma_start3A_2049 : memref<!tpu.dma_semaphore, #tpu.memory_space<semaphore_mem>>)
      %dma_start3A_2050 = arith.constant 0 : i32
      %dma_start3A_2051 = arith.constant 2 : i32
      %dma_start3A_2052 = arith.constant 0 : i32
      %dma_start3A_2053 = arith.constant 2 : i32
      %dma_start3A_2054 = arith.constant 0 : i32
      %dma_start3A_2055 = arith.constant 0 : i32
      %dma_start3A_2056 = tpu.memref_slice %arg9[%dma_start3A_2052, %dma_start3A_2053, %dma_start3A_2055] : memref<2x8x128xi32, #tpu.memory_space<vmem>> -> memref<1x1x128xi32, #tpu.memory_space<vmem>>
      %dma_start3A_2057 = tpu.memref_squeeze %dma_start3A_2056 : memref<1x1x128xi32, #tpu.memory_space<vmem>> -> memref<128xi32, #tpu.memory_space<vmem>>
      %dma_start3A_2058 = arith.constant 0 : i32
      %dma_start3A_2059 = tpu.memref_slice %arg7[%dma_start3A_2050, %dma_start3A_2051, %dma_start3A_2058] : memref<2x8x128xi32, #tpu.memory_space<vmem>> -> memref<1x1x128xi32, #tpu.memory_space<vmem>>
      %dma_start3A_2060 = tpu.memref_squeeze %dma_start3A_2059 : memref<1x1x128xi32, #tpu.memory_space<vmem>> -> memref<128xi32, #tpu.memory_space<vmem>>
      %dma_start3A_2061 = arith.constant 0 : i32
      %dma_start3A_2062 = tpu.memref_slice %arg3[%dma_start3A_2061] : memref<10000xi32, #tpu.memory_space<hbm>> -> memref<10000xi32, #tpu.memory_space<hbm>>
      %dma_start3A_2063 = tpu.memref_slice %arg17[%dma_start3A_2054] : memref<2x!tpu.dma_semaphore, #tpu.memory_space<semaphore_mem>> -> memref<1x!tpu.dma_semaphore, #tpu.memory_space<semaphore_mem>>
      %dma_start3A_2064 = tpu.memref_squeeze %dma_start3A_2063 : memref<1x!tpu.dma_semaphore, #tpu.memory_space<semaphore_mem>> -> memref<!tpu.dma_semaphore, #tpu.memory_space<semaphore_mem>>
      tpu.enqueue_indirect_dma source(%dma_start3A_2062 : memref<10000xi32, #tpu.memory_space<hbm>>) target(%dma_start3A_2057 : memref<128xi32, #tpu.memory_space<vmem>>) offsets(%dma_start3A_2060 : memref<128xi32, #tpu.memory_space<vmem>>) semaphore(%dma_start3A_2064 : memref<!tpu.dma_semaphore, #tpu.memory_space<semaphore_mem>>)
      %dma_start3A_2065 = arith.constant 0 : i32
      %dma_start3A_2066 = arith.constant 3 : i32
      %dma_start3A_2067 = arith.constant 0 : i32
      %dma_start3A_2068 = arith.constant 3 : i32
      %dma_start3A_2069 = arith.constant 0 : i32
      %dma_start3A_2070 = arith.constant 0 : i32
      %dma_start3A_2071 = tpu.memref_slice %arg9[%dma_start3A_2067, %dma_start3A_2068, %dma_start3A_2070] : memref<2x8x128xi32, #tpu.memory_space<vmem>> -> memref<1x1x128xi32, #tpu.memory_space<vmem>>
      %dma_start3A_2072 = tpu.memref_squeeze %dma_start3A_2071 : memref<1x1x128xi32, #tpu.memory_space<vmem>> -> memref<128xi32, #tpu.memory_space<vmem>>
      %dma_start3A_2073 = arith.constant 0 : i32
      %dma_start3A_2074 = tpu.memref_slice %arg7[%dma_start3A_2065, %dma_start3A_2066, %dma_start3A_2073] : memref<2x8x128xi32, #tpu.memory_space<vmem>> -> memref<1x1x128xi32, #tpu.memory_space<vmem>>
      %dma_start3A_2075 = tpu.memref_squeeze %dma_start3A_2074 : memref<1x1x128xi32, #tpu.memory_space<vmem>> -> memref<128xi32, #tpu.memory_space<vmem>>
      %dma_start3A_2076 = arith.constant 0 : i32
      %dma_start3A_2077 = tpu.memref_slice %arg3[%dma_start3A_2076] : memref<10000xi32, #tpu.memory_space<hbm>> -> memref<10000xi32, #tpu.memory_space<hbm>>
      %dma_start3A_2078 = tpu.memref_slice %arg17[%dma_start3A_2069] : memref<2x!tpu.dma_semaphore, #tpu.memory_space<semaphore_mem>> -> memref<1x!tpu.dma_semaphore, #tpu.memory_space<semaphore_mem>>
      %dma_start3A_2079 = tpu.memref_squeeze %dma_start3A_2078 : memref<1x!tpu.dma_semaphore, #tpu.memory_space<semaphore_mem>> -> memref<!tpu.dma_semaphore, #tpu.memory_space<semaphore_mem>>
      tpu.enqueue_indirect_dma source(%dma_start3A_2077 : memref<10000xi32, #tpu.memory_space<hbm>>) target(%dma_start3A_2072 : memref<128xi32, #tpu.memory_space<vmem>>) offsets(%dma_start3A_2075 : memref<128xi32, #tpu.memory_space<vmem>>) semaphore(%dma_start3A_2079 : memref<!tpu.dma_semaphore, #tpu.memory_space<semaphore_mem>>)
      %dma_start3A_2080 = arith.constant 0 : i32
      %dma_start3A_2081 = arith.constant 4 : i32
      %dma_start3A_2082 = arith.constant 0 : i32
      %dma_start3A_2083 = arith.constant 4 : i32
      %dma_start3A_2084 = arith.constant 0 : i32
      %dma_start3A_2085 = arith.constant 0 : i32
      %dma_start3A_2086 = tpu.memref_slice %arg9[%dma_start3A_2082, %dma_start3A_2083, %dma_start3A_2085] : memref<2x8x128xi32, #tpu.memory_space<vmem>> -> memref<1x1x128xi32, #tpu.memory_space<vmem>>
      %dma_start3A_2087 = tpu.memref_squeeze %dma_start3A_2086 : memref<1x1x128xi32, #tpu.memory_space<vmem>> -> memref<128xi32, #tpu.memory_space<vmem>>
      %dma_start3A_2088 = arith.constant 0 : i32
      %dma_start3A_2089 = tpu.memref_slice %arg7[%dma_start3A_2080, %dma_start3A_2081, %dma_start3A_2088] : memref<2x8x128xi32, #tpu.memory_space<vmem>> -> memref<1x1x128xi32, #tpu.memory_space<vmem>>
      %dma_start3A_2090 = tpu.memref_squeeze %dma_start3A_2089 : memref<1x1x128xi32, #tpu.memory_space<vmem>> -> memref<128xi32, #tpu.memory_space<vmem>>
      %dma_start3A_2091 = arith.constant 0 : i32
      %dma_start3A_2092 = tpu.memref_slice %arg3[%dma_start3A_2091] : memref<10000xi32, #tpu.memory_space<hbm>> -> memref<10000xi32, #tpu.memory_space<hbm>>
      %dma_start3A_2093 = tpu.memref_slice %arg17[%dma_start3A_2084] : memref<2x!tpu.dma_semaphore, #tpu.memory_space<semaphore_mem>> -> memref<1x!tpu.dma_semaphore, #tpu.memory_space<semaphore_mem>>
      %dma_start3A_2094 = tpu.memref_squeeze %dma_start3A_2093 : memref<1x!tpu.dma_semaphore, #tpu.memory_space<semaphore_mem>> -> memref<!tpu.dma_semaphore, #tpu.memory_space<semaphore_mem>>
      tpu.enqueue_indirect_dma source(%dma_start3A_2092 : memref<10000xi32, #tpu.memory_space<hbm>>) target(%dma_start3A_2087 : memref<128xi32, #tpu.memory_space<vmem>>) offsets(%dma_start3A_2090 : memref<128xi32, #tpu.memory_space<vmem>>) semaphore(%dma_start3A_2094 : memref<!tpu.dma_semaphore, #tpu.memory_space<semaphore_mem>>)
      %dma_start3A_2095 = arith.constant 0 : i32
      %dma_start3A_2096 = arith.constant 5 : i32
      %dma_start3A_2097 = arith.constant 0 : i32
      %dma_start3A_2098 = arith.constant 5 : i32
      %dma_start3A_2099 = arith.constant 0 : i32
      %dma_start3A_2100 = arith.constant 0 : i32
      %dma_start3A_2101 = tpu.memref_slice %arg9[%dma_start3A_2097, %dma_start3A_2098, %dma_start3A_2100] : memref<2x8x128xi32, #tpu.memory_space<vmem>> -> memref<1x1x128xi32, #tpu.memory_space<vmem>>
      %dma_start3A_2102 = tpu.memref_squeeze %dma_start3A_2101 : memref<1x1x128xi32, #tpu.memory_space<vmem>> -> memref<128xi32, #tpu.memory_space<vmem>>
      %dma_start3A_2103 = arith.constant 0 : i32
      %dma_start3A_2104 = tpu.memref_slice %arg7[%dma_start3A_2095, %dma_start3A_2096, %dma_start3A_2103] : memref<2x8x128xi32, #tpu.memory_space<vmem>> -> memref<1x1x128xi32, #tpu.memory_space<vmem>>
      %dma_start3A_2105 = tpu.memref_squeeze %dma_start3A_2104 : memref<1x1x128xi32, #tpu.memory_space<vmem>> -> memref<128xi32, #tpu.memory_space<vmem>>
      %dma_start3A_2106 = arith.constant 0 : i32
      %dma_start3A_2107 = tpu.memref_slice %arg3[%dma_start3A_2106] : memref<10000xi32, #tpu.memory_space<hbm>> -> memref<10000xi32, #tpu.memory_space<hbm>>
      %dma_start3A_2108 = tpu.memref_slice %arg17[%dma_start3A_2099] : memref<2x!tpu.dma_semaphore, #tpu.memory_space<semaphore_mem>> -> memref<1x!tpu.dma_semaphore, #tpu.memory_space<semaphore_mem>>
      %dma_start3A_2109 = tpu.memref_squeeze %dma_start3A_2108 : memref<1x!tpu.dma_semaphore, #tpu.memory_space<semaphore_mem>> -> memref<!tpu.dma_semaphore, #tpu.memory_space<semaphore_mem>>
      tpu.enqueue_indirect_dma source(%dma_start3A_2107 : memref<10000xi32, #tpu.memory_space<hbm>>) target(%dma_start3A_2102 : memref<128xi32, #tpu.memory_space<vmem>>) offsets(%dma_start3A_2105 : memref<128xi32, #tpu.memory_space<vmem>>) semaphore(%dma_start3A_2109 : memref<!tpu.dma_semaphore, #tpu.memory_space<semaphore_mem>>)
      %dma_start3A_2110 = arith.constant 0 : i32
      %dma_start3A_2111 = arith.constant 6 : i32
      %dma_start3A_2112 = arith.constant 0 : i32
      %dma_start3A_2113 = arith.constant 6 : i32
      %dma_start3A_2114 = arith.constant 0 : i32
      %dma_start3A_2115 = arith.constant 0 : i32
      %dma_start3A_2116 = tpu.memref_slice %arg9[%dma_start3A_2112, %dma_start3A_2113, %dma_start3A_2115] : memref<2x8x128xi32, #tpu.memory_space<vmem>> -> memref<1x1x128xi32, #tpu.memory_space<vmem>>
      %dma_start3A_2117 = tpu.memref_squeeze %dma_start3A_2116 : memref<1x1x128xi32, #tpu.memory_space<vmem>> -> memref<128xi32, #tpu.memory_space<vmem>>
      %dma_start3A_2118 = arith.constant 0 : i32
      %dma_start3A_2119 = tpu.memref_slice %arg7[%dma_start3A_2110, %dma_start3A_2111, %dma_start3A_2118] : memref<2x8x128xi32, #tpu.memory_space<vmem>> -> memref<1x1x128xi32, #tpu.memory_space<vmem>>
      %dma_start3A_2120 = tpu.memref_squeeze %dma_start3A_2119 : memref<1x1x128xi32, #tpu.memory_space<vmem>> -> memref<128xi32, #tpu.memory_space<vmem>>
      %dma_start3A_2121 = arith.constant 0 : i32
      %dma_start3A_2122 = tpu.memref_slice %arg3[%dma_start3A_2121] : memref<10000xi32, #tpu.memory_space<hbm>> -> memref<10000xi32, #tpu.memory_space<hbm>>
      %dma_start3A_2123 = tpu.memref_slice %arg17[%dma_start3A_2114] : memref<2x!tpu.dma_semaphore, #tpu.memory_space<semaphore_mem>> -> memref<1x!tpu.dma_semaphore, #tpu.memory_space<semaphore_mem>>
      %dma_start3A_2124 = tpu.memref_squeeze %dma_start3A_2123 : memref<1x!tpu.dma_semaphore, #tpu.memory_space<semaphore_mem>> -> memref<!tpu.dma_semaphore, #tpu.memory_space<semaphore_mem>>
      tpu.enqueue_indirect_dma source(%dma_start3A_2122 : memref<10000xi32, #tpu.memory_space<hbm>>) target(%dma_start3A_2117 : memref<128xi32, #tpu.memory_space<vmem>>) offsets(%dma_start3A_2120 : memref<128xi32, #tpu.memory_space<vmem>>) semaphore(%dma_start3A_2124 : memref<!tpu.dma_semaphore, #tpu.memory_space<semaphore_mem>>)
      %dma_start3A_2125 = arith.constant 0 : i32
      %dma_start3A_2126 = arith.constant 7 : i32
      %dma_start3A_2127 = arith.constant 0 : i32
      %dma_start3A_2128 = arith.constant 7 : i32
      %dma_start3A_2129 = arith.constant 0 : i32
      %dma_start3A_2130 = arith.constant 0 : i32
      %dma_start3A_2131 = tpu.memref_slice %arg9[%dma_start3A_2127, %dma_start3A_2128, %dma_start3A_2130] : memref<2x8x128xi32, #tpu.memory_space<vmem>> -> memref<1x1x128xi32, #tpu.memory_space<vmem>>
      %dma_start3A_2132 = tpu.memref_squeeze %dma_start3A_2131 : memref<1x1x128xi32, #tpu.memory_space<vmem>> -> memref<128xi32, #tpu.memory_space<vmem>>
      %dma_start3A_2133 = arith.constant 0 : i32
      %dma_start3A_2134 = tpu.memref_slice %arg7[%dma_start3A_2125, %dma_start3A_2126, %dma_start3A_2133] : memref<2x8x128xi32, #tpu.memory_space<vmem>> -> memref<1x1x128xi32, #tpu.memory_space<vmem>>
      %dma_start3A_2135 = tpu.memref_squeeze %dma_start3A_2134 : memref<1x1x128xi32, #tpu.memory_space<vmem>> -> memref<128xi32, #tpu.memory_space<vmem>>
      %dma_start3A_2136 = arith.constant 0 : i32
      %dma_start3A_2137 = tpu.memref_slice %arg3[%dma_start3A_2136] : memref<10000xi32, #tpu.memory_space<hbm>> -> memref<10000xi32, #tpu.memory_space<hbm>>
      %dma_start3A_2138 = tpu.memref_slice %arg17[%dma_start3A_2129] : memref<2x!tpu.dma_semaphore, #tpu.memory_space<semaphore_mem>> -> memref<1x!tpu.dma_semaphore, #tpu.memory_space<semaphore_mem>>
      %dma_start3A_2139 = tpu.memref_squeeze %dma_start3A_2138 : memref<1x!tpu.dma_semaphore, #tpu.memory_space<semaphore_mem>> -> memref<!tpu.dma_semaphore, #tpu.memory_space<semaphore_mem>>
      tpu.enqueue_indirect_dma source(%dma_start3A_2137 : memref<10000xi32, #tpu.memory_space<hbm>>) target(%dma_start3A_2132 : memref<128xi32, #tpu.memory_space<vmem>>) offsets(%dma_start3A_2135 : memref<128xi32, #tpu.memory_space<vmem>>) semaphore(%dma_start3A_2139 : memref<!tpu.dma_semaphore, #tpu.memory_space<semaphore_mem>>)
      %dma_start3A_2140 = arith.constant 1 : i32
      %dma_start3A_2141 = arith.constant 0 : i32
      %dma_start3A_2142 = arith.constant 0 : i32
      %dma_start3A_2143 = arith.constant 0 : i32
      %dma_start3A_2144 = arith.constant 0 : i32
      %dma_start3A_2145 = arith.constant 0 : i32
      %dma_start3A_2146 = tpu.memref_slice %arg10[%dma_start3A_2142, %dma_start3A_2144, %dma_start3A_2145] : memref<2x128x128xf32, #tpu.memory_space<vmem>> -> memref<1x128x128xf32, #tpu.memory_space<vmem>>
      %dma_start3A_2147 = tpu.memref_squeeze %dma_start3A_2146 : memref<1x128x128xf32, #tpu.memory_space<vmem>> -> memref<128x128xf32, #tpu.memory_space<vmem>>
      %dma_start3A_2148 = arith.constant 0 : i32
      %dma_start3A_2149 = tpu.memref_slice %arg9[%dma_start3A_2140, %dma_start3A_2141, %dma_start3A_2148] : memref<2x8x128xi32, #tpu.memory_space<vmem>> -> memref<1x1x128xi32, #tpu.memory_space<vmem>>
      %dma_start3A_2150 = tpu.memref_squeeze %dma_start3A_2149 : memref<1x1x128xi32, #tpu.memory_space<vmem>> -> memref<128xi32, #tpu.memory_space<vmem>>
      %dma_start3A_2151 = arith.constant 0 : i32
      %dma_start3A_2152 = arith.constant 0 : i32
      %dma_start3A_2153 = tpu.memref_slice %arg4[%dma_start3A_2151, %dma_start3A_2152] : memref<10000x128xf32, #tpu.memory_space<hbm>> -> memref<10000x128xf32, #tpu.memory_space<hbm>>
      %dma_start3A_2154 = tpu.memref_slice %arg18[%dma_start3A_2143] : memref<2x!tpu.dma_semaphore, #tpu.memory_space<semaphore_mem>> -> memref<1x!tpu.dma_semaphore, #tpu.memory_space<semaphore_mem>>
      %dma_start3A_2155 = tpu.memref_squeeze %dma_start3A_2154 : memref<1x!tpu.dma_semaphore, #tpu.memory_space<semaphore_mem>> -> memref<!tpu.dma_semaphore, #tpu.memory_space<semaphore_mem>>
      tpu.enqueue_indirect_dma source(%dma_start3A_2153 : memref<10000x128xf32, #tpu.memory_space<hbm>>) target(%dma_start3A_2147 : memref<128x128xf32, #tpu.memory_space<vmem>>) offsets(%dma_start3A_2150 : memref<128xi32, #tpu.memory_space<vmem>>) semaphore(%dma_start3A_2155 : memref<!tpu.dma_semaphore, #tpu.memory_space<semaphore_mem>>)
      %dma_start3A_2156 = arith.constant 1 : i32
      %dma_start3A_2157 = arith.constant 1 : i32
      %dma_start3A_2158 = arith.constant 1 : i32
      %dma_start3A_2159 = arith.constant 1 : i32
      %dma_start3A_2160 = arith.constant 0 : i32
      %dma_start3A_2161 = arith.constant 0 : i32
      %dma_start3A_2162 = tpu.memref_slice %arg10[%dma_start3A_2158, %dma_start3A_2160, %dma_start3A_2161] : memref<2x128x128xf32, #tpu.memory_space<vmem>> -> memref<1x128x128xf32, #tpu.memory_space<vmem>>
      %dma_start3A_2163 = tpu.memref_squeeze %dma_start3A_2162 : memref<1x128x128xf32, #tpu.memory_space<vmem>> -> memref<128x128xf32, #tpu.memory_space<vmem>>
      %dma_start3A_2164 = arith.constant 0 : i32
      %dma_start3A_2165 = tpu.memref_slice %arg9[%dma_start3A_2156, %dma_start3A_2157, %dma_start3A_2164] : memref<2x8x128xi32, #tpu.memory_space<vmem>> -> memref<1x1x128xi32, #tpu.memory_space<vmem>>
      %dma_start3A_2166 = tpu.memref_squeeze %dma_start3A_2165 : memref<1x1x128xi32, #tpu.memory_space<vmem>> -> memref<128xi32, #tpu.memory_space<vmem>>
      %dma_start3A_2167 = arith.constant 0 : i32
      %dma_start3A_2168 = arith.constant 0 : i32
      %dma_start3A_2169 = tpu.memref_slice %arg4[%dma_start3A_2167, %dma_start3A_2168] : memref<10000x128xf32, #tpu.memory_space<hbm>> -> memref<10000x128xf32, #tpu.memory_space<hbm>>
      %dma_start3A_2170 = tpu.memref_slice %arg18[%dma_start3A_2159] : memref<2x!tpu.dma_semaphore, #tpu.memory_space<semaphore_mem>> -> memref<1x!tpu.dma_semaphore, #tpu.memory_space<semaphore_mem>>
      %dma_start3A_2171 = tpu.memref_squeeze %dma_start3A_2170 : memref<1x!tpu.dma_semaphore, #tpu.memory_space<semaphore_mem>> -> memref<!tpu.dma_semaphore, #tpu.memory_space<semaphore_mem>>
      tpu.enqueue_indirect_dma source(%dma_start3A_2169 : memref<10000x128xf32, #tpu.memory_space<hbm>>) target(%dma_start3A_2163 : memref<128x128xf32, #tpu.memory_space<vmem>>) offsets(%dma_start3A_2166 : memref<128xi32, #tpu.memory_space<vmem>>) semaphore(%dma_start3A_2171 : memref<!tpu.dma_semaphore, #tpu.memory_space<semaphore_mem>>)
      %dma_wait3A_2172 = arith.constant 1 : i32
      %dma_wait3A_2173 = arith.constant 0 : i32
      %dma_wait3A_2174 = arith.constant 0 : i32
      %dma_wait3A_2175 = arith.constant 0 : i32
      %dma_wait3A_2176 = arith.constant 0 : i32
      %dma_wait3A_2177 = arith.constant 0 : i32
      %dma_wait3A_2178 = tpu.memref_slice %arg10[%dma_wait3A_2174, %dma_wait3A_2176, %dma_wait3A_2177] : memref<2x128x128xf32, #tpu.memory_space<vmem>> -> memref<1x128x128xf32, #tpu.memory_space<vmem>>
      %dma_wait3A_2179 = tpu.memref_squeeze %dma_wait3A_2178 : memref<1x128x128xf32, #tpu.memory_space<vmem>> -> memref<128x128xf32, #tpu.memory_space<vmem>>
      %dma_wait3A_2180 = arith.constant 0 : i32
      %dma_wait3A_2181 = tpu.memref_slice %arg9[%dma_wait3A_2172, %dma_wait3A_2173, %dma_wait3A_2180] : memref<2x8x128xi32, #tpu.memory_space<vmem>> -> memref<1x1x128xi32, #tpu.memory_space<vmem>>
      %dma_wait3A_2182 = tpu.memref_squeeze %dma_wait3A_2181 : memref<1x1x128xi32, #tpu.memory_space<vmem>> -> memref<128xi32, #tpu.memory_space<vmem>>
      %dma_wait3A_2183 = arith.constant 0 : i32
      %dma_wait3A_2184 = arith.constant 0 : i32
      %dma_wait3A_2185 = tpu.memref_slice %arg4[%dma_wait3A_2183, %dma_wait3A_2184] : memref<10000x128xf32, #tpu.memory_space<hbm>> -> memref<10000x128xf32, #tpu.memory_space<hbm>>
      %dma_wait3A_2186 = tpu.memref_slice %arg18[%dma_wait3A_2175] : memref<2x!tpu.dma_semaphore, #tpu.memory_space<semaphore_mem>> -> memref<1x!tpu.dma_semaphore, #tpu.memory_space<semaphore_mem>>
      %dma_wait3A_2187 = tpu.memref_squeeze %dma_wait3A_2186 : memref<1x!tpu.dma_semaphore, #tpu.memory_space<semaphore_mem>> -> memref<!tpu.dma_semaphore, #tpu.memory_space<semaphore_mem>>
      tpu.wait_indirect_dma semaphore(%dma_wait3A_2187 : memref<!tpu.dma_semaphore, #tpu.memory_space<semaphore_mem>>) src(%dma_wait3A_2185 : memref<10000x128xf32, #tpu.memory_space<hbm>>) dst(%dma_wait3A_2179 : memref<128x128xf32, #tpu.memory_space<vmem>>)
      %run_scoped3A_2188 = arith.constant 0 : i32
      %run_scoped3A_2189 = arith.constant 1 : i32
      %run_scoped3A_2190 = arith.constant 0 : i32
      "tpu.region"() ({
        %run_scoped3A_2556 = tpu.sem_alloc : memref<!tpu.dma_semaphore, #tpu.memory_space<semaphore_mem>>
        %dma_start3A_2557 = arith.constant 0 : i32
        %dma_start3A_2558 = arith.constant 0 : i32
        %dma_start3A_2559 = tpu.memref_slice %arg10[%run_scoped3A_2188, %dma_start3A_2557, %dma_start3A_2558] : memref<2x128x128xf32, #tpu.memory_space<vmem>> -> memref<1x128x128xf32, #tpu.memory_space<vmem>>
        %dma_start3A_2560 = tpu.memref_squeeze %dma_start3A_2559 : memref<1x128x128xf32, #tpu.memory_space<vmem>> -> memref<128x128xf32, #tpu.memory_space<vmem>>
        %dma_start3A_2561 = arith.constant 0 : i32
        %dma_start3A_2562 = tpu.memref_slice %arg8[%run_scoped3A_2189, %run_scoped3A_2190, %dma_start3A_2561] : memref<2x8x128xi32, #tpu.memory_space<vmem>> -> memref<1x1x128xi32, #tpu.memory_space<vmem>>
        %dma_start3A_2563 = tpu.memref_squeeze %dma_start3A_2562 : memref<1x1x128xi32, #tpu.memory_space<vmem>> -> memref<128xi32, #tpu.memory_space<vmem>>
        %dma_start3A_2564 = arith.constant 0 : i32
        %dma_start3A_2565 = arith.constant 0 : i32
        %dma_start3A_2566 = tpu.memref_slice %arg14[%dma_start3A_2564, %dma_start3A_2565] : memref<10240x128xf32, #tpu.memory_space<vmem_shared>> -> memref<10240x128xf32, #tpu.memory_space<vmem_shared>>
        tpu.enqueue_indirect_dma source(%dma_start3A_2560 : memref<128x128xf32, #tpu.memory_space<vmem>>) target(%dma_start3A_2566 : memref<10240x128xf32, #tpu.memory_space<vmem_shared>>) offsets(%dma_start3A_2563 : memref<128xi32, #tpu.memory_space<vmem>>) semaphore(%run_scoped3A_2556 : memref<!tpu.dma_semaphore, #tpu.memory_space<semaphore_mem>>) {add = true}
        %dma_wait3A_2567 = arith.constant 0 : i32
        %dma_wait3A_2568 = arith.constant 0 : i32
        %dma_wait3A_2569 = tpu.memref_slice %arg10[%run_scoped3A_2188, %dma_wait3A_2567, %dma_wait3A_2568] : memref<2x128x128xf32, #tpu.memory_space<vmem>> -> memref<1x128x128xf32, #tpu.memory_space<vmem>>
        %dma_wait3A_2570 = tpu.memref_squeeze %dma_wait3A_2569 : memref<1x128x128xf32, #tpu.memory_space<vmem>> -> memref<128x128xf32, #tpu.memory_space<vmem>>
        %dma_wait3A_2571 = arith.constant 0 : i32
        %dma_wait3A_2572 = tpu.memref_slice %arg8[%run_scoped3A_2189, %run_scoped3A_2190, %dma_wait3A_2571] : memref<2x8x128xi32, #tpu.memory_space<vmem>> -> memref<1x1x128xi32, #tpu.memory_space<vmem>>
        %dma_wait3A_2573 = tpu.memref_squeeze %dma_wait3A_2572 : memref<1x1x128xi32, #tpu.memory_space<vmem>> -> memref<128xi32, #tpu.memory_space<vmem>>
        %dma_wait3A_2574 = arith.constant 0 : i32
        %dma_wait3A_2575 = arith.constant 0 : i32
        %dma_wait3A_2576 = tpu.memref_slice %arg14[%dma_wait3A_2574, %dma_wait3A_2575] : memref<10240x128xf32, #tpu.memory_space<vmem_shared>> -> memref<10240x128xf32, #tpu.memory_space<vmem_shared>>
        tpu.wait_indirect_dma semaphore(%run_scoped3A_2556 : memref<!tpu.dma_semaphore, #tpu.memory_space<semaphore_mem>>) src(%dma_wait3A_2570 : memref<128x128xf32, #tpu.memory_space<vmem>>) dst(%dma_wait3A_2576 : memref<10240x128xf32, #tpu.memory_space<vmem_shared>>)
        tpu.yield
      }) : () -> ()
      %run_scoped3A_2191 = arith.constant 1 : i32
      %run_scoped3A_2192 = arith.constant 0 : i32
      "tpu.region"() ({
        %run_scoped3A_2556 = tpu.sem_alloc : memref<!tpu.dma_semaphore, #tpu.memory_space<semaphore_mem>>
        %dma_start3A_2557 = arith.constant 0 : i32
        %dma_start3A_2558 = tpu.memref_slice %arg8[%run_scoped3A_2191, %run_scoped3A_2192, %dma_start3A_2557] : memref<2x8x128xi32, #tpu.memory_space<vmem>> -> memref<1x1x128xi32, #tpu.memory_space<vmem>>
        %dma_start3A_2559 = tpu.memref_squeeze %dma_start3A_2558 : memref<1x1x128xi32, #tpu.memory_space<vmem>> -> memref<128xi32, #tpu.memory_space<vmem>>
        %dma_start3A_2560 = arith.constant 0 : i32
        %dma_start3A_2561 = tpu.memref_slice %arg15[%dma_start3A_2560] : memref<10240xf32, #tpu.memory_space<vmem_shared>> -> memref<10240xf32, #tpu.memory_space<vmem_shared>>
        tpu.enqueue_indirect_dma source(%arg11 : memref<128xf32, #tpu.memory_space<vmem>>) target(%dma_start3A_2561 : memref<10240xf32, #tpu.memory_space<vmem_shared>>) offsets(%dma_start3A_2559 : memref<128xi32, #tpu.memory_space<vmem>>) semaphore(%run_scoped3A_2556 : memref<!tpu.dma_semaphore, #tpu.memory_space<semaphore_mem>>) {add = true}
        %dma_wait3A_2562 = arith.constant 0 : i32
        %dma_wait3A_2563 = tpu.memref_slice %arg8[%run_scoped3A_2191, %run_scoped3A_2192, %dma_wait3A_2562] : memref<2x8x128xi32, #tpu.memory_space<vmem>> -> memref<1x1x128xi32, #tpu.memory_space<vmem>>
        %dma_wait3A_2564 = tpu.memref_squeeze %dma_wait3A_2563 : memref<1x1x128xi32, #tpu.memory_space<vmem>> -> memref<128xi32, #tpu.memory_space<vmem>>
        %dma_wait3A_2565 = arith.constant 0 : i32
        %dma_wait3A_2566 = tpu.memref_slice %arg15[%dma_wait3A_2565] : memref<10240xf32, #tpu.memory_space<vmem_shared>> -> memref<10240xf32, #tpu.memory_space<vmem_shared>>
        tpu.wait_indirect_dma semaphore(%run_scoped3A_2556 : memref<!tpu.dma_semaphore, #tpu.memory_space<semaphore_mem>>) src(%arg11 : memref<128xf32, #tpu.memory_space<vmem>>) dst(%dma_wait3A_2566 : memref<10240xf32, #tpu.memory_space<vmem_shared>>)
        tpu.yield
      }) : () -> ()
      %dma_start3A_2193 = arith.constant 1 : i32
      %dma_start3A_2194 = arith.constant 2 : i32
      %dma_start3A_2195 = arith.constant 0 : i32
      %dma_start3A_2196 = arith.constant 0 : i32
      %dma_start3A_2197 = arith.constant 0 : i32
      %dma_start3A_2198 = arith.constant 0 : i32
      %dma_start3A_2199 = tpu.memref_slice %arg10[%dma_start3A_2195, %dma_start3A_2197, %dma_start3A_2198] : memref<2x128x128xf32, #tpu.memory_space<vmem>> -> memref<1x128x128xf32, #tpu.memory_space<vmem>>
      %dma_start3A_2200 = tpu.memref_squeeze %dma_start3A_2199 : memref<1x128x128xf32, #tpu.memory_space<vmem>> -> memref<128x128xf32, #tpu.memory_space<vmem>>
      %dma_start3A_2201 = arith.constant 0 : i32
      %dma_start3A_2202 = tpu.memref_slice %arg9[%dma_start3A_2193, %dma_start3A_2194, %dma_start3A_2201] : memref<2x8x128xi32, #tpu.memory_space<vmem>> -> memref<1x1x128xi32, #tpu.memory_space<vmem>>
      %dma_start3A_2203 = tpu.memref_squeeze %dma_start3A_2202 : memref<1x1x128xi32, #tpu.memory_space<vmem>> -> memref<128xi32, #tpu.memory_space<vmem>>
      %dma_start3A_2204 = arith.constant 0 : i32
      %dma_start3A_2205 = arith.constant 0 : i32
      %dma_start3A_2206 = tpu.memref_slice %arg4[%dma_start3A_2204, %dma_start3A_2205] : memref<10000x128xf32, #tpu.memory_space<hbm>> -> memref<10000x128xf32, #tpu.memory_space<hbm>>
      %dma_start3A_2207 = tpu.memref_slice %arg18[%dma_start3A_2196] : memref<2x!tpu.dma_semaphore, #tpu.memory_space<semaphore_mem>> -> memref<1x!tpu.dma_semaphore, #tpu.memory_space<semaphore_mem>>
      %dma_start3A_2208 = tpu.memref_squeeze %dma_start3A_2207 : memref<1x!tpu.dma_semaphore, #tpu.memory_space<semaphore_mem>> -> memref<!tpu.dma_semaphore, #tpu.memory_space<semaphore_mem>>
      tpu.enqueue_indirect_dma source(%dma_start3A_2206 : memref<10000x128xf32, #tpu.memory_space<hbm>>) target(%dma_start3A_2200 : memref<128x128xf32, #tpu.memory_space<vmem>>) offsets(%dma_start3A_2203 : memref<128xi32, #tpu.memory_space<vmem>>) semaphore(%dma_start3A_2208 : memref<!tpu.dma_semaphore, #tpu.memory_space<semaphore_mem>>)
      %dma_wait3A_2209 = arith.constant 1 : i32
      %dma_wait3A_2210 = arith.constant 1 : i32
      %dma_wait3A_2211 = arith.constant 1 : i32
      %dma_wait3A_2212 = arith.constant 1 : i32
      %dma_wait3A_2213 = arith.constant 0 : i32
      %dma_wait3A_2214 = arith.constant 0 : i32
      %dma_wait3A_2215 = tpu.memref_slice %arg10[%dma_wait3A_2211, %dma_wait3A_2213, %dma_wait3A_2214] : memref<2x128x128xf32, #tpu.memory_space<vmem>> -> memref<1x128x128xf32, #tpu.memory_space<vmem>>
      %dma_wait3A_2216 = tpu.memref_squeeze %dma_wait3A_2215 : memref<1x128x128xf32, #tpu.memory_space<vmem>> -> memref<128x128xf32, #tpu.memory_space<vmem>>
      %dma_wait3A_2217 = arith.constant 0 : i32
      %dma_wait3A_2218 = tpu.memref_slice %arg9[%dma_wait3A_2209, %dma_wait3A_2210, %dma_wait3A_2217] : memref<2x8x128xi32, #tpu.memory_space<vmem>> -> memref<1x1x128xi32, #tpu.memory_space<vmem>>
      %dma_wait3A_2219 = tpu.memref_squeeze %dma_wait3A_2218 : memref<1x1x128xi32, #tpu.memory_space<vmem>> -> memref<128xi32, #tpu.memory_space<vmem>>
      %dma_wait3A_2220 = arith.constant 0 : i32
      %dma_wait3A_2221 = arith.constant 0 : i32
      %dma_wait3A_2222 = tpu.memref_slice %arg4[%dma_wait3A_2220, %dma_wait3A_2221] : memref<10000x128xf32, #tpu.memory_space<hbm>> -> memref<10000x128xf32, #tpu.memory_space<hbm>>
      %dma_wait3A_2223 = tpu.memref_slice %arg18[%dma_wait3A_2212] : memref<2x!tpu.dma_semaphore, #tpu.memory_space<semaphore_mem>> -> memref<1x!tpu.dma_semaphore, #tpu.memory_space<semaphore_mem>>
      %dma_wait3A_2224 = tpu.memref_squeeze %dma_wait3A_2223 : memref<1x!tpu.dma_semaphore, #tpu.memory_space<semaphore_mem>> -> memref<!tpu.dma_semaphore, #tpu.memory_space<semaphore_mem>>
      tpu.wait_indirect_dma semaphore(%dma_wait3A_2224 : memref<!tpu.dma_semaphore, #tpu.memory_space<semaphore_mem>>) src(%dma_wait3A_2222 : memref<10000x128xf32, #tpu.memory_space<hbm>>) dst(%dma_wait3A_2216 : memref<128x128xf32, #tpu.memory_space<vmem>>)
      %run_scoped3A_2225 = arith.constant 1 : i32
      %run_scoped3A_2226 = arith.constant 1 : i32
      %run_scoped3A_2227 = arith.constant 1 : i32
      "tpu.region"() ({
        %run_scoped3A_2556 = tpu.sem_alloc : memref<!tpu.dma_semaphore, #tpu.memory_space<semaphore_mem>>
        %dma_start3A_2557 = arith.constant 0 : i32
        %dma_start3A_2558 = arith.constant 0 : i32
        %dma_start3A_2559 = tpu.memref_slice %arg10[%run_scoped3A_2225, %dma_start3A_2557, %dma_start3A_2558] : memref<2x128x128xf32, #tpu.memory_space<vmem>> -> memref<1x128x128xf32, #tpu.memory_space<vmem>>
        %dma_start3A_2560 = tpu.memref_squeeze %dma_start3A_2559 : memref<1x128x128xf32, #tpu.memory_space<vmem>> -> memref<128x128xf32, #tpu.memory_space<vmem>>
        %dma_start3A_2561 = arith.constant 0 : i32
        %dma_start3A_2562 = tpu.memref_slice %arg8[%run_scoped3A_2226, %run_scoped3A_2227, %dma_start3A_2561] : memref<2x8x128xi32, #tpu.memory_space<vmem>> -> memref<1x1x128xi32, #tpu.memory_space<vmem>>
        %dma_start3A_2563 = tpu.memref_squeeze %dma_start3A_2562 : memref<1x1x128xi32, #tpu.memory_space<vmem>> -> memref<128xi32, #tpu.memory_space<vmem>>
        %dma_start3A_2564 = arith.constant 0 : i32
        %dma_start3A_2565 = arith.constant 0 : i32
        %dma_start3A_2566 = tpu.memref_slice %arg14[%dma_start3A_2564, %dma_start3A_2565] : memref<10240x128xf32, #tpu.memory_space<vmem_shared>> -> memref<10240x128xf32, #tpu.memory_space<vmem_shared>>
        tpu.enqueue_indirect_dma source(%dma_start3A_2560 : memref<128x128xf32, #tpu.memory_space<vmem>>) target(%dma_start3A_2566 : memref<10240x128xf32, #tpu.memory_space<vmem_shared>>) offsets(%dma_start3A_2563 : memref<128xi32, #tpu.memory_space<vmem>>) semaphore(%run_scoped3A_2556 : memref<!tpu.dma_semaphore, #tpu.memory_space<semaphore_mem>>) {add = true}
        %dma_wait3A_2567 = arith.constant 0 : i32
        %dma_wait3A_2568 = arith.constant 0 : i32
        %dma_wait3A_2569 = tpu.memref_slice %arg10[%run_scoped3A_2225, %dma_wait3A_2567, %dma_wait3A_2568] : memref<2x128x128xf32, #tpu.memory_space<vmem>> -> memref<1x128x128xf32, #tpu.memory_space<vmem>>
        %dma_wait3A_2570 = tpu.memref_squeeze %dma_wait3A_2569 : memref<1x128x128xf32, #tpu.memory_space<vmem>> -> memref<128x128xf32, #tpu.memory_space<vmem>>
        %dma_wait3A_2571 = arith.constant 0 : i32
        %dma_wait3A_2572 = tpu.memref_slice %arg8[%run_scoped3A_2226, %run_scoped3A_2227, %dma_wait3A_2571] : memref<2x8x128xi32, #tpu.memory_space<vmem>> -> memref<1x1x128xi32, #tpu.memory_space<vmem>>
        %dma_wait3A_2573 = tpu.memref_squeeze %dma_wait3A_2572 : memref<1x1x128xi32, #tpu.memory_space<vmem>> -> memref<128xi32, #tpu.memory_space<vmem>>
        %dma_wait3A_2574 = arith.constant 0 : i32
        %dma_wait3A_2575 = arith.constant 0 : i32
        %dma_wait3A_2576 = tpu.memref_slice %arg14[%dma_wait3A_2574, %dma_wait3A_2575] : memref<10240x128xf32, #tpu.memory_space<vmem_shared>> -> memref<10240x128xf32, #tpu.memory_space<vmem_shared>>
        tpu.wait_indirect_dma semaphore(%run_scoped3A_2556 : memref<!tpu.dma_semaphore, #tpu.memory_space<semaphore_mem>>) src(%dma_wait3A_2570 : memref<128x128xf32, #tpu.memory_space<vmem>>) dst(%dma_wait3A_2576 : memref<10240x128xf32, #tpu.memory_space<vmem_shared>>)
        tpu.yield
      }) : () -> ()
      %run_scoped3A_2228 = arith.constant 1 : i32
      %run_scoped3A_2229 = arith.constant 1 : i32
      "tpu.region"() ({
        %run_scoped3A_2556 = tpu.sem_alloc : memref<!tpu.dma_semaphore, #tpu.memory_space<semaphore_mem>>
        %dma_start3A_2557 = arith.constant 0 : i32
        %dma_start3A_2558 = tpu.memref_slice %arg8[%run_scoped3A_2228, %run_scoped3A_2229, %dma_start3A_2557] : memref<2x8x128xi32, #tpu.memory_space<vmem>> -> memref<1x1x128xi32, #tpu.memory_space<vmem>>
        %dma_start3A_2559 = tpu.memref_squeeze %dma_start3A_2558 : memref<1x1x128xi32, #tpu.memory_space<vmem>> -> memref<128xi32, #tpu.memory_space<vmem>>
        %dma_start3A_2560 = arith.constant 0 : i32
        %dma_start3A_2561 = tpu.memref_slice %arg15[%dma_start3A_2560] : memref<10240xf32, #tpu.memory_space<vmem_shared>> -> memref<10240xf32, #tpu.memory_space<vmem_shared>>
        tpu.enqueue_indirect_dma source(%arg11 : memref<128xf32, #tpu.memory_space<vmem>>) target(%dma_start3A_2561 : memref<10240xf32, #tpu.memory_space<vmem_shared>>) offsets(%dma_start3A_2559 : memref<128xi32, #tpu.memory_space<vmem>>) semaphore(%run_scoped3A_2556 : memref<!tpu.dma_semaphore, #tpu.memory_space<semaphore_mem>>) {add = true}
        %dma_wait3A_2562 = arith.constant 0 : i32
        %dma_wait3A_2563 = tpu.memref_slice %arg8[%run_scoped3A_2228, %run_scoped3A_2229, %dma_wait3A_2562] : memref<2x8x128xi32, #tpu.memory_space<vmem>> -> memref<1x1x128xi32, #tpu.memory_space<vmem>>
        %dma_wait3A_2564 = tpu.memref_squeeze %dma_wait3A_2563 : memref<1x1x128xi32, #tpu.memory_space<vmem>> -> memref<128xi32, #tpu.memory_space<vmem>>
        %dma_wait3A_2565 = arith.constant 0 : i32
        %dma_wait3A_2566 = tpu.memref_slice %arg15[%dma_wait3A_2565] : memref<10240xf32, #tpu.memory_space<vmem_shared>> -> memref<10240xf32, #tpu.memory_space<vmem_shared>>
        tpu.wait_indirect_dma semaphore(%run_scoped3A_2556 : memref<!tpu.dma_semaphore, #tpu.memory_space<semaphore_mem>>) src(%arg11 : memref<128xf32, #tpu.memory_space<vmem>>) dst(%dma_wait3A_2566 : memref<10240xf32, #tpu.memory_space<vmem_shared>>)
        tpu.yield
      }) : () -> ()
      %dma_start3A_2230 = arith.constant 1 : i32
      %dma_start3A_2231 = arith.constant 3 : i32
      %dma_start3A_2232 = arith.constant 1 : i32
      %dma_start3A_2233 = arith.constant 1 : i32
      %dma_start3A_2234 = arith.constant 0 : i32
      %dma_start3A_2235 = arith.constant 0 : i32
      %dma_start3A_2236 = tpu.memref_slice %arg10[%dma_start3A_2232, %dma_start3A_2234, %dma_start3A_2235] : memref<2x128x128xf32, #tpu.memory_space<vmem>> -> memref<1x128x128xf32, #tpu.memory_space<vmem>>
      %dma_start3A_2237 = tpu.memref_squeeze %dma_start3A_2236 : memref<1x128x128xf32, #tpu.memory_space<vmem>> -> memref<128x128xf32, #tpu.memory_space<vmem>>
      %dma_start3A_2238 = arith.constant 0 : i32
      %dma_start3A_2239 = tpu.memref_slice %arg9[%dma_start3A_2230, %dma_start3A_2231, %dma_start3A_2238] : memref<2x8x128xi32, #tpu.memory_space<vmem>> -> memref<1x1x128xi32, #tpu.memory_space<vmem>>
      %dma_start3A_2240 = tpu.memref_squeeze %dma_start3A_2239 : memref<1x1x128xi32, #tpu.memory_space<vmem>> -> memref<128xi32, #tpu.memory_space<vmem>>
      %dma_start3A_2241 = arith.constant 0 : i32
      %dma_start3A_2242 = arith.constant 0 : i32
      %dma_start3A_2243 = tpu.memref_slice %arg4[%dma_start3A_2241, %dma_start3A_2242] : memref<10000x128xf32, #tpu.memory_space<hbm>> -> memref<10000x128xf32, #tpu.memory_space<hbm>>
      %dma_start3A_2244 = tpu.memref_slice %arg18[%dma_start3A_2233] : memref<2x!tpu.dma_semaphore, #tpu.memory_space<semaphore_mem>> -> memref<1x!tpu.dma_semaphore, #tpu.memory_space<semaphore_mem>>
      %dma_start3A_2245 = tpu.memref_squeeze %dma_start3A_2244 : memref<1x!tpu.dma_semaphore, #tpu.memory_space<semaphore_mem>> -> memref<!tpu.dma_semaphore, #tpu.memory_space<semaphore_mem>>
      tpu.enqueue_indirect_dma source(%dma_start3A_2243 : memref<10000x128xf32, #tpu.memory_space<hbm>>) target(%dma_start3A_2237 : memref<128x128xf32, #tpu.memory_space<vmem>>) offsets(%dma_start3A_2240 : memref<128xi32, #tpu.memory_space<vmem>>) semaphore(%dma_start3A_2245 : memref<!tpu.dma_semaphore, #tpu.memory_space<semaphore_mem>>)
      %dma_wait3A_2246 = arith.constant 1 : i32
      %dma_wait3A_2247 = arith.constant 2 : i32
      %dma_wait3A_2248 = arith.constant 0 : i32
      %dma_wait3A_2249 = arith.constant 0 : i32
      %dma_wait3A_2250 = arith.constant 0 : i32
      %dma_wait3A_2251 = arith.constant 0 : i32
      %dma_wait3A_2252 = tpu.memref_slice %arg10[%dma_wait3A_2248, %dma_wait3A_2250, %dma_wait3A_2251] : memref<2x128x128xf32, #tpu.memory_space<vmem>> -> memref<1x128x128xf32, #tpu.memory_space<vmem>>
      %dma_wait3A_2253 = tpu.memref_squeeze %dma_wait3A_2252 : memref<1x128x128xf32, #tpu.memory_space<vmem>> -> memref<128x128xf32, #tpu.memory_space<vmem>>
      %dma_wait3A_2254 = arith.constant 0 : i32
      %dma_wait3A_2255 = tpu.memref_slice %arg9[%dma_wait3A_2246, %dma_wait3A_2247, %dma_wait3A_2254] : memref<2x8x128xi32, #tpu.memory_space<vmem>> -> memref<1x1x128xi32, #tpu.memory_space<vmem>>
      %dma_wait3A_2256 = tpu.memref_squeeze %dma_wait3A_2255 : memref<1x1x128xi32, #tpu.memory_space<vmem>> -> memref<128xi32, #tpu.memory_space<vmem>>
      %dma_wait3A_2257 = arith.constant 0 : i32
      %dma_wait3A_2258 = arith.constant 0 : i32
      %dma_wait3A_2259 = tpu.memref_slice %arg4[%dma_wait3A_2257, %dma_wait3A_2258] : memref<10000x128xf32, #tpu.memory_space<hbm>> -> memref<10000x128xf32, #tpu.memory_space<hbm>>
      %dma_wait3A_2260 = tpu.memref_slice %arg18[%dma_wait3A_2249] : memref<2x!tpu.dma_semaphore, #tpu.memory_space<semaphore_mem>> -> memref<1x!tpu.dma_semaphore, #tpu.memory_space<semaphore_mem>>
      %dma_wait3A_2261 = tpu.memref_squeeze %dma_wait3A_2260 : memref<1x!tpu.dma_semaphore, #tpu.memory_space<semaphore_mem>> -> memref<!tpu.dma_semaphore, #tpu.memory_space<semaphore_mem>>
      tpu.wait_indirect_dma semaphore(%dma_wait3A_2261 : memref<!tpu.dma_semaphore, #tpu.memory_space<semaphore_mem>>) src(%dma_wait3A_2259 : memref<10000x128xf32, #tpu.memory_space<hbm>>) dst(%dma_wait3A_2253 : memref<128x128xf32, #tpu.memory_space<vmem>>)
      %run_scoped3A_2262 = arith.constant 0 : i32
      %run_scoped3A_2263 = arith.constant 1 : i32
      %run_scoped3A_2264 = arith.constant 2 : i32
      "tpu.region"() ({
        %run_scoped3A_2556 = tpu.sem_alloc : memref<!tpu.dma_semaphore, #tpu.memory_space<semaphore_mem>>
        %dma_start3A_2557 = arith.constant 0 : i32
        %dma_start3A_2558 = arith.constant 0 : i32
        %dma_start3A_2559 = tpu.memref_slice %arg10[%run_scoped3A_2262, %dma_start3A_2557, %dma_start3A_2558] : memref<2x128x128xf32, #tpu.memory_space<vmem>> -> memref<1x128x128xf32, #tpu.memory_space<vmem>>
        %dma_start3A_2560 = tpu.memref_squeeze %dma_start3A_2559 : memref<1x128x128xf32, #tpu.memory_space<vmem>> -> memref<128x128xf32, #tpu.memory_space<vmem>>
        %dma_start3A_2561 = arith.constant 0 : i32
        %dma_start3A_2562 = tpu.memref_slice %arg8[%run_scoped3A_2263, %run_scoped3A_2264, %dma_start3A_2561] : memref<2x8x128xi32, #tpu.memory_space<vmem>> -> memref<1x1x128xi32, #tpu.memory_space<vmem>>
        %dma_start3A_2563 = tpu.memref_squeeze %dma_start3A_2562 : memref<1x1x128xi32, #tpu.memory_space<vmem>> -> memref<128xi32, #tpu.memory_space<vmem>>
        %dma_start3A_2564 = arith.constant 0 : i32
        %dma_start3A_2565 = arith.constant 0 : i32
        %dma_start3A_2566 = tpu.memref_slice %arg14[%dma_start3A_2564, %dma_start3A_2565] : memref<10240x128xf32, #tpu.memory_space<vmem_shared>> -> memref<10240x128xf32, #tpu.memory_space<vmem_shared>>
        tpu.enqueue_indirect_dma source(%dma_start3A_2560 : memref<128x128xf32, #tpu.memory_space<vmem>>) target(%dma_start3A_2566 : memref<10240x128xf32, #tpu.memory_space<vmem_shared>>) offsets(%dma_start3A_2563 : memref<128xi32, #tpu.memory_space<vmem>>) semaphore(%run_scoped3A_2556 : memref<!tpu.dma_semaphore, #tpu.memory_space<semaphore_mem>>) {add = true}
        %dma_wait3A_2567 = arith.constant 0 : i32
        %dma_wait3A_2568 = arith.constant 0 : i32
        %dma_wait3A_2569 = tpu.memref_slice %arg10[%run_scoped3A_2262, %dma_wait3A_2567, %dma_wait3A_2568] : memref<2x128x128xf32, #tpu.memory_space<vmem>> -> memref<1x128x128xf32, #tpu.memory_space<vmem>>
        %dma_wait3A_2570 = tpu.memref_squeeze %dma_wait3A_2569 : memref<1x128x128xf32, #tpu.memory_space<vmem>> -> memref<128x128xf32, #tpu.memory_space<vmem>>
        %dma_wait3A_2571 = arith.constant 0 : i32
        %dma_wait3A_2572 = tpu.memref_slice %arg8[%run_scoped3A_2263, %run_scoped3A_2264, %dma_wait3A_2571] : memref<2x8x128xi32, #tpu.memory_space<vmem>> -> memref<1x1x128xi32, #tpu.memory_space<vmem>>
        %dma_wait3A_2573 = tpu.memref_squeeze %dma_wait3A_2572 : memref<1x1x128xi32, #tpu.memory_space<vmem>> -> memref<128xi32, #tpu.memory_space<vmem>>
        %dma_wait3A_2574 = arith.constant 0 : i32
        %dma_wait3A_2575 = arith.constant 0 : i32
        %dma_wait3A_2576 = tpu.memref_slice %arg14[%dma_wait3A_2574, %dma_wait3A_2575] : memref<10240x128xf32, #tpu.memory_space<vmem_shared>> -> memref<10240x128xf32, #tpu.memory_space<vmem_shared>>
        tpu.wait_indirect_dma semaphore(%run_scoped3A_2556 : memref<!tpu.dma_semaphore, #tpu.memory_space<semaphore_mem>>) src(%dma_wait3A_2570 : memref<128x128xf32, #tpu.memory_space<vmem>>) dst(%dma_wait3A_2576 : memref<10240x128xf32, #tpu.memory_space<vmem_shared>>)
        tpu.yield
      }) : () -> ()
      %run_scoped3A_2265 = arith.constant 1 : i32
      %run_scoped3A_2266 = arith.constant 2 : i32
      "tpu.region"() ({
        %run_scoped3A_2556 = tpu.sem_alloc : memref<!tpu.dma_semaphore, #tpu.memory_space<semaphore_mem>>
        %dma_start3A_2557 = arith.constant 0 : i32
        %dma_start3A_2558 = tpu.memref_slice %arg8[%run_scoped3A_2265, %run_scoped3A_2266, %dma_start3A_2557] : memref<2x8x128xi32, #tpu.memory_space<vmem>> -> memref<1x1x128xi32, #tpu.memory_space<vmem>>
        %dma_start3A_2559 = tpu.memref_squeeze %dma_start3A_2558 : memref<1x1x128xi32, #tpu.memory_space<vmem>> -> memref<128xi32, #tpu.memory_space<vmem>>
        %dma_start3A_2560 = arith.constant 0 : i32
        %dma_start3A_2561 = tpu.memref_slice %arg15[%dma_start3A_2560] : memref<10240xf32, #tpu.memory_space<vmem_shared>> -> memref<10240xf32, #tpu.memory_space<vmem_shared>>
        tpu.enqueue_indirect_dma source(%arg11 : memref<128xf32, #tpu.memory_space<vmem>>) target(%dma_start3A_2561 : memref<10240xf32, #tpu.memory_space<vmem_shared>>) offsets(%dma_start3A_2559 : memref<128xi32, #tpu.memory_space<vmem>>) semaphore(%run_scoped3A_2556 : memref<!tpu.dma_semaphore, #tpu.memory_space<semaphore_mem>>) {add = true}
        %dma_wait3A_2562 = arith.constant 0 : i32
        %dma_wait3A_2563 = tpu.memref_slice %arg8[%run_scoped3A_2265, %run_scoped3A_2266, %dma_wait3A_2562] : memref<2x8x128xi32, #tpu.memory_space<vmem>> -> memref<1x1x128xi32, #tpu.memory_space<vmem>>
        %dma_wait3A_2564 = tpu.memref_squeeze %dma_wait3A_2563 : memref<1x1x128xi32, #tpu.memory_space<vmem>> -> memref<128xi32, #tpu.memory_space<vmem>>
        %dma_wait3A_2565 = arith.constant 0 : i32
        %dma_wait3A_2566 = tpu.memref_slice %arg15[%dma_wait3A_2565] : memref<10240xf32, #tpu.memory_space<vmem_shared>> -> memref<10240xf32, #tpu.memory_space<vmem_shared>>
        tpu.wait_indirect_dma semaphore(%run_scoped3A_2556 : memref<!tpu.dma_semaphore, #tpu.memory_space<semaphore_mem>>) src(%arg11 : memref<128xf32, #tpu.memory_space<vmem>>) dst(%dma_wait3A_2566 : memref<10240xf32, #tpu.memory_space<vmem_shared>>)
        tpu.yield
      }) : () -> ()
      %dma_start3A_2267 = arith.constant 1 : i32
      %dma_start3A_2268 = arith.constant 4 : i32
      %dma_start3A_2269 = arith.constant 0 : i32
      %dma_start3A_2270 = arith.constant 0 : i32
      %dma_start3A_2271 = arith.constant 0 : i32
      %dma_start3A_2272 = arith.constant 0 : i32
      %dma_start3A_2273 = tpu.memref_slice %arg10[%dma_start3A_2269, %dma_start3A_2271, %dma_start3A_2272] : memref<2x128x128xf32, #tpu.memory_space<vmem>> -> memref<1x128x128xf32, #tpu.memory_space<vmem>>
      %dma_start3A_2274 = tpu.memref_squeeze %dma_start3A_2273 : memref<1x128x128xf32, #tpu.memory_space<vmem>> -> memref<128x128xf32, #tpu.memory_space<vmem>>
      %dma_start3A_2275 = arith.constant 0 : i32
      %dma_start3A_2276 = tpu.memref_slice %arg9[%dma_start3A_2267, %dma_start3A_2268, %dma_start3A_2275] : memref<2x8x128xi32, #tpu.memory_space<vmem>> -> memref<1x1x128xi32, #tpu.memory_space<vmem>>
      %dma_start3A_2277 = tpu.memref_squeeze %dma_start3A_2276 : memref<1x1x128xi32, #tpu.memory_space<vmem>> -> memref<128xi32, #tpu.memory_space<vmem>>
      %dma_start3A_2278 = arith.constant 0 : i32
      %dma_start3A_2279 = arith.constant 0 : i32
      %dma_start3A_2280 = tpu.memref_slice %arg4[%dma_start3A_2278, %dma_start3A_2279] : memref<10000x128xf32, #tpu.memory_space<hbm>> -> memref<10000x128xf32, #tpu.memory_space<hbm>>
      %dma_start3A_2281 = tpu.memref_slice %arg18[%dma_start3A_2270] : memref<2x!tpu.dma_semaphore, #tpu.memory_space<semaphore_mem>> -> memref<1x!tpu.dma_semaphore, #tpu.memory_space<semaphore_mem>>
      %dma_start3A_2282 = tpu.memref_squeeze %dma_start3A_2281 : memref<1x!tpu.dma_semaphore, #tpu.memory_space<semaphore_mem>> -> memref<!tpu.dma_semaphore, #tpu.memory_space<semaphore_mem>>
      tpu.enqueue_indirect_dma source(%dma_start3A_2280 : memref<10000x128xf32, #tpu.memory_space<hbm>>) target(%dma_start3A_2274 : memref<128x128xf32, #tpu.memory_space<vmem>>) offsets(%dma_start3A_2277 : memref<128xi32, #tpu.memory_space<vmem>>) semaphore(%dma_start3A_2282 : memref<!tpu.dma_semaphore, #tpu.memory_space<semaphore_mem>>)
      %dma_wait3A_2283 = arith.constant 1 : i32
      %dma_wait3A_2284 = arith.constant 3 : i32
      %dma_wait3A_2285 = arith.constant 1 : i32
      %dma_wait3A_2286 = arith.constant 1 : i32
      %dma_wait3A_2287 = arith.constant 0 : i32
      %dma_wait3A_2288 = arith.constant 0 : i32
      %dma_wait3A_2289 = tpu.memref_slice %arg10[%dma_wait3A_2285, %dma_wait3A_2287, %dma_wait3A_2288] : memref<2x128x128xf32, #tpu.memory_space<vmem>> -> memref<1x128x128xf32, #tpu.memory_space<vmem>>
      %dma_wait3A_2290 = tpu.memref_squeeze %dma_wait3A_2289 : memref<1x128x128xf32, #tpu.memory_space<vmem>> -> memref<128x128xf32, #tpu.memory_space<vmem>>
      %dma_wait3A_2291 = arith.constant 0 : i32
      %dma_wait3A_2292 = tpu.memref_slice %arg9[%dma_wait3A_2283, %dma_wait3A_2284, %dma_wait3A_2291] : memref<2x8x128xi32, #tpu.memory_space<vmem>> -> memref<1x1x128xi32, #tpu.memory_space<vmem>>
      %dma_wait3A_2293 = tpu.memref_squeeze %dma_wait3A_2292 : memref<1x1x128xi32, #tpu.memory_space<vmem>> -> memref<128xi32, #tpu.memory_space<vmem>>
      %dma_wait3A_2294 = arith.constant 0 : i32
      %dma_wait3A_2295 = arith.constant 0 : i32
      %dma_wait3A_2296 = tpu.memref_slice %arg4[%dma_wait3A_2294, %dma_wait3A_2295] : memref<10000x128xf32, #tpu.memory_space<hbm>> -> memref<10000x128xf32, #tpu.memory_space<hbm>>
      %dma_wait3A_2297 = tpu.memref_slice %arg18[%dma_wait3A_2286] : memref<2x!tpu.dma_semaphore, #tpu.memory_space<semaphore_mem>> -> memref<1x!tpu.dma_semaphore, #tpu.memory_space<semaphore_mem>>
      %dma_wait3A_2298 = tpu.memref_squeeze %dma_wait3A_2297 : memref<1x!tpu.dma_semaphore, #tpu.memory_space<semaphore_mem>> -> memref<!tpu.dma_semaphore, #tpu.memory_space<semaphore_mem>>
      tpu.wait_indirect_dma semaphore(%dma_wait3A_2298 : memref<!tpu.dma_semaphore, #tpu.memory_space<semaphore_mem>>) src(%dma_wait3A_2296 : memref<10000x128xf32, #tpu.memory_space<hbm>>) dst(%dma_wait3A_2290 : memref<128x128xf32, #tpu.memory_space<vmem>>)
      %run_scoped3A_2299 = arith.constant 1 : i32
      %run_scoped3A_2300 = arith.constant 1 : i32
      %run_scoped3A_2301 = arith.constant 3 : i32
      "tpu.region"() ({
        %run_scoped3A_2556 = tpu.sem_alloc : memref<!tpu.dma_semaphore, #tpu.memory_space<semaphore_mem>>
        %dma_start3A_2557 = arith.constant 0 : i32
        %dma_start3A_2558 = arith.constant 0 : i32
        %dma_start3A_2559 = tpu.memref_slice %arg10[%run_scoped3A_2299, %dma_start3A_2557, %dma_start3A_2558] : memref<2x128x128xf32, #tpu.memory_space<vmem>> -> memref<1x128x128xf32, #tpu.memory_space<vmem>>
        %dma_start3A_2560 = tpu.memref_squeeze %dma_start3A_2559 : memref<1x128x128xf32, #tpu.memory_space<vmem>> -> memref<128x128xf32, #tpu.memory_space<vmem>>
        %dma_start3A_2561 = arith.constant 0 : i32
        %dma_start3A_2562 = tpu.memref_slice %arg8[%run_scoped3A_2300, %run_scoped3A_2301, %dma_start3A_2561] : memref<2x8x128xi32, #tpu.memory_space<vmem>> -> memref<1x1x128xi32, #tpu.memory_space<vmem>>
        %dma_start3A_2563 = tpu.memref_squeeze %dma_start3A_2562 : memref<1x1x128xi32, #tpu.memory_space<vmem>> -> memref<128xi32, #tpu.memory_space<vmem>>
        %dma_start3A_2564 = arith.constant 0 : i32
        %dma_start3A_2565 = arith.constant 0 : i32
        %dma_start3A_2566 = tpu.memref_slice %arg14[%dma_start3A_2564, %dma_start3A_2565] : memref<10240x128xf32, #tpu.memory_space<vmem_shared>> -> memref<10240x128xf32, #tpu.memory_space<vmem_shared>>
        tpu.enqueue_indirect_dma source(%dma_start3A_2560 : memref<128x128xf32, #tpu.memory_space<vmem>>) target(%dma_start3A_2566 : memref<10240x128xf32, #tpu.memory_space<vmem_shared>>) offsets(%dma_start3A_2563 : memref<128xi32, #tpu.memory_space<vmem>>) semaphore(%run_scoped3A_2556 : memref<!tpu.dma_semaphore, #tpu.memory_space<semaphore_mem>>) {add = true}
        %dma_wait3A_2567 = arith.constant 0 : i32
        %dma_wait3A_2568 = arith.constant 0 : i32
        %dma_wait3A_2569 = tpu.memref_slice %arg10[%run_scoped3A_2299, %dma_wait3A_2567, %dma_wait3A_2568] : memref<2x128x128xf32, #tpu.memory_space<vmem>> -> memref<1x128x128xf32, #tpu.memory_space<vmem>>
        %dma_wait3A_2570 = tpu.memref_squeeze %dma_wait3A_2569 : memref<1x128x128xf32, #tpu.memory_space<vmem>> -> memref<128x128xf32, #tpu.memory_space<vmem>>
        %dma_wait3A_2571 = arith.constant 0 : i32
        %dma_wait3A_2572 = tpu.memref_slice %arg8[%run_scoped3A_2300, %run_scoped3A_2301, %dma_wait3A_2571] : memref<2x8x128xi32, #tpu.memory_space<vmem>> -> memref<1x1x128xi32, #tpu.memory_space<vmem>>
        %dma_wait3A_2573 = tpu.memref_squeeze %dma_wait3A_2572 : memref<1x1x128xi32, #tpu.memory_space<vmem>> -> memref<128xi32, #tpu.memory_space<vmem>>
        %dma_wait3A_2574 = arith.constant 0 : i32
        %dma_wait3A_2575 = arith.constant 0 : i32
        %dma_wait3A_2576 = tpu.memref_slice %arg14[%dma_wait3A_2574, %dma_wait3A_2575] : memref<10240x128xf32, #tpu.memory_space<vmem_shared>> -> memref<10240x128xf32, #tpu.memory_space<vmem_shared>>
        tpu.wait_indirect_dma semaphore(%run_scoped3A_2556 : memref<!tpu.dma_semaphore, #tpu.memory_space<semaphore_mem>>) src(%dma_wait3A_2570 : memref<128x128xf32, #tpu.memory_space<vmem>>) dst(%dma_wait3A_2576 : memref<10240x128xf32, #tpu.memory_space<vmem_shared>>)
        tpu.yield
      }) : () -> ()
      %run_scoped3A_2302 = arith.constant 1 : i32
      %run_scoped3A_2303 = arith.constant 3 : i32
      "tpu.region"() ({
        %run_scoped3A_2556 = tpu.sem_alloc : memref<!tpu.dma_semaphore, #tpu.memory_space<semaphore_mem>>
        %dma_start3A_2557 = arith.constant 0 : i32
        %dma_start3A_2558 = tpu.memref_slice %arg8[%run_scoped3A_2302, %run_scoped3A_2303, %dma_start3A_2557] : memref<2x8x128xi32, #tpu.memory_space<vmem>> -> memref<1x1x128xi32, #tpu.memory_space<vmem>>
        %dma_start3A_2559 = tpu.memref_squeeze %dma_start3A_2558 : memref<1x1x128xi32, #tpu.memory_space<vmem>> -> memref<128xi32, #tpu.memory_space<vmem>>
        %dma_start3A_2560 = arith.constant 0 : i32
        %dma_start3A_2561 = tpu.memref_slice %arg15[%dma_start3A_2560] : memref<10240xf32, #tpu.memory_space<vmem_shared>> -> memref<10240xf32, #tpu.memory_space<vmem_shared>>
        tpu.enqueue_indirect_dma source(%arg11 : memref<128xf32, #tpu.memory_space<vmem>>) target(%dma_start3A_2561 : memref<10240xf32, #tpu.memory_space<vmem_shared>>) offsets(%dma_start3A_2559 : memref<128xi32, #tpu.memory_space<vmem>>) semaphore(%run_scoped3A_2556 : memref<!tpu.dma_semaphore, #tpu.memory_space<semaphore_mem>>) {add = true}
        %dma_wait3A_2562 = arith.constant 0 : i32
        %dma_wait3A_2563 = tpu.memref_slice %arg8[%run_scoped3A_2302, %run_scoped3A_2303, %dma_wait3A_2562] : memref<2x8x128xi32, #tpu.memory_space<vmem>> -> memref<1x1x128xi32, #tpu.memory_space<vmem>>
        %dma_wait3A_2564 = tpu.memref_squeeze %dma_wait3A_2563 : memref<1x1x128xi32, #tpu.memory_space<vmem>> -> memref<128xi32, #tpu.memory_space<vmem>>
        %dma_wait3A_2565 = arith.constant 0 : i32
        %dma_wait3A_2566 = tpu.memref_slice %arg15[%dma_wait3A_2565] : memref<10240xf32, #tpu.memory_space<vmem_shared>> -> memref<10240xf32, #tpu.memory_space<vmem_shared>>
        tpu.wait_indirect_dma semaphore(%run_scoped3A_2556 : memref<!tpu.dma_semaphore, #tpu.memory_space<semaphore_mem>>) src(%arg11 : memref<128xf32, #tpu.memory_space<vmem>>) dst(%dma_wait3A_2566 : memref<10240xf32, #tpu.memory_space<vmem_shared>>)
        tpu.yield
      }) : () -> ()
      %dma_start3A_2304 = arith.constant 1 : i32
      %dma_start3A_2305 = arith.constant 5 : i32
      %dma_start3A_2306 = arith.constant 1 : i32
      %dma_start3A_2307 = arith.constant 1 : i32
      %dma_start3A_2308 = arith.constant 0 : i32
      %dma_start3A_2309 = arith.constant 0 : i32
      %dma_start3A_2310 = tpu.memref_slice %arg10[%dma_start3A_2306, %dma_start3A_2308, %dma_start3A_2309] : memref<2x128x128xf32, #tpu.memory_space<vmem>> -> memref<1x128x128xf32, #tpu.memory_space<vmem>>
      %dma_start3A_2311 = tpu.memref_squeeze %dma_start3A_2310 : memref<1x128x128xf32, #tpu.memory_space<vmem>> -> memref<128x128xf32, #tpu.memory_space<vmem>>
      %dma_start3A_2312 = arith.constant 0 : i32
      %dma_start3A_2313 = tpu.memref_slice %arg9[%dma_start3A_2304, %dma_start3A_2305, %dma_start3A_2312] : memref<2x8x128xi32, #tpu.memory_space<vmem>> -> memref<1x1x128xi32, #tpu.memory_space<vmem>>
      %dma_start3A_2314 = tpu.memref_squeeze %dma_start3A_2313 : memref<1x1x128xi32, #tpu.memory_space<vmem>> -> memref<128xi32, #tpu.memory_space<vmem>>
      %dma_start3A_2315 = arith.constant 0 : i32
      %dma_start3A_2316 = arith.constant 0 : i32
      %dma_start3A_2317 = tpu.memref_slice %arg4[%dma_start3A_2315, %dma_start3A_2316] : memref<10000x128xf32, #tpu.memory_space<hbm>> -> memref<10000x128xf32, #tpu.memory_space<hbm>>
      %dma_start3A_2318 = tpu.memref_slice %arg18[%dma_start3A_2307] : memref<2x!tpu.dma_semaphore, #tpu.memory_space<semaphore_mem>> -> memref<1x!tpu.dma_semaphore, #tpu.memory_space<semaphore_mem>>
      %dma_start3A_2319 = tpu.memref_squeeze %dma_start3A_2318 : memref<1x!tpu.dma_semaphore, #tpu.memory_space<semaphore_mem>> -> memref<!tpu.dma_semaphore, #tpu.memory_space<semaphore_mem>>
      tpu.enqueue_indirect_dma source(%dma_start3A_2317 : memref<10000x128xf32, #tpu.memory_space<hbm>>) target(%dma_start3A_2311 : memref<128x128xf32, #tpu.memory_space<vmem>>) offsets(%dma_start3A_2314 : memref<128xi32, #tpu.memory_space<vmem>>) semaphore(%dma_start3A_2319 : memref<!tpu.dma_semaphore, #tpu.memory_space<semaphore_mem>>)
      %dma_wait3A_2320 = arith.constant 1 : i32
      %dma_wait3A_2321 = arith.constant 4 : i32
      %dma_wait3A_2322 = arith.constant 0 : i32
      %dma_wait3A_2323 = arith.constant 0 : i32
      %dma_wait3A_2324 = arith.constant 0 : i32
      %dma_wait3A_2325 = arith.constant 0 : i32
      %dma_wait3A_2326 = tpu.memref_slice %arg10[%dma_wait3A_2322, %dma_wait3A_2324, %dma_wait3A_2325] : memref<2x128x128xf32, #tpu.memory_space<vmem>> -> memref<1x128x128xf32, #tpu.memory_space<vmem>>
      %dma_wait3A_2327 = tpu.memref_squeeze %dma_wait3A_2326 : memref<1x128x128xf32, #tpu.memory_space<vmem>> -> memref<128x128xf32, #tpu.memory_space<vmem>>
      %dma_wait3A_2328 = arith.constant 0 : i32
      %dma_wait3A_2329 = tpu.memref_slice %arg9[%dma_wait3A_2320, %dma_wait3A_2321, %dma_wait3A_2328] : memref<2x8x128xi32, #tpu.memory_space<vmem>> -> memref<1x1x128xi32, #tpu.memory_space<vmem>>
      %dma_wait3A_2330 = tpu.memref_squeeze %dma_wait3A_2329 : memref<1x1x128xi32, #tpu.memory_space<vmem>> -> memref<128xi32, #tpu.memory_space<vmem>>
      %dma_wait3A_2331 = arith.constant 0 : i32
      %dma_wait3A_2332 = arith.constant 0 : i32
      %dma_wait3A_2333 = tpu.memref_slice %arg4[%dma_wait3A_2331, %dma_wait3A_2332] : memref<10000x128xf32, #tpu.memory_space<hbm>> -> memref<10000x128xf32, #tpu.memory_space<hbm>>
      %dma_wait3A_2334 = tpu.memref_slice %arg18[%dma_wait3A_2323] : memref<2x!tpu.dma_semaphore, #tpu.memory_space<semaphore_mem>> -> memref<1x!tpu.dma_semaphore, #tpu.memory_space<semaphore_mem>>
      %dma_wait3A_2335 = tpu.memref_squeeze %dma_wait3A_2334 : memref<1x!tpu.dma_semaphore, #tpu.memory_space<semaphore_mem>> -> memref<!tpu.dma_semaphore, #tpu.memory_space<semaphore_mem>>
      tpu.wait_indirect_dma semaphore(%dma_wait3A_2335 : memref<!tpu.dma_semaphore, #tpu.memory_space<semaphore_mem>>) src(%dma_wait3A_2333 : memref<10000x128xf32, #tpu.memory_space<hbm>>) dst(%dma_wait3A_2327 : memref<128x128xf32, #tpu.memory_space<vmem>>)
      %run_scoped3A_2336 = arith.constant 0 : i32
      %run_scoped3A_2337 = arith.constant 1 : i32
      %run_scoped3A_2338 = arith.constant 4 : i32
      "tpu.region"() ({
        %run_scoped3A_2556 = tpu.sem_alloc : memref<!tpu.dma_semaphore, #tpu.memory_space<semaphore_mem>>
        %dma_start3A_2557 = arith.constant 0 : i32
        %dma_start3A_2558 = arith.constant 0 : i32
        %dma_start3A_2559 = tpu.memref_slice %arg10[%run_scoped3A_2336, %dma_start3A_2557, %dma_start3A_2558] : memref<2x128x128xf32, #tpu.memory_space<vmem>> -> memref<1x128x128xf32, #tpu.memory_space<vmem>>
        %dma_start3A_2560 = tpu.memref_squeeze %dma_start3A_2559 : memref<1x128x128xf32, #tpu.memory_space<vmem>> -> memref<128x128xf32, #tpu.memory_space<vmem>>
        %dma_start3A_2561 = arith.constant 0 : i32
        %dma_start3A_2562 = tpu.memref_slice %arg8[%run_scoped3A_2337, %run_scoped3A_2338, %dma_start3A_2561] : memref<2x8x128xi32, #tpu.memory_space<vmem>> -> memref<1x1x128xi32, #tpu.memory_space<vmem>>
        %dma_start3A_2563 = tpu.memref_squeeze %dma_start3A_2562 : memref<1x1x128xi32, #tpu.memory_space<vmem>> -> memref<128xi32, #tpu.memory_space<vmem>>
        %dma_start3A_2564 = arith.constant 0 : i32
        %dma_start3A_2565 = arith.constant 0 : i32
        %dma_start3A_2566 = tpu.memref_slice %arg14[%dma_start3A_2564, %dma_start3A_2565] : memref<10240x128xf32, #tpu.memory_space<vmem_shared>> -> memref<10240x128xf32, #tpu.memory_space<vmem_shared>>
        tpu.enqueue_indirect_dma source(%dma_start3A_2560 : memref<128x128xf32, #tpu.memory_space<vmem>>) target(%dma_start3A_2566 : memref<10240x128xf32, #tpu.memory_space<vmem_shared>>) offsets(%dma_start3A_2563 : memref<128xi32, #tpu.memory_space<vmem>>) semaphore(%run_scoped3A_2556 : memref<!tpu.dma_semaphore, #tpu.memory_space<semaphore_mem>>) {add = true}
        %dma_wait3A_2567 = arith.constant 0 : i32
        %dma_wait3A_2568 = arith.constant 0 : i32
        %dma_wait3A_2569 = tpu.memref_slice %arg10[%run_scoped3A_2336, %dma_wait3A_2567, %dma_wait3A_2568] : memref<2x128x128xf32, #tpu.memory_space<vmem>> -> memref<1x128x128xf32, #tpu.memory_space<vmem>>
        %dma_wait3A_2570 = tpu.memref_squeeze %dma_wait3A_2569 : memref<1x128x128xf32, #tpu.memory_space<vmem>> -> memref<128x128xf32, #tpu.memory_space<vmem>>
        %dma_wait3A_2571 = arith.constant 0 : i32
        %dma_wait3A_2572 = tpu.memref_slice %arg8[%run_scoped3A_2337, %run_scoped3A_2338, %dma_wait3A_2571] : memref<2x8x128xi32, #tpu.memory_space<vmem>> -> memref<1x1x128xi32, #tpu.memory_space<vmem>>
        %dma_wait3A_2573 = tpu.memref_squeeze %dma_wait3A_2572 : memref<1x1x128xi32, #tpu.memory_space<vmem>> -> memref<128xi32, #tpu.memory_space<vmem>>
        %dma_wait3A_2574 = arith.constant 0 : i32
        %dma_wait3A_2575 = arith.constant 0 : i32
        %dma_wait3A_2576 = tpu.memref_slice %arg14[%dma_wait3A_2574, %dma_wait3A_2575] : memref<10240x128xf32, #tpu.memory_space<vmem_shared>> -> memref<10240x128xf32, #tpu.memory_space<vmem_shared>>
        tpu.wait_indirect_dma semaphore(%run_scoped3A_2556 : memref<!tpu.dma_semaphore, #tpu.memory_space<semaphore_mem>>) src(%dma_wait3A_2570 : memref<128x128xf32, #tpu.memory_space<vmem>>) dst(%dma_wait3A_2576 : memref<10240x128xf32, #tpu.memory_space<vmem_shared>>)
        tpu.yield
      }) : () -> ()
      %run_scoped3A_2339 = arith.constant 1 : i32
      %run_scoped3A_2340 = arith.constant 4 : i32
      "tpu.region"() ({
        %run_scoped3A_2556 = tpu.sem_alloc : memref<!tpu.dma_semaphore, #tpu.memory_space<semaphore_mem>>
        %dma_start3A_2557 = arith.constant 0 : i32
        %dma_start3A_2558 = tpu.memref_slice %arg8[%run_scoped3A_2339, %run_scoped3A_2340, %dma_start3A_2557] : memref<2x8x128xi32, #tpu.memory_space<vmem>> -> memref<1x1x128xi32, #tpu.memory_space<vmem>>
        %dma_start3A_2559 = tpu.memref_squeeze %dma_start3A_2558 : memref<1x1x128xi32, #tpu.memory_space<vmem>> -> memref<128xi32, #tpu.memory_space<vmem>>
        %dma_start3A_2560 = arith.constant 0 : i32
        %dma_start3A_2561 = tpu.memref_slice %arg15[%dma_start3A_2560] : memref<10240xf32, #tpu.memory_space<vmem_shared>> -> memref<10240xf32, #tpu.memory_space<vmem_shared>>
        tpu.enqueue_indirect_dma source(%arg11 : memref<128xf32, #tpu.memory_space<vmem>>) target(%dma_start3A_2561 : memref<10240xf32, #tpu.memory_space<vmem_shared>>) offsets(%dma_start3A_2559 : memref<128xi32, #tpu.memory_space<vmem>>) semaphore(%run_scoped3A_2556 : memref<!tpu.dma_semaphore, #tpu.memory_space<semaphore_mem>>) {add = true}
        %dma_wait3A_2562 = arith.constant 0 : i32
        %dma_wait3A_2563 = tpu.memref_slice %arg8[%run_scoped3A_2339, %run_scoped3A_2340, %dma_wait3A_2562] : memref<2x8x128xi32, #tpu.memory_space<vmem>> -> memref<1x1x128xi32, #tpu.memory_space<vmem>>
        %dma_wait3A_2564 = tpu.memref_squeeze %dma_wait3A_2563 : memref<1x1x128xi32, #tpu.memory_space<vmem>> -> memref<128xi32, #tpu.memory_space<vmem>>
        %dma_wait3A_2565 = arith.constant 0 : i32
        %dma_wait3A_2566 = tpu.memref_slice %arg15[%dma_wait3A_2565] : memref<10240xf32, #tpu.memory_space<vmem_shared>> -> memref<10240xf32, #tpu.memory_space<vmem_shared>>
        tpu.wait_indirect_dma semaphore(%run_scoped3A_2556 : memref<!tpu.dma_semaphore, #tpu.memory_space<semaphore_mem>>) src(%arg11 : memref<128xf32, #tpu.memory_space<vmem>>) dst(%dma_wait3A_2566 : memref<10240xf32, #tpu.memory_space<vmem_shared>>)
        tpu.yield
      }) : () -> ()
      %dma_start3A_2341 = arith.constant 1 : i32
      %dma_start3A_2342 = arith.constant 6 : i32
      %dma_start3A_2343 = arith.constant 0 : i32
      %dma_start3A_2344 = arith.constant 0 : i32
      %dma_start3A_2345 = arith.constant 0 : i32
      %dma_start3A_2346 = arith.constant 0 : i32
      %dma_start3A_2347 = tpu.memref_slice %arg10[%dma_start3A_2343, %dma_start3A_2345, %dma_start3A_2346] : memref<2x128x128xf32, #tpu.memory_space<vmem>> -> memref<1x128x128xf32, #tpu.memory_space<vmem>>
      %dma_start3A_2348 = tpu.memref_squeeze %dma_start3A_2347 : memref<1x128x128xf32, #tpu.memory_space<vmem>> -> memref<128x128xf32, #tpu.memory_space<vmem>>
      %dma_start3A_2349 = arith.constant 0 : i32
      %dma_start3A_2350 = tpu.memref_slice %arg9[%dma_start3A_2341, %dma_start3A_2342, %dma_start3A_2349] : memref<2x8x128xi32, #tpu.memory_space<vmem>> -> memref<1x1x128xi32, #tpu.memory_space<vmem>>
      %dma_start3A_2351 = tpu.memref_squeeze %dma_start3A_2350 : memref<1x1x128xi32, #tpu.memory_space<vmem>> -> memref<128xi32, #tpu.memory_space<vmem>>
      %dma_start3A_2352 = arith.constant 0 : i32
      %dma_start3A_2353 = arith.constant 0 : i32
      %dma_start3A_2354 = tpu.memref_slice %arg4[%dma_start3A_2352, %dma_start3A_2353] : memref<10000x128xf32, #tpu.memory_space<hbm>> -> memref<10000x128xf32, #tpu.memory_space<hbm>>
      %dma_start3A_2355 = tpu.memref_slice %arg18[%dma_start3A_2344] : memref<2x!tpu.dma_semaphore, #tpu.memory_space<semaphore_mem>> -> memref<1x!tpu.dma_semaphore, #tpu.memory_space<semaphore_mem>>
      %dma_start3A_2356 = tpu.memref_squeeze %dma_start3A_2355 : memref<1x!tpu.dma_semaphore, #tpu.memory_space<semaphore_mem>> -> memref<!tpu.dma_semaphore, #tpu.memory_space<semaphore_mem>>
      tpu.enqueue_indirect_dma source(%dma_start3A_2354 : memref<10000x128xf32, #tpu.memory_space<hbm>>) target(%dma_start3A_2348 : memref<128x128xf32, #tpu.memory_space<vmem>>) offsets(%dma_start3A_2351 : memref<128xi32, #tpu.memory_space<vmem>>) semaphore(%dma_start3A_2356 : memref<!tpu.dma_semaphore, #tpu.memory_space<semaphore_mem>>)
      %dma_wait3A_2357 = arith.constant 1 : i32
      %dma_wait3A_2358 = arith.constant 5 : i32
      %dma_wait3A_2359 = arith.constant 1 : i32
      %dma_wait3A_2360 = arith.constant 1 : i32
      %dma_wait3A_2361 = arith.constant 0 : i32
      %dma_wait3A_2362 = arith.constant 0 : i32
      %dma_wait3A_2363 = tpu.memref_slice %arg10[%dma_wait3A_2359, %dma_wait3A_2361, %dma_wait3A_2362] : memref<2x128x128xf32, #tpu.memory_space<vmem>> -> memref<1x128x128xf32, #tpu.memory_space<vmem>>
      %dma_wait3A_2364 = tpu.memref_squeeze %dma_wait3A_2363 : memref<1x128x128xf32, #tpu.memory_space<vmem>> -> memref<128x128xf32, #tpu.memory_space<vmem>>
      %dma_wait3A_2365 = arith.constant 0 : i32
      %dma_wait3A_2366 = tpu.memref_slice %arg9[%dma_wait3A_2357, %dma_wait3A_2358, %dma_wait3A_2365] : memref<2x8x128xi32, #tpu.memory_space<vmem>> -> memref<1x1x128xi32, #tpu.memory_space<vmem>>
      %dma_wait3A_2367 = tpu.memref_squeeze %dma_wait3A_2366 : memref<1x1x128xi32, #tpu.memory_space<vmem>> -> memref<128xi32, #tpu.memory_space<vmem>>
      %dma_wait3A_2368 = arith.constant 0 : i32
      %dma_wait3A_2369 = arith.constant 0 : i32
      %dma_wait3A_2370 = tpu.memref_slice %arg4[%dma_wait3A_2368, %dma_wait3A_2369] : memref<10000x128xf32, #tpu.memory_space<hbm>> -> memref<10000x128xf32, #tpu.memory_space<hbm>>
      %dma_wait3A_2371 = tpu.memref_slice %arg18[%dma_wait3A_2360] : memref<2x!tpu.dma_semaphore, #tpu.memory_space<semaphore_mem>> -> memref<1x!tpu.dma_semaphore, #tpu.memory_space<semaphore_mem>>
      %dma_wait3A_2372 = tpu.memref_squeeze %dma_wait3A_2371 : memref<1x!tpu.dma_semaphore, #tpu.memory_space<semaphore_mem>> -> memref<!tpu.dma_semaphore, #tpu.memory_space<semaphore_mem>>
      tpu.wait_indirect_dma semaphore(%dma_wait3A_2372 : memref<!tpu.dma_semaphore, #tpu.memory_space<semaphore_mem>>) src(%dma_wait3A_2370 : memref<10000x128xf32, #tpu.memory_space<hbm>>) dst(%dma_wait3A_2364 : memref<128x128xf32, #tpu.memory_space<vmem>>)
      %run_scoped3A_2373 = arith.constant 1 : i32
      %run_scoped3A_2374 = arith.constant 1 : i32
      %run_scoped3A_2375 = arith.constant 5 : i32
      "tpu.region"() ({
        %run_scoped3A_2556 = tpu.sem_alloc : memref<!tpu.dma_semaphore, #tpu.memory_space<semaphore_mem>>
        %dma_start3A_2557 = arith.constant 0 : i32
        %dma_start3A_2558 = arith.constant 0 : i32
        %dma_start3A_2559 = tpu.memref_slice %arg10[%run_scoped3A_2373, %dma_start3A_2557, %dma_start3A_2558] : memref<2x128x128xf32, #tpu.memory_space<vmem>> -> memref<1x128x128xf32, #tpu.memory_space<vmem>>
        %dma_start3A_2560 = tpu.memref_squeeze %dma_start3A_2559 : memref<1x128x128xf32, #tpu.memory_space<vmem>> -> memref<128x128xf32, #tpu.memory_space<vmem>>
        %dma_start3A_2561 = arith.constant 0 : i32
        %dma_start3A_2562 = tpu.memref_slice %arg8[%run_scoped3A_2374, %run_scoped3A_2375, %dma_start3A_2561] : memref<2x8x128xi32, #tpu.memory_space<vmem>> -> memref<1x1x128xi32, #tpu.memory_space<vmem>>
        %dma_start3A_2563 = tpu.memref_squeeze %dma_start3A_2562 : memref<1x1x128xi32, #tpu.memory_space<vmem>> -> memref<128xi32, #tpu.memory_space<vmem>>
        %dma_start3A_2564 = arith.constant 0 : i32
        %dma_start3A_2565 = arith.constant 0 : i32
        %dma_start3A_2566 = tpu.memref_slice %arg14[%dma_start3A_2564, %dma_start3A_2565] : memref<10240x128xf32, #tpu.memory_space<vmem_shared>> -> memref<10240x128xf32, #tpu.memory_space<vmem_shared>>
        tpu.enqueue_indirect_dma source(%dma_start3A_2560 : memref<128x128xf32, #tpu.memory_space<vmem>>) target(%dma_start3A_2566 : memref<10240x128xf32, #tpu.memory_space<vmem_shared>>) offsets(%dma_start3A_2563 : memref<128xi32, #tpu.memory_space<vmem>>) semaphore(%run_scoped3A_2556 : memref<!tpu.dma_semaphore, #tpu.memory_space<semaphore_mem>>) {add = true}
        %dma_wait3A_2567 = arith.constant 0 : i32
        %dma_wait3A_2568 = arith.constant 0 : i32
        %dma_wait3A_2569 = tpu.memref_slice %arg10[%run_scoped3A_2373, %dma_wait3A_2567, %dma_wait3A_2568] : memref<2x128x128xf32, #tpu.memory_space<vmem>> -> memref<1x128x128xf32, #tpu.memory_space<vmem>>
        %dma_wait3A_2570 = tpu.memref_squeeze %dma_wait3A_2569 : memref<1x128x128xf32, #tpu.memory_space<vmem>> -> memref<128x128xf32, #tpu.memory_space<vmem>>
        %dma_wait3A_2571 = arith.constant 0 : i32
        %dma_wait3A_2572 = tpu.memref_slice %arg8[%run_scoped3A_2374, %run_scoped3A_2375, %dma_wait3A_2571] : memref<2x8x128xi32, #tpu.memory_space<vmem>> -> memref<1x1x128xi32, #tpu.memory_space<vmem>>
        %dma_wait3A_2573 = tpu.memref_squeeze %dma_wait3A_2572 : memref<1x1x128xi32, #tpu.memory_space<vmem>> -> memref<128xi32, #tpu.memory_space<vmem>>
        %dma_wait3A_2574 = arith.constant 0 : i32
        %dma_wait3A_2575 = arith.constant 0 : i32
        %dma_wait3A_2576 = tpu.memref_slice %arg14[%dma_wait3A_2574, %dma_wait3A_2575] : memref<10240x128xf32, #tpu.memory_space<vmem_shared>> -> memref<10240x128xf32, #tpu.memory_space<vmem_shared>>
        tpu.wait_indirect_dma semaphore(%run_scoped3A_2556 : memref<!tpu.dma_semaphore, #tpu.memory_space<semaphore_mem>>) src(%dma_wait3A_2570 : memref<128x128xf32, #tpu.memory_space<vmem>>) dst(%dma_wait3A_2576 : memref<10240x128xf32, #tpu.memory_space<vmem_shared>>)
        tpu.yield
      }) : () -> ()
      %run_scoped3A_2376 = arith.constant 1 : i32
      %run_scoped3A_2377 = arith.constant 5 : i32
      "tpu.region"() ({
        %run_scoped3A_2556 = tpu.sem_alloc : memref<!tpu.dma_semaphore, #tpu.memory_space<semaphore_mem>>
        %dma_start3A_2557 = arith.constant 0 : i32
        %dma_start3A_2558 = tpu.memref_slice %arg8[%run_scoped3A_2376, %run_scoped3A_2377, %dma_start3A_2557] : memref<2x8x128xi32, #tpu.memory_space<vmem>> -> memref<1x1x128xi32, #tpu.memory_space<vmem>>
        %dma_start3A_2559 = tpu.memref_squeeze %dma_start3A_2558 : memref<1x1x128xi32, #tpu.memory_space<vmem>> -> memref<128xi32, #tpu.memory_space<vmem>>
        %dma_start3A_2560 = arith.constant 0 : i32
        %dma_start3A_2561 = tpu.memref_slice %arg15[%dma_start3A_2560] : memref<10240xf32, #tpu.memory_space<vmem_shared>> -> memref<10240xf32, #tpu.memory_space<vmem_shared>>
        tpu.enqueue_indirect_dma source(%arg11 : memref<128xf32, #tpu.memory_space<vmem>>) target(%dma_start3A_2561 : memref<10240xf32, #tpu.memory_space<vmem_shared>>) offsets(%dma_start3A_2559 : memref<128xi32, #tpu.memory_space<vmem>>) semaphore(%run_scoped3A_2556 : memref<!tpu.dma_semaphore, #tpu.memory_space<semaphore_mem>>) {add = true}
        %dma_wait3A_2562 = arith.constant 0 : i32
        %dma_wait3A_2563 = tpu.memref_slice %arg8[%run_scoped3A_2376, %run_scoped3A_2377, %dma_wait3A_2562] : memref<2x8x128xi32, #tpu.memory_space<vmem>> -> memref<1x1x128xi32, #tpu.memory_space<vmem>>
        %dma_wait3A_2564 = tpu.memref_squeeze %dma_wait3A_2563 : memref<1x1x128xi32, #tpu.memory_space<vmem>> -> memref<128xi32, #tpu.memory_space<vmem>>
        %dma_wait3A_2565 = arith.constant 0 : i32
        %dma_wait3A_2566 = tpu.memref_slice %arg15[%dma_wait3A_2565] : memref<10240xf32, #tpu.memory_space<vmem_shared>> -> memref<10240xf32, #tpu.memory_space<vmem_shared>>
        tpu.wait_indirect_dma semaphore(%run_scoped3A_2556 : memref<!tpu.dma_semaphore, #tpu.memory_space<semaphore_mem>>) src(%arg11 : memref<128xf32, #tpu.memory_space<vmem>>) dst(%dma_wait3A_2566 : memref<10240xf32, #tpu.memory_space<vmem_shared>>)
        tpu.yield
      }) : () -> ()
      %dma_start3A_2378 = arith.constant 1 : i32
      %dma_start3A_2379 = arith.constant 7 : i32
      %dma_start3A_2380 = arith.constant 1 : i32
      %dma_start3A_2381 = arith.constant 1 : i32
      %dma_start3A_2382 = arith.constant 0 : i32
      %dma_start3A_2383 = arith.constant 0 : i32
      %dma_start3A_2384 = tpu.memref_slice %arg10[%dma_start3A_2380, %dma_start3A_2382, %dma_start3A_2383] : memref<2x128x128xf32, #tpu.memory_space<vmem>> -> memref<1x128x128xf32, #tpu.memory_space<vmem>>
      %dma_start3A_2385 = tpu.memref_squeeze %dma_start3A_2384 : memref<1x128x128xf32, #tpu.memory_space<vmem>> -> memref<128x128xf32, #tpu.memory_space<vmem>>
      %dma_start3A_2386 = arith.constant 0 : i32
      %dma_start3A_2387 = tpu.memref_slice %arg9[%dma_start3A_2378, %dma_start3A_2379, %dma_start3A_2386] : memref<2x8x128xi32, #tpu.memory_space<vmem>> -> memref<1x1x128xi32, #tpu.memory_space<vmem>>
      %dma_start3A_2388 = tpu.memref_squeeze %dma_start3A_2387 : memref<1x1x128xi32, #tpu.memory_space<vmem>> -> memref<128xi32, #tpu.memory_space<vmem>>
      %dma_start3A_2389 = arith.constant 0 : i32
      %dma_start3A_2390 = arith.constant 0 : i32
      %dma_start3A_2391 = tpu.memref_slice %arg4[%dma_start3A_2389, %dma_start3A_2390] : memref<10000x128xf32, #tpu.memory_space<hbm>> -> memref<10000x128xf32, #tpu.memory_space<hbm>>
      %dma_start3A_2392 = tpu.memref_slice %arg18[%dma_start3A_2381] : memref<2x!tpu.dma_semaphore, #tpu.memory_space<semaphore_mem>> -> memref<1x!tpu.dma_semaphore, #tpu.memory_space<semaphore_mem>>
      %dma_start3A_2393 = tpu.memref_squeeze %dma_start3A_2392 : memref<1x!tpu.dma_semaphore, #tpu.memory_space<semaphore_mem>> -> memref<!tpu.dma_semaphore, #tpu.memory_space<semaphore_mem>>
      tpu.enqueue_indirect_dma source(%dma_start3A_2391 : memref<10000x128xf32, #tpu.memory_space<hbm>>) target(%dma_start3A_2385 : memref<128x128xf32, #tpu.memory_space<vmem>>) offsets(%dma_start3A_2388 : memref<128xi32, #tpu.memory_space<vmem>>) semaphore(%dma_start3A_2393 : memref<!tpu.dma_semaphore, #tpu.memory_space<semaphore_mem>>)
      %dma_wait3A_2394 = arith.constant 1 : i32
      %dma_wait3A_2395 = arith.constant 6 : i32
      %dma_wait3A_2396 = arith.constant 0 : i32
      %dma_wait3A_2397 = arith.constant 0 : i32
      %dma_wait3A_2398 = arith.constant 0 : i32
      %dma_wait3A_2399 = arith.constant 0 : i32
      %dma_wait3A_2400 = tpu.memref_slice %arg10[%dma_wait3A_2396, %dma_wait3A_2398, %dma_wait3A_2399] : memref<2x128x128xf32, #tpu.memory_space<vmem>> -> memref<1x128x128xf32, #tpu.memory_space<vmem>>
      %dma_wait3A_2401 = tpu.memref_squeeze %dma_wait3A_2400 : memref<1x128x128xf32, #tpu.memory_space<vmem>> -> memref<128x128xf32, #tpu.memory_space<vmem>>
      %dma_wait3A_2402 = arith.constant 0 : i32
      %dma_wait3A_2403 = tpu.memref_slice %arg9[%dma_wait3A_2394, %dma_wait3A_2395, %dma_wait3A_2402] : memref<2x8x128xi32, #tpu.memory_space<vmem>> -> memref<1x1x128xi32, #tpu.memory_space<vmem>>
      %dma_wait3A_2404 = tpu.memref_squeeze %dma_wait3A_2403 : memref<1x1x128xi32, #tpu.memory_space<vmem>> -> memref<128xi32, #tpu.memory_space<vmem>>
      %dma_wait3A_2405 = arith.constant 0 : i32
      %dma_wait3A_2406 = arith.constant 0 : i32
      %dma_wait3A_2407 = tpu.memref_slice %arg4[%dma_wait3A_2405, %dma_wait3A_2406] : memref<10000x128xf32, #tpu.memory_space<hbm>> -> memref<10000x128xf32, #tpu.memory_space<hbm>>
      %dma_wait3A_2408 = tpu.memref_slice %arg18[%dma_wait3A_2397] : memref<2x!tpu.dma_semaphore, #tpu.memory_space<semaphore_mem>> -> memref<1x!tpu.dma_semaphore, #tpu.memory_space<semaphore_mem>>
      %dma_wait3A_2409 = tpu.memref_squeeze %dma_wait3A_2408 : memref<1x!tpu.dma_semaphore, #tpu.memory_space<semaphore_mem>> -> memref<!tpu.dma_semaphore, #tpu.memory_space<semaphore_mem>>
      tpu.wait_indirect_dma semaphore(%dma_wait3A_2409 : memref<!tpu.dma_semaphore, #tpu.memory_space<semaphore_mem>>) src(%dma_wait3A_2407 : memref<10000x128xf32, #tpu.memory_space<hbm>>) dst(%dma_wait3A_2401 : memref<128x128xf32, #tpu.memory_space<vmem>>)
      %run_scoped3A_2410 = arith.constant 0 : i32
      %run_scoped3A_2411 = arith.constant 1 : i32
      %run_scoped3A_2412 = arith.constant 6 : i32
      "tpu.region"() ({
        %run_scoped3A_2556 = tpu.sem_alloc : memref<!tpu.dma_semaphore, #tpu.memory_space<semaphore_mem>>
        %dma_start3A_2557 = arith.constant 0 : i32
        %dma_start3A_2558 = arith.constant 0 : i32
        %dma_start3A_2559 = tpu.memref_slice %arg10[%run_scoped3A_2410, %dma_start3A_2557, %dma_start3A_2558] : memref<2x128x128xf32, #tpu.memory_space<vmem>> -> memref<1x128x128xf32, #tpu.memory_space<vmem>>
        %dma_start3A_2560 = tpu.memref_squeeze %dma_start3A_2559 : memref<1x128x128xf32, #tpu.memory_space<vmem>> -> memref<128x128xf32, #tpu.memory_space<vmem>>
        %dma_start3A_2561 = arith.constant 0 : i32
        %dma_start3A_2562 = tpu.memref_slice %arg8[%run_scoped3A_2411, %run_scoped3A_2412, %dma_start3A_2561] : memref<2x8x128xi32, #tpu.memory_space<vmem>> -> memref<1x1x128xi32, #tpu.memory_space<vmem>>
        %dma_start3A_2563 = tpu.memref_squeeze %dma_start3A_2562 : memref<1x1x128xi32, #tpu.memory_space<vmem>> -> memref<128xi32, #tpu.memory_space<vmem>>
        %dma_start3A_2564 = arith.constant 0 : i32
        %dma_start3A_2565 = arith.constant 0 : i32
        %dma_start3A_2566 = tpu.memref_slice %arg14[%dma_start3A_2564, %dma_start3A_2565] : memref<10240x128xf32, #tpu.memory_space<vmem_shared>> -> memref<10240x128xf32, #tpu.memory_space<vmem_shared>>
        tpu.enqueue_indirect_dma source(%dma_start3A_2560 : memref<128x128xf32, #tpu.memory_space<vmem>>) target(%dma_start3A_2566 : memref<10240x128xf32, #tpu.memory_space<vmem_shared>>) offsets(%dma_start3A_2563 : memref<128xi32, #tpu.memory_space<vmem>>) semaphore(%run_scoped3A_2556 : memref<!tpu.dma_semaphore, #tpu.memory_space<semaphore_mem>>) {add = true}
        %dma_wait3A_2567 = arith.constant 0 : i32
        %dma_wait3A_2568 = arith.constant 0 : i32
        %dma_wait3A_2569 = tpu.memref_slice %arg10[%run_scoped3A_2410, %dma_wait3A_2567, %dma_wait3A_2568] : memref<2x128x128xf32, #tpu.memory_space<vmem>> -> memref<1x128x128xf32, #tpu.memory_space<vmem>>
        %dma_wait3A_2570 = tpu.memref_squeeze %dma_wait3A_2569 : memref<1x128x128xf32, #tpu.memory_space<vmem>> -> memref<128x128xf32, #tpu.memory_space<vmem>>
        %dma_wait3A_2571 = arith.constant 0 : i32
        %dma_wait3A_2572 = tpu.memref_slice %arg8[%run_scoped3A_2411, %run_scoped3A_2412, %dma_wait3A_2571] : memref<2x8x128xi32, #tpu.memory_space<vmem>> -> memref<1x1x128xi32, #tpu.memory_space<vmem>>
        %dma_wait3A_2573 = tpu.memref_squeeze %dma_wait3A_2572 : memref<1x1x128xi32, #tpu.memory_space<vmem>> -> memref<128xi32, #tpu.memory_space<vmem>>
        %dma_wait3A_2574 = arith.constant 0 : i32
        %dma_wait3A_2575 = arith.constant 0 : i32
        %dma_wait3A_2576 = tpu.memref_slice %arg14[%dma_wait3A_2574, %dma_wait3A_2575] : memref<10240x128xf32, #tpu.memory_space<vmem_shared>> -> memref<10240x128xf32, #tpu.memory_space<vmem_shared>>
        tpu.wait_indirect_dma semaphore(%run_scoped3A_2556 : memref<!tpu.dma_semaphore, #tpu.memory_space<semaphore_mem>>) src(%dma_wait3A_2570 : memref<128x128xf32, #tpu.memory_space<vmem>>) dst(%dma_wait3A_2576 : memref<10240x128xf32, #tpu.memory_space<vmem_shared>>)
        tpu.yield
      }) : () -> ()
      %run_scoped3A_2413 = arith.constant 1 : i32
      %run_scoped3A_2414 = arith.constant 6 : i32
      "tpu.region"() ({
        %run_scoped3A_2556 = tpu.sem_alloc : memref<!tpu.dma_semaphore, #tpu.memory_space<semaphore_mem>>
        %dma_start3A_2557 = arith.constant 0 : i32
        %dma_start3A_2558 = tpu.memref_slice %arg8[%run_scoped3A_2413, %run_scoped3A_2414, %dma_start3A_2557] : memref<2x8x128xi32, #tpu.memory_space<vmem>> -> memref<1x1x128xi32, #tpu.memory_space<vmem>>
        %dma_start3A_2559 = tpu.memref_squeeze %dma_start3A_2558 : memref<1x1x128xi32, #tpu.memory_space<vmem>> -> memref<128xi32, #tpu.memory_space<vmem>>
        %dma_start3A_2560 = arith.constant 0 : i32
        %dma_start3A_2561 = tpu.memref_slice %arg15[%dma_start3A_2560] : memref<10240xf32, #tpu.memory_space<vmem_shared>> -> memref<10240xf32, #tpu.memory_space<vmem_shared>>
        tpu.enqueue_indirect_dma source(%arg11 : memref<128xf32, #tpu.memory_space<vmem>>) target(%dma_start3A_2561 : memref<10240xf32, #tpu.memory_space<vmem_shared>>) offsets(%dma_start3A_2559 : memref<128xi32, #tpu.memory_space<vmem>>) semaphore(%run_scoped3A_2556 : memref<!tpu.dma_semaphore, #tpu.memory_space<semaphore_mem>>) {add = true}
        %dma_wait3A_2562 = arith.constant 0 : i32
        %dma_wait3A_2563 = tpu.memref_slice %arg8[%run_scoped3A_2413, %run_scoped3A_2414, %dma_wait3A_2562] : memref<2x8x128xi32, #tpu.memory_space<vmem>> -> memref<1x1x128xi32, #tpu.memory_space<vmem>>
        %dma_wait3A_2564 = tpu.memref_squeeze %dma_wait3A_2563 : memref<1x1x128xi32, #tpu.memory_space<vmem>> -> memref<128xi32, #tpu.memory_space<vmem>>
        %dma_wait3A_2565 = arith.constant 0 : i32
        %dma_wait3A_2566 = tpu.memref_slice %arg15[%dma_wait3A_2565] : memref<10240xf32, #tpu.memory_space<vmem_shared>> -> memref<10240xf32, #tpu.memory_space<vmem_shared>>
        tpu.wait_indirect_dma semaphore(%run_scoped3A_2556 : memref<!tpu.dma_semaphore, #tpu.memory_space<semaphore_mem>>) src(%arg11 : memref<128xf32, #tpu.memory_space<vmem>>) dst(%dma_wait3A_2566 : memref<10240xf32, #tpu.memory_space<vmem_shared>>)
        tpu.yield
      }) : () -> ()
      %dma_wait3A_2415 = arith.constant 1 : i32
      %dma_wait3A_2416 = arith.constant 7 : i32
      %dma_wait3A_2417 = arith.constant 1 : i32
      %dma_wait3A_2418 = arith.constant 1 : i32
      %dma_wait3A_2419 = arith.constant 0 : i32
      %dma_wait3A_2420 = arith.constant 0 : i32
      %dma_wait3A_2421 = tpu.memref_slice %arg10[%dma_wait3A_2417, %dma_wait3A_2419, %dma_wait3A_2420] : memref<2x128x128xf32, #tpu.memory_space<vmem>> -> memref<1x128x128xf32, #tpu.memory_space<vmem>>
      %dma_wait3A_2422 = tpu.memref_squeeze %dma_wait3A_2421 : memref<1x128x128xf32, #tpu.memory_space<vmem>> -> memref<128x128xf32, #tpu.memory_space<vmem>>
      %dma_wait3A_2423 = arith.constant 0 : i32
      %dma_wait3A_2424 = tpu.memref_slice %arg9[%dma_wait3A_2415, %dma_wait3A_2416, %dma_wait3A_2423] : memref<2x8x128xi32, #tpu.memory_space<vmem>> -> memref<1x1x128xi32, #tpu.memory_space<vmem>>
      %dma_wait3A_2425 = tpu.memref_squeeze %dma_wait3A_2424 : memref<1x1x128xi32, #tpu.memory_space<vmem>> -> memref<128xi32, #tpu.memory_space<vmem>>
      %dma_wait3A_2426 = arith.constant 0 : i32
      %dma_wait3A_2427 = arith.constant 0 : i32
      %dma_wait3A_2428 = tpu.memref_slice %arg4[%dma_wait3A_2426, %dma_wait3A_2427] : memref<10000x128xf32, #tpu.memory_space<hbm>> -> memref<10000x128xf32, #tpu.memory_space<hbm>>
      %dma_wait3A_2429 = tpu.memref_slice %arg18[%dma_wait3A_2418] : memref<2x!tpu.dma_semaphore, #tpu.memory_space<semaphore_mem>> -> memref<1x!tpu.dma_semaphore, #tpu.memory_space<semaphore_mem>>
      %dma_wait3A_2430 = tpu.memref_squeeze %dma_wait3A_2429 : memref<1x!tpu.dma_semaphore, #tpu.memory_space<semaphore_mem>> -> memref<!tpu.dma_semaphore, #tpu.memory_space<semaphore_mem>>
      tpu.wait_indirect_dma semaphore(%dma_wait3A_2430 : memref<!tpu.dma_semaphore, #tpu.memory_space<semaphore_mem>>) src(%dma_wait3A_2428 : memref<10000x128xf32, #tpu.memory_space<hbm>>) dst(%dma_wait3A_2422 : memref<128x128xf32, #tpu.memory_space<vmem>>)
      %run_scoped3A_2431 = arith.constant 1 : i32
      %run_scoped3A_2432 = arith.constant 1 : i32
      %run_scoped3A_2433 = arith.constant 7 : i32
      "tpu.region"() ({
        %run_scoped3A_2556 = tpu.sem_alloc : memref<!tpu.dma_semaphore, #tpu.memory_space<semaphore_mem>>
        %dma_start3A_2557 = arith.constant 0 : i32
        %dma_start3A_2558 = arith.constant 0 : i32
        %dma_start3A_2559 = tpu.memref_slice %arg10[%run_scoped3A_2431, %dma_start3A_2557, %dma_start3A_2558] : memref<2x128x128xf32, #tpu.memory_space<vmem>> -> memref<1x128x128xf32, #tpu.memory_space<vmem>>
        %dma_start3A_2560 = tpu.memref_squeeze %dma_start3A_2559 : memref<1x128x128xf32, #tpu.memory_space<vmem>> -> memref<128x128xf32, #tpu.memory_space<vmem>>
        %dma_start3A_2561 = arith.constant 0 : i32
        %dma_start3A_2562 = tpu.memref_slice %arg8[%run_scoped3A_2432, %run_scoped3A_2433, %dma_start3A_2561] : memref<2x8x128xi32, #tpu.memory_space<vmem>> -> memref<1x1x128xi32, #tpu.memory_space<vmem>>
        %dma_start3A_2563 = tpu.memref_squeeze %dma_start3A_2562 : memref<1x1x128xi32, #tpu.memory_space<vmem>> -> memref<128xi32, #tpu.memory_space<vmem>>
        %dma_start3A_2564 = arith.constant 0 : i32
        %dma_start3A_2565 = arith.constant 0 : i32
        %dma_start3A_2566 = tpu.memref_slice %arg14[%dma_start3A_2564, %dma_start3A_2565] : memref<10240x128xf32, #tpu.memory_space<vmem_shared>> -> memref<10240x128xf32, #tpu.memory_space<vmem_shared>>
        tpu.enqueue_indirect_dma source(%dma_start3A_2560 : memref<128x128xf32, #tpu.memory_space<vmem>>) target(%dma_start3A_2566 : memref<10240x128xf32, #tpu.memory_space<vmem_shared>>) offsets(%dma_start3A_2563 : memref<128xi32, #tpu.memory_space<vmem>>) semaphore(%run_scoped3A_2556 : memref<!tpu.dma_semaphore, #tpu.memory_space<semaphore_mem>>) {add = true}
        %dma_wait3A_2567 = arith.constant 0 : i32
        %dma_wait3A_2568 = arith.constant 0 : i32
        %dma_wait3A_2569 = tpu.memref_slice %arg10[%run_scoped3A_2431, %dma_wait3A_2567, %dma_wait3A_2568] : memref<2x128x128xf32, #tpu.memory_space<vmem>> -> memref<1x128x128xf32, #tpu.memory_space<vmem>>
        %dma_wait3A_2570 = tpu.memref_squeeze %dma_wait3A_2569 : memref<1x128x128xf32, #tpu.memory_space<vmem>> -> memref<128x128xf32, #tpu.memory_space<vmem>>
        %dma_wait3A_2571 = arith.constant 0 : i32
        %dma_wait3A_2572 = tpu.memref_slice %arg8[%run_scoped3A_2432, %run_scoped3A_2433, %dma_wait3A_2571] : memref<2x8x128xi32, #tpu.memory_space<vmem>> -> memref<1x1x128xi32, #tpu.memory_space<vmem>>
        %dma_wait3A_2573 = tpu.memref_squeeze %dma_wait3A_2572 : memref<1x1x128xi32, #tpu.memory_space<vmem>> -> memref<128xi32, #tpu.memory_space<vmem>>
        %dma_wait3A_2574 = arith.constant 0 : i32
        %dma_wait3A_2575 = arith.constant 0 : i32
        %dma_wait3A_2576 = tpu.memref_slice %arg14[%dma_wait3A_2574, %dma_wait3A_2575] : memref<10240x128xf32, #tpu.memory_space<vmem_shared>> -> memref<10240x128xf32, #tpu.memory_space<vmem_shared>>
        tpu.wait_indirect_dma semaphore(%run_scoped3A_2556 : memref<!tpu.dma_semaphore, #tpu.memory_space<semaphore_mem>>) src(%dma_wait3A_2570 : memref<128x128xf32, #tpu.memory_space<vmem>>) dst(%dma_wait3A_2576 : memref<10240x128xf32, #tpu.memory_space<vmem_shared>>)
        tpu.yield
      }) : () -> ()
      %run_scoped3A_2434 = arith.constant 1 : i32
      %run_scoped3A_2435 = arith.constant 7 : i32
      "tpu.region"() ({
        %run_scoped3A_2556 = tpu.sem_alloc : memref<!tpu.dma_semaphore, #tpu.memory_space<semaphore_mem>>
        %dma_start3A_2557 = arith.constant 0 : i32
        %dma_start3A_2558 = tpu.memref_slice %arg8[%run_scoped3A_2434, %run_scoped3A_2435, %dma_start3A_2557] : memref<2x8x128xi32, #tpu.memory_space<vmem>> -> memref<1x1x128xi32, #tpu.memory_space<vmem>>
        %dma_start3A_2559 = tpu.memref_squeeze %dma_start3A_2558 : memref<1x1x128xi32, #tpu.memory_space<vmem>> -> memref<128xi32, #tpu.memory_space<vmem>>
        %dma_start3A_2560 = arith.constant 0 : i32
        %dma_start3A_2561 = tpu.memref_slice %arg15[%dma_start3A_2560] : memref<10240xf32, #tpu.memory_space<vmem_shared>> -> memref<10240xf32, #tpu.memory_space<vmem_shared>>
        tpu.enqueue_indirect_dma source(%arg11 : memref<128xf32, #tpu.memory_space<vmem>>) target(%dma_start3A_2561 : memref<10240xf32, #tpu.memory_space<vmem_shared>>) offsets(%dma_start3A_2559 : memref<128xi32, #tpu.memory_space<vmem>>) semaphore(%run_scoped3A_2556 : memref<!tpu.dma_semaphore, #tpu.memory_space<semaphore_mem>>) {add = true}
        %dma_wait3A_2562 = arith.constant 0 : i32
        %dma_wait3A_2563 = tpu.memref_slice %arg8[%run_scoped3A_2434, %run_scoped3A_2435, %dma_wait3A_2562] : memref<2x8x128xi32, #tpu.memory_space<vmem>> -> memref<1x1x128xi32, #tpu.memory_space<vmem>>
        %dma_wait3A_2564 = tpu.memref_squeeze %dma_wait3A_2563 : memref<1x1x128xi32, #tpu.memory_space<vmem>> -> memref<128xi32, #tpu.memory_space<vmem>>
        %dma_wait3A_2565 = arith.constant 0 : i32
        %dma_wait3A_2566 = tpu.memref_slice %arg15[%dma_wait3A_2565] : memref<10240xf32, #tpu.memory_space<vmem_shared>> -> memref<10240xf32, #tpu.memory_space<vmem_shared>>
        tpu.wait_indirect_dma semaphore(%run_scoped3A_2556 : memref<!tpu.dma_semaphore, #tpu.memory_space<semaphore_mem>>) src(%arg11 : memref<128xf32, #tpu.memory_space<vmem>>) dst(%dma_wait3A_2566 : memref<10240xf32, #tpu.memory_space<vmem_shared>>)
        tpu.yield
      }) : () -> ()
      %dma_wait3A_2436 = arith.constant 0 : i32
      %dma_wait3A_2437 = arith.constant 0 : i32
      %dma_wait3A_2438 = arith.constant 0 : i32
      %dma_wait3A_2439 = arith.constant 0 : i32
      %dma_wait3A_2440 = arith.constant 0 : i32
      %dma_wait3A_2441 = arith.constant 0 : i32
      %dma_wait3A_2442 = tpu.memref_slice %arg9[%dma_wait3A_2438, %dma_wait3A_2439, %dma_wait3A_2441] : memref<2x8x128xi32, #tpu.memory_space<vmem>> -> memref<1x1x128xi32, #tpu.memory_space<vmem>>
      %dma_wait3A_2443 = tpu.memref_squeeze %dma_wait3A_2442 : memref<1x1x128xi32, #tpu.memory_space<vmem>> -> memref<128xi32, #tpu.memory_space<vmem>>
      %dma_wait3A_2444 = arith.constant 0 : i32
      %dma_wait3A_2445 = tpu.memref_slice %arg7[%dma_wait3A_2436, %dma_wait3A_2437, %dma_wait3A_2444] : memref<2x8x128xi32, #tpu.memory_space<vmem>> -> memref<1x1x128xi32, #tpu.memory_space<vmem>>
      %dma_wait3A_2446 = tpu.memref_squeeze %dma_wait3A_2445 : memref<1x1x128xi32, #tpu.memory_space<vmem>> -> memref<128xi32, #tpu.memory_space<vmem>>
      %dma_wait3A_2447 = arith.constant 0 : i32
      %dma_wait3A_2448 = tpu.memref_slice %arg3[%dma_wait3A_2447] : memref<10000xi32, #tpu.memory_space<hbm>> -> memref<10000xi32, #tpu.memory_space<hbm>>
      %dma_wait3A_2449 = tpu.memref_slice %arg17[%dma_wait3A_2440] : memref<2x!tpu.dma_semaphore, #tpu.memory_space<semaphore_mem>> -> memref<1x!tpu.dma_semaphore, #tpu.memory_space<semaphore_mem>>
      %dma_wait3A_2450 = tpu.memref_squeeze %dma_wait3A_2449 : memref<1x!tpu.dma_semaphore, #tpu.memory_space<semaphore_mem>> -> memref<!tpu.dma_semaphore, #tpu.memory_space<semaphore_mem>>
      tpu.wait_indirect_dma semaphore(%dma_wait3A_2450 : memref<!tpu.dma_semaphore, #tpu.memory_space<semaphore_mem>>) src(%dma_wait3A_2448 : memref<10000xi32, #tpu.memory_space<hbm>>) dst(%dma_wait3A_2443 : memref<128xi32, #tpu.memory_space<vmem>>)
      %dma_wait3A_2451 = arith.constant 0 : i32
      %dma_wait3A_2452 = arith.constant 1 : i32
      %dma_wait3A_2453 = arith.constant 0 : i32
      %dma_wait3A_2454 = arith.constant 1 : i32
      %dma_wait3A_2455 = arith.constant 0 : i32
      %dma_wait3A_2456 = arith.constant 0 : i32
      %dma_wait3A_2457 = tpu.memref_slice %arg9[%dma_wait3A_2453, %dma_wait3A_2454, %dma_wait3A_2456] : memref<2x8x128xi32, #tpu.memory_space<vmem>> -> memref<1x1x128xi32, #tpu.memory_space<vmem>>
      %dma_wait3A_2458 = tpu.memref_squeeze %dma_wait3A_2457 : memref<1x1x128xi32, #tpu.memory_space<vmem>> -> memref<128xi32, #tpu.memory_space<vmem>>
      %dma_wait3A_2459 = arith.constant 0 : i32
      %dma_wait3A_2460 = tpu.memref_slice %arg7[%dma_wait3A_2451, %dma_wait3A_2452, %dma_wait3A_2459] : memref<2x8x128xi32, #tpu.memory_space<vmem>> -> memref<1x1x128xi32, #tpu.memory_space<vmem>>
      %dma_wait3A_2461 = tpu.memref_squeeze %dma_wait3A_2460 : memref<1x1x128xi32, #tpu.memory_space<vmem>> -> memref<128xi32, #tpu.memory_space<vmem>>
      %dma_wait3A_2462 = arith.constant 0 : i32
      %dma_wait3A_2463 = tpu.memref_slice %arg3[%dma_wait3A_2462] : memref<10000xi32, #tpu.memory_space<hbm>> -> memref<10000xi32, #tpu.memory_space<hbm>>
      %dma_wait3A_2464 = tpu.memref_slice %arg17[%dma_wait3A_2455] : memref<2x!tpu.dma_semaphore, #tpu.memory_space<semaphore_mem>> -> memref<1x!tpu.dma_semaphore, #tpu.memory_space<semaphore_mem>>
      %dma_wait3A_2465 = tpu.memref_squeeze %dma_wait3A_2464 : memref<1x!tpu.dma_semaphore, #tpu.memory_space<semaphore_mem>> -> memref<!tpu.dma_semaphore, #tpu.memory_space<semaphore_mem>>
      tpu.wait_indirect_dma semaphore(%dma_wait3A_2465 : memref<!tpu.dma_semaphore, #tpu.memory_space<semaphore_mem>>) src(%dma_wait3A_2463 : memref<10000xi32, #tpu.memory_space<hbm>>) dst(%dma_wait3A_2458 : memref<128xi32, #tpu.memory_space<vmem>>)
      %dma_wait3A_2466 = arith.constant 0 : i32
      %dma_wait3A_2467 = arith.constant 2 : i32
      %dma_wait3A_2468 = arith.constant 0 : i32
      %dma_wait3A_2469 = arith.constant 2 : i32
      %dma_wait3A_2470 = arith.constant 0 : i32
      %dma_wait3A_2471 = arith.constant 0 : i32
      %dma_wait3A_2472 = tpu.memref_slice %arg9[%dma_wait3A_2468, %dma_wait3A_2469, %dma_wait3A_2471] : memref<2x8x128xi32, #tpu.memory_space<vmem>> -> memref<1x1x128xi32, #tpu.memory_space<vmem>>
      %dma_wait3A_2473 = tpu.memref_squeeze %dma_wait3A_2472 : memref<1x1x128xi32, #tpu.memory_space<vmem>> -> memref<128xi32, #tpu.memory_space<vmem>>
      %dma_wait3A_2474 = arith.constant 0 : i32
      %dma_wait3A_2475 = tpu.memref_slice %arg7[%dma_wait3A_2466, %dma_wait3A_2467, %dma_wait3A_2474] : memref<2x8x128xi32, #tpu.memory_space<vmem>> -> memref<1x1x128xi32, #tpu.memory_space<vmem>>
      %dma_wait3A_2476 = tpu.memref_squeeze %dma_wait3A_2475 : memref<1x1x128xi32, #tpu.memory_space<vmem>> -> memref<128xi32, #tpu.memory_space<vmem>>
      %dma_wait3A_2477 = arith.constant 0 : i32
      %dma_wait3A_2478 = tpu.memref_slice %arg3[%dma_wait3A_2477] : memref<10000xi32, #tpu.memory_space<hbm>> -> memref<10000xi32, #tpu.memory_space<hbm>>
      %dma_wait3A_2479 = tpu.memref_slice %arg17[%dma_wait3A_2470] : memref<2x!tpu.dma_semaphore, #tpu.memory_space<semaphore_mem>> -> memref<1x!tpu.dma_semaphore, #tpu.memory_space<semaphore_mem>>
      %dma_wait3A_2480 = tpu.memref_squeeze %dma_wait3A_2479 : memref<1x!tpu.dma_semaphore, #tpu.memory_space<semaphore_mem>> -> memref<!tpu.dma_semaphore, #tpu.memory_space<semaphore_mem>>
      tpu.wait_indirect_dma semaphore(%dma_wait3A_2480 : memref<!tpu.dma_semaphore, #tpu.memory_space<semaphore_mem>>) src(%dma_wait3A_2478 : memref<10000xi32, #tpu.memory_space<hbm>>) dst(%dma_wait3A_2473 : memref<128xi32, #tpu.memory_space<vmem>>)
      %dma_wait3A_2481 = arith.constant 0 : i32
      %dma_wait3A_2482 = arith.constant 3 : i32
      %dma_wait3A_2483 = arith.constant 0 : i32
      %dma_wait3A_2484 = arith.constant 3 : i32
      %dma_wait3A_2485 = arith.constant 0 : i32
      %dma_wait3A_2486 = arith.constant 0 : i32
      %dma_wait3A_2487 = tpu.memref_slice %arg9[%dma_wait3A_2483, %dma_wait3A_2484, %dma_wait3A_2486] : memref<2x8x128xi32, #tpu.memory_space<vmem>> -> memref<1x1x128xi32, #tpu.memory_space<vmem>>
      %dma_wait3A_2488 = tpu.memref_squeeze %dma_wait3A_2487 : memref<1x1x128xi32, #tpu.memory_space<vmem>> -> memref<128xi32, #tpu.memory_space<vmem>>
      %dma_wait3A_2489 = arith.constant 0 : i32
      %dma_wait3A_2490 = tpu.memref_slice %arg7[%dma_wait3A_2481, %dma_wait3A_2482, %dma_wait3A_2489] : memref<2x8x128xi32, #tpu.memory_space<vmem>> -> memref<1x1x128xi32, #tpu.memory_space<vmem>>
      %dma_wait3A_2491 = tpu.memref_squeeze %dma_wait3A_2490 : memref<1x1x128xi32, #tpu.memory_space<vmem>> -> memref<128xi32, #tpu.memory_space<vmem>>
      %dma_wait3A_2492 = arith.constant 0 : i32
      %dma_wait3A_2493 = tpu.memref_slice %arg3[%dma_wait3A_2492] : memref<10000xi32, #tpu.memory_space<hbm>> -> memref<10000xi32, #tpu.memory_space<hbm>>
      %dma_wait3A_2494 = tpu.memref_slice %arg17[%dma_wait3A_2485] : memref<2x!tpu.dma_semaphore, #tpu.memory_space<semaphore_mem>> -> memref<1x!tpu.dma_semaphore, #tpu.memory_space<semaphore_mem>>
      %dma_wait3A_2495 = tpu.memref_squeeze %dma_wait3A_2494 : memref<1x!tpu.dma_semaphore, #tpu.memory_space<semaphore_mem>> -> memref<!tpu.dma_semaphore, #tpu.memory_space<semaphore_mem>>
      tpu.wait_indirect_dma semaphore(%dma_wait3A_2495 : memref<!tpu.dma_semaphore, #tpu.memory_space<semaphore_mem>>) src(%dma_wait3A_2493 : memref<10000xi32, #tpu.memory_space<hbm>>) dst(%dma_wait3A_2488 : memref<128xi32, #tpu.memory_space<vmem>>)
      %dma_wait3A_2496 = arith.constant 0 : i32
      %dma_wait3A_2497 = arith.constant 4 : i32
      %dma_wait3A_2498 = arith.constant 0 : i32
      %dma_wait3A_2499 = arith.constant 4 : i32
      %dma_wait3A_2500 = arith.constant 0 : i32
      %dma_wait3A_2501 = arith.constant 0 : i32
      %dma_wait3A_2502 = tpu.memref_slice %arg9[%dma_wait3A_2498, %dma_wait3A_2499, %dma_wait3A_2501] : memref<2x8x128xi32, #tpu.memory_space<vmem>> -> memref<1x1x128xi32, #tpu.memory_space<vmem>>
      %dma_wait3A_2503 = tpu.memref_squeeze %dma_wait3A_2502 : memref<1x1x128xi32, #tpu.memory_space<vmem>> -> memref<128xi32, #tpu.memory_space<vmem>>
      %dma_wait3A_2504 = arith.constant 0 : i32
      %dma_wait3A_2505 = tpu.memref_slice %arg7[%dma_wait3A_2496, %dma_wait3A_2497, %dma_wait3A_2504] : memref<2x8x128xi32, #tpu.memory_space<vmem>> -> memref<1x1x128xi32, #tpu.memory_space<vmem>>
      %dma_wait3A_2506 = tpu.memref_squeeze %dma_wait3A_2505 : memref<1x1x128xi32, #tpu.memory_space<vmem>> -> memref<128xi32, #tpu.memory_space<vmem>>
      %dma_wait3A_2507 = arith.constant 0 : i32
      %dma_wait3A_2508 = tpu.memref_slice %arg3[%dma_wait3A_2507] : memref<10000xi32, #tpu.memory_space<hbm>> -> memref<10000xi32, #tpu.memory_space<hbm>>
      %dma_wait3A_2509 = tpu.memref_slice %arg17[%dma_wait3A_2500] : memref<2x!tpu.dma_semaphore, #tpu.memory_space<semaphore_mem>> -> memref<1x!tpu.dma_semaphore, #tpu.memory_space<semaphore_mem>>
      %dma_wait3A_2510 = tpu.memref_squeeze %dma_wait3A_2509 : memref<1x!tpu.dma_semaphore, #tpu.memory_space<semaphore_mem>> -> memref<!tpu.dma_semaphore, #tpu.memory_space<semaphore_mem>>
      tpu.wait_indirect_dma semaphore(%dma_wait3A_2510 : memref<!tpu.dma_semaphore, #tpu.memory_space<semaphore_mem>>) src(%dma_wait3A_2508 : memref<10000xi32, #tpu.memory_space<hbm>>) dst(%dma_wait3A_2503 : memref<128xi32, #tpu.memory_space<vmem>>)
      %dma_wait3A_2511 = arith.constant 0 : i32
      %dma_wait3A_2512 = arith.constant 5 : i32
      %dma_wait3A_2513 = arith.constant 0 : i32
      %dma_wait3A_2514 = arith.constant 5 : i32
      %dma_wait3A_2515 = arith.constant 0 : i32
      %dma_wait3A_2516 = arith.constant 0 : i32
      %dma_wait3A_2517 = tpu.memref_slice %arg9[%dma_wait3A_2513, %dma_wait3A_2514, %dma_wait3A_2516] : memref<2x8x128xi32, #tpu.memory_space<vmem>> -> memref<1x1x128xi32, #tpu.memory_space<vmem>>
      %dma_wait3A_2518 = tpu.memref_squeeze %dma_wait3A_2517 : memref<1x1x128xi32, #tpu.memory_space<vmem>> -> memref<128xi32, #tpu.memory_space<vmem>>
      %dma_wait3A_2519 = arith.constant 0 : i32
      %dma_wait3A_2520 = tpu.memref_slice %arg7[%dma_wait3A_2511, %dma_wait3A_2512, %dma_wait3A_2519] : memref<2x8x128xi32, #tpu.memory_space<vmem>> -> memref<1x1x128xi32, #tpu.memory_space<vmem>>
      %dma_wait3A_2521 = tpu.memref_squeeze %dma_wait3A_2520 : memref<1x1x128xi32, #tpu.memory_space<vmem>> -> memref<128xi32, #tpu.memory_space<vmem>>
      %dma_wait3A_2522 = arith.constant 0 : i32
      %dma_wait3A_2523 = tpu.memref_slice %arg3[%dma_wait3A_2522] : memref<10000xi32, #tpu.memory_space<hbm>> -> memref<10000xi32, #tpu.memory_space<hbm>>
      %dma_wait3A_2524 = tpu.memref_slice %arg17[%dma_wait3A_2515] : memref<2x!tpu.dma_semaphore, #tpu.memory_space<semaphore_mem>> -> memref<1x!tpu.dma_semaphore, #tpu.memory_space<semaphore_mem>>
      %dma_wait3A_2525 = tpu.memref_squeeze %dma_wait3A_2524 : memref<1x!tpu.dma_semaphore, #tpu.memory_space<semaphore_mem>> -> memref<!tpu.dma_semaphore, #tpu.memory_space<semaphore_mem>>
      tpu.wait_indirect_dma semaphore(%dma_wait3A_2525 : memref<!tpu.dma_semaphore, #tpu.memory_space<semaphore_mem>>) src(%dma_wait3A_2523 : memref<10000xi32, #tpu.memory_space<hbm>>) dst(%dma_wait3A_2518 : memref<128xi32, #tpu.memory_space<vmem>>)
      %dma_wait3A_2526 = arith.constant 0 : i32
      %dma_wait3A_2527 = arith.constant 6 : i32
      %dma_wait3A_2528 = arith.constant 0 : i32
      %dma_wait3A_2529 = arith.constant 6 : i32
      %dma_wait3A_2530 = arith.constant 0 : i32
      %dma_wait3A_2531 = arith.constant 0 : i32
      %dma_wait3A_2532 = tpu.memref_slice %arg9[%dma_wait3A_2528, %dma_wait3A_2529, %dma_wait3A_2531] : memref<2x8x128xi32, #tpu.memory_space<vmem>> -> memref<1x1x128xi32, #tpu.memory_space<vmem>>
      %dma_wait3A_2533 = tpu.memref_squeeze %dma_wait3A_2532 : memref<1x1x128xi32, #tpu.memory_space<vmem>> -> memref<128xi32, #tpu.memory_space<vmem>>
      %dma_wait3A_2534 = arith.constant 0 : i32
      %dma_wait3A_2535 = tpu.memref_slice %arg7[%dma_wait3A_2526, %dma_wait3A_2527, %dma_wait3A_2534] : memref<2x8x128xi32, #tpu.memory_space<vmem>> -> memref<1x1x128xi32, #tpu.memory_space<vmem>>
      %dma_wait3A_2536 = tpu.memref_squeeze %dma_wait3A_2535 : memref<1x1x128xi32, #tpu.memory_space<vmem>> -> memref<128xi32, #tpu.memory_space<vmem>>
      %dma_wait3A_2537 = arith.constant 0 : i32
      %dma_wait3A_2538 = tpu.memref_slice %arg3[%dma_wait3A_2537] : memref<10000xi32, #tpu.memory_space<hbm>> -> memref<10000xi32, #tpu.memory_space<hbm>>
      %dma_wait3A_2539 = tpu.memref_slice %arg17[%dma_wait3A_2530] : memref<2x!tpu.dma_semaphore, #tpu.memory_space<semaphore_mem>> -> memref<1x!tpu.dma_semaphore, #tpu.memory_space<semaphore_mem>>
      %dma_wait3A_2540 = tpu.memref_squeeze %dma_wait3A_2539 : memref<1x!tpu.dma_semaphore, #tpu.memory_space<semaphore_mem>> -> memref<!tpu.dma_semaphore, #tpu.memory_space<semaphore_mem>>
      tpu.wait_indirect_dma semaphore(%dma_wait3A_2540 : memref<!tpu.dma_semaphore, #tpu.memory_space<semaphore_mem>>) src(%dma_wait3A_2538 : memref<10000xi32, #tpu.memory_space<hbm>>) dst(%dma_wait3A_2533 : memref<128xi32, #tpu.memory_space<vmem>>)
      %dma_wait3A_2541 = arith.constant 0 : i32
      %dma_wait3A_2542 = arith.constant 7 : i32
      %dma_wait3A_2543 = arith.constant 0 : i32
      %dma_wait3A_2544 = arith.constant 7 : i32
      %dma_wait3A_2545 = arith.constant 0 : i32
      %dma_wait3A_2546 = arith.constant 0 : i32
      %dma_wait3A_2547 = tpu.memref_slice %arg9[%dma_wait3A_2543, %dma_wait3A_2544, %dma_wait3A_2546] : memref<2x8x128xi32, #tpu.memory_space<vmem>> -> memref<1x1x128xi32, #tpu.memory_space<vmem>>
      %dma_wait3A_2548 = tpu.memref_squeeze %dma_wait3A_2547 : memref<1x1x128xi32, #tpu.memory_space<vmem>> -> memref<128xi32, #tpu.memory_space<vmem>>
      %dma_wait3A_2549 = arith.constant 0 : i32
      %dma_wait3A_2550 = tpu.memref_slice %arg7[%dma_wait3A_2541, %dma_wait3A_2542, %dma_wait3A_2549] : memref<2x8x128xi32, #tpu.memory_space<vmem>> -> memref<1x1x128xi32, #tpu.memory_space<vmem>>
      %dma_wait3A_2551 = tpu.memref_squeeze %dma_wait3A_2550 : memref<1x1x128xi32, #tpu.memory_space<vmem>> -> memref<128xi32, #tpu.memory_space<vmem>>
      %dma_wait3A_2552 = arith.constant 0 : i32
      %dma_wait3A_2553 = tpu.memref_slice %arg3[%dma_wait3A_2552] : memref<10000xi32, #tpu.memory_space<hbm>> -> memref<10000xi32, #tpu.memory_space<hbm>>
      %dma_wait3A_2554 = tpu.memref_slice %arg17[%dma_wait3A_2545] : memref<2x!tpu.dma_semaphore, #tpu.memory_space<semaphore_mem>> -> memref<1x!tpu.dma_semaphore, #tpu.memory_space<semaphore_mem>>
      %dma_wait3A_2555 = tpu.memref_squeeze %dma_wait3A_2554 : memref<1x!tpu.dma_semaphore, #tpu.memory_space<semaphore_mem>> -> memref<!tpu.dma_semaphore, #tpu.memory_space<semaphore_mem>>
      tpu.wait_indirect_dma semaphore(%dma_wait3A_2555 : memref<!tpu.dma_semaphore, #tpu.memory_space<semaphore_mem>>) src(%dma_wait3A_2553 : memref<10000xi32, #tpu.memory_space<hbm>>) dst(%dma_wait3A_2548 : memref<128xi32, #tpu.memory_space<vmem>>)
    }
    %scan3A_1332 = arith.constant 5 : i32
    "tpu.trace_stop"() : () -> ()
    "tpu.trace_start"() <{level = 10 : i32, message = "ph_bar1"}> : () -> ()
    %barrier3A_1333 = arith.constant 0 : index
    tpu.barrier barrier_id(%barrier3A_1333)
    "tpu.trace_stop"() : () -> ()
    "tpu.trace_start"() <{level = 10 : i32, message = "ph_wb"}> : () -> ()
    "tpu.region"() ({
      %run_scoped3A_1334 = tpu.sem_alloc : memref<!tpu.dma_semaphore, #tpu.memory_space<semaphore_mem>>
      %dma_start3A_1335 = arith.constant 0 : i32
      %dma_start3A_1336 = tpu.memref_slice %arg5[%arg0, %mul3A_0, %dma_start3A_1335] : memref<2x10240x128xf32, #tpu.memory_space<hbm>> -> memref<1x640x128xf32, #tpu.memory_space<hbm>>
      %dma_start3A_1337 = tpu.memref_squeeze %dma_start3A_1336 : memref<1x640x128xf32, #tpu.memory_space<hbm>> -> memref<640x128xf32, #tpu.memory_space<hbm>>
      %dma_start3A_1338 = arith.constant 0 : i32
      %dma_start3A_1339 = tpu.memref_slice %arg14[%mul3A_0, %dma_start3A_1338] : memref<10240x128xf32, #tpu.memory_space<vmem_shared>> -> memref<640x128xf32, #tpu.memory_space<vmem_shared>>
      tpu.enqueue_dma source(%dma_start3A_1339 : memref<640x128xf32, #tpu.memory_space<vmem_shared>>) target(%dma_start3A_1337 : memref<640x128xf32, #tpu.memory_space<hbm>>) target_semaphore(%run_scoped3A_1334 : memref<!tpu.dma_semaphore, #tpu.memory_space<semaphore_mem>>)
      %dma_wait3A_1340 = arith.constant 0 : i32
      %dma_wait3A_1341 = tpu.memref_slice %arg5[%arg0, %mul3A_0, %dma_wait3A_1340] : memref<2x10240x128xf32, #tpu.memory_space<hbm>> -> memref<1x640x128xf32, #tpu.memory_space<hbm>>
      %dma_wait3A_1342 = tpu.memref_squeeze %dma_wait3A_1341 : memref<1x640x128xf32, #tpu.memory_space<hbm>> -> memref<640x128xf32, #tpu.memory_space<hbm>>
      %dma_wait3A_1343 = arith.constant 0 : i32
      %dma_wait3A_1344 = tpu.memref_slice %arg14[%mul3A_0, %dma_wait3A_1343] : memref<10240x128xf32, #tpu.memory_space<vmem_shared>> -> memref<640x128xf32, #tpu.memory_space<vmem_shared>>
      tpu.wait_dma2 semaphore(%run_scoped3A_1334 : memref<!tpu.dma_semaphore, #tpu.memory_space<semaphore_mem>>) src(%dma_wait3A_1344 : memref<640x128xf32, #tpu.memory_space<vmem_shared>>) dst(%dma_wait3A_1342 : memref<640x128xf32, #tpu.memory_space<hbm>>)
      tpu.yield
    }) : () -> ()
    "tpu.region"() ({
      %run_scoped3A_1334 = tpu.sem_alloc : memref<!tpu.dma_semaphore, #tpu.memory_space<semaphore_mem>>
      %dma_start3A_1335 = tpu.memref_slice %arg6[%arg0, %mul3A_0] : memref<2x10240xf32, #tpu.memory_space<hbm>> -> memref<1x640xf32, #tpu.memory_space<hbm>>
      %dma_start3A_1336 = tpu.memref_squeeze %dma_start3A_1335 : memref<1x640xf32, #tpu.memory_space<hbm>> -> memref<640xf32, #tpu.memory_space<hbm>>
      %dma_start3A_1337 = tpu.memref_slice %arg15[%mul3A_0] : memref<10240xf32, #tpu.memory_space<vmem_shared>> -> memref<640xf32, #tpu.memory_space<vmem_shared>>
      tpu.enqueue_dma source(%dma_start3A_1337 : memref<640xf32, #tpu.memory_space<vmem_shared>>) target(%dma_start3A_1336 : memref<640xf32, #tpu.memory_space<hbm>>) target_semaphore(%run_scoped3A_1334 : memref<!tpu.dma_semaphore, #tpu.memory_space<semaphore_mem>>)
      %dma_wait3A_1338 = tpu.memref_slice %arg6[%arg0, %mul3A_0] : memref<2x10240xf32, #tpu.memory_space<hbm>> -> memref<1x640xf32, #tpu.memory_space<hbm>>
      %dma_wait3A_1339 = tpu.memref_squeeze %dma_wait3A_1338 : memref<1x640xf32, #tpu.memory_space<hbm>> -> memref<640xf32, #tpu.memory_space<hbm>>
      %dma_wait3A_1340 = tpu.memref_slice %arg15[%mul3A_0] : memref<10240xf32, #tpu.memory_space<vmem_shared>> -> memref<640xf32, #tpu.memory_space<vmem_shared>>
      tpu.wait_dma2 semaphore(%run_scoped3A_1334 : memref<!tpu.dma_semaphore, #tpu.memory_space<semaphore_mem>>) src(%dma_wait3A_1340 : memref<640xf32, #tpu.memory_space<vmem_shared>>) dst(%dma_wait3A_1339 : memref<640xf32, #tpu.memory_space<hbm>>)
      tpu.yield
    }) : () -> ()
    "tpu.trace_stop"() : () -> ()
    return
  }
}

module attributes {stable_mosaic.version = 14 : i64} {
  func.func @_fin_body(%arg0: i32, %arg1: memref<2x1000x128xf32, #tpu.memory_space<vmem>>, %arg2: memref<2x1000x1xf32, #tpu.memory_space<vmem>>, %arg3: memref<1000x128xf32, #tpu.memory_space<vmem>>) attributes {dimension_semantics = [#tpu.dimension_semantics<arbitrary>], iteration_bounds = array<i64: 10>, scalar_prefetch = 0 : i64, scratch_operands = 0 : i64, tpu.core_type = #tpu.core_type<tc>, window_params = [{transform_indices = @transform_0, window_bounds = array<i64: 2, 1000, 128>}, {transform_indices = @transform_1, window_bounds = array<i64: 2, 1000, 1>}, {transform_indices = @transform_2, window_bounds = array<i64: 1000, 128>}]} {
    %get3A = arith.constant 0 : index
    %get3A_0 = arith.constant 0 : index
    %get3A_1 = arith.constant 0 : index
    %get3A_2 = vector.load %arg1[%get3A, %get3A_0, %get3A_1] : memref<2x1000x128xf32, #tpu.memory_space<vmem>>, vector<1x1000x128xf32>
    %get3A_3 = vector.shape_cast %get3A_2 : vector<1x1000x128xf32> to vector<1000x128xf32>
    %get3A_4 = arith.constant 1 : index
    %get3A_5 = arith.constant 0 : index
    %get3A_6 = arith.constant 0 : index
    %get3A_7 = vector.load %arg1[%get3A_4, %get3A_5, %get3A_6] : memref<2x1000x128xf32, #tpu.memory_space<vmem>>, vector<1x1000x128xf32>
    %get3A_8 = vector.shape_cast %get3A_7 : vector<1x1000x128xf32> to vector<1000x128xf32>
    %add3A = arith.addf %get3A_3, %get3A_8 : vector<1000x128xf32>
    %get3A_9 = arith.constant 0 : index
    %get3A_10 = arith.constant 0 : index
    %get3A_11 = arith.constant 0 : index
    %get3A_12 = vector.load %arg2[%get3A_9, %get3A_10, %get3A_11] : memref<2x1000x1xf32, #tpu.memory_space<vmem>>, vector<1x1000x1xf32>
    %get3A_13 = vector.shape_cast %get3A_12 : vector<1x1000x1xf32> to vector<1000x1xf32>
    %get3A_14 = arith.constant 1 : index
    %get3A_15 = arith.constant 0 : index
    %get3A_16 = arith.constant 0 : index
    %get3A_17 = vector.load %arg2[%get3A_14, %get3A_15, %get3A_16] : memref<2x1000x1xf32, #tpu.memory_space<vmem>>, vector<1x1000x1xf32>
    %get3A_18 = vector.shape_cast %get3A_17 : vector<1x1000x1xf32> to vector<1000x1xf32>
    %add3A_19 = arith.addf %get3A_13, %get3A_18 : vector<1000x1xf32>
    %max3A = arith.constant 1.000000e+00 : f32
    %max3A_20 = vector.broadcast %max3A : f32 to vector<1000x1xf32>
    %max3A_21 = arith.maximumf %add3A_19, %max3A_20 : vector<1000x1xf32>
    %div3A = vector.broadcast %max3A_21 : vector<1000x1xf32> to vector<1000x128xf32>
    %div3A_22 = arith.divf %add3A, %div3A : vector<1000x128xf32>
    %swap3A = arith.constant 0 : index
    %swap3A_23 = arith.constant 0 : index
    %swap3A_24 = vector.load %arg3[%swap3A, %swap3A_23] : memref<1000x128xf32, #tpu.memory_space<vmem>>, vector<1000x128xf32>
    tpu.vector_store %arg3[%swap3A, %swap3A_23], %div3A_22 {strides = array<i32>} : memref<1000x128xf32, #tpu.memory_space<vmem>>, vector<1000x128xf32>,
    return
  }
  func.func @transform_0(%arg0: i32) -> (i32, i32, i32) {
    %c0_i32 = arith.constant 0 : i32
    %c0_i32_0 = arith.constant 0 : i32
    %c0_i32_1 = arith.constant 0 : i32
    return %c0_i32, %arg0, %c0_i32_0 : i32, i32, i32
  }
  func.func @transform_1(%arg0: i32) -> (i32, i32, i32) {
    %c0_i32 = arith.constant 0 : i32
    %c0_i32_0 = arith.constant 0 : i32
    %c0_i32_1 = arith.constant 0 : i32
    return %c0_i32, %arg0, %c0_i32_0 : i32, i32, i32
  }
  func.func @transform_2(%arg0: i32) -> (i32, i32) {
    %c0_i32 = arith.constant 0 : i32
    %c0_i32_0 = arith.constant 0 : i32
    return %arg0, %c0_i32 : i32, i32
  }
}

</mosaic_0001>

<sc_bundles>
// kernel: kernel.4.cloned.1.call-start
scs
__scs_entry_jumppad:
0x0: {  	(pc) =	sbr.rel $0x88, $3  }
0x1: {  	(tag) =	ssettag $0x0;
	lr =	simm.s32 $0x1  }
0x2: {  	[smem:$0x3F9E] =	sst lr;
	_ =	strace $0xD0000000  }
0x3: {  	_ = 	snop  }
0x4: {  	_ = 	snop  }
0x5: {  	_ = 	snop  }
0x6: {  	_ = 	snop  }
0x7: {  	_ = 	snop  }
__scs_overlays_trampoline_lowered:
0x8: {  	[smem:$0x3FAD] =	sst s0  }
0x9: {  	[smem:$0x3FAE] =	sst s1  }
0xa: {  	[smem:$0x3FAF] =	sst s2  }
0xb: {  	[smem:$0x3FB0] =	sst s3  }
0xc: {  	[smem:$0x3FB1] =	sst s4  }
0xd: {  	[smem:$0x3FB2] =	sst s5  }
0xe: {  	[smem:$0x3FB3] =	sst s6  }
0xf: {  	[smem:$0x3FB4] =	sst s7  }
0x10: {  	[smem:$0x3FB5] =	sst s8  }
0x11: {  	[smem:$0x3FB6] =	sst s9;
	s0 =	simm.s32 @!p0 $0x0  }
0x12: {  	s1 =	sld [smem:$0x3F9C];
	s0 =	simm.s32 @p0 $0x1  }
0x13: {  	[smem:$0x3FB7] =	sst s0;
	s0 =	simm.s32 @!p1 $0x0  }
0x14: {  	s2 =	sld [smem:$0x3F9B];
	s0 =	simm.s32 @p1 $0x1  }
0x15: {  	[smem:$0x3FB8] =	sst s0;
	s0 =	simm.s32 @!p2 $0x0  }
0x16: {  	s3 =	sld [smem:$0x3FDB];
	s0 =	simm.s32 @p2 $0x1  }
0x17: {  	s4 =	simm.s32 $0x1BF5;
	[smem:$0x3FBA] =	sst s0  }
0x18: {  	s0 =	sld [smem:$0x3F9D];
	_ =	swait.ge [sflag:s4], $0x0  }
0x19: {  	s7 =	sld [smem:$0x3F9E]  }
0x1a: {  	s8 =	sadd.s32 $0xFFFFE003, lr  }
0x1b: {  	s9 =	sadd.s32 $0xFFFFFEF7, lr;
	s5 =	simm.s32 $0xFFFFFFFF;
	p2 =	slt.u32 s8, $0xFFFFF086  }
0x1c: {  	p1 =	slt.u32 s9, $0xF7A;
	s5 =	simm.s32 @!p2 $0x0  }
0x1d: {  	s5 =	simm.s32 @p1 $0x1;
	p0 =	seq.s32 s7, s2  }
0x1e: {  	s7 =	smul.u32 @!p0 $0xF7A, s2;
	p2 =	seq.s32 @!p0 s5, $0x0  }
0x1f: {  	s9 =	smul.u32 $0xF7A, s1;
	s8 =	simm.s32 @!p0 $0x1BF5;
	p2 =	por !p2, p0  }
0x20: {  	[sflag:s8] =	ssyncset.s32 @!p0 $0xFFFFF086;
	s6 =	sadd.s32 @!p0 s3, s7;
	s7 =	simm.s32 @!p0 $0x108  }
0x21: {  	s3 =	sadd.s32 s3, s9;
	s6 =	sadd.s32 @!p0 $0x88, s6;
	s7 =	simm.s32 @p2 $0x1082  }
0x22: {  	[simem:s7], [sflag:s8] =	dma.local @!p0 [hbm:s6], $0xF7A  }
0x23: {  	s9 =	sor.u32 $0xD0000000, s2;
	s6 =	simm.s32 $0x108;
	_ =	swait.ge @!p0 [sflag:s8], $0x0  }
0x24: {  	s3 =	sadd.s32 $0x88, s3;
	s6 =	simm.s32 @!p1 $0x1082;
	[sflag:s4] =	ssyncset.s32 $0xFFFFF086  }
0x25: {  	[simem:s6], [sflag:s4] =	dma.local [hbm:s3], $0xF7A  }
0x26: {  	[smem:$0x3F9E] =	sst s1;
	(tag) =	ssettag s2;
	_ =	strace s9  }
0x27: {  	s1 =	sld [smem:$0x3FAE]  }
0x28: {  	s2 =	sld [smem:$0x3FAF]  }
0x29: {  	s4 =	sld [smem:$0x3FB1]  }
0x2a: {  	p0 =	seq.s32 s5, $0x0;
	s5 =	sld [smem:$0x3FB2]  }
0x2b: {  	s6 =	sld [smem:$0x3FB3]  }
0x2c: {  	s7 =	sld [smem:$0x3FB4]  }
0x2d: {  	s3 =	simm.s32 $0x108;
	s8 =	sld [smem:$0x3FB5]  }
0x2e: {  	s3 =	simm.s32 @!p0 $0x1082;
	s9 =	sld [smem:$0x3FB6]  }
0x2f: {  	lr =	sadd.s32 s0, s3;
	s0 =	sld [smem:$0x3FAD]  }
0x30: {  	s3 =	sld [smem:$0x3FB0]  }
0x31: {  	[smem:$0x3FB9] =	sst s10  }
0x32: {  	s10 =	sld [smem:$0x3FB7];
	_ =	sdelay $0x3  }
0x33: {  	p0 =	seq.s32 s10, $0x1;
	s10 =	sld [smem:$0x3FB9];
	_ =	sdelay $0x3  }
0x34: {  	[smem:$0x3FB9] =	sst s10  }
0x35: {  	s10 =	sld [smem:$0x3FB8];
	_ =	sdelay $0x3  }
0x36: {  	p1 =	seq.s32 s10, $0x1;
	s10 =	sld [smem:$0x3FB9];
	_ =	sdelay $0x3  }
0x37: {  	[smem:$0x3FB9] =	sst s10  }
0x38: {  	s10 =	sld [smem:$0x3FBA]  }
0x39: {  	_ = 	snop;
	(pc) =	sbr.ind lr, $3  }
0x3a: {  	_ = 	snop  }
0x3b: {  	_ = 	snop  }
0x3c: {  	p2 =	seq.s32 s10, $0x1;
	s10 =	sld [smem:$0x3FB9]  }
0x3d: {  	_ =	shalt  }
0x3e: {  	_ =	shalt  }
0x3f: {  	_ =	shalt  }
0x40: {  	_ =	shalt  }
0x41: {  	_ =	shalt  }
0x42: {  	_ =	shalt  }
0x43: {  	_ =	shalt  }
0x44: {  	_ =	shalt  }
0x45: {  	_ =	shalt  }
0x46: {  	_ =	shalt  }
0x47: {  	_ =	shalt  }
0x48: {  	_ =	shalt  }
0x49: {  	_ =	shalt  }
0x4a: {  	_ =	shalt  }
0x4b: {  	_ =	shalt  }
0x4c: {  	_ =	shalt  }
0x4d: {  	_ =	shalt  }
0x4e: {  	_ =	shalt  }
0x4f: {  	_ =	shalt  }
0x50: {  	_ =	shalt  }
0x51: {  	_ =	shalt  }
0x52: {  	_ =	shalt  }
0x53: {  	_ =	shalt  }
0x54: {  	_ =	shalt  }
0x55: {  	_ =	shalt  }
0x56: {  	_ =	shalt  }
0x57: {  	_ =	shalt  }
0x58: {  	_ =	shalt  }
0x59: {  	_ =	shalt  }
0x5a: {  	_ =	shalt  }
0x5b: {  	_ =	shalt  }
0x5c: {  	_ =	shalt  }
0x5d: {  	_ =	shalt  }
0x5e: {  	_ =	shalt  }
0x5f: {  	_ =	shalt  }
0x60: {  	_ =	shalt  }
0x61: {  	_ =	shalt  }
0x62: {  	_ =	shalt  }
0x63: {  	_ =	shalt  }
0x64: {  	_ =	shalt  }
0x65: {  	_ =	shalt  }
0x66: {  	_ =	shalt  }
0x67: {  	_ =	shalt  }
0x68: {  	_ =	shalt  }
0x69: {  	_ =	shalt  }
0x6a: {  	_ =	shalt  }
0x6b: {  	_ =	shalt  }
0x6c: {  	_ =	shalt  }
0x6d: {  	_ =	shalt  }
0x6e: {  	_ =	shalt  }
0x6f: {  	_ =	shalt  }
0x70: {  	_ =	shalt  }
0x71: {  	_ =	shalt  }
0x72: {  	_ =	shalt  }
0x73: {  	_ =	shalt  }
0x74: {  	_ =	shalt  }
0x75: {  	_ =	shalt  }
0x76: {  	_ =	shalt  }
0x77: {  	_ =	shalt  }
0x78: {  	_ =	shalt  }
0x79: {  	_ =	shalt  }
0x7a: {  	_ =	shalt  }
0x7b: {  	_ =	shalt  }
0x7c: {  	_ =	shalt  }
0x7d: {  	_ =	shalt  }
0x7e: {  	_ =	shalt  }
0x7f: {  	_ =	shalt  }
0x80: {  	_ =	shalt  }
0x81: {  	_ =	shalt  }
0x82: {  	_ =	shalt  }
0x83: {  	_ =	shalt  }
0x84: {  	_ =	shalt  }
0x85: {  	_ =	shalt  }
0x86: {  	_ =	shalt  }
0x87: {  	_ =	shalt  }
.Lfunc_end0:
.L_simem_size_0:
called_computation_lowered:
.L_overlay_start_0:
0x88: {  	s2 =	sld [smem:$0x3FD9]  }
0x89: {  	s3 =	sld [smem:$0x3FFE];
	_ =	sdelay $0x1  }
0x8a: {  	s1 =	srdreg.scid  }
0x8b: {  	s0 =	sand.u32 $0x1, s1  }
0x8c: {  	s17 =	sshll.u32 s0, $0xA;
	s2 =	sadd.s32 s3, s2  }
0x8d: {  	s2 =	sadd.s32 s2, s17  }
0x8e: {  	[smem:$0x3FC5] =	sst s2  }
0x8f: {  	_ = 	snop  }
0x90: {  	s2 =	sld [smem:$0x3FC9]  }
0x91: {  	s18 =	sld [smem:$0x3FC7]  }
0x92: {  	s4 =	sld [smem:$0x3FD0];
	(tm) =	ssettm $0x1  }
0x93: {  	s5 =	sld [smem:$0x3FFB];
	_ =	sdelay $0x3  }
0x94: {  	_ =	strace s5  }
0x95: {  	s5 =	sld [smem:$0x3FFC];
	_ =	sdelay $0x3  }
0x96: {  	_ =	strace s5  }
0x97: {  	s5 =	sld [smem:$0x3FFD];
	_ =	sdelay $0x3  }
0x98: {  	_ =	strace s5  }
0x99: {  	_ =	strace $0x8FFFFFFF  }
0x9a: {  	s19 =	sld [smem:$0x3FDB];
	_ =	sdelay $0x1  }
0x9b: {  	s6 =	simm.s32 $_scs_section_size  }
0x9c: {  	s7 =	simm.s32 $_size__tile_overlayer_lowered;
	s8 =	simm.s32 $_tile_overlayer_lowered  }
0x9d: {  	s22 =	simm.s32 $0x1BFF;
	s21 =	sshll.u32 s8, $0x1;
	s5 =	sadd.s32 s6, s19  }
0x9e: {  	s9 =	simm.s32 $0x0;
	s20 =	sshll.u32 s7, $0x1;
	s7 =	sadd.s32 s21, s5  }
0x9f: {  	[timem:s9], [sflag:s22] =	dma.local [hbm:s7], s20  }
0xa0: {  	_ =	swait.ge [sflag:s22], s20  }
0xa1: {  	s6 =	ssub.s32 $0x0, s20;
	[sflag:s22] =	ssyncset.done $0x0  }
0xa2: {  	[sflag:s22] =	ssyncadd.s32 s6;
	_ =	sdelay $0x1  }
0xa3: {  	s23 =	simm.s32 $0x1B8B  }
0xa4: {  	_ =	swait.ge [sflag:s23], $0x1  }
0xa5: {  	[sflag:s23] =	ssyncset.done $0x0  }
0xa6: {  	s25 =	simm.s32 $0x1B8E;
	s24 =	sld [smem:$0x3FFE];
	[sflag:s23] =	ssyncadd.s32 $0xFFFFFFFF  }
0xa7: {  	s26 =	simm.s32 $execute0_lowered;
	[smem:$0x3FD2] =	sst s25  }
0xa8: {  	s7 =	sshll.u32 s26, $0x1;
	_ =	strace $0x80000046;
	[dreg:$0x1] =	wrdreg $0xFFFFFFFF  }
0xa9: {  	s28 =	simm.s32 $_size_execute0_lowered;
	s5 =	sadd.s32 s5, s7;
	[dreg:$0x0] =	wrdreg $0x0  }
0xaa: {  	s7 =	sshll.u32 s28, $0x1;
	[dreg:$0x2] =	wrdreg s5  }
0xab: {  	[dreg:$0x3] =	wrdreg s7  }
0xac: {  	[dreg:$0x4] =	wrdreg $0xC0  }
0xad: {  	_ =	task [dreg:s9], $0x5FFFF  }
0xae: {  	[dreg:$0x1] =	wrdreg $0xFFFFFFFF  }
0xaf: {  	[dreg:$0x0] =	wrdreg $0x60  }
0xb0: {  	[dreg:$0x2] =	wrdreg s4  }
0xb1: {  	[dreg:$0x3] =	wrdreg s2  }
0xb2: {  	[dreg:$0x4] =	wrdreg s18  }
0xb3: {  	[dreg:$0x5] =	wrdreg s24  }
0xb4: {  	[dreg:$0x6] =	wrdreg $0xA3000  }
0xb5: {  	[dreg:$0x7] =	wrdreg $0x1E3000  }
0xb6: {  	[dreg:$0x8] =	wrdreg $0x9  }
0xb7: {  	_ =	task.clear_ibuf [dreg:s9], $0x9FFFF;
	_ =	strace $0x90000046  }
0xb8: {  	s29 =	simm.s32 $0x9;
	_ =	strace $0x8000004D  }
0xb9: {  	_ =	swait.ge [sflag:s29], $0x1  }
0xba: {  	[sflag:s29] =	ssyncadd.s32 $0xFFFFFFFF  }
0xbb: {  	_ =	strace $0x9000004D  }
0xbc: {  	_ =	sfence  }
0xbd: {  	s30 =	sld [smem:$0x0];
	_ =	sdelay $0x2  }
0xbe: {  	s31 =	sshll.u32 s1, $0xD;
	s1 =	sshrl.u32 s1, $0x2  }
0xbf: {  	s3 =	sand.u32 $0x4000, s31;
	s1 =	sadd.s32 s1, s30  }
0xc0: {  	s0 =	sor.u32 s3, s0;
	s1 =	sshll.u32 s1, $0x11  }
0xc1: {  	s0 =	sor.u32 s1, s0  }
0xc2: {  	s0 =	sadd.s32 $0x8F2B, s0  }
0xc3: {  	[sflag:s0] =	ssyncadd.remote.s32 $0x1  }
0xc4: {  	_ =	sfence.sel $0xFFFF  }
0xc5: {  	[dreg:$0x0] =	wrdreg $0xFFFFFFFF;
	(pc) =	sbr.abs _section_cstart, $3  }
0xc6: {  	[dreg:$0x1] =	wrdreg $0xFFFFFFFF  }
0xc7: {  	_ =	task.clear_ibuf [dreg:s9], $0x2FFFF;
	_ =	strace $0x9FFFFFFF  }
0xc8: {  	(tm) =	ssettm $0x7FFFFFFF  }
0xc9: {  	_ =	shalt  }
tec
execute0_lowered:
.L_overlay_start_1:
0x0: {  	(tag) =	ssettag $0x1  }
0x1: {  	s17 =	rddreg [dreg:$0x0]  }
0x2: {  	s1 =	rddreg [dreg:$0x1]  }
0x3: {  	s2 =	rddreg [dreg:$0x2]  }
0x4: {  	s0 =	rddreg [dreg:$0x3];
	s3 =	srdreg.scid  }
0x5: {  	s5 =	rddreg [dreg:$0x4];
	s15 =	stileid.u32  }
0x6: {  	s6 =	rddreg [dreg:$0x5];
	s7 =	simm.s32 $0x0;
	s8 =	smul.u32 $0x14000, s15  }
0x7: {  	s22 =	simm.s32 $0x480;
	s23 =	simm.s32 $0x500;
	s9 =	smul.u32 $0x500, s15  }
0x8: {  	s24 =	simm.s32 $0x580;
	s28 =	simm.s32 $0x1;
	s10 =	smul.u32 $0x50000, s15  }
0x9: {  	s3 =	sand.u32 $0x1, s3;
	[smem:$0x7FF] =	sst s7;
	s12 =	smul.u32 $0xA00, s15  }
0xa: {  	s18 =	sadd.s32 $0xA000, s17;
	s4 =	smul.u32 $0x140000, s3;
	s25 =	sshll.u32 s3, $0x7  }
0xb: {  	_ =	strace $0x80000047;
	s26 =	sshll.u32 s3, $0x4;
	[dreg:$0x7] =	wrdreg s18  }
0xc: {  	s11 =	ssub.s32 $0x2, s3;
	s7 =	smul.u32 $0x500, s3;
	[dreg:$0x9] =	wrdreg s22  }
0xd: {  	s3 =	smul.u32 $0x5000, s3;
	s18 =	simm.s32 $0x6;
	[dreg:$0xa] =	wrdreg s23  }
0xe: {  	[dreg:$0xb] =	wrdreg s24;
	s22 =	simm.s32 $0x4;
	s23 =	simm.s32 $0x9800  }
0xf: {  	s13 =	sshrl.u32 s11, $0x1;
	s10 =	sshrl.u32 s10, $0x2;
	s29 =	sshrl.u32 s12, $0x2  }
0x10: {  	s4 =	sadd.s32 s8, s4;
	s8 =	sor.u32 s25, s9;
	s11 =	ssub.s32 s11, s13  }
0x11: {  	s16 =	sadd.s32 s10, s5;
	s30 =	sadd.s32 s29, s6;
	s3 =	sadd.s32 s3, s17  }
0x12: {  	s13 =	simm.s32 $0x9880;
	s10 =	simm.s32 $0x800;
	s25 =	simm.s32 $0x600  }
0x13: {  	s29 =	simm.s32 $0x700;
	s4 =	sshrl.u32 s4, $0x3;
	[dreg:$0xc] =	wrdreg s25  }
0x14: {  	s8 =	sshrl.u32 s8, $0x3;
	s20 =	smax.u32 s11, $0x1;
	[dreg:$0xe] =	wrdreg s29  }
0x15: {  	s21 =	sadd.s32 s9, s3;
	s11 =	simm.s32 $0x1800;
	[dreg:$0x11] =	wrdreg s16  }
0x16: {  	s25 =	simm.s32 $0x5;
	[dreg:$0x12] =	wrdreg s30;
	s4 =	sadd.s32 s4, s0  }
0x17: {  	s0 =	sadd.s32 s8, s0;
	s8 =	sor.u32 s15, s26;
	s15 =	smul.u32 $0x50, s15  }
0x18: {  	[dreg:$0x17] =	wrdreg s20;
	s26 =	simm.s32 $0x680;
	s14 =	smul.u32 $0x2800, s8  }
0x19: {  	s8 =	smul.u32 $0x50, s8;
	s4 =	sadd.s32 $0x1400, s4;
	[dreg:$0xd] =	wrdreg s26  }
0x1a: {  	s0 =	sadd.s32 $0xA00, s0;
	s26 =	simm.s32 $0x180;
	[dreg:$0x15] =	wrdreg s4  }
0x1b: {  	[dreg:$0x16] =	wrdreg s0;
	s19 =	sadd.s32 s15, s7;
	s0 =	sadd.s32 $0xA080, s21  }
0x1c: {  	s21 =	simm.s32 $0x80;
	s15 =	simm.s32 $0x100;
	[dreg:$0x8] =	wrdreg s19  }
0x1d: {  	s31 =	sshrl.u32 s14, $0x3;
	s8 =	sadd.s32 $0x48, s8;
	[dreg:$0x18] =	wrdreg s0  }
0x1e: {  	s4 =	simm.s32 $0x0;
	s12 =	sadd.s32 s17, s31;
	[dreg:$0x10] =	wrdreg s8  }
0x1f: {  	s14 =	simm.s32 $0x2;
	s31 =	simm.s32 $0x780;
	[dreg:$0x13] =	wrdreg s12  }
0x20: {  	s19 =	simm.s32 $0xC00;
	s12 =	sadd.s32 $0xA000, s12;
	[dreg:$0xf] =	wrdreg s31  }
0x21: {  	v0 =	vimm.f32 $1.000000000e+00;
	v1 =	vimm.f32 $0.0e+00;
	s0 =	simm.s32 $0x3;
	s8 =	simm.s32 $0x5800;
	[dreg:$0x14] =	wrdreg s12  }
.LBB2_1:
0x22: {  	[tilespmem:$0x9800] =	vst v0  }
0x23: {  	[tilespmem:$0x9810] =	vst v0  }
0x24: {  	[tilespmem:$0x9820] =	vst v0  }
0x25: {  	[tilespmem:$0x9830] =	vst v0  }
0x26: {  	[tilespmem:$0x9840] =	vst v0  }
0x27: {  	[tilespmem:$0x9850] =	vst v0  }
0x28: {  	[tilespmem:$0x9860] =	vst v0  }
0x29: {  	[tilespmem:$0x9870] =	vst v0  }
0x2a: {  	[tilespmem:$0x9880] =	vst v1  }
0x2b: {  	[tilespmem:$0x9890] =	vst v1  }
0x2c: {  	[tilespmem:$0x98A0] =	vst v1  }
0x2d: {  	[tilespmem:$0x98B0] =	vst v1  }
0x2e: {  	[tilespmem:$0x98C0] =	vst v1  }
0x2f: {  	[tilespmem:$0x98D0] =	vst v1  }
0x30: {  	[tilespmem:$0x98E0] =	vst v1  }
0x31: {  	[tilespmem:$0x98F0] =	vst v1  }
0x32: {  	[tilespmem:$0x9900] =	vst v1  }
0x33: {  	[tilespmem:$0x9910] =	vst v1  }
0x34: {  	[tilespmem:$0x9920] =	vst v1  }
0x35: {  	[tilespmem:$0x9930] =	vst v1  }
0x36: {  	[tilespmem:$0x9940] =	vst v1  }
0x37: {  	[tilespmem:$0x9950] =	vst v1  }
0x38: {  	[tilespmem:$0x9960] =	vst v1  }
0x39: {  	[tilespmem:$0x9970] =	vst v1  }
0x3a: {  	[tilespmem:$0x9980] =	vst v1  }
0x3b: {  	[tilespmem:$0x9990] =	vst v1  }
0x3c: {  	[tilespmem:$0x99A0] =	vst v1  }
0x3d: {  	[tilespmem:$0x99B0] =	vst v1  }
0x3e: {  	[tilespmem:$0x99C0] =	vst v1  }
0x3f: {  	[tilespmem:$0x99D0] =	vst v1  }
0x40: {  	[tilespmem:$0x99E0] =	vst v1  }
0x41: {  	[tilespmem:$0x99F0] =	vst v1  }
0x42: {  	[tilespmem:$0x9A00] =	vst v1  }
0x43: {  	[tilespmem:$0x9A10] =	vst v1  }
0x44: {  	[tilespmem:$0x9A20] =	vst v1  }
0x45: {  	[tilespmem:$0x9A30] =	vst v1  }
0x46: {  	[tilespmem:$0x9A40] =	vst v1  }
0x47: {  	[tilespmem:$0x9A50] =	vst v1  }
0x48: {  	[tilespmem:$0x9A60] =	vst v1  }
0x49: {  	[tilespmem:$0x9A70] =	vst v1  }
0x4a: {  	[tilespmem:$0x9A80] =	vst v1  }
0x4b: {  	[tilespmem:$0x9A90] =	vst v1  }
0x4c: {  	[tilespmem:$0x9AA0] =	vst v1  }
0x4d: {  	[tilespmem:$0x9AB0] =	vst v1  }
0x4e: {  	[tilespmem:$0x9AC0] =	vst v1  }
0x4f: {  	[tilespmem:$0x9AD0] =	vst v1  }
0x50: {  	[tilespmem:$0x9AE0] =	vst v1  }
0x51: {  	[tilespmem:$0x9AF0] =	vst v1  }
0x52: {  	[tilespmem:$0x9B00] =	vst v1  }
0x53: {  	[tilespmem:$0x9B10] =	vst v1  }
0x54: {  	[tilespmem:$0x9B20] =	vst v1  }
0x55: {  	[tilespmem:$0x9B30] =	vst v1  }
0x56: {  	[tilespmem:$0x9B40] =	vst v1  }
0x57: {  	[tilespmem:$0x9B50] =	vst v1  }
0x58: {  	[tilespmem:$0x9B60] =	vst v1  }
0x59: {  	[tilespmem:$0x9B70] =	vst v1  }
0x5a: {  	[tilespmem:$0x9B80] =	vst v1  }
0x5b: {  	[tilespmem:$0x9B90] =	vst v1  }
0x5c: {  	[tilespmem:$0x9BA0] =	vst v1  }
0x5d: {  	[tilespmem:$0x9BB0] =	vst v1  }
0x5e: {  	[tilespmem:$0x9BC0] =	vst v1  }
0x5f: {  	[tilespmem:$0x9BD0] =	vst v1  }
0x60: {  	[tilespmem:$0x9BE0] =	vst v1  }
0x61: {  	[tilespmem:$0x9BF0] =	vst v1  }
0x62: {  	[tilespmem:$0x9C00] =	vst v1  }
0x63: {  	[tilespmem:$0x9C10] =	vst v1  }
0x64: {  	[tilespmem:$0x9C20] =	vst v1  }
0x65: {  	[tilespmem:$0x9C30] =	vst v1  }
0x66: {  	[tilespmem:$0x9C40] =	vst v1  }
0x67: {  	[tilespmem:$0x9C50] =	vst v1  }
0x68: {  	[tilespmem:$0x9C60] =	vst v1  }
0x69: {  	[tilespmem:$0x9C70] =	vst v1  }
0x6a: {  	[tilespmem:$0x9C80] =	vst v1  }
0x6b: {  	[tilespmem:$0x9C90] =	vst v1  }
0x6c: {  	[tilespmem:$0x9CA0] =	vst v1  }
0x6d: {  	[tilespmem:$0x9CB0] =	vst v1  }
0x6e: {  	[tilespmem:$0x9CC0] =	vst v1  }
0x6f: {  	[tilespmem:$0x9CD0] =	vst v1  }
0x70: {  	[tilespmem:$0x9CE0] =	vst v1  }
0x71: {  	[tilespmem:$0x9CF0] =	vst v1  }
0x72: {  	[tilespmem:$0x9D00] =	vst v1  }
0x73: {  	[tilespmem:$0x9D10] =	vst v1  }
0x74: {  	[tilespmem:$0x9D20] =	vst v1  }
0x75: {  	[tilespmem:$0x9D30] =	vst v1  }
0x76: {  	[tilespmem:$0x9D40] =	vst v1  }
0x77: {  	[tilespmem:$0x9D50] =	vst v1  }
0x78: {  	[tilespmem:$0x9D60] =	vst v1  }
0x79: {  	[tilespmem:$0x9D70] =	vst v1  }
0x7a: {  	[tilespmem:$0x9D80] =	vst v1  }
0x7b: {  	[tilespmem:$0x9D90] =	vst v1  }
0x7c: {  	[tilespmem:$0x9DA0] =	vst v1  }
0x7d: {  	[tilespmem:$0x9DB0] =	vst v1  }
0x7e: {  	[tilespmem:$0x9DC0] =	vst v1  }
0x7f: {  	[tilespmem:$0x9DD0] =	vst v1  }
0x80: {  	[tilespmem:$0x9DE0] =	vst v1  }
0x81: {  	[tilespmem:$0x9DF0] =	vst v1  }
0x82: {  	[tilespmem:$0x9E00] =	vst v1  }
0x83: {  	[tilespmem:$0x9E10] =	vst v1  }
0x84: {  	[tilespmem:$0x9E20] =	vst v1  }
0x85: {  	[tilespmem:$0x9E30] =	vst v1  }
0x86: {  	[tilespmem:$0x9E40] =	vst v1  }
0x87: {  	[tilespmem:$0x9E50] =	vst v1  }
0x88: {  	[tilespmem:$0x9E60] =	vst v1  }
0x89: {  	[tilespmem:$0x9E70] =	vst v1  }
0x8a: {  	[tilespmem:$0x9E80] =	vst v1  }
0x8b: {  	[tilespmem:$0x9E90] =	vst v1  }
0x8c: {  	[tilespmem:$0x9EA0] =	vst v1  }
0x8d: {  	[tilespmem:$0x9EB0] =	vst v1  }
0x8e: {  	[tilespmem:$0x9EC0] =	vst v1  }
0x8f: {  	[tilespmem:$0x9ED0] =	vst v1  }
0x90: {  	[tilespmem:$0x9EE0] =	vst v1  }
0x91: {  	[tilespmem:$0x9EF0] =	vst v1  }
0x92: {  	[tilespmem:$0x9F00] =	vst v1  }
0x93: {  	[tilespmem:$0x9F10] =	vst v1  }
0x94: {  	[tilespmem:$0x9F20] =	vst v1  }
0x95: {  	[tilespmem:$0x9F30] =	vst v1  }
0x96: {  	[tilespmem:$0x9F40] =	vst v1  }
0x97: {  	[tilespmem:$0x9F50] =	vst v1  }
0x98: {  	[tilespmem:$0x9F60] =	vst v1  }
0x99: {  	[tilespmem:$0x9F70] =	vst v1  }
0x9a: {  	[tilespmem:$0x9F80] =	vst v1  }
0x9b: {  	[tilespmem:$0x9F90] =	vst v1  }
0x9c: {  	[tilespmem:$0x9FA0] =	vst v1  }
0x9d: {  	[tilespmem:$0x9FB0] =	vst v1  }
0x9e: {  	[tilespmem:$0x9FC0] =	vst v1  }
0x9f: {  	[tilespmem:$0x9FD0] =	vst v1  }
0xa0: {  	[tilespmem:$0x9FE0] =	vst v1  }
0xa1: {  	[tilespmem:$0x9FF0] =	vst v1  }
0xa2: {  	[tilespmem:$0xA000] =	vst v1  }
0xa3: {  	[tilespmem:$0xA010] =	vst v1  }
0xa4: {  	[tilespmem:$0xA020] =	vst v1  }
0xa5: {  	[tilespmem:$0xA030] =	vst v1  }
0xa6: {  	[tilespmem:$0xA040] =	vst v1  }
0xa7: {  	[tilespmem:$0xA050] =	vst v1  }
0xa8: {  	[tilespmem:$0xA060] =	vst v1  }
0xa9: {  	[dreg:$0x19] =	wrdreg s4;
	[tilespmem:$0xA070] =	vst v1  }
0xaa: {  	_ =	strace $0x80000048;
	[tilespmem:$0xA080] =	vst v1  }
0xab: {  	[tilespmem:$0xA090] =	vst v1  }
0xac: {  	[tilespmem:$0xA0A0] =	vst v1  }
0xad: {  	[tilespmem:$0xA0B0] =	vst v1  }
0xae: {  	[tilespmem:$0xA0C0] =	vst v1  }
0xaf: {  	[tilespmem:$0xA0D0] =	vst v1  }
0xb0: {  	[tilespmem:$0xA0E0] =	vst v1  }
0xb1: {  	[tilespmem:$0xA0F0] =	vst v1  }
0xb2: {  	[tilespmem:$0xA100] =	vst v1  }
0xb3: {  	[tilespmem:$0xA110] =	vst v1  }
0xb4: {  	[tilespmem:$0xA120] =	vst v1  }
0xb5: {  	[tilespmem:$0xA130] =	vst v1  }
0xb6: {  	[tilespmem:$0xA140] =	vst v1  }
0xb7: {  	[tilespmem:$0xA150] =	vst v1  }
0xb8: {  	[tilespmem:$0xA160] =	vst v1  }
0xb9: {  	[tilespmem:$0xA170] =	vst v1  }
0xba: {  	[tilespmem:$0xA180] =	vst v1  }
0xbb: {  	[tilespmem:$0xA190] =	vst v1  }
0xbc: {  	[tilespmem:$0xA1A0] =	vst v1  }
0xbd: {  	[tilespmem:$0xA1B0] =	vst v1  }
0xbe: {  	[tilespmem:$0xA1C0] =	vst v1  }
0xbf: {  	[tilespmem:$0xA1D0] =	vst v1  }
0xc0: {  	[tilespmem:$0xA1E0] =	vst v1  }
0xc1: {  	[tilespmem:$0xA1F0] =	vst v1  }
0xc2: {  	[tilespmem:$0xA200] =	vst v1  }
0xc3: {  	[tilespmem:$0xA210] =	vst v1  }
0xc4: {  	[tilespmem:$0xA220] =	vst v1  }
0xc5: {  	[tilespmem:$0xA230] =	vst v1  }
0xc6: {  	[tilespmem:$0xA240] =	vst v1  }
0xc7: {  	[tilespmem:$0xA250] =	vst v1  }
0xc8: {  	[tilespmem:$0xA260] =	vst v1  }
0xc9: {  	[tilespmem:$0xA270] =	vst v1  }
0xca: {  	[tilespmem:$0xA280] =	vst v1  }
0xcb: {  	[tilespmem:$0xA290] =	vst v1  }
0xcc: {  	[tilespmem:$0xA2A0] =	vst v1  }
0xcd: {  	[tilespmem:$0xA2B0] =	vst v1  }
0xce: {  	[tilespmem:$0xA2C0] =	vst v1  }
0xcf: {  	[tilespmem:$0xA2D0] =	vst v1  }
0xd0: {  	[tilespmem:$0xA2E0] =	vst v1  }
0xd1: {  	s3 =	sadd.s32 $0x0, s16;
	[tilespmem:$0xA2F0] =	vst v1  }
0xd2: {  	[spmem:s3] =	stream.linear.scatter [tilespmem:s13], [sflag:$0x6], $0x800, $0x200038;
	[tilespmem:$0x1E580] =	vst v63  }
0xd3: {  	s3 =	simm.s32 $0x2000;
	_ =	swait.ge [sflag:s18], $0x800  }
.LBB2_2:
0xd4: {  	s4 =	sshra.s32 s3, $0x2;
	[sflag:s18] =	ssyncset.done $0x0;
	p0 =	sne.s32 s3, $0x4E000  }
.Ltmp0:
0xd5: {  	s4 =	sadd.s32 s4, s16;
	[sflag:s18] =	ssyncadd.s32 $0xFFFFF800;
	(pc) =	sbr.rel @p0 .LBB2_2-.Ltmp0, $3  }
0xd6: {  	[spmem:s4] =	stream.linear.scatter [tilespmem:s13], [sflag:$0x6], $0x800, $0x200038;
	[tilespmem:$0x1E580] =	vst v63  }
0xd7: {  	s3 =	sadd.s32 $0x2000, s3;
	_ =	sdelay $0x1  }
0xd8: {  	_ =	swait.ge [sflag:s18], $0x800  }
0xd9: {  	[sflag:s18] =	ssyncset.done $0x0  }
0xda: {  	s3 =	simm.s32 $0xA080;
	[sflag:s18] =	ssyncadd.s32 $0xFFFFF800  }
0xdb: {  	[spmem:s30] =	stream.linear.scatter [tilespmem:s3], [sflag:$0x6], $0x280, $0x200038;
	[tilespmem:$0x1E580] =	vst v63  }
0xdc: {  	_ =	swait.ge [sflag:s18], $0x280  }
0xdd: {  	[sflag:s18] =	ssyncset.done $0x0  }
0xde: {  	[sflag:s18] =	ssyncadd.s32 $0xFFFFFD80  }
0xdf: {  	_ =	strace $0x90000048  }
0xe0: {  	_ =	strace $0x80000049  }
0xe1: {  	[bflag:$0x0] =	sbarrier.arrive $0xFFFF  }
0xe2: {  	_ =	strace $0x90000049  }
0xe3: {  	_ =	strace $0x8000004A  }
0xe4: {  	s7 =	simm.s32 $0x0;
	s12 =	rddreg [dreg:$0x13]  }
0xe5: {  	[tilespmem:s7], [sflag:$0x6] =	stream.linear.gather [hbm4b:s12+s7], $0x400, $0x200038;
	[tilespmem:$0x1E580] =	vst v63  }
0xe6: {  	_ =	swait.ge [sflag:s18], $0x400  }
0xe7: {  	[sflag:s18] =	ssyncset.done $0x0  }
0xe8: {  	s13 =	rddreg [dreg:$0x14];
	[sflag:s18] =	ssyncadd.s32 $0xFFFFFC00  }
0xe9: {  	[tilespmem:s10], [sflag:$0x6] =	stream.linear.gather [hbm4b:s13+s7], $0x400, $0x200038;
	[tilespmem:$0x1E580] =	vst v63  }
0xea: {  	_ =	swait.ge [sflag:s18], $0x400  }
0xeb: {  	[sflag:s18] =	ssyncset.done $0x0  }
0xec: {  	s10 =	simm.s32 $0x1000;
	[sflag:s18] =	ssyncadd.s32 $0xFFFFFC00  }
0xed: {  	[tilespmem:s10], [sflag:$0x2] =	stream.indirect.gather [hbm4b:s1+s21], $0x1, s7, s21, $0x2000b8;
	[tilespmem:$0x1E580] =	vst v63  }
0xee: {  	s17 =	simm.s32 $0x1080  }
0xef: {  	[tilespmem:s17], [sflag:$0x2] =	stream.indirect.gather [hbm4b:s1+s21], $0x1, s21, s21, $0x2000b8;
	[tilespmem:$0x1E580] =	vst v63  }
0xf0: {  	s13 =	simm.s32 $0x1100  }
0xf1: {  	[tilespmem:s13], [sflag:$0x2] =	stream.indirect.gather [hbm4b:s1+s21], $0x1, s15, s21, $0x2000b8;
	[tilespmem:$0x1E580] =	vst v63  }
0xf2: {  	s29 =	simm.s32 $0x1180  }
0xf3: {  	[tilespmem:s29], [sflag:$0x2] =	stream.indirect.gather [hbm4b:s1+s21], $0x1, s26, s21, $0x2000b8;
	[tilespmem:$0x1E580] =	vst v63  }
0xf4: {  	s16 =	simm.s32 $0x200;
	s31 =	simm.s32 $0x1200  }
0xf5: {  	[tilespmem:s31], [sflag:$0x2] =	stream.indirect.gather [hbm4b:s1+s21], $0x1, s16, s21, $0x2000b8;
	[tilespmem:$0x1E580] =	vst v63  }
0xf6: {  	s20 =	simm.s32 $0x280;
	s16 =	simm.s32 $0x1280  }
0xf7: {  	[tilespmem:s16], [sflag:$0x2] =	stream.indirect.gather [hbm4b:s1+s21], $0x1, s20, s21, $0x2000b8;
	[tilespmem:$0x1E580] =	vst v63  }
0xf8: {  	s24 =	simm.s32 $0x300;
	s12 =	simm.s32 $0x1300  }
0xf9: {  	[tilespmem:s12], [sflag:$0x2] =	stream.indirect.gather [hbm4b:s1+s21], $0x1, s24, s21, $0x2000b8;
	[tilespmem:$0x1E580] =	vst v63  }
0xfa: {  	s4 =	simm.s32 $0x380;
	s20 =	simm.s32 $0x1380  }
0xfb: {  	[tilespmem:s20], [sflag:$0x2] =	stream.indirect.gather [hbm4b:s1+s21], $0x1, s4, s21, $0x2000b8;
	[tilespmem:$0x1E580] =	vst v63  }
0xfc: {  	_ =	swait.ge [sflag:s14], $0x80  }
0xfd: {  	[sflag:s14] =	ssyncset.done $0x0  }
0xfe: {  	[sflag:s14] =	ssyncadd.s32 $0xFFFFFF80  }
0xff: {  	_ =	swait.ge [sflag:s14], $0x80  }
0x100: {  	[sflag:s14] =	ssyncset.done $0x0  }
0x101: {  	[sflag:s14] =	ssyncadd.s32 $0xFFFFFF80  }
0x102: {  	_ =	swait.ge [sflag:s14], $0x80  }
0x103: {  	[sflag:s14] =	ssyncset.done $0x0  }
0x104: {  	[sflag:s14] =	ssyncadd.s32 $0xFFFFFF80  }
0x105: {  	_ =	swait.ge [sflag:s14], $0x80  }
0x106: {  	[sflag:s14] =	ssyncset.done $0x0  }
0x107: {  	[sflag:s14] =	ssyncadd.s32 $0xFFFFFF80  }
0x108: {  	_ =	swait.ge [sflag:s14], $0x80  }
0x109: {  	[sflag:s14] =	ssyncset.done $0x0  }
0x10a: {  	[sflag:s14] =	ssyncadd.s32 $0xFFFFFF80  }
0x10b: {  	_ =	swait.ge [sflag:s14], $0x80  }
0x10c: {  	[sflag:s14] =	ssyncset.done $0x0  }
0x10d: {  	[sflag:s14] =	ssyncadd.s32 $0xFFFFFF80  }
0x10e: {  	_ =	swait.ge [sflag:s14], $0x80  }
0x10f: {  	[sflag:s14] =	ssyncset.done $0x0  }
0x110: {  	[sflag:s14] =	ssyncadd.s32 $0xFFFFFF80  }
0x111: {  	_ =	swait.ge [sflag:s14], $0x80  }
0x112: {  	[sflag:s14] =	ssyncset.done $0x0;
	s15 =	rddreg [dreg:$0x18]  }
0x113: {  	s4 =	simm.s32 $0x400;
	[sflag:s14] =	ssyncadd.s32 $0xFFFFFF80;
	s9 =	sadd.s32 $0xFFFF6000, s15  }
0x114: {  	[tilespmem:s4], [sflag:$0x1] =	stream.linear.gather [hbm4b:s9+s7], $0x400, $0x200038;
	[tilespmem:$0x1E580] =	vst v63  }
0x115: {  	_ = 	snop  }
0x116: {  	[tilespmem:s19], [sflag:$0x1] =	stream.linear.gather [hbm4b:s15+s7], $0x400, $0x200038;
	[tilespmem:$0x1E580] =	vst v63  }
0x117: {  	_ =	swait.ge [sflag:s28], $0x400  }
0x118: {  	[sflag:s28] =	ssyncset.done $0x0  }
0x119: {  	[sflag:s28] =	ssyncadd.s32 $0xFFFFFC00  }
0x11a: {  	_ =	swait.ge [sflag:s28], $0x400  }
0x11b: {  	[sflag:s28] =	ssyncset.done $0x0  }
0x11c: {  	s30 =	simm.s32 $0x1400;
	[sflag:s28] =	ssyncadd.s32 $0xFFFFFC00  }
0x11d: {  	[tilespmem:s30], [sflag:$0x3] =	stream.indirect.gather [hbm4b:s1+s21], $0x1, s4, s21, $0x2000b8;
	[tilespmem:$0x1E580] =	vst v63  }
0x11e: {  	s19 =	simm.s32 $0x1480;
	s9 =	rddreg [dreg:$0x9]  }
0x11f: {  	[tilespmem:s19], [sflag:$0x3] =	stream.indirect.gather [hbm4b:s1+s21], $0x1, s9, s21, $0x2000b8;
	[tilespmem:$0x1E580] =	vst v63  }
0x120: {  	s4 =	rddreg [dreg:$0xa];
	s9 =	simm.s32 $0x1500  }
0x121: {  	[tilespmem:s9], [sflag:$0x3] =	stream.indirect.gather [hbm4b:s1+s21], $0x1, s4, s21, $0x2000b8;
	[tilespmem:$0x1E580] =	vst v63  }
0x122: {  	s3 =	rddreg [dreg:$0xb];
	s9 =	simm.s32 $0x1580  }
0x123: {  	[tilespmem:s9], [sflag:$0x3] =	stream.indirect.gather [hbm4b:s1+s21], $0x1, s3, s21, $0x2000b8;
	[tilespmem:$0x1E580] =	vst v63  }
0x124: {  	s4 =	rddreg [dreg:$0xc];
	s9 =	simm.s32 $0x1600  }
0x125: {  	[tilespmem:s9], [sflag:$0x3] =	stream.indirect.gather [hbm4b:s1+s21], $0x1, s4, s21, $0x2000b8;
	[tilespmem:$0x1E580] =	vst v63  }
0x126: {  	s3 =	rddreg [dreg:$0xd];
	s9 =	simm.s32 $0x1680  }
0x127: {  	[tilespmem:s9], [sflag:$0x3] =	stream.indirect.gather [hbm4b:s1+s21], $0x1, s3, s21, $0x2000b8;
	[tilespmem:$0x1E580] =	vst v63  }
0x128: {  	s4 =	rddreg [dreg:$0xe];
	s9 =	simm.s32 $0x1700  }
0x129: {  	[tilespmem:s9], [sflag:$0x3] =	stream.indirect.gather [hbm4b:s1+s21], $0x1, s4, s21, $0x2000b8;
	[tilespmem:$0x1E580] =	vst v63  }
0x12a: {  	s3 =	rddreg [dreg:$0xf];
	s9 =	simm.s32 $0x1780  }
0x12b: {  	[tilespmem:s9], [sflag:$0x3] =	stream.indirect.gather [hbm4b:s1+s21], $0x1, s3, s21, $0x2000b8;
	[tilespmem:$0x1E580] =	vst v63  }
0x12c: {  	_ = 	snop  }
0x12d: {  	[tilespmem:s11], [sflag:$0x4] =	stream.indirect.gather [hbm4b:s2+s21], $0x80, s10, s21, $0x2000b8;
	[tilespmem:$0x1E580] =	vst v63  }
0x12e: {  	_ = 	snop  }
0x12f: {  	[tilespmem:s8], [sflag:$0x5] =	stream.indirect.gather [hbm4b:s2+s21], $0x80, s17, s21, $0x2000b8;
	[tilespmem:$0x1E580] =	vst v63  }
0x130: {  	_ =	swait.ge [sflag:s22], $0x4000  }
0x131: {  	[sflag:s22] =	ssyncset.done $0x0  }
0x132: {  	s24 =	simm.s32 $0x800;
	[sflag:s22] =	ssyncadd.s32 $0xFFFFC000  }
0x133: {  	[spmem:s5] =	stream.indirect.scatter.add.f32 [tilespmem:s11], [sflag:$0x6], $0x80, s24, s21, $0x2000b8;
	[tilespmem:$0x1E580] =	vst v63  }
0x134: {  	_ =	swait.ge [sflag:s18], $0x4000  }
0x135: {  	[sflag:s18] =	ssyncset.done $0x0  }
0x136: {  	[sflag:s18] =	ssyncadd.s32 $0xFFFFC000  }
0x137: {  	[spmem:s6] =	stream.indirect.scatter.add.f32 [tilespmem:s23], [sflag:$0x6], $0x1, s24, s21, $0x2000b8;
	[tilespmem:$0x1E580] =	vst v63  }
0x138: {  	_ =	swait.ge [sflag:s18], $0x80  }
0x139: {  	[sflag:s18] =	ssyncset.done $0x0  }
0x13a: {  	[sflag:s18] =	ssyncadd.s32 $0xFFFFFF80  }
0x13b: {  	[tilespmem:s11], [sflag:$0x4] =	stream.indirect.gather [hbm4b:s2+s21], $0x80, s13, s21, $0x2000b8;
	[tilespmem:$0x1E580] =	vst v63  }
0x13c: {  	_ =	swait.ge [sflag:s25], $0x4000  }
0x13d: {  	[sflag:s25] =	ssyncset.done $0x0  }
0x13e: {  	s13 =	simm.s32 $0x880;
	[sflag:s25] =	ssyncadd.s32 $0xFFFFC000  }
0x13f: {  	[spmem:s5] =	stream.indirect.scatter.add.f32 [tilespmem:s8], [sflag:$0x6], $0x80, s13, s21, $0x2000b8;
	[tilespmem:$0x1E580] =	vst v63  }
0x140: {  	_ =	swait.ge [sflag:s18], $0x4000  }
0x141: {  	[sflag:s18] =	ssyncset.done $0x0  }
0x142: {  	[sflag:s18] =	ssyncadd.s32 $0xFFFFC000  }
0x143: {  	[spmem:s6] =	stream.indirect.scatter.add.f32 [tilespmem:s23], [sflag:$0x6], $0x1, s13, s21, $0x2000b8;
	[tilespmem:$0x1E580] =	vst v63  }
0x144: {  	_ =	swait.ge [sflag:s18], $0x80  }
0x145: {  	[sflag:s18] =	ssyncset.done $0x0  }
0x146: {  	[sflag:s18] =	ssyncadd.s32 $0xFFFFFF80  }
0x147: {  	[tilespmem:s8], [sflag:$0x5] =	stream.indirect.gather [hbm4b:s2+s21], $0x80, s29, s21, $0x2000b8;
	[tilespmem:$0x1E580] =	vst v63  }
0x148: {  	_ =	swait.ge [sflag:s22], $0x4000  }
0x149: {  	[sflag:s22] =	ssyncset.done $0x0  }
0x14a: {  	s4 =	simm.s32 $0x900;
	[sflag:s22] =	ssyncadd.s32 $0xFFFFC000  }
0x14b: {  	[spmem:s5] =	stream.indirect.scatter.add.f32 [tilespmem:s11], [sflag:$0x6], $0x80, s4, s21, $0x2000b8;
	[tilespmem:$0x1E580] =	vst v63  }
0x14c: {  	_ =	swait.ge [sflag:s18], $0x4000  }
0x14d: {  	[sflag:s18] =	ssyncset.done $0x0  }
0x14e: {  	[sflag:s18] =	ssyncadd.s32 $0xFFFFC000  }
0x14f: {  	[spmem:s6] =	stream.indirect.scatter.add.f32 [tilespmem:s23], [sflag:$0x6], $0x1, s4, s21, $0x2000b8;
	[tilespmem:$0x1E580] =	vst v63  }
0x150: {  	_ =	swait.ge [sflag:s18], $0x80  }
0x151: {  	[sflag:s18] =	ssyncset.done $0x0  }
0x152: {  	[sflag:s18] =	ssyncadd.s32 $0xFFFFFF80  }
0x153: {  	[tilespmem:s11], [sflag:$0x4] =	stream.indirect.gather [hbm4b:s2+s21], $0x80, s31, s21, $0x2000b8;
	[tilespmem:$0x1E580] =	vst v63  }
0x154: {  	_ =	swait.ge [sflag:s25], $0x4000  }
0x155: {  	[sflag:s25] =	ssyncset.done $0x0  }
0x156: {  	s9 =	simm.s32 $0x980;
	[sflag:s25] =	ssyncadd.s32 $0xFFFFC000  }
0x157: {  	[spmem:s5] =	stream.indirect.scatter.add.f32 [tilespmem:s8], [sflag:$0x6], $0x80, s9, s21, $0x2000b8;
	[tilespmem:$0x1E580] =	vst v63  }
0x158: {  	_ =	swait.ge [sflag:s18], $0x4000  }
0x159: {  	[sflag:s18] =	ssyncset.done $0x0  }
0x15a: {  	[sflag:s18] =	ssyncadd.s32 $0xFFFFC000  }
0x15b: {  	[spmem:s6] =	stream.indirect.scatter.add.f32 [tilespmem:s23], [sflag:$0x6], $0x1, s9, s21, $0x2000b8;
	[tilespmem:$0x1E580] =	vst v63  }
0x15c: {  	_ =	swait.ge [sflag:s18], $0x80  }
0x15d: {  	[sflag:s18] =	ssyncset.done $0x0  }
0x15e: {  	[sflag:s18] =	ssyncadd.s32 $0xFFFFFF80  }
0x15f: {  	[tilespmem:s8], [sflag:$0x5] =	stream.indirect.gather [hbm4b:s2+s21], $0x80, s16, s21, $0x2000b8;
	[tilespmem:$0x1E580] =	vst v63  }
0x160: {  	_ =	swait.ge [sflag:s22], $0x4000  }
0x161: {  	[sflag:s22] =	ssyncset.done $0x0  }
0x162: {  	s13 =	simm.s32 $0xA00;
	[sflag:s22] =	ssyncadd.s32 $0xFFFFC000  }
0x163: {  	[spmem:s5] =	stream.indirect.scatter.add.f32 [tilespmem:s11], [sflag:$0x6], $0x80, s13, s21, $0x2000b8;
	[tilespmem:$0x1E580] =	vst v63  }
0x164: {  	_ =	swait.ge [sflag:s18], $0x4000  }
0x165: {  	[sflag:s18] =	ssyncset.done $0x0  }
0x166: {  	[sflag:s18] =	ssyncadd.s32 $0xFFFFC000  }
0x167: {  	[spmem:s6] =	stream.indirect.scatter.add.f32 [tilespmem:s23], [sflag:$0x6], $0x1, s13, s21, $0x2000b8;
	[tilespmem:$0x1E580] =	vst v63  }
0x168: {  	_ =	swait.ge [sflag:s18], $0x80  }
0x169: {  	[sflag:s18] =	ssyncset.done $0x0  }
0x16a: {  	[sflag:s18] =	ssyncadd.s32 $0xFFFFFF80  }
0x16b: {  	[tilespmem:s11], [sflag:$0x4] =	stream.indirect.gather [hbm4b:s2+s21], $0x80, s12, s21, $0x2000b8;
	[tilespmem:$0x1E580] =	vst v63  }
0x16c: {  	_ =	swait.ge [sflag:s25], $0x4000  }
0x16d: {  	[sflag:s25] =	ssyncset.done $0x0  }
0x16e: {  	s4 =	simm.s32 $0xA80;
	[sflag:s25] =	ssyncadd.s32 $0xFFFFC000  }
0x16f: {  	[spmem:s5] =	stream.indirect.scatter.add.f32 [tilespmem:s8], [sflag:$0x6], $0x80, s4, s21, $0x2000b8;
	[tilespmem:$0x1E580] =	vst v63  }
0x170: {  	_ =	swait.ge [sflag:s18], $0x4000  }
0x171: {  	[sflag:s18] =	ssyncset.done $0x0  }
0x172: {  	[sflag:s18] =	ssyncadd.s32 $0xFFFFC000  }
0x173: {  	[spmem:s6] =	stream.indirect.scatter.add.f32 [tilespmem:s23], [sflag:$0x6], $0x1, s4, s21, $0x2000b8;
	[tilespmem:$0x1E580] =	vst v63  }
0x174: {  	_ =	swait.ge [sflag:s18], $0x80  }
0x175: {  	[sflag:s18] =	ssyncset.done $0x0  }
0x176: {  	[sflag:s18] =	ssyncadd.s32 $0xFFFFFF80  }
0x177: {  	[tilespmem:s8], [sflag:$0x5] =	stream.indirect.gather [hbm4b:s2+s21], $0x80, s20, s21, $0x2000b8;
	[tilespmem:$0x1E580] =	vst v63  }
0x178: {  	_ =	swait.ge [sflag:s22], $0x4000  }
0x179: {  	[sflag:s22] =	ssyncset.done $0x0  }
0x17a: {  	s13 =	simm.s32 $0xB00;
	[sflag:s22] =	ssyncadd.s32 $0xFFFFC000  }
0x17b: {  	[spmem:s5] =	stream.indirect.scatter.add.f32 [tilespmem:s11], [sflag:$0x6], $0x80, s13, s21, $0x2000b8;
	[tilespmem:$0x1E580] =	vst v63  }
0x17c: {  	_ =	swait.ge [sflag:s18], $0x4000  }
0x17d: {  	[sflag:s18] =	ssyncset.done $0x0  }
0x17e: {  	[sflag:s18] =	ssyncadd.s32 $0xFFFFC000  }
0x17f: {  	[spmem:s6] =	stream.indirect.scatter.add.f32 [tilespmem:s23], [sflag:$0x6], $0x1, s13, s21, $0x2000b8;
	[tilespmem:$0x1E580] =	vst v63  }
0x180: {  	_ =	swait.ge [sflag:s18], $0x80  }
0x181: {  	[sflag:s18] =	ssyncset.done $0x0  }
0x182: {  	[sflag:s18] =	ssyncadd.s32 $0xFFFFFF80  }
0x183: {  	_ =	swait.ge [sflag:s25], $0x4000  }
0x184: {  	[sflag:s25] =	ssyncset.done $0x0  }
0x185: {  	s4 =	simm.s32 $0xB80;
	[sflag:s25] =	ssyncadd.s32 $0xFFFFC000  }
0x186: {  	[spmem:s5] =	stream.indirect.scatter.add.f32 [tilespmem:s8], [sflag:$0x6], $0x80, s4, s21, $0x2000b8;
	[tilespmem:$0x1E580] =	vst v63  }
0x187: {  	_ =	swait.ge [sflag:s18], $0x4000  }
0x188: {  	[sflag:s18] =	ssyncset.done $0x0  }
0x189: {  	[sflag:s18] =	ssyncadd.s32 $0xFFFFC000  }
0x18a: {  	[spmem:s6] =	stream.indirect.scatter.add.f32 [tilespmem:s23], [sflag:$0x6], $0x1, s4, s21, $0x2000b8;
	[tilespmem:$0x1E580] =	vst v63  }
0x18b: {  	_ =	swait.ge [sflag:s18], $0x80  }
0x18c: {  	[sflag:s18] =	ssyncset.done $0x0  }
0x18d: {  	[sflag:s18] =	ssyncadd.s32 $0xFFFFFF80  }
0x18e: {  	_ =	swait.ge [sflag:s0], $0x80  }
0x18f: {  	[sflag:s0] =	ssyncset.done $0x0  }
0x190: {  	[sflag:s0] =	ssyncadd.s32 $0xFFFFFF80  }
0x191: {  	_ =	swait.ge [sflag:s0], $0x80  }
0x192: {  	[sflag:s0] =	ssyncset.done $0x0  }
0x193: {  	[sflag:s0] =	ssyncadd.s32 $0xFFFFFF80  }
0x194: {  	_ =	swait.ge [sflag:s0], $0x80  }
0x195: {  	[sflag:s0] =	ssyncset.done $0x0  }
0x196: {  	[sflag:s0] =	ssyncadd.s32 $0xFFFFFF80  }
0x197: {  	_ =	swait.ge [sflag:s0], $0x80  }
0x198: {  	[sflag:s0] =	ssyncset.done $0x0  }
0x199: {  	[sflag:s0] =	ssyncadd.s32 $0xFFFFFF80  }
0x19a: {  	_ =	swait.ge [sflag:s0], $0x80  }
0x19b: {  	[sflag:s0] =	ssyncset.done $0x0  }
0x19c: {  	[sflag:s0] =	ssyncadd.s32 $0xFFFFFF80  }
0x19d: {  	_ =	swait.ge [sflag:s0], $0x80  }
0x19e: {  	[sflag:s0] =	ssyncset.done $0x0  }
0x19f: {  	[sflag:s0] =	ssyncadd.s32 $0xFFFFFF80  }
0x1a0: {  	_ =	swait.ge [sflag:s0], $0x80  }
0x1a1: {  	[sflag:s0] =	ssyncset.done $0x0  }
0x1a2: {  	[sflag:s0] =	ssyncadd.s32 $0xFFFFFF80  }
0x1a3: {  	_ =	swait.ge [sflag:s0], $0x80  }
0x1a4: {  	s13 =	rddreg [dreg:$0x8]  }
0x1a5: {  	s4 =	rddreg [dreg:$0x10];
	s3 =	sadd.s32 $0x10, s13  }
0x1a6: {  	[sflag:s0] =	ssyncset.done $0x0;
	p0 =	slt.s32 s3, s4  }
0x1a7: {  	[sflag:s0] =	ssyncadd.s32 $0xFFFFFF80;
	s4 =	smov.u32 @p0 s3  }
0x1a8: {  	s13 =	rddreg [dreg:$0x0];
	s3 =	sshll.u32 s4, $0x4  }
0x1a9: {  	s4 =	rddreg [dreg:$0x7];
	s13 =	sadd.s32 s13, s3  }
0x1aa: {  	[tilespmem:s7], [sflag:$0x1] =	stream.linear.gather [hbm4b:s13+s7], $0x400, $0x200038;
	[tilespmem:$0x1E580] =	vst v63  }
0x1ab: {  	s3 =	sadd.s32 s3, s4  }
0x1ac: {  	[tilespmem:s24], [sflag:$0x1] =	stream.linear.gather [hbm4b:s3+s7], $0x400, $0x200038;
	[tilespmem:$0x1E580] =	vst v63  }
0x1ad: {  	_ =	swait.ge [sflag:s28], $0x400  }
0x1ae: {  	[sflag:s28] =	ssyncset.done $0x0  }
0x1af: {  	[sflag:s28] =	ssyncadd.s32 $0xFFFFFC00  }
0x1b0: {  	_ =	swait.ge [sflag:s28], $0x400  }
0x1b1: {  	[sflag:s28] =	ssyncset.done $0x0  }
0x1b2: {  	[sflag:s28] =	ssyncadd.s32 $0xFFFFFC00  }
0x1b3: {  	[tilespmem:s10], [sflag:$0x2] =	stream.indirect.gather [hbm4b:s1+s21], $0x1, s7, s21, $0x2000b8;
	[tilespmem:$0x1E580] =	vst v63  }
0x1b4: {  	_ = 	snop  }
0x1b5: {  	[tilespmem:s17], [sflag:$0x2] =	stream.indirect.gather [hbm4b:s1+s21], $0x1, s21, s21, $0x2000b8;
	[tilespmem:$0x1E580] =	vst v63  }
0x1b6: {  	s13 =	simm.s32 $0x1100;
	s17 =	simm.s32 $0x100  }
0x1b7: {  	[tilespmem:s13], [sflag:$0x2] =	stream.indirect.gather [hbm4b:s1+s21], $0x1, s17, s21, $0x2000b8;
	[tilespmem:$0x1E580] =	vst v63  }
0x1b8: {  	_ = 	snop  }
0x1b9: {  	[tilespmem:s29], [sflag:$0x2] =	stream.indirect.gather [hbm4b:s1+s21], $0x1, s26, s21, $0x2000b8;
	[tilespmem:$0x1E580] =	vst v63  }
0x1ba: {  	s24 =	simm.s32 $0x200  }
0x1bb: {  	[tilespmem:s31], [sflag:$0x2] =	stream.indirect.gather [hbm4b:s1+s21], $0x1, s24, s21, $0x2000b8;
	[tilespmem:$0x1E580] =	vst v63  }
0x1bc: {  	s26 =	simm.s32 $0x280  }
0x1bd: {  	[tilespmem:s16], [sflag:$0x2] =	stream.indirect.gather [hbm4b:s1+s21], $0x1, s26, s21, $0x2000b8;
	[tilespmem:$0x1E580] =	vst v63  }
0x1be: {  	s29 =	simm.s32 $0x300  }
0x1bf: {  	[tilespmem:s12], [sflag:$0x2] =	stream.indirect.gather [hbm4b:s1+s21], $0x1, s29, s21, $0x2000b8;
	[tilespmem:$0x1E580] =	vst v63  }
0x1c0: {  	s31 =	simm.s32 $0x380  }
0x1c1: {  	[tilespmem:s20], [sflag:$0x2] =	stream.indirect.gather [hbm4b:s1+s21], $0x1, s31, s21, $0x2000b8;
	[tilespmem:$0x1E580] =	vst v63  }
0x1c2: {  	_ = 	snop  }
0x1c3: {  	[tilespmem:s11], [sflag:$0x4] =	stream.indirect.gather [hbm4b:s2+s21], $0x80, s30, s21, $0x2000b8;
	[tilespmem:$0x1E580] =	vst v63  }
0x1c4: {  	_ = 	snop  }
0x1c5: {  	[tilespmem:s8], [sflag:$0x5] =	stream.indirect.gather [hbm4b:s2+s21], $0x80, s19, s21, $0x2000b8;
	[tilespmem:$0x1E580] =	vst v63  }
0x1c6: {  	_ =	swait.ge [sflag:s22], $0x4000  }
0x1c7: {  	[sflag:s22] =	ssyncset.done $0x0  }
0x1c8: {  	s9 =	simm.s32 $0xC00;
	[sflag:s22] =	ssyncadd.s32 $0xFFFFC000  }
0x1c9: {  	[spmem:s5] =	stream.indirect.scatter.add.f32 [tilespmem:s11], [sflag:$0x6], $0x80, s9, s21, $0x2000b8;
	[tilespmem:$0x1E580] =	vst v63  }
0x1ca: {  	_ =	swait.ge [sflag:s18], $0x4000  }
0x1cb: {  	[sflag:s18] =	ssyncset.done $0x0  }
0x1cc: {  	[sflag:s18] =	ssyncadd.s32 $0xFFFFC000  }
0x1cd: {  	[spmem:s6] =	stream.indirect.scatter.add.f32 [tilespmem:s23], [sflag:$0x6], $0x1, s9, s21, $0x2000b8;
	[tilespmem:$0x1E580] =	vst v63  }
0x1ce: {  	_ =	swait.ge [sflag:s18], $0x80  }
0x1cf: {  	[sflag:s18] =	ssyncset.done $0x0  }
0x1d0: {  	s4 =	simm.s32 $0x1500;
	[sflag:s18] =	ssyncadd.s32 $0xFFFFFF80  }
0x1d1: {  	[tilespmem:s11], [sflag:$0x4] =	stream.indirect.gather [hbm4b:s2+s21], $0x80, s4, s21, $0x2000b8;
	[tilespmem:$0x1E580] =	vst v63  }
0x1d2: {  	_ =	swait.ge [sflag:s25], $0x4000  }
0x1d3: {  	[sflag:s25] =	ssyncset.done $0x0  }
0x1d4: {  	s9 =	simm.s32 $0xC80;
	[sflag:s25] =	ssyncadd.s32 $0xFFFFC000  }
0x1d5: {  	[spmem:s5] =	stream.indirect.scatter.add.f32 [tilespmem:s8], [sflag:$0x6], $0x80, s9, s21, $0x2000b8;
	[tilespmem:$0x1E580] =	vst v63  }
0x1d6: {  	_ =	swait.ge [sflag:s18], $0x4000  }
0x1d7: {  	[sflag:s18] =	ssyncset.done $0x0  }
0x1d8: {  	[sflag:s18] =	ssyncadd.s32 $0xFFFFC000  }
0x1d9: {  	[spmem:s6] =	stream.indirect.scatter.add.f32 [tilespmem:s23], [sflag:$0x6], $0x1, s9, s21, $0x2000b8;
	[tilespmem:$0x1E580] =	vst v63  }
0x1da: {  	_ =	swait.ge [sflag:s18], $0x80  }
0x1db: {  	[sflag:s18] =	ssyncset.done $0x0  }
0x1dc: {  	s10 =	simm.s32 $0x1580;
	[sflag:s18] =	ssyncadd.s32 $0xFFFFFF80  }
0x1dd: {  	[tilespmem:s8], [sflag:$0x5] =	stream.indirect.gather [hbm4b:s2+s21], $0x80, s10, s21, $0x2000b8;
	[tilespmem:$0x1E580] =	vst v63  }
0x1de: {  	_ =	swait.ge [sflag:s22], $0x4000  }
0x1df: {  	[sflag:s22] =	ssyncset.done $0x0  }
0x1e0: {  	s12 =	simm.s32 $0xD00;
	[sflag:s22] =	ssyncadd.s32 $0xFFFFC000  }
0x1e1: {  	[spmem:s5] =	stream.indirect.scatter.add.f32 [tilespmem:s11], [sflag:$0x6], $0x80, s12, s21, $0x2000b8;
	[tilespmem:$0x1E580] =	vst v63  }
0x1e2: {  	_ =	swait.ge [sflag:s18], $0x4000  }
0x1e3: {  	[sflag:s18] =	ssyncset.done $0x0  }
0x1e4: {  	[sflag:s18] =	ssyncadd.s32 $0xFFFFC000  }
0x1e5: {  	[spmem:s6] =	stream.indirect.scatter.add.f32 [tilespmem:s23], [sflag:$0x6], $0x1, s12, s21, $0x2000b8;
	[tilespmem:$0x1E580] =	vst v63  }
0x1e6: {  	_ =	swait.ge [sflag:s18], $0x80  }
0x1e7: {  	[sflag:s18] =	ssyncset.done $0x0  }
0x1e8: {  	s13 =	simm.s32 $0x1600;
	[sflag:s18] =	ssyncadd.s32 $0xFFFFFF80  }
0x1e9: {  	[tilespmem:s11], [sflag:$0x4] =	stream.indirect.gather [hbm4b:s2+s21], $0x80, s13, s21, $0x2000b8;
	[tilespmem:$0x1E580] =	vst v63  }
0x1ea: {  	_ =	swait.ge [sflag:s25], $0x4000  }
0x1eb: {  	[sflag:s25] =	ssyncset.done $0x0  }
0x1ec: {  	s16 =	simm.s32 $0xD80;
	[sflag:s25] =	ssyncadd.s32 $0xFFFFC000  }
0x1ed: {  	[spmem:s5] =	stream.indirect.scatter.add.f32 [tilespmem:s8], [sflag:$0x6], $0x80, s16, s21, $0x2000b8;
	[tilespmem:$0x1E580] =	vst v63  }
0x1ee: {  	_ =	swait.ge [sflag:s18], $0x4000  }
0x1ef: {  	[sflag:s18] =	ssyncset.done $0x0  }
0x1f0: {  	[sflag:s18] =	ssyncadd.s32 $0xFFFFC000  }
0x1f1: {  	[spmem:s6] =	stream.indirect.scatter.add.f32 [tilespmem:s23], [sflag:$0x6], $0x1, s16, s21, $0x2000b8;
	[tilespmem:$0x1E580] =	vst v63  }
0x1f2: {  	_ =	swait.ge [sflag:s18], $0x80  }
0x1f3: {  	[sflag:s18] =	ssyncset.done $0x0  }
0x1f4: {  	s17 =	simm.s32 $0x1680;
	[sflag:s18] =	ssyncadd.s32 $0xFFFFFF80  }
0x1f5: {  	[tilespmem:s8], [sflag:$0x5] =	stream.indirect.gather [hbm4b:s2+s21], $0x80, s17, s21, $0x2000b8;
	[tilespmem:$0x1E580] =	vst v63  }
0x1f6: {  	_ =	swait.ge [sflag:s22], $0x4000  }
0x1f7: {  	[sflag:s22] =	ssyncset.done $0x0  }
0x1f8: {  	s19 =	simm.s32 $0xE00;
	[sflag:s22] =	ssyncadd.s32 $0xFFFFC000  }
0x1f9: {  	[spmem:s5] =	stream.indirect.scatter.add.f32 [tilespmem:s11], [sflag:$0x6], $0x80, s19, s21, $0x2000b8;
	[tilespmem:$0x1E580] =	vst v63  }
0x1fa: {  	_ =	swait.ge [sflag:s18], $0x4000  }
0x1fb: {  	[sflag:s18] =	ssyncset.done $0x0  }
0x1fc: {  	[sflag:s18] =	ssyncadd.s32 $0xFFFFC000  }
0x1fd: {  	[spmem:s6] =	stream.indirect.scatter.add.f32 [tilespmem:s23], [sflag:$0x6], $0x1, s19, s21, $0x2000b8;
	[tilespmem:$0x1E580] =	vst v63  }
0x1fe: {  	_ =	swait.ge [sflag:s18], $0x80  }
0x1ff: {  	[sflag:s18] =	ssyncset.done $0x0  }
0x200: {  	s20 =	simm.s32 $0x1700;
	[sflag:s18] =	ssyncadd.s32 $0xFFFFFF80  }
0x201: {  	[tilespmem:s11], [sflag:$0x4] =	stream.indirect.gather [hbm4b:s2+s21], $0x80, s20, s21, $0x2000b8;
	[tilespmem:$0x1E580] =	vst v63  }
0x202: {  	_ =	swait.ge [sflag:s25], $0x4000  }
0x203: {  	[sflag:s25] =	ssyncset.done $0x0  }
0x204: {  	s24 =	simm.s32 $0xE80;
	[sflag:s25] =	ssyncadd.s32 $0xFFFFC000  }
0x205: {  	[spmem:s5] =	stream.indirect.scatter.add.f32 [tilespmem:s8], [sflag:$0x6], $0x80, s24, s21, $0x2000b8;
	[tilespmem:$0x1E580] =	vst v63  }
0x206: {  	_ =	swait.ge [sflag:s18], $0x4000  }
0x207: {  	[sflag:s18] =	ssyncset.done $0x0  }
0x208: {  	[sflag:s18] =	ssyncadd.s32 $0xFFFFC000  }
0x209: {  	[spmem:s6] =	stream.indirect.scatter.add.f32 [tilespmem:s23], [sflag:$0x6], $0x1, s24, s21, $0x2000b8;
	[tilespmem:$0x1E580] =	vst v63  }
0x20a: {  	_ =	swait.ge [sflag:s18], $0x80  }
0x20b: {  	[sflag:s18] =	ssyncset.done $0x0  }
0x20c: {  	s26 =	simm.s32 $0x1780;
	[sflag:s18] =	ssyncadd.s32 $0xFFFFFF80  }
0x20d: {  	[tilespmem:s8], [sflag:$0x5] =	stream.indirect.gather [hbm4b:s2+s21], $0x80, s26, s21, $0x2000b8;
	[tilespmem:$0x1E580] =	vst v63  }
0x20e: {  	_ =	swait.ge [sflag:s22], $0x4000  }
0x20f: {  	[sflag:s22] =	ssyncset.done $0x0  }
0x210: {  	s29 =	simm.s32 $0xF00;
	[sflag:s22] =	ssyncadd.s32 $0xFFFFC000  }
0x211: {  	[spmem:s5] =	stream.indirect.scatter.add.f32 [tilespmem:s11], [sflag:$0x6], $0x80, s29, s21, $0x2000b8;
	[tilespmem:$0x1E580] =	vst v63  }
0x212: {  	_ =	swait.ge [sflag:s18], $0x4000  }
0x213: {  	[sflag:s18] =	ssyncset.done $0x0  }
0x214: {  	[sflag:s18] =	ssyncadd.s32 $0xFFFFC000  }
0x215: {  	[spmem:s6] =	stream.indirect.scatter.add.f32 [tilespmem:s23], [sflag:$0x6], $0x1, s29, s21, $0x2000b8;
	[tilespmem:$0x1E580] =	vst v63  }
0x216: {  	_ =	swait.ge [sflag:s18], $0x80  }
0x217: {  	[sflag:s18] =	ssyncset.done $0x0  }
0x218: {  	[sflag:s18] =	ssyncadd.s32 $0xFFFFFF80  }
0x219: {  	_ =	swait.ge [sflag:s25], $0x4000  }
0x21a: {  	[sflag:s25] =	ssyncset.done $0x0  }
0x21b: {  	s31 =	simm.s32 $0xF80;
	[sflag:s25] =	ssyncadd.s32 $0xFFFFC000  }
0x21c: {  	[spmem:s5] =	stream.indirect.scatter.add.f32 [tilespmem:s8], [sflag:$0x6], $0x80, s31, s21, $0x2000b8;
	[tilespmem:$0x1E580] =	vst v63  }
0x21d: {  	_ =	swait.ge [sflag:s18], $0x4000  }
0x21e: {  	[sflag:s18] =	ssyncset.done $0x0  }
0x21f: {  	[sflag:s18] =	ssyncadd.s32 $0xFFFFC000  }
0x220: {  	[spmem:s6] =	stream.indirect.scatter.add.f32 [tilespmem:s23], [sflag:$0x6], $0x1, s31, s21, $0x2000b8;
	[tilespmem:$0x1E580] =	vst v63  }
0x221: {  	_ =	swait.ge [sflag:s18], $0x80  }
0x222: {  	[sflag:s18] =	ssyncset.done $0x0  }
0x223: {  	[sflag:s18] =	ssyncadd.s32 $0xFFFFFF80  }
0x224: {  	_ =	swait.ge [sflag:s14], $0x80  }
0x225: {  	[sflag:s14] =	ssyncset.done $0x0  }
0x226: {  	[sflag:s14] =	ssyncadd.s32 $0xFFFFFF80  }
0x227: {  	_ =	swait.ge [sflag:s14], $0x80  }
0x228: {  	[sflag:s14] =	ssyncset.done $0x0  }
0x229: {  	[sflag:s14] =	ssyncadd.s32 $0xFFFFFF80  }
0x22a: {  	_ =	swait.ge [sflag:s14], $0x80  }
0x22b: {  	[sflag:s14] =	ssyncset.done $0x0  }
0x22c: {  	[sflag:s14] =	ssyncadd.s32 $0xFFFFFF80  }
0x22d: {  	_ =	swait.ge [sflag:s14], $0x80  }
0x22e: {  	[sflag:s14] =	ssyncset.done $0x0  }
0x22f: {  	[sflag:s14] =	ssyncadd.s32 $0xFFFFFF80  }
0x230: {  	_ =	swait.ge [sflag:s14], $0x80  }
0x231: {  	[sflag:s14] =	ssyncset.done $0x0  }
0x232: {  	[sflag:s14] =	ssyncadd.s32 $0xFFFFFF80  }
0x233: {  	_ =	swait.ge [sflag:s14], $0x80  }
0x234: {  	[sflag:s14] =	ssyncset.done $0x0  }
0x235: {  	[sflag:s14] =	ssyncadd.s32 $0xFFFFFF80  }
0x236: {  	_ =	swait.ge [sflag:s14], $0x80  }
0x237: {  	[sflag:s14] =	ssyncset.done $0x0  }
0x238: {  	[sflag:s14] =	ssyncadd.s32 $0xFFFFFF80  }
0x239: {  	s3 =	simm.s32 $0x30;
	_ =	swait.ge [sflag:s14], $0x80  }
0x23a: {  	s30 =	simm.s32 $0x20;
	s4 =	sadd.s32 $0x100, s15;
	[sflag:s14] =	ssyncset.done $0x0  }
.LBB2_4:
0x23b: {  	s13 =	sadd.s32 $0xFFFF6000, s4;
	[sflag:s14] =	ssyncadd.s32 $0xFFFFFF80;
	s10 =	simm.s32 $0x400  }
0x23c: {  	[tilespmem:s10], [sflag:$0x1] =	stream.linear.gather [hbm4b:s13+s7], $0x400, $0x200038;
	[tilespmem:$0x1E580] =	vst v63  }
0x23d: {  	s9 =	simm.s32 $0xC00  }
0x23e: {  	[tilespmem:s9], [sflag:$0x1] =	stream.linear.gather [hbm4b:s4+s7], $0x400, $0x200038;
	[tilespmem:$0x1E580] =	vst v63  }
0x23f: {  	_ =	swait.ge [sflag:s28], $0x400  }
0x240: {  	[sflag:s28] =	ssyncset.done $0x0  }
0x241: {  	[sflag:s28] =	ssyncadd.s32 $0xFFFFFC00  }
0x242: {  	_ =	swait.ge [sflag:s28], $0x400  }
0x243: {  	[sflag:s28] =	ssyncset.done $0x0  }
0x244: {  	s17 =	simm.s32 $0x1400;
	[sflag:s28] =	ssyncadd.s32 $0xFFFFFC00  }
0x245: {  	[tilespmem:s17], [sflag:$0x3] =	stream.indirect.gather [hbm4b:s1+s21], $0x1, s10, s21, $0x2000b8;
	[tilespmem:$0x1E580] =	vst v63  }
0x246: {  	s20 =	simm.s32 $0x1480;
	s15 =	rddreg [dreg:$0x9]  }
0x247: {  	[tilespmem:s20], [sflag:$0x3] =	stream.indirect.gather [hbm4b:s1+s21], $0x1, s15, s21, $0x2000b8;
	[tilespmem:$0x1E580] =	vst v63  }
0x248: {  	s29 =	simm.s32 $0x1500;
	s16 =	rddreg [dreg:$0xa]  }
0x249: {  	[tilespmem:s29], [sflag:$0x3] =	stream.indirect.gather [hbm4b:s1+s21], $0x1, s16, s21, $0x2000b8;
	[tilespmem:$0x1E580] =	vst v63  }
0x24a: {  	s19 =	rddreg [dreg:$0xb];
	s10 =	simm.s32 $0x1580  }
0x24b: {  	[tilespmem:s10], [sflag:$0x3] =	stream.indirect.gather [hbm4b:s1+s21], $0x1, s19, s21, $0x2000b8;
	[tilespmem:$0x1E580] =	vst v63  }
0x24c: {  	s31 =	rddreg [dreg:$0xc];
	s17 =	simm.s32 $0x1600  }
0x24d: {  	[tilespmem:s17], [sflag:$0x3] =	stream.indirect.gather [hbm4b:s1+s21], $0x1, s31, s21, $0x2000b8;
	[tilespmem:$0x1E580] =	vst v63  }
0x24e: {  	s12 =	rddreg [dreg:$0xd];
	s29 =	simm.s32 $0x1680  }
0x24f: {  	[tilespmem:s29], [sflag:$0x3] =	stream.indirect.gather [hbm4b:s1+s21], $0x1, s12, s21, $0x2000b8;
	[tilespmem:$0x1E580] =	vst v63  }
0x250: {  	s19 =	rddreg [dreg:$0xe];
	s10 =	simm.s32 $0x1700  }
0x251: {  	[tilespmem:s10], [sflag:$0x3] =	stream.indirect.gather [hbm4b:s1+s21], $0x1, s19, s21, $0x2000b8;
	[tilespmem:$0x1E580] =	vst v63  }
0x252: {  	s31 =	rddreg [dreg:$0xf];
	s12 =	simm.s32 $0x1780  }
0x253: {  	[tilespmem:s12], [sflag:$0x3] =	stream.indirect.gather [hbm4b:s1+s21], $0x1, s31, s21, $0x2000b8;
	[tilespmem:$0x1E580] =	vst v63  }
0x254: {  	s24 =	simm.s32 $0x1000  }
0x255: {  	[tilespmem:s11], [sflag:$0x4] =	stream.indirect.gather [hbm4b:s2+s21], $0x80, s24, s21, $0x2000b8;
	[tilespmem:$0x1E580] =	vst v63  }
0x256: {  	s17 =	simm.s32 $0x1080  }
0x257: {  	[tilespmem:s8], [sflag:$0x5] =	stream.indirect.gather [hbm4b:s2+s21], $0x80, s17, s21, $0x2000b8;
	[tilespmem:$0x1E580] =	vst v63  }
0x258: {  	_ =	swait.ge [sflag:s22], $0x4000  }
0x259: {  	[sflag:s22] =	ssyncset.done $0x0  }
0x25a: {  	s24 =	simm.s32 $0x800;
	[sflag:s22] =	ssyncadd.s32 $0xFFFFC000  }
0x25b: {  	[spmem:s5] =	stream.indirect.scatter.add.f32 [tilespmem:s11], [sflag:$0x6], $0x80, s24, s21, $0x2000b8;
	[tilespmem:$0x1E580] =	vst v63  }
0x25c: {  	_ =	swait.ge [sflag:s18], $0x4000  }
0x25d: {  	[sflag:s18] =	ssyncset.done $0x0  }
0x25e: {  	[sflag:s18] =	ssyncadd.s32 $0xFFFFC000  }
0x25f: {  	[spmem:s6] =	stream.indirect.scatter.add.f32 [tilespmem:s23], [sflag:$0x6], $0x1, s24, s21, $0x2000b8;
	[tilespmem:$0x1E580] =	vst v63  }
0x260: {  	_ =	swait.ge [sflag:s18], $0x80  }
0x261: {  	[sflag:s18] =	ssyncset.done $0x0  }
0x262: {  	s26 =	simm.s32 $0x1100;
	[sflag:s18] =	ssyncadd.s32 $0xFFFFFF80  }
0x263: {  	[tilespmem:s11], [sflag:$0x4] =	stream.indirect.gather [hbm4b:s2+s21], $0x80, s26, s21, $0x2000b8;
	[tilespmem:$0x1E580] =	vst v63  }
0x264: {  	_ =	swait.ge [sflag:s25], $0x4000  }
0x265: {  	[sflag:s25] =	ssyncset.done $0x0  }
0x266: {  	s15 =	simm.s32 $0x880;
	[sflag:s25] =	ssyncadd.s32 $0xFFFFC000  }
0x267: {  	[spmem:s5] =	stream.indirect.scatter.add.f32 [tilespmem:s8], [sflag:$0x6], $0x80, s15, s21, $0x2000b8;
	[tilespmem:$0x1E580] =	vst v63  }
0x268: {  	_ =	swait.ge [sflag:s18], $0x4000  }
0x269: {  	[sflag:s18] =	ssyncset.done $0x0  }
0x26a: {  	[sflag:s18] =	ssyncadd.s32 $0xFFFFC000  }
0x26b: {  	[spmem:s6] =	stream.indirect.scatter.add.f32 [tilespmem:s23], [sflag:$0x6], $0x1, s15, s21, $0x2000b8;
	[tilespmem:$0x1E580] =	vst v63  }
0x26c: {  	_ =	swait.ge [sflag:s18], $0x80  }
0x26d: {  	[sflag:s18] =	ssyncset.done $0x0  }
0x26e: {  	s29 =	simm.s32 $0x1180;
	[sflag:s18] =	ssyncadd.s32 $0xFFFFFF80  }
0x26f: {  	[tilespmem:s8], [sflag:$0x5] =	stream.indirect.gather [hbm4b:s2+s21], $0x80, s29, s21, $0x2000b8;
	[tilespmem:$0x1E580] =	vst v63  }
0x270: {  	_ =	swait.ge [sflag:s22], $0x4000  }
0x271: {  	[sflag:s22] =	ssyncset.done $0x0  }
0x272: {  	s16 =	simm.s32 $0x900;
	[sflag:s22] =	ssyncadd.s32 $0xFFFFC000  }
0x273: {  	[spmem:s5] =	stream.indirect.scatter.add.f32 [tilespmem:s11], [sflag:$0x6], $0x80, s16, s21, $0x2000b8;
	[tilespmem:$0x1E580] =	vst v63  }
0x274: {  	_ =	swait.ge [sflag:s18], $0x4000  }
0x275: {  	[sflag:s18] =	ssyncset.done $0x0  }
0x276: {  	[sflag:s18] =	ssyncadd.s32 $0xFFFFC000  }
0x277: {  	[spmem:s6] =	stream.indirect.scatter.add.f32 [tilespmem:s23], [sflag:$0x6], $0x1, s16, s21, $0x2000b8;
	[tilespmem:$0x1E580] =	vst v63  }
0x278: {  	_ =	swait.ge [sflag:s18], $0x80  }
0x279: {  	[sflag:s18] =	ssyncset.done $0x0  }
0x27a: {  	s31 =	simm.s32 $0x1200;
	[sflag:s18] =	ssyncadd.s32 $0xFFFFFF80  }
0x27b: {  	[tilespmem:s11], [sflag:$0x4] =	stream.indirect.gather [hbm4b:s2+s21], $0x80, s31, s21, $0x2000b8;
	[tilespmem:$0x1E580] =	vst v63  }
0x27c: {  	_ =	swait.ge [sflag:s25], $0x4000  }
0x27d: {  	[sflag:s25] =	ssyncset.done $0x0  }
0x27e: {  	s19 =	simm.s32 $0x980;
	[sflag:s25] =	ssyncadd.s32 $0xFFFFC000  }
0x27f: {  	[spmem:s5] =	stream.indirect.scatter.add.f32 [tilespmem:s8], [sflag:$0x6], $0x80, s19, s21, $0x2000b8;
	[tilespmem:$0x1E580] =	vst v63  }
0x280: {  	_ =	swait.ge [sflag:s18], $0x4000  }
0x281: {  	[sflag:s18] =	ssyncset.done $0x0  }
0x282: {  	[sflag:s18] =	ssyncadd.s32 $0xFFFFC000  }
0x283: {  	[spmem:s6] =	stream.indirect.scatter.add.f32 [tilespmem:s23], [sflag:$0x6], $0x1, s19, s21, $0x2000b8;
	[tilespmem:$0x1E580] =	vst v63  }
0x284: {  	_ =	swait.ge [sflag:s18], $0x80  }
0x285: {  	[sflag:s18] =	ssyncset.done $0x0  }
0x286: {  	s12 =	simm.s32 $0x1280;
	[sflag:s18] =	ssyncadd.s32 $0xFFFFFF80  }
0x287: {  	[tilespmem:s8], [sflag:$0x5] =	stream.indirect.gather [hbm4b:s2+s21], $0x80, s12, s21, $0x2000b8;
	[tilespmem:$0x1E580] =	vst v63  }
0x288: {  	_ =	swait.ge [sflag:s22], $0x4000  }
0x289: {  	[sflag:s22] =	ssyncset.done $0x0  }
0x28a: {  	s10 =	simm.s32 $0xA00;
	[sflag:s22] =	ssyncadd.s32 $0xFFFFC000  }
0x28b: {  	[spmem:s5] =	stream.indirect.scatter.add.f32 [tilespmem:s11], [sflag:$0x6], $0x80, s10, s21, $0x2000b8;
	[tilespmem:$0x1E580] =	vst v63  }
0x28c: {  	_ =	swait.ge [sflag:s18], $0x4000  }
0x28d: {  	[sflag:s18] =	ssyncset.done $0x0  }
0x28e: {  	[sflag:s18] =	ssyncadd.s32 $0xFFFFC000  }
0x28f: {  	[spmem:s6] =	stream.indirect.scatter.add.f32 [tilespmem:s23], [sflag:$0x6], $0x1, s10, s21, $0x2000b8;
	[tilespmem:$0x1E580] =	vst v63  }
0x290: {  	_ =	swait.ge [sflag:s18], $0x80  }
0x291: {  	[sflag:s18] =	ssyncset.done $0x0  }
0x292: {  	s19 =	simm.s32 $0x1300;
	[sflag:s18] =	ssyncadd.s32 $0xFFFFFF80  }
0x293: {  	[tilespmem:s11], [sflag:$0x4] =	stream.indirect.gather [hbm4b:s2+s21], $0x80, s19, s21, $0x2000b8;
	[tilespmem:$0x1E580] =	vst v63  }
0x294: {  	_ =	swait.ge [sflag:s25], $0x4000  }
0x295: {  	[sflag:s25] =	ssyncset.done $0x0  }
0x296: {  	s15 =	simm.s32 $0xA80;
	[sflag:s25] =	ssyncadd.s32 $0xFFFFC000  }
0x297: {  	[spmem:s5] =	stream.indirect.scatter.add.f32 [tilespmem:s8], [sflag:$0x6], $0x80, s15, s21, $0x2000b8;
	[tilespmem:$0x1E580] =	vst v63  }
0x298: {  	_ =	swait.ge [sflag:s18], $0x4000  }
0x299: {  	[sflag:s18] =	ssyncset.done $0x0  }
0x29a: {  	[sflag:s18] =	ssyncadd.s32 $0xFFFFC000  }
0x29b: {  	[spmem:s6] =	stream.indirect.scatter.add.f32 [tilespmem:s23], [sflag:$0x6], $0x1, s15, s21, $0x2000b8;
	[tilespmem:$0x1E580] =	vst v63  }
0x29c: {  	_ =	swait.ge [sflag:s18], $0x80  }
0x29d: {  	[sflag:s18] =	ssyncset.done $0x0  }
0x29e: {  	s7 =	simm.s32 $0x1380;
	[sflag:s18] =	ssyncadd.s32 $0xFFFFFF80  }
0x29f: {  	[tilespmem:s8], [sflag:$0x5] =	stream.indirect.gather [hbm4b:s2+s21], $0x80, s7, s21, $0x2000b8;
	[tilespmem:$0x1E580] =	vst v63  }
0x2a0: {  	_ =	swait.ge [sflag:s22], $0x4000  }
0x2a1: {  	[sflag:s22] =	ssyncset.done $0x0  }
0x2a2: {  	s16 =	simm.s32 $0xB00;
	[sflag:s22] =	ssyncadd.s32 $0xFFFFC000  }
0x2a3: {  	[spmem:s5] =	stream.indirect.scatter.add.f32 [tilespmem:s11], [sflag:$0x6], $0x80, s16, s21, $0x2000b8;
	[tilespmem:$0x1E580] =	vst v63  }
0x2a4: {  	_ =	swait.ge [sflag:s18], $0x4000  }
0x2a5: {  	[sflag:s18] =	ssyncset.done $0x0  }
0x2a6: {  	[sflag:s18] =	ssyncadd.s32 $0xFFFFC000  }
0x2a7: {  	[spmem:s6] =	stream.indirect.scatter.add.f32 [tilespmem:s23], [sflag:$0x6], $0x1, s16, s21, $0x2000b8;
	[tilespmem:$0x1E580] =	vst v63  }
0x2a8: {  	_ =	swait.ge [sflag:s18], $0x80  }
0x2a9: {  	[sflag:s18] =	ssyncset.done $0x0  }
0x2aa: {  	[sflag:s18] =	ssyncadd.s32 $0xFFFFFF80  }
0x2ab: {  	_ =	swait.ge [sflag:s25], $0x4000  }
0x2ac: {  	[sflag:s25] =	ssyncset.done $0x0  }
0x2ad: {  	s16 =	simm.s32 $0xB80;
	[sflag:s25] =	ssyncadd.s32 $0xFFFFC000  }
0x2ae: {  	[spmem:s5] =	stream.indirect.scatter.add.f32 [tilespmem:s8], [sflag:$0x6], $0x80, s16, s21, $0x2000b8;
	[tilespmem:$0x1E580] =	vst v63  }
0x2af: {  	_ =	swait.ge [sflag:s18], $0x4000  }
0x2b0: {  	[sflag:s18] =	ssyncset.done $0x0  }
0x2b1: {  	[sflag:s18] =	ssyncadd.s32 $0xFFFFC000  }
0x2b2: {  	[spmem:s6] =	stream.indirect.scatter.add.f32 [tilespmem:s23], [sflag:$0x6], $0x1, s16, s21, $0x2000b8;
	[tilespmem:$0x1E580] =	vst v63  }
0x2b3: {  	_ =	swait.ge [sflag:s18], $0x80  }
0x2b4: {  	[sflag:s18] =	ssyncset.done $0x0  }
0x2b5: {  	[sflag:s18] =	ssyncadd.s32 $0xFFFFFF80  }
0x2b6: {  	_ =	swait.ge [sflag:s0], $0x80  }
0x2b7: {  	[sflag:s0] =	ssyncset.done $0x0  }
0x2b8: {  	[sflag:s0] =	ssyncadd.s32 $0xFFFFFF80  }
0x2b9: {  	_ =	swait.ge [sflag:s0], $0x80  }
0x2ba: {  	[sflag:s0] =	ssyncset.done $0x0  }
0x2bb: {  	[sflag:s0] =	ssyncadd.s32 $0xFFFFFF80  }
0x2bc: {  	_ =	swait.ge [sflag:s0], $0x80  }
0x2bd: {  	[sflag:s0] =	ssyncset.done $0x0  }
0x2be: {  	[sflag:s0] =	ssyncadd.s32 $0xFFFFFF80  }
0x2bf: {  	_ =	swait.ge [sflag:s0], $0x80  }
0x2c0: {  	[sflag:s0] =	ssyncset.done $0x0  }
0x2c1: {  	[sflag:s0] =	ssyncadd.s32 $0xFFFFFF80  }
0x2c2: {  	_ =	swait.ge [sflag:s0], $0x80  }
0x2c3: {  	[sflag:s0] =	ssyncset.done $0x0  }
0x2c4: {  	[sflag:s0] =	ssyncadd.s32 $0xFFFFFF80  }
0x2c5: {  	_ =	swait.ge [sflag:s0], $0x80  }
0x2c6: {  	[sflag:s0] =	ssyncset.done $0x0  }
0x2c7: {  	[sflag:s0] =	ssyncadd.s32 $0xFFFFFF80  }
0x2c8: {  	_ =	swait.ge [sflag:s0], $0x80  }
0x2c9: {  	[sflag:s0] =	ssyncset.done $0x0  }
0x2ca: {  	[sflag:s0] =	ssyncadd.s32 $0xFFFFFF80  }
0x2cb: {  	_ =	swait.ge [sflag:s0], $0x80  }
0x2cc: {  	s13 =	smov.u32 s3;
	s16 =	rddreg [dreg:$0x8]  }
0x2cd: {  	s15 =	sadd.s32 s30, s16;
	s30 =	smov.u32 s13;
	s13 =	rddreg [dreg:$0x10]  }
0x2ce: {  	[sflag:s0] =	ssyncset.done $0x0;
	p1 =	slt.s32 s15, s13  }
0x2cf: {  	[sflag:s0] =	ssyncadd.s32 $0xFFFFFF80;
	s13 =	smov.u32 @p1 s15  }
0x2d0: {  	s16 =	rddreg [dreg:$0x0];
	s13 =	sshll.u32 s13, $0x4  }
0x2d1: {  	s10 =	simm.s32 $0x0;
	s15 =	rddreg [dreg:$0x7];
	s16 =	sadd.s32 s16, s13  }
0x2d2: {  	[tilespmem:s10], [sflag:$0x1] =	stream.linear.gather [hbm4b:s16+s10], $0x400, $0x200038;
	[tilespmem:$0x1E580] =	vst v63  }
0x2d3: {  	s13 =	sadd.s32 s13, s15  }
0x2d4: {  	[tilespmem:s24], [sflag:$0x1] =	stream.linear.gather [hbm4b:s13+s10], $0x400, $0x200038;
	[tilespmem:$0x1E580] =	vst v63  }
0x2d5: {  	_ =	swait.ge [sflag:s28], $0x400  }
0x2d6: {  	[sflag:s28] =	ssyncset.done $0x0  }
0x2d7: {  	[sflag:s28] =	ssyncadd.s32 $0xFFFFFC00  }
0x2d8: {  	_ =	swait.ge [sflag:s28], $0x400  }
0x2d9: {  	[sflag:s28] =	ssyncset.done $0x0  }
0x2da: {  	s16 =	simm.s32 $0x1000;
	[sflag:s28] =	ssyncadd.s32 $0xFFFFFC00  }
0x2db: {  	[tilespmem:s16], [sflag:$0x2] =	stream.indirect.gather [hbm4b:s1+s21], $0x1, s10, s21, $0x2000b8;
	[tilespmem:$0x1E580] =	vst v63  }
0x2dc: {  	_ = 	snop  }
0x2dd: {  	[tilespmem:s17], [sflag:$0x2] =	stream.indirect.gather [hbm4b:s1+s21], $0x1, s21, s21, $0x2000b8;
	[tilespmem:$0x1E580] =	vst v63  }
0x2de: {  	s13 =	simm.s32 $0x1100;
	s24 =	simm.s32 $0x100  }
0x2df: {  	[tilespmem:s13], [sflag:$0x2] =	stream.indirect.gather [hbm4b:s1+s21], $0x1, s24, s21, $0x2000b8;
	[tilespmem:$0x1E580] =	vst v63  }
0x2e0: {  	s26 =	simm.s32 $0x180  }
0x2e1: {  	[tilespmem:s29], [sflag:$0x2] =	stream.indirect.gather [hbm4b:s1+s21], $0x1, s26, s21, $0x2000b8;
	[tilespmem:$0x1E580] =	vst v63  }
0x2e2: {  	s29 =	simm.s32 $0x200  }
0x2e3: {  	[tilespmem:s31], [sflag:$0x2] =	stream.indirect.gather [hbm4b:s1+s21], $0x1, s29, s21, $0x2000b8;
	[tilespmem:$0x1E580] =	vst v63  }
0x2e4: {  	s10 =	simm.s32 $0x280  }
0x2e5: {  	[tilespmem:s12], [sflag:$0x2] =	stream.indirect.gather [hbm4b:s1+s21], $0x1, s10, s21, $0x2000b8;
	[tilespmem:$0x1E580] =	vst v63  }
0x2e6: {  	s12 =	simm.s32 $0x300  }
0x2e7: {  	[tilespmem:s19], [sflag:$0x2] =	stream.indirect.gather [hbm4b:s1+s21], $0x1, s12, s21, $0x2000b8;
	[tilespmem:$0x1E580] =	vst v63  }
0x2e8: {  	s17 =	simm.s32 $0x380  }
0x2e9: {  	[tilespmem:s7], [sflag:$0x2] =	stream.indirect.gather [hbm4b:s1+s21], $0x1, s17, s21, $0x2000b8;
	[tilespmem:$0x1E580] =	vst v63  }
0x2ea: {  	s19 =	simm.s32 $0x1400  }
0x2eb: {  	[tilespmem:s11], [sflag:$0x4] =	stream.indirect.gather [hbm4b:s2+s21], $0x80, s19, s21, $0x2000b8;
	[tilespmem:$0x1E580] =	vst v63  }
0x2ec: {  	_ = 	snop  }
0x2ed: {  	[tilespmem:s8], [sflag:$0x5] =	stream.indirect.gather [hbm4b:s2+s21], $0x80, s20, s21, $0x2000b8;
	[tilespmem:$0x1E580] =	vst v63  }
0x2ee: {  	_ =	swait.ge [sflag:s22], $0x4000  }
0x2ef: {  	[sflag:s22] =	ssyncset.done $0x0  }
0x2f0: {  	[sflag:s22] =	ssyncadd.s32 $0xFFFFC000  }
0x2f1: {  	[spmem:s5] =	stream.indirect.scatter.add.f32 [tilespmem:s11], [sflag:$0x6], $0x80, s9, s21, $0x2000b8;
	[tilespmem:$0x1E580] =	vst v63  }
0x2f2: {  	_ =	swait.ge [sflag:s18], $0x4000  }
0x2f3: {  	[sflag:s18] =	ssyncset.done $0x0  }
0x2f4: {  	[sflag:s18] =	ssyncadd.s32 $0xFFFFC000  }
0x2f5: {  	[spmem:s6] =	stream.indirect.scatter.add.f32 [tilespmem:s23], [sflag:$0x6], $0x1, s9, s21, $0x2000b8;
	[tilespmem:$0x1E580] =	vst v63  }
0x2f6: {  	_ =	swait.ge [sflag:s18], $0x80  }
0x2f7: {  	[sflag:s18] =	ssyncset.done $0x0  }
0x2f8: {  	s20 =	simm.s32 $0x1500;
	[sflag:s18] =	ssyncadd.s32 $0xFFFFFF80  }
0x2f9: {  	[tilespmem:s11], [sflag:$0x4] =	stream.indirect.gather [hbm4b:s2+s21], $0x80, s20, s21, $0x2000b8;
	[tilespmem:$0x1E580] =	vst v63  }
0x2fa: {  	_ =	swait.ge [sflag:s25], $0x4000  }
0x2fb: {  	[sflag:s25] =	ssyncset.done $0x0  }
0x2fc: {  	s24 =	simm.s32 $0xC80;
	[sflag:s25] =	ssyncadd.s32 $0xFFFFC000  }
0x2fd: {  	[spmem:s5] =	stream.indirect.scatter.add.f32 [tilespmem:s8], [sflag:$0x6], $0x80, s24, s21, $0x2000b8;
	[tilespmem:$0x1E580] =	vst v63  }
0x2fe: {  	_ =	swait.ge [sflag:s18], $0x4000  }
0x2ff: {  	[sflag:s18] =	ssyncset.done $0x0  }
0x300: {  	[sflag:s18] =	ssyncadd.s32 $0xFFFFC000  }
0x301: {  	[spmem:s6] =	stream.indirect.scatter.add.f32 [tilespmem:s23], [sflag:$0x6], $0x1, s24, s21, $0x2000b8;
	[tilespmem:$0x1E580] =	vst v63  }
0x302: {  	_ =	swait.ge [sflag:s18], $0x80  }
0x303: {  	[sflag:s18] =	ssyncset.done $0x0  }
0x304: {  	s29 =	simm.s32 $0x1580;
	[sflag:s18] =	ssyncadd.s32 $0xFFFFFF80  }
0x305: {  	[tilespmem:s8], [sflag:$0x5] =	stream.indirect.gather [hbm4b:s2+s21], $0x80, s29, s21, $0x2000b8;
	[tilespmem:$0x1E580] =	vst v63  }
0x306: {  	_ =	swait.ge [sflag:s22], $0x4000  }
0x307: {  	[sflag:s22] =	ssyncset.done $0x0  }
0x308: {  	s31 =	simm.s32 $0xD00;
	[sflag:s22] =	ssyncadd.s32 $0xFFFFC000  }
0x309: {  	[spmem:s5] =	stream.indirect.scatter.add.f32 [tilespmem:s11], [sflag:$0x6], $0x80, s31, s21, $0x2000b8;
	[tilespmem:$0x1E580] =	vst v63  }
0x30a: {  	_ =	swait.ge [sflag:s18], $0x4000  }
0x30b: {  	[sflag:s18] =	ssyncset.done $0x0  }
0x30c: {  	[sflag:s18] =	ssyncadd.s32 $0xFFFFC000  }
0x30d: {  	[spmem:s6] =	stream.indirect.scatter.add.f32 [tilespmem:s23], [sflag:$0x6], $0x1, s31, s21, $0x2000b8;
	[tilespmem:$0x1E580] =	vst v63  }
0x30e: {  	_ =	swait.ge [sflag:s18], $0x80  }
0x30f: {  	[sflag:s18] =	ssyncset.done $0x0  }
0x310: {  	s10 =	simm.s32 $0x1600;
	[sflag:s18] =	ssyncadd.s32 $0xFFFFFF80  }
0x311: {  	[tilespmem:s11], [sflag:$0x4] =	stream.indirect.gather [hbm4b:s2+s21], $0x80, s10, s21, $0x2000b8;
	[tilespmem:$0x1E580] =	vst v63  }
0x312: {  	_ =	swait.ge [sflag:s25], $0x4000  }
0x313: {  	[sflag:s25] =	ssyncset.done $0x0  }
0x314: {  	s12 =	simm.s32 $0xD80;
	[sflag:s25] =	ssyncadd.s32 $0xFFFFC000  }
0x315: {  	[spmem:s5] =	stream.indirect.scatter.add.f32 [tilespmem:s8], [sflag:$0x6], $0x80, s12, s21, $0x2000b8;
	[tilespmem:$0x1E580] =	vst v63  }
0x316: {  	_ =	swait.ge [sflag:s18], $0x4000  }
0x317: {  	[sflag:s18] =	ssyncset.done $0x0  }
0x318: {  	[sflag:s18] =	ssyncadd.s32 $0xFFFFC000  }
0x319: {  	[spmem:s6] =	stream.indirect.scatter.add.f32 [tilespmem:s23], [sflag:$0x6], $0x1, s12, s21, $0x2000b8;
	[tilespmem:$0x1E580] =	vst v63  }
0x31a: {  	_ =	swait.ge [sflag:s18], $0x80  }
0x31b: {  	[sflag:s18] =	ssyncset.done $0x0  }
0x31c: {  	s15 =	simm.s32 $0x1680;
	[sflag:s18] =	ssyncadd.s32 $0xFFFFFF80  }
0x31d: {  	[tilespmem:s8], [sflag:$0x5] =	stream.indirect.gather [hbm4b:s2+s21], $0x80, s15, s21, $0x2000b8;
	[tilespmem:$0x1E580] =	vst v63  }
0x31e: {  	_ =	swait.ge [sflag:s22], $0x4000  }
0x31f: {  	[sflag:s22] =	ssyncset.done $0x0  }
0x320: {  	s17 =	simm.s32 $0xE00;
	[sflag:s22] =	ssyncadd.s32 $0xFFFFC000  }
0x321: {  	[spmem:s5] =	stream.indirect.scatter.add.f32 [tilespmem:s11], [sflag:$0x6], $0x80, s17, s21, $0x2000b8;
	[tilespmem:$0x1E580] =	vst v63  }
0x322: {  	_ =	swait.ge [sflag:s18], $0x4000  }
0x323: {  	[sflag:s18] =	ssyncset.done $0x0  }
0x324: {  	[sflag:s18] =	ssyncadd.s32 $0xFFFFC000  }
0x325: {  	[spmem:s6] =	stream.indirect.scatter.add.f32 [tilespmem:s23], [sflag:$0x6], $0x1, s17, s21, $0x2000b8;
	[tilespmem:$0x1E580] =	vst v63  }
0x326: {  	_ =	swait.ge [sflag:s18], $0x80  }
0x327: {  	[sflag:s18] =	ssyncset.done $0x0  }
0x328: {  	s19 =	simm.s32 $0x1700;
	[sflag:s18] =	ssyncadd.s32 $0xFFFFFF80  }
0x329: {  	[tilespmem:s11], [sflag:$0x4] =	stream.indirect.gather [hbm4b:s2+s21], $0x80, s19, s21, $0x2000b8;
	[tilespmem:$0x1E580] =	vst v63  }
0x32a: {  	_ =	swait.ge [sflag:s25], $0x4000  }
0x32b: {  	[sflag:s25] =	ssyncset.done $0x0  }
0x32c: {  	s20 =	simm.s32 $0xE80;
	[sflag:s25] =	ssyncadd.s32 $0xFFFFC000  }
0x32d: {  	[spmem:s5] =	stream.indirect.scatter.add.f32 [tilespmem:s8], [sflag:$0x6], $0x80, s20, s21, $0x2000b8;
	[tilespmem:$0x1E580] =	vst v63  }
0x32e: {  	_ =	swait.ge [sflag:s18], $0x4000  }
0x32f: {  	[sflag:s18] =	ssyncset.done $0x0  }
0x330: {  	[sflag:s18] =	ssyncadd.s32 $0xFFFFC000  }
0x331: {  	[spmem:s6] =	stream.indirect.scatter.add.f32 [tilespmem:s23], [sflag:$0x6], $0x1, s20, s21, $0x2000b8;
	[tilespmem:$0x1E580] =	vst v63  }
0x332: {  	_ =	swait.ge [sflag:s18], $0x80  }
0x333: {  	[sflag:s18] =	ssyncset.done $0x0  }
0x334: {  	s24 =	simm.s32 $0x1780;
	[sflag:s18] =	ssyncadd.s32 $0xFFFFFF80  }
0x335: {  	[tilespmem:s8], [sflag:$0x5] =	stream.indirect.gather [hbm4b:s2+s21], $0x80, s24, s21, $0x2000b8;
	[tilespmem:$0x1E580] =	vst v63  }
0x336: {  	_ =	swait.ge [sflag:s22], $0x4000  }
0x337: {  	[sflag:s22] =	ssyncset.done $0x0  }
0x338: {  	s29 =	simm.s32 $0xF00;
	[sflag:s22] =	ssyncadd.s32 $0xFFFFC000  }
0x339: {  	[spmem:s5] =	stream.indirect.scatter.add.f32 [tilespmem:s11], [sflag:$0x6], $0x80, s29, s21, $0x2000b8;
	[tilespmem:$0x1E580] =	vst v63  }
0x33a: {  	_ =	swait.ge [sflag:s18], $0x4000  }
0x33b: {  	[sflag:s18] =	ssyncset.done $0x0  }
0x33c: {  	[sflag:s18] =	ssyncadd.s32 $0xFFFFC000  }
0x33d: {  	[spmem:s6] =	stream.indirect.scatter.add.f32 [tilespmem:s23], [sflag:$0x6], $0x1, s29, s21, $0x2000b8;
	[tilespmem:$0x1E580] =	vst v63  }
0x33e: {  	_ =	swait.ge [sflag:s18], $0x80  }
0x33f: {  	[sflag:s18] =	ssyncset.done $0x0  }
0x340: {  	[sflag:s18] =	ssyncadd.s32 $0xFFFFFF80  }
0x341: {  	_ =	swait.ge [sflag:s25], $0x4000  }
0x342: {  	[sflag:s25] =	ssyncset.done $0x0  }
0x343: {  	s31 =	simm.s32 $0xF80;
	[sflag:s25] =	ssyncadd.s32 $0xFFFFC000  }
0x344: {  	[spmem:s5] =	stream.indirect.scatter.add.f32 [tilespmem:s8], [sflag:$0x6], $0x80, s31, s21, $0x2000b8;
	[tilespmem:$0x1E580] =	vst v63  }
0x345: {  	_ =	swait.ge [sflag:s18], $0x4000  }
0x346: {  	[sflag:s18] =	ssyncset.done $0x0  }
0x347: {  	[sflag:s18] =	ssyncadd.s32 $0xFFFFC000  }
0x348: {  	[spmem:s6] =	stream.indirect.scatter.add.f32 [tilespmem:s23], [sflag:$0x6], $0x1, s31, s21, $0x2000b8;
	[tilespmem:$0x1E580] =	vst v63  }
0x349: {  	_ =	swait.ge [sflag:s18], $0x80  }
0x34a: {  	[sflag:s18] =	ssyncset.done $0x0  }
0x34b: {  	[sflag:s18] =	ssyncadd.s32 $0xFFFFFF80  }
0x34c: {  	_ =	swait.ge [sflag:s14], $0x80  }
0x34d: {  	[sflag:s14] =	ssyncset.done $0x0  }
0x34e: {  	[sflag:s14] =	ssyncadd.s32 $0xFFFFFF80  }
0x34f: {  	_ =	swait.ge [sflag:s14], $0x80  }
0x350: {  	[sflag:s14] =	ssyncset.done $0x0  }
0x351: {  	[sflag:s14] =	ssyncadd.s32 $0xFFFFFF80  }
0x352: {  	_ =	swait.ge [sflag:s14], $0x80  }
0x353: {  	[sflag:s14] =	ssyncset.done $0x0  }
0x354: {  	[sflag:s14] =	ssyncadd.s32 $0xFFFFFF80  }
0x355: {  	_ =	swait.ge [sflag:s14], $0x80  }
0x356: {  	[sflag:s14] =	ssyncset.done $0x0  }
0x357: {  	[sflag:s14] =	ssyncadd.s32 $0xFFFFFF80  }
0x358: {  	_ =	swait.ge [sflag:s14], $0x80  }
0x359: {  	[sflag:s14] =	ssyncset.done $0x0  }
0x35a: {  	[sflag:s14] =	ssyncadd.s32 $0xFFFFFF80  }
0x35b: {  	_ =	swait.ge [sflag:s14], $0x80  }
0x35c: {  	[sflag:s14] =	ssyncset.done $0x0  }
0x35d: {  	p0 =	sne.s32 s3, $0x50;
	[sflag:s14] =	ssyncadd.s32 $0xFFFFFF80  }
.Ltmp1:
0x35e: {  	_ =	swait.ge [sflag:s14], $0x80;
	(pc) =	sbr.rel @p0 .LBB2_4-.Ltmp1, $4  }
0x35f: {  	[sflag:s14] =	ssyncset.done $0x0  }
0x360: {  	[sflag:s14] =	ssyncadd.s32 $0xFFFFFF80  }
0x361: {  	s3 =	sadd.s32 $0x10, s3;
	_ =	swait.ge [sflag:s14], $0x80  }
0x362: {  	s4 =	sadd.s32 $0x100, s4;
	s7 =	simm.s32 $0x0;
	[sflag:s14] =	ssyncset.done $0x0  }
0x363: {  	s3 =	sadd.s32 $0xFFFF6000, s4;
	[sflag:s14] =	ssyncadd.s32 $0xFFFFFF80;
	s9 =	simm.s32 $0x400  }
0x364: {  	[tilespmem:s9], [sflag:$0x1] =	stream.linear.gather [hbm4b:s3+s7], $0x400, $0x200038;
	[tilespmem:$0x1E580] =	vst v63  }
0x365: {  	s17 =	simm.s32 $0xC00  }
0x366: {  	[tilespmem:s17], [sflag:$0x1] =	stream.linear.gather [hbm4b:s4+s7], $0x400, $0x200038;
	[tilespmem:$0x1E580] =	vst v63  }
0x367: {  	_ =	swait.ge [sflag:s28], $0x400  }
0x368: {  	[sflag:s28] =	ssyncset.done $0x0  }
0x369: {  	[sflag:s28] =	ssyncadd.s32 $0xFFFFFC00  }
0x36a: {  	_ =	swait.ge [sflag:s28], $0x400  }
0x36b: {  	[sflag:s28] =	ssyncset.done $0x0  }
0x36c: {  	s19 =	simm.s32 $0x1400;
	[sflag:s28] =	ssyncadd.s32 $0xFFFFFC00  }
0x36d: {  	[tilespmem:s19], [sflag:$0x3] =	stream.indirect.gather [hbm4b:s1+s21], $0x1, s9, s21, $0x2000b8;
	[tilespmem:$0x1E580] =	vst v63  }
0x36e: {  	s24 =	simm.s32 $0x1480;
	s15 =	rddreg [dreg:$0x9]  }
0x36f: {  	[tilespmem:s24], [sflag:$0x3] =	stream.indirect.gather [hbm4b:s1+s21], $0x1, s15, s21, $0x2000b8;
	[tilespmem:$0x1E580] =	vst v63  }
0x370: {  	s31 =	simm.s32 $0x1500;
	s20 =	rddreg [dreg:$0xa]  }
0x371: {  	[tilespmem:s31], [sflag:$0x3] =	stream.indirect.gather [hbm4b:s1+s21], $0x1, s20, s21, $0x2000b8;
	[tilespmem:$0x1E580] =	vst v63  }
0x372: {  	s10 =	simm.s32 $0x1580;
	s29 =	rddreg [dreg:$0xb]  }
0x373: {  	[tilespmem:s10], [sflag:$0x3] =	stream.indirect.gather [hbm4b:s1+s21], $0x1, s29, s21, $0x2000b8;
	[tilespmem:$0x1E580] =	vst v63  }
0x374: {  	s9 =	rddreg [dreg:$0xc];
	s15 =	simm.s32 $0x1600  }
0x375: {  	[tilespmem:s15], [sflag:$0x3] =	stream.indirect.gather [hbm4b:s1+s21], $0x1, s9, s21, $0x2000b8;
	[tilespmem:$0x1E580] =	vst v63  }
0x376: {  	s12 =	rddreg [dreg:$0xd];
	s20 =	simm.s32 $0x1680  }
0x377: {  	[tilespmem:s20], [sflag:$0x3] =	stream.indirect.gather [hbm4b:s1+s21], $0x1, s12, s21, $0x2000b8;
	[tilespmem:$0x1E580] =	vst v63  }
0x378: {  	s19 =	rddreg [dreg:$0xe];
	s29 =	simm.s32 $0x1700  }
0x379: {  	[tilespmem:s29], [sflag:$0x3] =	stream.indirect.gather [hbm4b:s1+s21], $0x1, s19, s21, $0x2000b8;
	[tilespmem:$0x1E580] =	vst v63  }
0x37a: {  	s24 =	rddreg [dreg:$0xf];
	s31 =	simm.s32 $0x1780  }
0x37b: {  	[tilespmem:s31], [sflag:$0x3] =	stream.indirect.gather [hbm4b:s1+s21], $0x1, s24, s21, $0x2000b8;
	[tilespmem:$0x1E580] =	vst v63  }
0x37c: {  	_ = 	snop  }
0x37d: {  	[tilespmem:s11], [sflag:$0x4] =	stream.indirect.gather [hbm4b:s2+s21], $0x80, s16, s21, $0x2000b8;
	[tilespmem:$0x1E580] =	vst v63  }
0x37e: {  	s20 =	simm.s32 $0x1080  }
0x37f: {  	[tilespmem:s8], [sflag:$0x5] =	stream.indirect.gather [hbm4b:s2+s21], $0x80, s20, s21, $0x2000b8;
	[tilespmem:$0x1E580] =	vst v63  }
0x380: {  	_ =	swait.ge [sflag:s22], $0x4000  }
0x381: {  	[sflag:s22] =	ssyncset.done $0x0  }
0x382: {  	s24 =	simm.s32 $0x800;
	[sflag:s22] =	ssyncadd.s32 $0xFFFFC000  }
0x383: {  	[spmem:s5] =	stream.indirect.scatter.add.f32 [tilespmem:s11], [sflag:$0x6], $0x80, s24, s21, $0x2000b8;
	[tilespmem:$0x1E580] =	vst v63  }
0x384: {  	_ =	swait.ge [sflag:s18], $0x4000  }
0x385: {  	[sflag:s18] =	ssyncset.done $0x0  }
0x386: {  	[sflag:s18] =	ssyncadd.s32 $0xFFFFC000  }
0x387: {  	[spmem:s6] =	stream.indirect.scatter.add.f32 [tilespmem:s23], [sflag:$0x6], $0x1, s24, s21, $0x2000b8;
	[tilespmem:$0x1E580] =	vst v63  }
0x388: {  	_ =	swait.ge [sflag:s18], $0x80  }
0x389: {  	[sflag:s18] =	ssyncset.done $0x0  }
0x38a: {  	[sflag:s18] =	ssyncadd.s32 $0xFFFFFF80  }
0x38b: {  	[tilespmem:s11], [sflag:$0x4] =	stream.indirect.gather [hbm4b:s2+s21], $0x80, s13, s21, $0x2000b8;
	[tilespmem:$0x1E580] =	vst v63  }
0x38c: {  	_ =	swait.ge [sflag:s25], $0x4000  }
0x38d: {  	[sflag:s25] =	ssyncset.done $0x0  }
0x38e: {  	s4 =	simm.s32 $0x880;
	[sflag:s25] =	ssyncadd.s32 $0xFFFFC000  }
0x38f: {  	[spmem:s5] =	stream.indirect.scatter.add.f32 [tilespmem:s8], [sflag:$0x6], $0x80, s4, s21, $0x2000b8;
	[tilespmem:$0x1E580] =	vst v63  }
0x390: {  	_ =	swait.ge [sflag:s18], $0x4000  }
0x391: {  	[sflag:s18] =	ssyncset.done $0x0  }
0x392: {  	[sflag:s18] =	ssyncadd.s32 $0xFFFFC000  }
0x393: {  	[spmem:s6] =	stream.indirect.scatter.add.f32 [tilespmem:s23], [sflag:$0x6], $0x1, s4, s21, $0x2000b8;
	[tilespmem:$0x1E580] =	vst v63  }
0x394: {  	_ =	swait.ge [sflag:s18], $0x80  }
0x395: {  	[sflag:s18] =	ssyncset.done $0x0  }
0x396: {  	s29 =	simm.s32 $0x1180;
	[sflag:s18] =	ssyncadd.s32 $0xFFFFFF80  }
0x397: {  	[tilespmem:s8], [sflag:$0x5] =	stream.indirect.gather [hbm4b:s2+s21], $0x80, s29, s21, $0x2000b8;
	[tilespmem:$0x1E580] =	vst v63  }
0x398: {  	_ =	swait.ge [sflag:s22], $0x4000  }
0x399: {  	[sflag:s22] =	ssyncset.done $0x0  }
0x39a: {  	s7 =	simm.s32 $0x900;
	[sflag:s22] =	ssyncadd.s32 $0xFFFFC000  }
0x39b: {  	[spmem:s5] =	stream.indirect.scatter.add.f32 [tilespmem:s11], [sflag:$0x6], $0x80, s7, s21, $0x2000b8;
	[tilespmem:$0x1E580] =	vst v63  }
0x39c: {  	_ =	swait.ge [sflag:s18], $0x4000  }
0x39d: {  	[sflag:s18] =	ssyncset.done $0x0  }
0x39e: {  	[sflag:s18] =	ssyncadd.s32 $0xFFFFC000  }
0x39f: {  	[spmem:s6] =	stream.indirect.scatter.add.f32 [tilespmem:s23], [sflag:$0x6], $0x1, s7, s21, $0x2000b8;
	[tilespmem:$0x1E580] =	vst v63  }
0x3a0: {  	_ =	swait.ge [sflag:s18], $0x80  }
0x3a1: {  	[sflag:s18] =	ssyncset.done $0x0  }
0x3a2: {  	s31 =	simm.s32 $0x1200;
	[sflag:s18] =	ssyncadd.s32 $0xFFFFFF80  }
0x3a3: {  	[tilespmem:s11], [sflag:$0x4] =	stream.indirect.gather [hbm4b:s2+s21], $0x80, s31, s21, $0x2000b8;
	[tilespmem:$0x1E580] =	vst v63  }
0x3a4: {  	_ =	swait.ge [sflag:s25], $0x4000  }
0x3a5: {  	[sflag:s25] =	ssyncset.done $0x0  }
0x3a6: {  	s9 =	simm.s32 $0x980;
	[sflag:s25] =	ssyncadd.s32 $0xFFFFC000  }
0x3a7: {  	[spmem:s5] =	stream.indirect.scatter.add.f32 [tilespmem:s8], [sflag:$0x6], $0x80, s9, s21, $0x2000b8;
	[tilespmem:$0x1E580] =	vst v63  }
0x3a8: {  	_ =	swait.ge [sflag:s18], $0x4000  }
0x3a9: {  	[sflag:s18] =	ssyncset.done $0x0  }
0x3aa: {  	[sflag:s18] =	ssyncadd.s32 $0xFFFFC000  }
0x3ab: {  	[spmem:s6] =	stream.indirect.scatter.add.f32 [tilespmem:s23], [sflag:$0x6], $0x1, s9, s21, $0x2000b8;
	[tilespmem:$0x1E580] =	vst v63  }
0x3ac: {  	_ =	swait.ge [sflag:s18], $0x80  }
0x3ad: {  	[sflag:s18] =	ssyncset.done $0x0  }
0x3ae: {  	s12 =	simm.s32 $0x1280;
	[sflag:s18] =	ssyncadd.s32 $0xFFFFFF80  }
0x3af: {  	[tilespmem:s8], [sflag:$0x5] =	stream.indirect.gather [hbm4b:s2+s21], $0x80, s12, s21, $0x2000b8;
	[tilespmem:$0x1E580] =	vst v63  }
0x3b0: {  	_ =	swait.ge [sflag:s22], $0x4000  }
0x3b1: {  	[sflag:s22] =	ssyncset.done $0x0  }
0x3b2: {  	s10 =	simm.s32 $0xA00;
	[sflag:s22] =	ssyncadd.s32 $0xFFFFC000  }
0x3b3: {  	[spmem:s5] =	stream.indirect.scatter.add.f32 [tilespmem:s11], [sflag:$0x6], $0x80, s10, s21, $0x2000b8;
	[tilespmem:$0x1E580] =	vst v63  }
0x3b4: {  	_ =	swait.ge [sflag:s18], $0x4000  }
0x3b5: {  	[sflag:s18] =	ssyncset.done $0x0  }
0x3b6: {  	[sflag:s18] =	ssyncadd.s32 $0xFFFFC000  }
0x3b7: {  	[spmem:s6] =	stream.indirect.scatter.add.f32 [tilespmem:s23], [sflag:$0x6], $0x1, s10, s21, $0x2000b8;
	[tilespmem:$0x1E580] =	vst v63  }
0x3b8: {  	_ =	swait.ge [sflag:s18], $0x80  }
0x3b9: {  	[sflag:s18] =	ssyncset.done $0x0  }
0x3ba: {  	s19 =	simm.s32 $0x1300;
	[sflag:s18] =	ssyncadd.s32 $0xFFFFFF80  }
0x3bb: {  	[tilespmem:s11], [sflag:$0x4] =	stream.indirect.gather [hbm4b:s2+s21], $0x80, s19, s21, $0x2000b8;
	[tilespmem:$0x1E580] =	vst v63  }
0x3bc: {  	_ =	swait.ge [sflag:s25], $0x4000  }
0x3bd: {  	[sflag:s25] =	ssyncset.done $0x0  }
0x3be: {  	s13 =	simm.s32 $0xA80;
	[sflag:s25] =	ssyncadd.s32 $0xFFFFC000  }
0x3bf: {  	[spmem:s5] =	stream.indirect.scatter.add.f32 [tilespmem:s8], [sflag:$0x6], $0x80, s13, s21, $0x2000b8;
	[tilespmem:$0x1E580] =	vst v63  }
0x3c0: {  	_ =	swait.ge [sflag:s18], $0x4000  }
0x3c1: {  	[sflag:s18] =	ssyncset.done $0x0  }
0x3c2: {  	[sflag:s18] =	ssyncadd.s32 $0xFFFFC000  }
0x3c3: {  	[spmem:s6] =	stream.indirect.scatter.add.f32 [tilespmem:s23], [sflag:$0x6], $0x1, s13, s21, $0x2000b8;
	[tilespmem:$0x1E580] =	vst v63  }
0x3c4: {  	_ =	swait.ge [sflag:s18], $0x80  }
0x3c5: {  	[sflag:s18] =	ssyncset.done $0x0  }
0x3c6: {  	s9 =	simm.s32 $0x1380;
	[sflag:s18] =	ssyncadd.s32 $0xFFFFFF80  }
0x3c7: {  	[tilespmem:s8], [sflag:$0x5] =	stream.indirect.gather [hbm4b:s2+s21], $0x80, s9, s21, $0x2000b8;
	[tilespmem:$0x1E580] =	vst v63  }
0x3c8: {  	_ =	swait.ge [sflag:s22], $0x4000  }
0x3c9: {  	[sflag:s22] =	ssyncset.done $0x0  }
0x3ca: {  	s15 =	simm.s32 $0xB00;
	[sflag:s22] =	ssyncadd.s32 $0xFFFFC000  }
0x3cb: {  	[spmem:s5] =	stream.indirect.scatter.add.f32 [tilespmem:s11], [sflag:$0x6], $0x80, s15, s21, $0x2000b8;
	[tilespmem:$0x1E580] =	vst v63  }
0x3cc: {  	_ =	swait.ge [sflag:s18], $0x4000  }
0x3cd: {  	[sflag:s18] =	ssyncset.done $0x0  }
0x3ce: {  	[sflag:s18] =	ssyncadd.s32 $0xFFFFC000  }
0x3cf: {  	[spmem:s6] =	stream.indirect.scatter.add.f32 [tilespmem:s23], [sflag:$0x6], $0x1, s15, s21, $0x2000b8;
	[tilespmem:$0x1E580] =	vst v63  }
0x3d0: {  	_ =	swait.ge [sflag:s18], $0x80  }
0x3d1: {  	[sflag:s18] =	ssyncset.done $0x0  }
0x3d2: {  	[sflag:s18] =	ssyncadd.s32 $0xFFFFFF80  }
0x3d3: {  	_ =	swait.ge [sflag:s25], $0x4000  }
0x3d4: {  	[sflag:s25] =	ssyncset.done $0x0  }
0x3d5: {  	s4 =	simm.s32 $0xB80;
	[sflag:s25] =	ssyncadd.s32 $0xFFFFC000  }
0x3d6: {  	[spmem:s5] =	stream.indirect.scatter.add.f32 [tilespmem:s8], [sflag:$0x6], $0x80, s4, s21, $0x2000b8;
	[tilespmem:$0x1E580] =	vst v63  }
0x3d7: {  	_ =	swait.ge [sflag:s18], $0x4000  }
0x3d8: {  	[sflag:s18] =	ssyncset.done $0x0  }
0x3d9: {  	[sflag:s18] =	ssyncadd.s32 $0xFFFFC000  }
0x3da: {  	[spmem:s6] =	stream.indirect.scatter.add.f32 [tilespmem:s23], [sflag:$0x6], $0x1, s4, s21, $0x2000b8;
	[tilespmem:$0x1E580] =	vst v63  }
0x3db: {  	_ =	swait.ge [sflag:s18], $0x80  }
0x3dc: {  	[sflag:s18] =	ssyncset.done $0x0  }
0x3dd: {  	[sflag:s18] =	ssyncadd.s32 $0xFFFFFF80  }
0x3de: {  	_ =	swait.ge [sflag:s0], $0x80  }
0x3df: {  	[sflag:s0] =	ssyncset.done $0x0  }
0x3e0: {  	[sflag:s0] =	ssyncadd.s32 $0xFFFFFF80  }
0x3e1: {  	_ =	swait.ge [sflag:s0], $0x80  }
0x3e2: {  	[sflag:s0] =	ssyncset.done $0x0  }
0x3e3: {  	[sflag:s0] =	ssyncadd.s32 $0xFFFFFF80  }
0x3e4: {  	_ =	swait.ge [sflag:s0], $0x80  }
0x3e5: {  	[sflag:s0] =	ssyncset.done $0x0  }
0x3e6: {  	[sflag:s0] =	ssyncadd.s32 $0xFFFFFF80  }
0x3e7: {  	_ =	swait.ge [sflag:s0], $0x80  }
0x3e8: {  	[sflag:s0] =	ssyncset.done $0x0  }
0x3e9: {  	[sflag:s0] =	ssyncadd.s32 $0xFFFFFF80  }
0x3ea: {  	_ =	swait.ge [sflag:s0], $0x80  }
0x3eb: {  	[sflag:s0] =	ssyncset.done $0x0  }
0x3ec: {  	[sflag:s0] =	ssyncadd.s32 $0xFFFFFF80  }
0x3ed: {  	_ =	swait.ge [sflag:s0], $0x80  }
0x3ee: {  	[sflag:s0] =	ssyncset.done $0x0  }
0x3ef: {  	[sflag:s0] =	ssyncadd.s32 $0xFFFFFF80  }
0x3f0: {  	_ =	swait.ge [sflag:s0], $0x80  }
0x3f1: {  	[sflag:s0] =	ssyncset.done $0x0  }
0x3f2: {  	[sflag:s0] =	ssyncadd.s32 $0xFFFFFF80  }
0x3f3: {  	_ =	swait.ge [sflag:s0], $0x80  }
0x3f4: {  	s7 =	rddreg [dreg:$0x8]  }
0x3f5: {  	s4 =	rddreg [dreg:$0x10];
	s3 =	sadd.s32 s30, s7  }
0x3f6: {  	[sflag:s0] =	ssyncset.done $0x0;
	p0 =	slt.s32 s3, s4  }
0x3f7: {  	[sflag:s0] =	ssyncadd.s32 $0xFFFFFF80;
	s4 =	smov.u32 @p0 s3  }
0x3f8: {  	s13 =	rddreg [dreg:$0x0];
	s3 =	sshll.u32 s4, $0x4  }
0x3f9: {  	s10 =	simm.s32 $0x0;
	s4 =	rddreg [dreg:$0x7];
	s7 =	sadd.s32 s13, s3  }
0x3fa: {  	[tilespmem:s10], [sflag:$0x1] =	stream.linear.gather [hbm4b:s7+s10], $0x400, $0x200038;
	[tilespmem:$0x1E580] =	vst v63  }
0x3fb: {  	s3 =	sadd.s32 s3, s4  }
0x3fc: {  	[tilespmem:s24], [sflag:$0x1] =	stream.linear.gather [hbm4b:s3+s10], $0x400, $0x200038;
	[tilespmem:$0x1E580] =	vst v63  }
0x3fd: {  	_ =	swait.ge [sflag:s28], $0x400  }
0x3fe: {  	[sflag:s28] =	ssyncset.done $0x0  }
0x3ff: {  	[sflag:s28] =	ssyncadd.s32 $0xFFFFFC00  }
0x400: {  	_ =	swait.ge [sflag:s28], $0x400  }
0x401: {  	[sflag:s28] =	ssyncset.done $0x0  }
0x402: {  	[sflag:s28] =	ssyncadd.s32 $0xFFFFFC00  }
0x403: {  	[tilespmem:s16], [sflag:$0x2] =	stream.indirect.gather [hbm4b:s1+s21], $0x1, s10, s21, $0x2000b8;
	[tilespmem:$0x1E580] =	vst v63  }
0x404: {  	_ = 	snop  }
0x405: {  	[tilespmem:s20], [sflag:$0x2] =	stream.indirect.gather [hbm4b:s1+s21], $0x1, s21, s21, $0x2000b8;
	[tilespmem:$0x1E580] =	vst v63  }
0x406: {  	s15 =	simm.s32 $0x1100;
	s24 =	simm.s32 $0x100  }
0x407: {  	[tilespmem:s15], [sflag:$0x2] =	stream.indirect.gather [hbm4b:s1+s21], $0x1, s24, s21, $0x2000b8;
	[tilespmem:$0x1E580] =	vst v63  }
0x408: {  	_ = 	snop  }
0x409: {  	[tilespmem:s29], [sflag:$0x2] =	stream.indirect.gather [hbm4b:s1+s21], $0x1, s26, s21, $0x2000b8;
	[tilespmem:$0x1E580] =	vst v63  }
0x40a: {  	s29 =	simm.s32 $0x200  }
0x40b: {  	[tilespmem:s31], [sflag:$0x2] =	stream.indirect.gather [hbm4b:s1+s21], $0x1, s29, s21, $0x2000b8;
	[tilespmem:$0x1E580] =	vst v63  }
0x40c: {  	s31 =	simm.s32 $0x280  }
0x40d: {  	[tilespmem:s12], [sflag:$0x2] =	stream.indirect.gather [hbm4b:s1+s21], $0x1, s31, s21, $0x2000b8;
	[tilespmem:$0x1E580] =	vst v63  }
0x40e: {  	s4 =	simm.s32 $0x300  }
0x40f: {  	[tilespmem:s19], [sflag:$0x2] =	stream.indirect.gather [hbm4b:s1+s21], $0x1, s4, s21, $0x2000b8;
	[tilespmem:$0x1E580] =	vst v63  }
0x410: {  	s7 =	simm.s32 $0x380  }
0x411: {  	[tilespmem:s9], [sflag:$0x2] =	stream.indirect.gather [hbm4b:s1+s21], $0x1, s7, s21, $0x2000b8;
	[tilespmem:$0x1E580] =	vst v63  }
0x412: {  	s10 =	simm.s32 $0x1400  }
0x413: {  	[tilespmem:s11], [sflag:$0x4] =	stream.indirect.gather [hbm4b:s2+s21], $0x80, s10, s21, $0x2000b8;
	[tilespmem:$0x1E580] =	vst v63  }
0x414: {  	s12 =	simm.s32 $0x1480  }
0x415: {  	[tilespmem:s8], [sflag:$0x5] =	stream.indirect.gather [hbm4b:s2+s21], $0x80, s12, s21, $0x2000b8;
	[tilespmem:$0x1E580] =	vst v63  }
0x416: {  	_ =	swait.ge [sflag:s22], $0x4000  }
0x417: {  	[sflag:s22] =	ssyncset.done $0x0  }
0x418: {  	[sflag:s22] =	ssyncadd.s32 $0xFFFFC000  }
0x419: {  	[spmem:s5] =	stream.indirect.scatter.add.f32 [tilespmem:s11], [sflag:$0x6], $0x80, s17, s21, $0x2000b8;
	[tilespmem:$0x1E580] =	vst v63  }
0x41a: {  	_ =	swait.ge [sflag:s18], $0x4000  }
0x41b: {  	[sflag:s18] =	ssyncset.done $0x0  }
0x41c: {  	[sflag:s18] =	ssyncadd.s32 $0xFFFFC000  }
0x41d: {  	[spmem:s6] =	stream.indirect.scatter.add.f32 [tilespmem:s23], [sflag:$0x6], $0x1, s17, s21, $0x2000b8;
	[tilespmem:$0x1E580] =	vst v63  }
0x41e: {  	_ =	swait.ge [sflag:s18], $0x80  }
0x41f: {  	[sflag:s18] =	ssyncset.done $0x0  }
0x420: {  	s13 =	simm.s32 $0x1500;
	[sflag:s18] =	ssyncadd.s32 $0xFFFFFF80  }
0x421: {  	[tilespmem:s11], [sflag:$0x4] =	stream.indirect.gather [hbm4b:s2+s21], $0x80, s13, s21, $0x2000b8;
	[tilespmem:$0x1E580] =	vst v63  }
0x422: {  	_ =	swait.ge [sflag:s25], $0x4000  }
0x423: {  	[sflag:s25] =	ssyncset.done $0x0  }
0x424: {  	s15 =	simm.s32 $0xC80;
	[sflag:s25] =	ssyncadd.s32 $0xFFFFC000  }
0x425: {  	[spmem:s5] =	stream.indirect.scatter.add.f32 [tilespmem:s8], [sflag:$0x6], $0x80, s15, s21, $0x2000b8;
	[tilespmem:$0x1E580] =	vst v63  }
0x426: {  	_ =	swait.ge [sflag:s18], $0x4000  }
0x427: {  	[sflag:s18] =	ssyncset.done $0x0  }
0x428: {  	[sflag:s18] =	ssyncadd.s32 $0xFFFFC000  }
0x429: {  	[spmem:s6] =	stream.indirect.scatter.add.f32 [tilespmem:s23], [sflag:$0x6], $0x1, s15, s21, $0x2000b8;
	[tilespmem:$0x1E580] =	vst v63  }
0x42a: {  	_ =	swait.ge [sflag:s18], $0x80  }
0x42b: {  	[sflag:s18] =	ssyncset.done $0x0  }
0x42c: {  	s16 =	simm.s32 $0x1580;
	[sflag:s18] =	ssyncadd.s32 $0xFFFFFF80  }
0x42d: {  	[tilespmem:s8], [sflag:$0x5] =	stream.indirect.gather [hbm4b:s2+s21], $0x80, s16, s21, $0x2000b8;
	[tilespmem:$0x1E580] =	vst v63  }
0x42e: {  	_ =	swait.ge [sflag:s22], $0x4000  }
0x42f: {  	[sflag:s22] =	ssyncset.done $0x0  }
0x430: {  	s17 =	simm.s32 $0xD00;
	[sflag:s22] =	ssyncadd.s32 $0xFFFFC000  }
0x431: {  	[spmem:s5] =	stream.indirect.scatter.add.f32 [tilespmem:s11], [sflag:$0x6], $0x80, s17, s21, $0x2000b8;
	[tilespmem:$0x1E580] =	vst v63  }
0x432: {  	_ =	swait.ge [sflag:s18], $0x4000  }
0x433: {  	[sflag:s18] =	ssyncset.done $0x0  }
0x434: {  	[sflag:s18] =	ssyncadd.s32 $0xFFFFC000  }
0x435: {  	[spmem:s6] =	stream.indirect.scatter.add.f32 [tilespmem:s23], [sflag:$0x6], $0x1, s17, s21, $0x2000b8;
	[tilespmem:$0x1E580] =	vst v63  }
0x436: {  	_ =	swait.ge [sflag:s18], $0x80  }
0x437: {  	[sflag:s18] =	ssyncset.done $0x0  }
0x438: {  	s19 =	simm.s32 $0x1600;
	[sflag:s18] =	ssyncadd.s32 $0xFFFFFF80  }
0x439: {  	[tilespmem:s11], [sflag:$0x4] =	stream.indirect.gather [hbm4b:s2+s21], $0x80, s19, s21, $0x2000b8;
	[tilespmem:$0x1E580] =	vst v63  }
0x43a: {  	_ =	swait.ge [sflag:s25], $0x4000  }
0x43b: {  	[sflag:s25] =	ssyncset.done $0x0  }
0x43c: {  	s20 =	simm.s32 $0xD80;
	[sflag:s25] =	ssyncadd.s32 $0xFFFFC000  }
0x43d: {  	[spmem:s5] =	stream.indirect.scatter.add.f32 [tilespmem:s8], [sflag:$0x6], $0x80, s20, s21, $0x2000b8;
	[tilespmem:$0x1E580] =	vst v63  }
0x43e: {  	_ =	swait.ge [sflag:s18], $0x4000  }
0x43f: {  	[sflag:s18] =	ssyncset.done $0x0  }
0x440: {  	[sflag:s18] =	ssyncadd.s32 $0xFFFFC000  }
0x441: {  	[spmem:s6] =	stream.indirect.scatter.add.f32 [tilespmem:s23], [sflag:$0x6], $0x1, s20, s21, $0x2000b8;
	[tilespmem:$0x1E580] =	vst v63  }
0x442: {  	_ =	swait.ge [sflag:s18], $0x80  }
0x443: {  	[sflag:s18] =	ssyncset.done $0x0  }
0x444: {  	s24 =	simm.s32 $0x1680;
	[sflag:s18] =	ssyncadd.s32 $0xFFFFFF80  }
0x445: {  	[tilespmem:s8], [sflag:$0x5] =	stream.indirect.gather [hbm4b:s2+s21], $0x80, s24, s21, $0x2000b8;
	[tilespmem:$0x1E580] =	vst v63  }
0x446: {  	_ =	swait.ge [sflag:s22], $0x4000  }
0x447: {  	[sflag:s22] =	ssyncset.done $0x0  }
0x448: {  	s29 =	simm.s32 $0xE00;
	[sflag:s22] =	ssyncadd.s32 $0xFFFFC000  }
0x449: {  	[spmem:s5] =	stream.indirect.scatter.add.f32 [tilespmem:s11], [sflag:$0x6], $0x80, s29, s21, $0x2000b8;
	[tilespmem:$0x1E580] =	vst v63  }
0x44a: {  	_ =	swait.ge [sflag:s18], $0x4000  }
0x44b: {  	[sflag:s18] =	ssyncset.done $0x0  }
0x44c: {  	[sflag:s18] =	ssyncadd.s32 $0xFFFFC000  }
0x44d: {  	[spmem:s6] =	stream.indirect.scatter.add.f32 [tilespmem:s23], [sflag:$0x6], $0x1, s29, s21, $0x2000b8;
	[tilespmem:$0x1E580] =	vst v63  }
0x44e: {  	_ =	swait.ge [sflag:s18], $0x80  }
0x44f: {  	[sflag:s18] =	ssyncset.done $0x0  }
0x450: {  	s31 =	simm.s32 $0x1700;
	[sflag:s18] =	ssyncadd.s32 $0xFFFFFF80  }
0x451: {  	[tilespmem:s11], [sflag:$0x4] =	stream.indirect.gather [hbm4b:s2+s21], $0x80, s31, s21, $0x2000b8;
	[tilespmem:$0x1E580] =	vst v63  }
0x452: {  	_ =	swait.ge [sflag:s25], $0x4000  }
0x453: {  	[sflag:s25] =	ssyncset.done $0x0  }
0x454: {  	s4 =	simm.s32 $0xE80;
	[sflag:s25] =	ssyncadd.s32 $0xFFFFC000  }
0x455: {  	[spmem:s5] =	stream.indirect.scatter.add.f32 [tilespmem:s8], [sflag:$0x6], $0x80, s4, s21, $0x2000b8;
	[tilespmem:$0x1E580] =	vst v63  }
0x456: {  	_ =	swait.ge [sflag:s18], $0x4000  }
0x457: {  	[sflag:s18] =	ssyncset.done $0x0  }
0x458: {  	[sflag:s18] =	ssyncadd.s32 $0xFFFFC000  }
0x459: {  	[spmem:s6] =	stream.indirect.scatter.add.f32 [tilespmem:s23], [sflag:$0x6], $0x1, s4, s21, $0x2000b8;
	[tilespmem:$0x1E580] =	vst v63  }
0x45a: {  	_ =	swait.ge [sflag:s18], $0x80  }
0x45b: {  	[sflag:s18] =	ssyncset.done $0x0  }
0x45c: {  	s7 =	simm.s32 $0x1780;
	[sflag:s18] =	ssyncadd.s32 $0xFFFFFF80  }
0x45d: {  	[tilespmem:s8], [sflag:$0x5] =	stream.indirect.gather [hbm4b:s2+s21], $0x80, s7, s21, $0x2000b8;
	[tilespmem:$0x1E580] =	vst v63  }
0x45e: {  	_ =	swait.ge [sflag:s22], $0x4000  }
0x45f: {  	[sflag:s22] =	ssyncset.done $0x0  }
0x460: {  	s9 =	simm.s32 $0xF00;
	[sflag:s22] =	ssyncadd.s32 $0xFFFFC000  }
0x461: {  	[spmem:s5] =	stream.indirect.scatter.add.f32 [tilespmem:s11], [sflag:$0x6], $0x80, s9, s21, $0x2000b8;
	[tilespmem:$0x1E580] =	vst v63  }
0x462: {  	_ =	swait.ge [sflag:s18], $0x4000  }
0x463: {  	[sflag:s18] =	ssyncset.done $0x0  }
0x464: {  	[sflag:s18] =	ssyncadd.s32 $0xFFFFC000  }
0x465: {  	[spmem:s6] =	stream.indirect.scatter.add.f32 [tilespmem:s23], [sflag:$0x6], $0x1, s9, s21, $0x2000b8;
	[tilespmem:$0x1E580] =	vst v63  }
0x466: {  	_ =	swait.ge [sflag:s18], $0x80  }
0x467: {  	[sflag:s18] =	ssyncset.done $0x0  }
0x468: {  	[sflag:s18] =	ssyncadd.s32 $0xFFFFFF80  }
0x469: {  	_ =	swait.ge [sflag:s25], $0x4000  }
0x46a: {  	[sflag:s25] =	ssyncset.done $0x0  }
0x46b: {  	s10 =	simm.s32 $0xF80;
	[sflag:s25] =	ssyncadd.s32 $0xFFFFC000  }
0x46c: {  	[spmem:s5] =	stream.indirect.scatter.add.f32 [tilespmem:s8], [sflag:$0x6], $0x80, s10, s21, $0x2000b8;
	[tilespmem:$0x1E580] =	vst v63  }
0x46d: {  	_ =	swait.ge [sflag:s18], $0x4000  }
0x46e: {  	[sflag:s18] =	ssyncset.done $0x0  }
0x46f: {  	[sflag:s18] =	ssyncadd.s32 $0xFFFFC000  }
0x470: {  	[spmem:s6] =	stream.indirect.scatter.add.f32 [tilespmem:s23], [sflag:$0x6], $0x1, s10, s21, $0x2000b8;
	[tilespmem:$0x1E580] =	vst v63  }
0x471: {  	_ =	swait.ge [sflag:s18], $0x80  }
0x472: {  	[sflag:s18] =	ssyncset.done $0x0  }
0x473: {  	[sflag:s18] =	ssyncadd.s32 $0xFFFFFF80  }
0x474: {  	_ =	swait.ge [sflag:s14], $0x80  }
0x475: {  	[sflag:s14] =	ssyncset.done $0x0  }
0x476: {  	[sflag:s14] =	ssyncadd.s32 $0xFFFFFF80  }
0x477: {  	_ =	swait.ge [sflag:s14], $0x80  }
0x478: {  	[sflag:s14] =	ssyncset.done $0x0  }
0x479: {  	[sflag:s14] =	ssyncadd.s32 $0xFFFFFF80  }
0x47a: {  	_ =	swait.ge [sflag:s14], $0x80  }
0x47b: {  	[sflag:s14] =	ssyncset.done $0x0  }
0x47c: {  	[sflag:s14] =	ssyncadd.s32 $0xFFFFFF80  }
0x47d: {  	_ =	swait.ge [sflag:s14], $0x80  }
0x47e: {  	[sflag:s14] =	ssyncset.done $0x0  }
0x47f: {  	[sflag:s14] =	ssyncadd.s32 $0xFFFFFF80  }
0x480: {  	_ =	swait.ge [sflag:s14], $0x80  }
0x481: {  	[sflag:s14] =	ssyncset.done $0x0  }
0x482: {  	[sflag:s14] =	ssyncadd.s32 $0xFFFFFF80  }
0x483: {  	_ =	swait.ge [sflag:s14], $0x80  }
0x484: {  	[sflag:s14] =	ssyncset.done $0x0  }
0x485: {  	[sflag:s14] =	ssyncadd.s32 $0xFFFFFF80  }
0x486: {  	_ =	swait.ge [sflag:s14], $0x80  }
0x487: {  	[sflag:s14] =	ssyncset.done $0x0  }
0x488: {  	[sflag:s14] =	ssyncadd.s32 $0xFFFFFF80  }
0x489: {  	_ =	swait.ge [sflag:s14], $0x80  }
0x48a: {  	[sflag:s14] =	ssyncset.done $0x0  }
0x48b: {  	[sflag:s14] =	ssyncadd.s32 $0xFFFFFF80  }
0x48c: {  	_ =	strace $0x9000004A  }
0x48d: {  	_ =	strace $0x8000004B  }
0x48e: {  	[bflag:$0x0] =	sbarrier.arrive $0xFFFF  }
0x48f: {  	_ =	strace $0x9000004B  }
0x490: {  	s12 =	stileid.u32;
	_ =	strace $0x8000004C  }
0x491: {  	s3 =	sshll.u32 s12, $0x6;
	s16 =	rddreg [dreg:$0x11]  }
0x492: {  	s3 =	sor.u32 $0x1C06, s3;
	s15 =	rddreg [dreg:$0x15];
	s13 =	sshrl.u32 s16, $0x3  }
0x493: {  	[hbm:s15], [sflag:s3] =	dma.local [spmem:s13], $0x2800  }
0x494: {  	s20 =	simm.s32 $0x20;
	_ =	swait.ge [sflag:s18], $0x2800  }
0x495: {  	s24 =	simm.s32 $0x10;
	[sflag:s18] =	ssyncset.done $0x0;
	s30 =	rddreg [dreg:$0x12]  }
0x496: {  	s19 =	rddreg [dreg:$0x16];
	[sflag:s18] =	ssyncadd.s32 $0xFFFFD800;
	s17 =	sshrl.u32 s30, $0x3  }
0x497: {  	[hbm:s19@s20], [sflag:s3] =	dma.strided [spmem:s17@s24], $0x50, s28, $0x10   }
0x498: {  	_ =	swait.ge [sflag:s18], $0x50  }
0x499: {  	s29 =	rddreg [dreg:$0x19]  }
0x49a: {  	s31 =	rddreg [dreg:$0x17];
	s4 =	sadd.s32 $0x1, s29  }
0x49b: {  	p0 =	sne.s32 s4, s31  }
.Ltmp2:
0x49c: {  	_ = 	snop;
	(pc) =	sbr.rel @p0 .LBB2_1-.Ltmp2, $4  }
0x49d: {  	_ = 	snop  }
0x49e: {  	[sflag:s18] =	ssyncset.done $0x0  }
0x49f: {  	s10 =	simm.s32 $0x800;
	s13 =	simm.s32 $0x9880;
	[sflag:s18] =	ssyncadd.s32 $0xFFFFFFB0  }
0x4a0: {  	s15 =	simm.s32 $0x100;
	s19 =	simm.s32 $0xC00;
	_ =	strace $0x9000004C  }
0x4a1: {  	_ =	sfence.sel $0x180000  }
0x4a2: {  	[bflag:$0x0] =	sbarrier.arrive $0xFFFF  }
0x4a3: {  	_ =	strace $0x90000047  }
0x4a4: {  	s0 =	stileid.u32;
	[bflag:$0x2] =	sbarrier.arrive $0xFFFF  }
0x4a5: {  	p0 =	sne.s32 s0, $0x0;
	s0 =	rddreg [dreg:$0x6]  }
0x4a6: {  	s0 =	sadd.s32 @!p0 $0x100000, s0  }
0x4a7: {  	[sflag:s0] =	ssyncadd.tile.s32 @!p0 $0x1;
	_ =	shalt  }
.Lfunc_end2:
_tile_overlayer_lowered:
.L_overlay_start_2:
0x4a8: {  	(tag) =	ssettag $0x2  }
0x4a9: {  	s0 =	rddreg [dreg:$0x0];
	s2 =	stileid.u32  }
0x4aa: {  	s1 =	rddreg [dreg:$0x1];
	p0 =	sne.s32 s2, $0x0  }
0x4ab: {  	s3 =	rddreg [dreg:$0x2];
	[bflag:$0x3] =	sbarrier.arrive $0xFFFF;
	s2 =	simm.s32 @!p0 $0x1C06  }
0x4ac: {  	[timem:s3], [sflag:s2] =	dma.local @!p0 [hbm:s0], s1  }
0x4ad: {  	s0 =	simm.s32 @!p0 $0x6  }
0x4ae: {  	_ =	swait.ge @!p0 [sflag:s0], s1  }
0x4af: {  	s1 =	ssub.s32 @!p0 $0x0, s1;
	[sflag:s0] =	ssyncset.done @!p0 $0x0  }
0x4b0: {  	[sflag:s0] =	ssyncadd.s32 @!p0 s1  }
0x4b1: {  	[bflag:$0x3] =	sbarrier.arrive $0xFFFF  }
0x4b2: {  	_ =	shalt  }

</sc_bundles>
